<compile_context>
chip_gen: v7x
topology: tpu7x:2x2x1
jax: 0.10.2.dev20260603
libtpu: 0.0.44.dev20260713+nightly
codegen_flags: <defaults>
</compile_context>

<pallas_src>
import functools

import jax
import jax.numpy as jnp
from jax import lax
from jax.experimental import pallas as pl
from jax.experimental.pallas import tpu as pltpu
from jax.experimental.pallas import tpu_sc as plsc

NUM_BINS = 8
TB = 3.0
MIN_BIN_WIDTH = 1e-3
MIN_BIN_HEIGHT = 1e-3
MIN_DERIVATIVE = 1e-3

N = 16777216
NW = 32
PER_W = N // NW
CHUNK = 16384
NCH = PER_W // CHUNK
LANES = 16
NROWS = 13
NCELL = 2048
SCALE = (NCELL - 0.5) / (2 * TB)


def _build_tables(params):
    K = NUM_BINS
    w_raw = params[:K]
    h_raw = params[K:2 * K]
    d_raw = params[2 * K:]
    widths = jax.nn.softmax(w_raw, axis=-1)
    widths = MIN_BIN_WIDTH + (1 - MIN_BIN_WIDTH * K) * widths
    heights = jax.nn.softmax(h_raw, axis=-1)
    heights = MIN_BIN_HEIGHT + (1 - MIN_BIN_HEIGHT * K) * heights
    derivs = MIN_DERIVATIVE + jax.nn.softplus(d_raw)
    widths = 2 * TB * widths
    heights = 2 * TB * heights

    cw = jnp.cumsum(widths)
    cw = jnp.concatenate([jnp.full((1,), -TB, dtype=cw.dtype), cw])
    cw = (cw[:-1] + cw[1:]) / 2
    cw = cw.at[0].set(-TB).at[-1].set(TB)
    ch = jnp.cumsum(heights)
    ch = jnp.concatenate([jnp.full((1,), -TB, dtype=ch.dtype), ch])
    ch = (ch[:-1] + ch[1:]) / 2
    ch = ch.at[0].set(-TB).at[-1].set(TB)

    d = derivs[:K]
    d1 = derivs[1:K + 1]
    delta = heights / widths
    winv = 1.0 / widths
    C = d + d1 - 2 * delta
    tabs = [
        winv,
        -cw * winv,
        ch,
        heights * (delta - d),
        heights * d,
        -C,
        C,
        delta,
        delta * delta * C,
        2 * delta * delta * (delta - d),
        delta * delta * d,
    ]
    M = jnp.where(cw[1:7] <= TB, cw[1:7], 10.0).astype(jnp.float32)
    cur = jnp.concatenate([jnp.full((1,), -10.0, jnp.float32), M])
    nxt = jnp.concatenate([M, jnp.full((1,), 10.0, jnp.float32)])
    edges = (jnp.arange(NCELL, dtype=jnp.float32)
             * jnp.float32(1.0 / SCALE)) - jnp.float32(TB)
    grid = jnp.sum(edges[:, None] >= M[None, :], axis=1).astype(jnp.int32)

    packed = jnp.zeros((NROWS, LANES), jnp.float32)
    for k, t in enumerate(tabs):
        packed = packed.at[k, :K].set(t.astype(jnp.float32))
    packed = packed.at[11, :7].set(cur)
    packed = packed.at[12, :7].set(nxt)
    return packed, grid


def _spline_vec(x, tblv, gridv):
    f32 = jnp.float32
    i32 = jnp.int32
    xc = jnp.minimum(jnp.maximum(x, f32(-TB)), f32(TB))

    uf = xc * f32(SCALE) + f32(TB * SCALE)
    u = uf.astype(i32)
    b0 = plsc.load_gather(gridv, [u])
    curv = plsc.load_gather(tblv.at[11], [b0])
    nxtv = plsc.load_gather(tblv.at[12], [b0])
    b = (b0 - (xc < curv).astype(i32) + (xc >= nxtv).astype(i32)
         + (xc >= f32(TB)).astype(i32))

    winv = plsc.load_gather(tblv.at[0], [b])
    ncwi = plsc.load_gather(tblv.at[1], [b])
    chb = plsc.load_gather(tblv.at[2], [b])
    A2 = plsc.load_gather(tblv.at[3], [b])
    B = plsc.load_gather(tblv.at[4], [b])
    nC = plsc.load_gather(tblv.at[5], [b])
    C = plsc.load_gather(tblv.at[6], [b])
    delta = plsc.load_gather(tblv.at[7], [b])
    E2 = plsc.load_gather(tblv.at[8], [b])
    F2 = plsc.load_gather(tblv.at[9], [b])
    G = plsc.load_gather(tblv.at[10], [b])

    th = xc * winv + ncwi
    num = th * (A2 * th + B)
    den = (nC * th + C) * th + delta
    r = f32(1.0) / den
    out_in = num * r + chb
    dnum = (E2 * th + F2) * th + G
    larg = (dnum + f32(1e-8)) * r * r

    iv = lax.bitcast_convert_type(larg, i32)
    base = iv.astype(f32) * f32(0.6931471805599453 / (1 << 23)) \
        + f32(-127.0 * 0.6931471805599453)
    m = lax.bitcast_convert_type((iv & 0x7FFFFF) | 0x3F800000, f32)
    t = m - f32(1.0)
    p = f32(0.03044900453867244)
    p = p * t + f32(-0.13158182508876531)
    p = p * t + f32(0.2852726810905729)
    p = p * t + f32(-0.49023072342340746)
    p = p * t + f32(0.3060883032733291)
    p = p * t + f32(9.975032552228137e-06)
    lad_in = base + p

    inside = x == xc
    out = jnp.where(inside, out_in, x)
    lad = jnp.where(inside, lad_in, f32(0.0))
    return out, lad


def _sc_body(x_hbm, tbl_hbm, grid_hbm, out_hbm, lad_hbm, tblv, gridv,
             xin, yout, lout, sin, sy, sl):
    wid = lax.axis_index("s") * 2 + lax.axis_index("c")
    base = wid * PER_W
    pltpu.sync_copy(tbl_hbm, tblv)
    pltpu.sync_copy(grid_hbm, gridv)

    def in_copy(c, slot):
        off = pl.multiple_of(base + c * CHUNK, CHUNK)
        return pltpu.make_async_copy(
            x_hbm.at[pl.ds(off, CHUNK)], xin.at[slot], sin.at[slot])

    def y_copy(c, slot):
        off = pl.multiple_of(base + c * CHUNK, CHUNK)
        return pltpu.make_async_copy(
            yout.at[slot], out_hbm.at[pl.ds(off, CHUNK)], sy.at[slot])

    def l_copy(c, slot):
        off = pl.multiple_of(base + c * CHUNK, CHUNK)
        return pltpu.make_async_copy(
            lout.at[slot], lad_hbm.at[pl.ds(off, CHUNK)], sl.at[slot])

    def process(c, slot, prefetch, drain):
        in_copy(c, slot).wait()
        @pl.when(drain)
        def _():
            y_copy(c - 2, slot).wait()
            l_copy(c - 2, slot).wait()

        @plsc.parallel_loop(0, CHUNK, step=LANES, unroll=4)
        def vec_body(o):
            x = xin[slot, pl.ds(o, LANES)]
            out, lad = _spline_vec(x, tblv, gridv)
            yout[slot, pl.ds(o, LANES)] = out
            lout[slot, pl.ds(o, LANES)] = lad

        y_copy(c, slot).start()
        l_copy(c, slot).start()
        if prefetch:
            in_copy(c + 2, slot).start()

    in_copy(0, 0).start()
    in_copy(1, 1).start()

    def chunk_pair(i, carry):
        c0 = i * 2
        process(c0, 0, True, c0 >= 2)
        process(c0 + 1, 1, True, c0 >= 2)
        return carry

    lax.fori_loop(0, NCH // 2 - 1, chunk_pair, 0)
    process(NCH - 2, 0, False, jnp.bool_(True))
    process(NCH - 1, 1, False, jnp.bool_(True))
    y_copy(NCH - 2, 0).wait()
    l_copy(NCH - 2, 0).wait()
    y_copy(NCH - 1, 1).wait()
    l_copy(NCH - 1, 1).wait()


@jax.jit
def kernel(x, params):
    tbl, grid = _build_tables(params)
    mesh = plsc.VectorSubcoreMesh(core_axis_name="c", subcore_axis_name="s")
    f = pl.kernel(
        _sc_body,
        out_type=(
            jax.ShapeDtypeStruct((N,), jnp.float32),
            jax.ShapeDtypeStruct((N,), jnp.float32),
        ),
        mesh=mesh,
        compiler_params=pltpu.CompilerParams(needs_layout_passes=False),
        scratch_types=[
            pltpu.VMEM((NROWS, LANES), jnp.float32),
            pltpu.VMEM((NCELL,), jnp.int32),
            pltpu.VMEM((2, CHUNK), jnp.float32),
            pltpu.VMEM((2, CHUNK), jnp.float32),
            pltpu.VMEM((2, CHUNK), jnp.float32),
            pltpu.SemaphoreType.DMA((2,)),
            pltpu.SemaphoreType.DMA((2,)),
            pltpu.SemaphoreType.DMA((2,)),
        ],
    )
    return f(x, tbl, grid)

# --- scband reference (transcript-rebuilt; emitter-appended) ---
"""Pipeline reference for scband-spline-flow-13108240187524 (READ-ONLY COPY).

The authoritative reference and input builder live on the scoring server;
editing this copy changes nothing except your own understanding.
"""

import jax, jax.numpy as jnp
import numpy as np

NUM_BINS = 8
TAIL_BOUND = 3.0
MIN_BIN_WIDTH = 1e-3
MIN_BIN_HEIGHT = 1e-3
MIN_DERIVATIVE = 1e-3


def setup_inputs(seed: int = 0) -> dict:
    key = jax.random.key(seed)
    k1, k2 = jax.random.split(key)
    x = jax.random.normal(k1, (16777216,), dtype=jnp.float32)
    # learned parameter vector (3*K+1 = 25); torch inits to zeros, use small noise for nontrivial spline
    params = jax.random.normal(k2, (3 * NUM_BINS + 1,), dtype=jnp.float32) * 0.1
    return {"x": x, "params": params}


def _rq_spline_forward(x, params):
    K = NUM_BINS
    tb = TAIL_BOUND
    w_raw = params[:K]
    h_raw = params[K:2 * K]
    d_raw = params[2 * K:]

    widths = jax.nn.softmax(w_raw, axis=-1)
    widths = MIN_BIN_WIDTH + (1 - MIN_BIN_WIDTH * K) * widths
    heights = jax.nn.softmax(h_raw, axis=-1)
    heights = MIN_BIN_HEIGHT + (1 - MIN_BIN_HEIGHT * K) * heights
    derivatives = MIN_DERIVATIVE + jax.nn.softplus(d_raw)

    widths = 2 * tb * widths
    heights = 2 * tb * heights

    cumwidths = jnp.cumsum(widths, axis=-1)
    cumwidths = jnp.concatenate([jnp.full((1,), -tb, dtype=cumwidths.dtype), cumwidths])
    cumwidths = (cumwidths[:-1] + cumwidths[1:]) / 2
    cumwidths = cumwidths.at[0].set(-tb)
    cumwidths = cumwidths.at[-1].set(tb)

    cumheights = jnp.cumsum(heights, axis=-1)
    cumheights = jnp.concatenate([jnp.full((1,), -tb, dtype=cumheights.dtype), cumheights])
    cumheights = (cumheights[:-1] + cumheights[1:]) / 2
    cumheights = cumheights.at[0].set(-tb)
    cumheights = cumheights.at[-1].set(tb)

    inside = (x >= -tb) & (x <= tb)
    xc = jnp.clip(x, -tb, tb)

    bin_idx = jnp.searchsorted(cumwidths, xc, side='right') - 1
    bin_idx = jnp.clip(bin_idx, 0, K - 1)

    input_cumwidths = jnp.take(cumwidths, bin_idx)
    input_bin_widths = jnp.take(widths, bin_idx)
    input_cumheights = jnp.take(cumheights, bin_idx)
    input_bin_heights = jnp.take(heights, bin_idx)

    delta = input_bin_heights / input_bin_widths
    input_derivatives = jnp.take(derivatives, bin_idx)
    input_derivatives_plus_one = jnp.take(derivatives, bin_idx + 1)

    theta = (xc - input_cumwidths) / input_bin_widths
    theta_one_minus_theta = theta * (1 - theta)
    numerator = input_bin_heights * (delta * theta ** 2 + input_derivatives * theta_one_minus_theta)
    denominator = delta + (input_derivatives + input_derivatives_plus_one - 2 * delta) * theta_one_minus_theta
    outputs_inside = input_cumheights + numerator / denominator
    derivative_numerator = delta ** 2 * (
        input_derivatives_plus_one * theta ** 2
        + 2 * delta * theta_one_minus_theta
        + input_derivatives * (1 - theta) ** 2
    )
    logabsdet_inside = jnp.log(derivative_numerator + 1e-8) - 2 * jnp.log(jnp.abs(denominator) + 1e-8)

    outputs = jnp.where(inside, outputs_inside, x)
    logabsdet = jnp.where(inside, logabsdet_inside, jnp.zeros_like(x))
    return outputs, logabsdet


def reference(x, params):
    return _rq_spline_forward(x, params)

if __name__ == "__main__":
    import jax
    _d = setup_inputs()
    print(jax.jit(kernel)(*tuple(_d.values())))

</pallas_src>

<mosaic_0001>
#map = affine_map<(d0, d1) -> (0)>
#map1 = affine_map<(d0, d1) -> (0, 0)>
module attributes {stable_mosaic.version = 14 : i64} {
  func.func @_sc_body(%arg0: i32, %arg1: i32, %arg2: memref<16777216xf32, #tpu.memory_space<hbm>>, %arg3: memref<13x16xf32, #tpu.memory_space<hbm>>, %arg4: memref<2048xi32, #tpu.memory_space<hbm>>, %arg5: memref<16777216xf32, #tpu.memory_space<hbm>>, %arg6: memref<16777216xf32, #tpu.memory_space<hbm>>, %arg7: memref<13x16xf32, #tpu.memory_space<vmem>>, %arg8: memref<2048xi32, #tpu.memory_space<vmem>>, %arg9: memref<2x16384xf32, #tpu.memory_space<vmem>>, %arg10: memref<2x16384xf32, #tpu.memory_space<vmem>>, %arg11: memref<2x16384xf32, #tpu.memory_space<vmem>>, %arg12: memref<2x!tpu.dma_semaphore, #tpu.memory_space<semaphore_mem>>, %arg13: memref<2x!tpu.dma_semaphore, #tpu.memory_space<semaphore_mem>>, %arg14: memref<2x!tpu.dma_semaphore, #tpu.memory_space<semaphore_mem>>) attributes {dimension_semantics = [#tpu.dimension_semantics<core_parallel>, #tpu.dimension_semantics<subcore_parallel>], iteration_bounds = array<i64: 2, 16>, scalar_prefetch = 0 : i64, scratch_operands = 8 : i64, tpu.core_type = #tpu.core_type<sc_vector_subcore>, window_params = [{transform_indices = #map}, {transform_indices = #map1}, {transform_indices = #map}, {transform_indices = #map}, {transform_indices = #map}]} {
    %mul3A = arith.constant 2 : i32
    %mul3A_0 = arith.muli %arg1, %mul3A : i32
    %add3A = arith.addi %mul3A_0, %arg0 : i32
    %mul3A_1 = arith.constant 524288 : i32
    %mul3A_2 = arith.muli %add3A, %mul3A_1 : i32
    "tpu.region"() ({
      %run_scoped3A = tpu.sem_alloc : memref<!tpu.dma_semaphore, #tpu.memory_space<semaphore_mem>>
      tpu.enqueue_dma source(%arg3 : memref<13x16xf32, #tpu.memory_space<hbm>>) target(%arg7 : memref<13x16xf32, #tpu.memory_space<vmem>>) target_semaphore(%run_scoped3A : memref<!tpu.dma_semaphore, #tpu.memory_space<semaphore_mem>>)
      tpu.wait_dma2 semaphore(%run_scoped3A : memref<!tpu.dma_semaphore, #tpu.memory_space<semaphore_mem>>) src(%arg3 : memref<13x16xf32, #tpu.memory_space<hbm>>) dst(%arg7 : memref<13x16xf32, #tpu.memory_space<vmem>>)
      tpu.yield
    }) : () -> ()
    "tpu.region"() ({
      %run_scoped3A = tpu.sem_alloc : memref<!tpu.dma_semaphore, #tpu.memory_space<semaphore_mem>>
      tpu.enqueue_dma source(%arg4 : memref<2048xi32, #tpu.memory_space<hbm>>) target(%arg8 : memref<2048xi32, #tpu.memory_space<vmem>>) target_semaphore(%run_scoped3A : memref<!tpu.dma_semaphore, #tpu.memory_space<semaphore_mem>>)
      tpu.wait_dma2 semaphore(%run_scoped3A : memref<!tpu.dma_semaphore, #tpu.memory_space<semaphore_mem>>) src(%arg4 : memref<2048xi32, #tpu.memory_space<hbm>>) dst(%arg8 : memref<2048xi32, #tpu.memory_space<vmem>>)
      tpu.yield
    }) : () -> ()
    %add3A_3 = arith.constant 0 : i32
    %add3A_4 = arith.addi %mul3A_2, %add3A_3 : i32
    %multiple_of3A = tpu.assume_multiple %add3A_4, 16384 : i32
    %dma_start3A = arith.constant 0 : i32
    %dma_start3A_5 = arith.constant 0 : i32
    %dma_start3A_6 = arith.constant 0 : i32
    %dma_start3A_7 = tpu.memref_slice %arg9[%dma_start3A, %dma_start3A_6] : memref<2x16384xf32, #tpu.memory_space<vmem>> -> memref<1x16384xf32, #tpu.memory_space<vmem>>
    %dma_start3A_8 = tpu.memref_squeeze %dma_start3A_7 : memref<1x16384xf32, #tpu.memory_space<vmem>> -> memref<16384xf32, #tpu.memory_space<vmem>>
    %dma_start3A_9 = tpu.memref_slice %arg2[%multiple_of3A] : memref<16777216xf32, #tpu.memory_space<hbm>> -> memref<16384xf32, #tpu.memory_space<hbm>>
    %dma_start3A_10 = tpu.memref_slice %arg12[%dma_start3A_5] : memref<2x!tpu.dma_semaphore, #tpu.memory_space<semaphore_mem>> -> memref<1x!tpu.dma_semaphore, #tpu.memory_space<semaphore_mem>>
    %dma_start3A_11 = tpu.memref_squeeze %dma_start3A_10 : memref<1x!tpu.dma_semaphore, #tpu.memory_space<semaphore_mem>> -> memref<!tpu.dma_semaphore, #tpu.memory_space<semaphore_mem>>
    %dma_start3A_12 = arith.constant 0 : i32
    %dma_start3A_13 = tpu.memref_slice %arg9[%dma_start3A, %dma_start3A_12] : memref<2x16384xf32, #tpu.memory_space<vmem>> -> memref<1x16384xf32, #tpu.memory_space<vmem>>
    %dma_start3A_14 = tpu.memref_squeeze %dma_start3A_13 : memref<1x16384xf32, #tpu.memory_space<vmem>> -> memref<16384xf32, #tpu.memory_space<vmem>>
    %dma_start3A_15 = tpu.memref_slice %arg2[%multiple_of3A] : memref<16777216xf32, #tpu.memory_space<hbm>> -> memref<16384xf32, #tpu.memory_space<hbm>>
    tpu.enqueue_dma source(%dma_start3A_15 : memref<16384xf32, #tpu.memory_space<hbm>>) target(%dma_start3A_14 : memref<16384xf32, #tpu.memory_space<vmem>>) target_semaphore(%dma_start3A_11 : memref<!tpu.dma_semaphore, #tpu.memory_space<semaphore_mem>>)
    %add3A_16 = arith.constant 16384 : i32
    %add3A_17 = arith.addi %mul3A_2, %add3A_16 : i32
    %multiple_of3A_18 = tpu.assume_multiple %add3A_17, 16384 : i32
    %dma_start3A_19 = arith.constant 1 : i32
    %dma_start3A_20 = arith.constant 1 : i32
    %dma_start3A_21 = arith.constant 0 : i32
    %dma_start3A_22 = tpu.memref_slice %arg9[%dma_start3A_19, %dma_start3A_21] : memref<2x16384xf32, #tpu.memory_space<vmem>> -> memref<1x16384xf32, #tpu.memory_space<vmem>>
    %dma_start3A_23 = tpu.memref_squeeze %dma_start3A_22 : memref<1x16384xf32, #tpu.memory_space<vmem>> -> memref<16384xf32, #tpu.memory_space<vmem>>
    %dma_start3A_24 = tpu.memref_slice %arg2[%multiple_of3A_18] : memref<16777216xf32, #tpu.memory_space<hbm>> -> memref<16384xf32, #tpu.memory_space<hbm>>
    %dma_start3A_25 = tpu.memref_slice %arg12[%dma_start3A_20] : memref<2x!tpu.dma_semaphore, #tpu.memory_space<semaphore_mem>> -> memref<1x!tpu.dma_semaphore, #tpu.memory_space<semaphore_mem>>
    %dma_start3A_26 = tpu.memref_squeeze %dma_start3A_25 : memref<1x!tpu.dma_semaphore, #tpu.memory_space<semaphore_mem>> -> memref<!tpu.dma_semaphore, #tpu.memory_space<semaphore_mem>>
    %dma_start3A_27 = arith.constant 0 : i32
    %dma_start3A_28 = tpu.memref_slice %arg9[%dma_start3A_19, %dma_start3A_27] : memref<2x16384xf32, #tpu.memory_space<vmem>> -> memref<1x16384xf32, #tpu.memory_space<vmem>>
    %dma_start3A_29 = tpu.memref_squeeze %dma_start3A_28 : memref<1x16384xf32, #tpu.memory_space<vmem>> -> memref<16384xf32, #tpu.memory_space<vmem>>
    %dma_start3A_30 = tpu.memref_slice %arg2[%multiple_of3A_18] : memref<16777216xf32, #tpu.memory_space<hbm>> -> memref<16384xf32, #tpu.memory_space<hbm>>
    tpu.enqueue_dma source(%dma_start3A_30 : memref<16384xf32, #tpu.memory_space<hbm>>) target(%dma_start3A_29 : memref<16384xf32, #tpu.memory_space<vmem>>) target_semaphore(%dma_start3A_26 : memref<!tpu.dma_semaphore, #tpu.memory_space<semaphore_mem>>)
    %scan3A = arith.constant 0 : i32
    %scan3A_31 = arith.constant 0 : i32
    %scan3A_32 = arith.constant 15 : i32
    %scan3A_33 = arith.addi %scan3A_31, %scan3A_32 : i32
    %scan3A_34 = arith.constant 1 : i32
    scf.for %scan3A_251 = %scan3A_31 to %scan3A_33 step %scan3A_34  : i32 {
      %mul3A_252 = arith.constant 2 : i32
      %mul3A_253 = arith.muli %scan3A_251, %mul3A_252 : i32
      %ge3A = arith.constant 2 : i32
      %ge3A_254 = arith.cmpi sge, %mul3A_253, %ge3A : i32
      %mul3A_255 = arith.constant 16384 : i32
      %mul3A_256 = arith.muli %mul3A_253, %mul3A_255 : i32
      %add3A_257 = arith.addi %mul3A_2, %mul3A_256 : i32
      %multiple_of3A_258 = tpu.assume_multiple %add3A_257, 16384 : i32
      %dma_wait3A_259 = arith.constant 0 : i32
      %dma_wait3A_260 = arith.constant 0 : i32
      %dma_wait3A_261 = arith.constant 0 : i32
      %dma_wait3A_262 = tpu.memref_slice %arg9[%dma_wait3A_259, %dma_wait3A_261] : memref<2x16384xf32, #tpu.memory_space<vmem>> -> memref<1x16384xf32, #tpu.memory_space<vmem>>
      %dma_wait3A_263 = tpu.memref_squeeze %dma_wait3A_262 : memref<1x16384xf32, #tpu.memory_space<vmem>> -> memref<16384xf32, #tpu.memory_space<vmem>>
      %dma_wait3A_264 = tpu.memref_slice %arg2[%multiple_of3A_258] : memref<16777216xf32, #tpu.memory_space<hbm>> -> memref<16384xf32, #tpu.memory_space<hbm>>
      %dma_wait3A_265 = tpu.memref_slice %arg12[%dma_wait3A_260] : memref<2x!tpu.dma_semaphore, #tpu.memory_space<semaphore_mem>> -> memref<1x!tpu.dma_semaphore, #tpu.memory_space<semaphore_mem>>
      %dma_wait3A_266 = tpu.memref_squeeze %dma_wait3A_265 : memref<1x!tpu.dma_semaphore, #tpu.memory_space<semaphore_mem>> -> memref<!tpu.dma_semaphore, #tpu.memory_space<semaphore_mem>>
      %dma_wait3A_267 = arith.constant 0 : i32
      %dma_wait3A_268 = tpu.memref_slice %arg9[%dma_wait3A_259, %dma_wait3A_267] : memref<2x16384xf32, #tpu.memory_space<vmem>> -> memref<1x16384xf32, #tpu.memory_space<vmem>>
      %dma_wait3A_269 = tpu.memref_squeeze %dma_wait3A_268 : memref<1x16384xf32, #tpu.memory_space<vmem>> -> memref<16384xf32, #tpu.memory_space<vmem>>
      %dma_wait3A_270 = tpu.memref_slice %arg2[%multiple_of3A_258] : memref<16777216xf32, #tpu.memory_space<hbm>> -> memref<16384xf32, #tpu.memory_space<hbm>>
      tpu.wait_dma2 semaphore(%dma_wait3A_266 : memref<!tpu.dma_semaphore, #tpu.memory_space<semaphore_mem>>) src(%dma_wait3A_270 : memref<16384xf32, #tpu.memory_space<hbm>>) dst(%dma_wait3A_269 : memref<16384xf32, #tpu.memory_space<vmem>>)
      %convert_element_type3A = arith.extui %ge3A_254 : i1 to i32
      %cond3A_271 = arith.constant 0 : i32
      %cond3A_272 = arith.cmpi ne, %convert_element_type3A, %cond3A_271 : i32
      scf.if %cond3A_272 {
        %sub3A = arith.constant 2 : i32
        %sub3A_402 = arith.subi %mul3A_253, %sub3A : i32
        %mul3A_403 = arith.constant 16384 : i32
        %mul3A_404 = arith.muli %sub3A_402, %mul3A_403 : i32
        %add3A_405 = arith.addi %mul3A_2, %mul3A_404 : i32
        %multiple_of3A_406 = tpu.assume_multiple %add3A_405, 16384 : i32
        %dma_wait3A_407 = arith.constant 0 : i32
        %dma_wait3A_408 = arith.constant 0 : i32
        %dma_wait3A_409 = arith.constant 0 : i32
        %dma_wait3A_410 = tpu.memref_slice %arg10[%dma_wait3A_407, %dma_wait3A_409] : memref<2x16384xf32, #tpu.memory_space<vmem>> -> memref<1x16384xf32, #tpu.memory_space<vmem>>
        %dma_wait3A_411 = tpu.memref_squeeze %dma_wait3A_410 : memref<1x16384xf32, #tpu.memory_space<vmem>> -> memref<16384xf32, #tpu.memory_space<vmem>>
        %dma_wait3A_412 = tpu.memref_slice %arg5[%multiple_of3A_406] : memref<16777216xf32, #tpu.memory_space<hbm>> -> memref<16384xf32, #tpu.memory_space<hbm>>
        %dma_wait3A_413 = tpu.memref_slice %arg13[%dma_wait3A_408] : memref<2x!tpu.dma_semaphore, #tpu.memory_space<semaphore_mem>> -> memref<1x!tpu.dma_semaphore, #tpu.memory_space<semaphore_mem>>
        %dma_wait3A_414 = tpu.memref_squeeze %dma_wait3A_413 : memref<1x!tpu.dma_semaphore, #tpu.memory_space<semaphore_mem>> -> memref<!tpu.dma_semaphore, #tpu.memory_space<semaphore_mem>>
        %dma_wait3A_415 = tpu.memref_slice %arg5[%multiple_of3A_406] : memref<16777216xf32, #tpu.memory_space<hbm>> -> memref<16384xf32, #tpu.memory_space<hbm>>
        %dma_wait3A_416 = arith.constant 0 : i32
        %dma_wait3A_417 = tpu.memref_slice %arg10[%dma_wait3A_407, %dma_wait3A_416] : memref<2x16384xf32, #tpu.memory_space<vmem>> -> memref<1x16384xf32, #tpu.memory_space<vmem>>
        %dma_wait3A_418 = tpu.memref_squeeze %dma_wait3A_417 : memref<1x16384xf32, #tpu.memory_space<vmem>> -> memref<16384xf32, #tpu.memory_space<vmem>>
        tpu.wait_dma2 semaphore(%dma_wait3A_414 : memref<!tpu.dma_semaphore, #tpu.memory_space<semaphore_mem>>) src(%dma_wait3A_418 : memref<16384xf32, #tpu.memory_space<vmem>>) dst(%dma_wait3A_415 : memref<16384xf32, #tpu.memory_space<hbm>>)
        %sub3A_419 = arith.constant 2 : i32
        %sub3A_420 = arith.subi %mul3A_253, %sub3A_419 : i32
        %mul3A_421 = arith.constant 16384 : i32
        %mul3A_422 = arith.muli %sub3A_420, %mul3A_421 : i32
        %add3A_423 = arith.addi %mul3A_2, %mul3A_422 : i32
        %multiple_of3A_424 = tpu.assume_multiple %add3A_423, 16384 : i32
        %dma_wait3A_425 = arith.constant 0 : i32
        %dma_wait3A_426 = arith.constant 0 : i32
        %dma_wait3A_427 = arith.constant 0 : i32
        %dma_wait3A_428 = tpu.memref_slice %arg11[%dma_wait3A_425, %dma_wait3A_427] : memref<2x16384xf32, #tpu.memory_space<vmem>> -> memref<1x16384xf32, #tpu.memory_space<vmem>>
        %dma_wait3A_429 = tpu.memref_squeeze %dma_wait3A_428 : memref<1x16384xf32, #tpu.memory_space<vmem>> -> memref<16384xf32, #tpu.memory_space<vmem>>
        %dma_wait3A_430 = tpu.memref_slice %arg6[%multiple_of3A_424] : memref<16777216xf32, #tpu.memory_space<hbm>> -> memref<16384xf32, #tpu.memory_space<hbm>>
        %dma_wait3A_431 = tpu.memref_slice %arg14[%dma_wait3A_426] : memref<2x!tpu.dma_semaphore, #tpu.memory_space<semaphore_mem>> -> memref<1x!tpu.dma_semaphore, #tpu.memory_space<semaphore_mem>>
        %dma_wait3A_432 = tpu.memref_squeeze %dma_wait3A_431 : memref<1x!tpu.dma_semaphore, #tpu.memory_space<semaphore_mem>> -> memref<!tpu.dma_semaphore, #tpu.memory_space<semaphore_mem>>
        %dma_wait3A_433 = tpu.memref_slice %arg6[%multiple_of3A_424] : memref<16777216xf32, #tpu.memory_space<hbm>> -> memref<16384xf32, #tpu.memory_space<hbm>>
        %dma_wait3A_434 = arith.constant 0 : i32
        %dma_wait3A_435 = tpu.memref_slice %arg11[%dma_wait3A_425, %dma_wait3A_434] : memref<2x16384xf32, #tpu.memory_space<vmem>> -> memref<1x16384xf32, #tpu.memory_space<vmem>>
        %dma_wait3A_436 = tpu.memref_squeeze %dma_wait3A_435 : memref<1x16384xf32, #tpu.memory_space<vmem>> -> memref<16384xf32, #tpu.memory_space<vmem>>
        tpu.wait_dma2 semaphore(%dma_wait3A_432 : memref<!tpu.dma_semaphore, #tpu.memory_space<semaphore_mem>>) src(%dma_wait3A_436 : memref<16384xf32, #tpu.memory_space<vmem>>) dst(%dma_wait3A_433 : memref<16384xf32, #tpu.memory_space<hbm>>)
      } else {
      }
      %parallel_loop3A_273 = arith.constant 0 : i32
      %parallel_loop3A_274 = arith.constant 16384 : i32
      %parallel_loop3A_275 = arith.constant 16 : i32
      scf.for %parallel_loop3A_402 = %parallel_loop3A_273 to %parallel_loop3A_274 step %parallel_loop3A_275  : i32 {
        %parallel_loop3A_403 = arith.constant 0 : i32
        %parallel_loop3A_404 = arith.index_cast %parallel_loop3A_403 : i32 to index
        %parallel_loop3A_405 = arith.index_cast %parallel_loop3A_402 : i32 to index
        %parallel_loop3A_406 = tpu.vector_load %arg9[%parallel_loop3A_404, %parallel_loop3A_405] {strides = array<i32>} : memref<2x16384xf32, #tpu.memory_space<vmem>>, vector<16xf32>,
        %parallel_loop3A_407 = arith.constant -3.000000e+00 : f32
        %parallel_loop3A_408 = vector.broadcast %parallel_loop3A_407 : f32 to vector<16xf32>
        %parallel_loop3A_409 = arith.maximumf %parallel_loop3A_406, %parallel_loop3A_408 : vector<16xf32>
        %parallel_loop3A_410 = arith.constant 3.000000e+00 : f32
        %parallel_loop3A_411 = vector.broadcast %parallel_loop3A_410 : f32 to vector<16xf32>
        %parallel_loop3A_412 = arith.minimumf %parallel_loop3A_409, %parallel_loop3A_411 : vector<16xf32>
        %parallel_loop3A_413 = arith.constant 3.412500e+02 : f32
        %parallel_loop3A_414 = vector.broadcast %parallel_loop3A_413 : f32 to vector<16xf32>
        %parallel_loop3A_415 = arith.mulf %parallel_loop3A_412, %parallel_loop3A_414 : vector<16xf32>
        %parallel_loop3A_416 = arith.constant 1.023750e+03 : f32
        %parallel_loop3A_417 = vector.broadcast %parallel_loop3A_416 : f32 to vector<16xf32>
        %parallel_loop3A_418 = arith.addf %parallel_loop3A_415, %parallel_loop3A_417 : vector<16xf32>
        %parallel_loop3A_419 = arith.fptosi %parallel_loop3A_418 : vector<16xf32> to vector<16xi32>
        %parallel_loop3A_420 = tpu.vector_load_idx %arg8[%parallel_loop3A_419] : memref<2048xi32, #tpu.memory_space<vmem>>[vector<16xi32>], vector<16xi32>,
        %parallel_loop3A_421 = arith.constant 11 : i32
        %parallel_loop3A_422 = arith.constant 0 : i32
        %parallel_loop3A_423 = tpu.memref_slice %arg7[%parallel_loop3A_421, %parallel_loop3A_422] : memref<13x16xf32, #tpu.memory_space<vmem>> -> memref<1x16xf32, #tpu.memory_space<vmem>>
        %parallel_loop3A_424 = tpu.memref_squeeze %parallel_loop3A_423 : memref<1x16xf32, #tpu.memory_space<vmem>> -> memref<16xf32, #tpu.memory_space<vmem>>
        %parallel_loop3A_425 = tpu.vector_load_idx %parallel_loop3A_424[%parallel_loop3A_420] : memref<16xf32, #tpu.memory_space<vmem>>[vector<16xi32>], vector<16xf32>,
        %parallel_loop3A_426 = arith.constant 12 : i32
        %parallel_loop3A_427 = arith.constant 0 : i32
        %parallel_loop3A_428 = tpu.memref_slice %arg7[%parallel_loop3A_426, %parallel_loop3A_427] : memref<13x16xf32, #tpu.memory_space<vmem>> -> memref<1x16xf32, #tpu.memory_space<vmem>>
        %parallel_loop3A_429 = tpu.memref_squeeze %parallel_loop3A_428 : memref<1x16xf32, #tpu.memory_space<vmem>> -> memref<16xf32, #tpu.memory_space<vmem>>
        %parallel_loop3A_430 = tpu.vector_load_idx %parallel_loop3A_429[%parallel_loop3A_420] : memref<16xf32, #tpu.memory_space<vmem>>[vector<16xi32>], vector<16xf32>,
        %parallel_loop3A_431 = arith.cmpf olt, %parallel_loop3A_412, %parallel_loop3A_425 : vector<16xf32>
        %parallel_loop3A_432 = arith.extui %parallel_loop3A_431 : vector<16xi1> to vector<16xi32>
        %parallel_loop3A_433 = arith.subi %parallel_loop3A_420, %parallel_loop3A_432 : vector<16xi32>
        %parallel_loop3A_434 = arith.cmpf oge, %parallel_loop3A_412, %parallel_loop3A_430 : vector<16xf32>
        %parallel_loop3A_435 = arith.extui %parallel_loop3A_434 : vector<16xi1> to vector<16xi32>
        %parallel_loop3A_436 = arith.addi %parallel_loop3A_433, %parallel_loop3A_435 : vector<16xi32>
        %parallel_loop3A_437 = arith.constant 3.000000e+00 : f32
        %parallel_loop3A_438 = vector.broadcast %parallel_loop3A_437 : f32 to vector<16xf32>
        %parallel_loop3A_439 = arith.cmpf oge, %parallel_loop3A_412, %parallel_loop3A_438 : vector<16xf32>
        %parallel_loop3A_440 = arith.extui %parallel_loop3A_439 : vector<16xi1> to vector<16xi32>
        %parallel_loop3A_441 = arith.addi %parallel_loop3A_436, %parallel_loop3A_440 : vector<16xi32>
        %parallel_loop3A_442 = arith.constant 0 : i32
        %parallel_loop3A_443 = arith.constant 0 : i32
        %parallel_loop3A_444 = tpu.memref_slice %arg7[%parallel_loop3A_442, %parallel_loop3A_443] : memref<13x16xf32, #tpu.memory_space<vmem>> -> memref<1x16xf32, #tpu.memory_space<vmem>>
        %parallel_loop3A_445 = tpu.memref_squeeze %parallel_loop3A_444 : memref<1x16xf32, #tpu.memory_space<vmem>> -> memref<16xf32, #tpu.memory_space<vmem>>
        %parallel_loop3A_446 = tpu.vector_load_idx %parallel_loop3A_445[%parallel_loop3A_441] : memref<16xf32, #tpu.memory_space<vmem>>[vector<16xi32>], vector<16xf32>,
        %parallel_loop3A_447 = arith.constant 1 : i32
        %parallel_loop3A_448 = arith.constant 0 : i32
        %parallel_loop3A_449 = tpu.memref_slice %arg7[%parallel_loop3A_447, %parallel_loop3A_448] : memref<13x16xf32, #tpu.memory_space<vmem>> -> memref<1x16xf32, #tpu.memory_space<vmem>>
        %parallel_loop3A_450 = tpu.memref_squeeze %parallel_loop3A_449 : memref<1x16xf32, #tpu.memory_space<vmem>> -> memref<16xf32, #tpu.memory_space<vmem>>
        %parallel_loop3A_451 = tpu.vector_load_idx %parallel_loop3A_450[%parallel_loop3A_441] : memref<16xf32, #tpu.memory_space<vmem>>[vector<16xi32>], vector<16xf32>,
        %parallel_loop3A_452 = arith.constant 2 : i32
        %parallel_loop3A_453 = arith.constant 0 : i32
        %parallel_loop3A_454 = tpu.memref_slice %arg7[%parallel_loop3A_452, %parallel_loop3A_453] : memref<13x16xf32, #tpu.memory_space<vmem>> -> memref<1x16xf32, #tpu.memory_space<vmem>>
        %parallel_loop3A_455 = tpu.memref_squeeze %parallel_loop3A_454 : memref<1x16xf32, #tpu.memory_space<vmem>> -> memref<16xf32, #tpu.memory_space<vmem>>
        %parallel_loop3A_456 = tpu.vector_load_idx %parallel_loop3A_455[%parallel_loop3A_441] : memref<16xf32, #tpu.memory_space<vmem>>[vector<16xi32>], vector<16xf32>,
        %parallel_loop3A_457 = arith.constant 3 : i32
        %parallel_loop3A_458 = arith.constant 0 : i32
        %parallel_loop3A_459 = tpu.memref_slice %arg7[%parallel_loop3A_457, %parallel_loop3A_458] : memref<13x16xf32, #tpu.memory_space<vmem>> -> memref<1x16xf32, #tpu.memory_space<vmem>>
        %parallel_loop3A_460 = tpu.memref_squeeze %parallel_loop3A_459 : memref<1x16xf32, #tpu.memory_space<vmem>> -> memref<16xf32, #tpu.memory_space<vmem>>
        %parallel_loop3A_461 = tpu.vector_load_idx %parallel_loop3A_460[%parallel_loop3A_441] : memref<16xf32, #tpu.memory_space<vmem>>[vector<16xi32>], vector<16xf32>,
        %parallel_loop3A_462 = arith.constant 4 : i32
        %parallel_loop3A_463 = arith.constant 0 : i32
        %parallel_loop3A_464 = tpu.memref_slice %arg7[%parallel_loop3A_462, %parallel_loop3A_463] : memref<13x16xf32, #tpu.memory_space<vmem>> -> memref<1x16xf32, #tpu.memory_space<vmem>>
        %parallel_loop3A_465 = tpu.memref_squeeze %parallel_loop3A_464 : memref<1x16xf32, #tpu.memory_space<vmem>> -> memref<16xf32, #tpu.memory_space<vmem>>
        %parallel_loop3A_466 = tpu.vector_load_idx %parallel_loop3A_465[%parallel_loop3A_441] : memref<16xf32, #tpu.memory_space<vmem>>[vector<16xi32>], vector<16xf32>,
        %parallel_loop3A_467 = arith.constant 5 : i32
        %parallel_loop3A_468 = arith.constant 0 : i32
        %parallel_loop3A_469 = tpu.memref_slice %arg7[%parallel_loop3A_467, %parallel_loop3A_468] : memref<13x16xf32, #tpu.memory_space<vmem>> -> memref<1x16xf32, #tpu.memory_space<vmem>>
        %parallel_loop3A_470 = tpu.memref_squeeze %parallel_loop3A_469 : memref<1x16xf32, #tpu.memory_space<vmem>> -> memref<16xf32, #tpu.memory_space<vmem>>
        %parallel_loop3A_471 = tpu.vector_load_idx %parallel_loop3A_470[%parallel_loop3A_441] : memref<16xf32, #tpu.memory_space<vmem>>[vector<16xi32>], vector<16xf32>,
        %parallel_loop3A_472 = arith.constant 6 : i32
        %parallel_loop3A_473 = arith.constant 0 : i32
        %parallel_loop3A_474 = tpu.memref_slice %arg7[%parallel_loop3A_472, %parallel_loop3A_473] : memref<13x16xf32, #tpu.memory_space<vmem>> -> memref<1x16xf32, #tpu.memory_space<vmem>>
        %parallel_loop3A_475 = tpu.memref_squeeze %parallel_loop3A_474 : memref<1x16xf32, #tpu.memory_space<vmem>> -> memref<16xf32, #tpu.memory_space<vmem>>
        %parallel_loop3A_476 = tpu.vector_load_idx %parallel_loop3A_475[%parallel_loop3A_441] : memref<16xf32, #tpu.memory_space<vmem>>[vector<16xi32>], vector<16xf32>,
        %parallel_loop3A_477 = arith.constant 7 : i32
        %parallel_loop3A_478 = arith.constant 0 : i32
        %parallel_loop3A_479 = tpu.memref_slice %arg7[%parallel_loop3A_477, %parallel_loop3A_478] : memref<13x16xf32, #tpu.memory_space<vmem>> -> memref<1x16xf32, #tpu.memory_space<vmem>>
        %parallel_loop3A_480 = tpu.memref_squeeze %parallel_loop3A_479 : memref<1x16xf32, #tpu.memory_space<vmem>> -> memref<16xf32, #tpu.memory_space<vmem>>
        %parallel_loop3A_481 = tpu.vector_load_idx %parallel_loop3A_480[%parallel_loop3A_441] : memref<16xf32, #tpu.memory_space<vmem>>[vector<16xi32>], vector<16xf32>,
        %parallel_loop3A_482 = arith.constant 8 : i32
        %parallel_loop3A_483 = arith.constant 0 : i32
        %parallel_loop3A_484 = tpu.memref_slice %arg7[%parallel_loop3A_482, %parallel_loop3A_483] : memref<13x16xf32, #tpu.memory_space<vmem>> -> memref<1x16xf32, #tpu.memory_space<vmem>>
        %parallel_loop3A_485 = tpu.memref_squeeze %parallel_loop3A_484 : memref<1x16xf32, #tpu.memory_space<vmem>> -> memref<16xf32, #tpu.memory_space<vmem>>
        %parallel_loop3A_486 = tpu.vector_load_idx %parallel_loop3A_485[%parallel_loop3A_441] : memref<16xf32, #tpu.memory_space<vmem>>[vector<16xi32>], vector<16xf32>,
        %parallel_loop3A_487 = arith.constant 9 : i32
        %parallel_loop3A_488 = arith.constant 0 : i32
        %parallel_loop3A_489 = tpu.memref_slice %arg7[%parallel_loop3A_487, %parallel_loop3A_488] : memref<13x16xf32, #tpu.memory_space<vmem>> -> memref<1x16xf32, #tpu.memory_space<vmem>>
        %parallel_loop3A_490 = tpu.memref_squeeze %parallel_loop3A_489 : memref<1x16xf32, #tpu.memory_space<vmem>> -> memref<16xf32, #tpu.memory_space<vmem>>
        %parallel_loop3A_491 = tpu.vector_load_idx %parallel_loop3A_490[%parallel_loop3A_441] : memref<16xf32, #tpu.memory_space<vmem>>[vector<16xi32>], vector<16xf32>,
        %parallel_loop3A_492 = arith.constant 10 : i32
        %parallel_loop3A_493 = arith.constant 0 : i32
        %parallel_loop3A_494 = tpu.memref_slice %arg7[%parallel_loop3A_492, %parallel_loop3A_493] : memref<13x16xf32, #tpu.memory_space<vmem>> -> memref<1x16xf32, #tpu.memory_space<vmem>>
        %parallel_loop3A_495 = tpu.memref_squeeze %parallel_loop3A_494 : memref<1x16xf32, #tpu.memory_space<vmem>> -> memref<16xf32, #tpu.memory_space<vmem>>
        %parallel_loop3A_496 = tpu.vector_load_idx %parallel_loop3A_495[%parallel_loop3A_441] : memref<16xf32, #tpu.memory_space<vmem>>[vector<16xi32>], vector<16xf32>,
        %parallel_loop3A_497 = arith.mulf %parallel_loop3A_412, %parallel_loop3A_446 : vector<16xf32>
        %parallel_loop3A_498 = arith.addf %parallel_loop3A_497, %parallel_loop3A_451 : vector<16xf32>
        %parallel_loop3A_499 = arith.mulf %parallel_loop3A_461, %parallel_loop3A_498 : vector<16xf32>
        %parallel_loop3A_500 = arith.addf %parallel_loop3A_499, %parallel_loop3A_466 : vector<16xf32>
        %parallel_loop3A_501 = arith.mulf %parallel_loop3A_498, %parallel_loop3A_500 : vector<16xf32>
        %parallel_loop3A_502 = arith.mulf %parallel_loop3A_471, %parallel_loop3A_498 : vector<16xf32>
        %parallel_loop3A_503 = arith.addf %parallel_loop3A_502, %parallel_loop3A_476 : vector<16xf32>
        %parallel_loop3A_504 = arith.mulf %parallel_loop3A_503, %parallel_loop3A_498 : vector<16xf32>
        %parallel_loop3A_505 = arith.addf %parallel_loop3A_504, %parallel_loop3A_481 : vector<16xf32>
        %parallel_loop3A_506 = arith.constant 1.000000e+00 : f32
        %parallel_loop3A_507 = vector.broadcast %parallel_loop3A_506 : f32 to vector<16xf32>
        %parallel_loop3A_508 = arith.divf %parallel_loop3A_507, %parallel_loop3A_505 : vector<16xf32>
        %parallel_loop3A_509 = arith.mulf %parallel_loop3A_501, %parallel_loop3A_508 : vector<16xf32>
        %parallel_loop3A_510 = arith.addf %parallel_loop3A_509, %parallel_loop3A_456 : vector<16xf32>
        %parallel_loop3A_511 = arith.mulf %parallel_loop3A_486, %parallel_loop3A_498 : vector<16xf32>
        %parallel_loop3A_512 = arith.addf %parallel_loop3A_511, %parallel_loop3A_491 : vector<16xf32>
        %parallel_loop3A_513 = arith.mulf %parallel_loop3A_512, %parallel_loop3A_498 : vector<16xf32>
        %parallel_loop3A_514 = arith.addf %parallel_loop3A_513, %parallel_loop3A_496 : vector<16xf32>
        %parallel_loop3A_515 = arith.constant 9.99999993E-9 : f32
        %parallel_loop3A_516 = vector.broadcast %parallel_loop3A_515 : f32 to vector<16xf32>
        %parallel_loop3A_517 = arith.addf %parallel_loop3A_514, %parallel_loop3A_516 : vector<16xf32>
        %parallel_loop3A_518 = arith.mulf %parallel_loop3A_517, %parallel_loop3A_508 : vector<16xf32>
        %parallel_loop3A_519 = arith.mulf %parallel_loop3A_518, %parallel_loop3A_508 : vector<16xf32>
        %parallel_loop3A_520 = tpu.bitcast %parallel_loop3A_519 : vector<16xf32> -> vector<16xi32>
        %parallel_loop3A_521 = arith.sitofp %parallel_loop3A_520 : vector<16xi32> to vector<16xf32>
        %parallel_loop3A_522 = arith.constant 8.26295832E-8 : f32
        %parallel_loop3A_523 = vector.broadcast %parallel_loop3A_522 : f32 to vector<16xf32>
        %parallel_loop3A_524 = arith.mulf %parallel_loop3A_521, %parallel_loop3A_523 : vector<16xf32>
        %parallel_loop3A_525 = arith.constant -88.0296936 : f32
        %parallel_loop3A_526 = vector.broadcast %parallel_loop3A_525 : f32 to vector<16xf32>
        %parallel_loop3A_527 = arith.addf %parallel_loop3A_524, %parallel_loop3A_526 : vector<16xf32>
        %parallel_loop3A_528 = arith.constant 8388607 : i32
        %parallel_loop3A_529 = vector.broadcast %parallel_loop3A_528 : i32 to vector<16xi32>
        %parallel_loop3A_530 = arith.andi %parallel_loop3A_520, %parallel_loop3A_529 : vector<16xi32>
        %parallel_loop3A_531 = arith.constant 1065353216 : i32
        %parallel_loop3A_532 = vector.broadcast %parallel_loop3A_531 : i32 to vector<16xi32>
        %parallel_loop3A_533 = arith.ori %parallel_loop3A_530, %parallel_loop3A_532 : vector<16xi32>
        %parallel_loop3A_534 = tpu.bitcast %parallel_loop3A_533 : vector<16xi32> -> vector<16xf32>
        %parallel_loop3A_535 = arith.constant 1.000000e+00 : f32
        %parallel_loop3A_536 = vector.broadcast %parallel_loop3A_535 : f32 to vector<16xf32>
        %parallel_loop3A_537 = arith.subf %parallel_loop3A_534, %parallel_loop3A_536 : vector<16xf32>
        %parallel_loop3A_538 = arith.constant 0.0304490048 : f32
        %parallel_loop3A_539 = vector.broadcast %parallel_loop3A_538 : f32 to vector<16xf32>
        %parallel_loop3A_540 = arith.mulf %parallel_loop3A_539, %parallel_loop3A_537 : vector<16xf32>
        %parallel_loop3A_541 = arith.constant -0.131581828 : f32
        %parallel_loop3A_542 = vector.broadcast %parallel_loop3A_541 : f32 to vector<16xf32>
        %parallel_loop3A_543 = arith.addf %parallel_loop3A_540, %parallel_loop3A_542 : vector<16xf32>
        %parallel_loop3A_544 = arith.mulf %parallel_loop3A_543, %parallel_loop3A_537 : vector<16xf32>
        %parallel_loop3A_545 = arith.constant 0.285272688 : f32
        %parallel_loop3A_546 = vector.broadcast %parallel_loop3A_545 : f32 to vector<16xf32>
        %parallel_loop3A_547 = arith.addf %parallel_loop3A_544, %parallel_loop3A_546 : vector<16xf32>
        %parallel_loop3A_548 = arith.mulf %parallel_loop3A_547, %parallel_loop3A_537 : vector<16xf32>
        %parallel_loop3A_549 = arith.constant -0.490230709 : f32
        %parallel_loop3A_550 = vector.broadcast %parallel_loop3A_549 : f32 to vector<16xf32>
        %parallel_loop3A_551 = arith.addf %parallel_loop3A_548, %parallel_loop3A_550 : vector<16xf32>
        %parallel_loop3A_552 = arith.mulf %parallel_loop3A_551, %parallel_loop3A_537 : vector<16xf32>
        %parallel_loop3A_553 = arith.constant 0.306088299 : f32
        %parallel_loop3A_554 = vector.broadcast %parallel_loop3A_553 : f32 to vector<16xf32>
        %parallel_loop3A_555 = arith.addf %parallel_loop3A_552, %parallel_loop3A_554 : vector<16xf32>
        %parallel_loop3A_556 = arith.mulf %parallel_loop3A_555, %parallel_loop3A_537 : vector<16xf32>
        %parallel_loop3A_557 = arith.constant 9.9750323E-6 : f32
        %parallel_loop3A_558 = vector.broadcast %parallel_loop3A_557 : f32 to vector<16xf32>
        %parallel_loop3A_559 = arith.addf %parallel_loop3A_556, %parallel_loop3A_558 : vector<16xf32>
        %parallel_loop3A_560 = arith.addf %parallel_loop3A_527, %parallel_loop3A_559 : vector<16xf32>
        %parallel_loop3A_561 = arith.cmpf oeq, %parallel_loop3A_406, %parallel_loop3A_412 : vector<16xf32>
        %parallel_loop3A_562 = arith.select %parallel_loop3A_561, %parallel_loop3A_510, %parallel_loop3A_406 : vector<16xi1>, vector<16xf32>
        %parallel_loop3A_563 = arith.constant 0.000000e+00 : f32
        %parallel_loop3A_564 = vector.broadcast %parallel_loop3A_563 : f32 to vector<16xf32>
        %parallel_loop3A_565 = arith.select %parallel_loop3A_561, %parallel_loop3A_560, %parallel_loop3A_564 : vector<16xi1>, vector<16xf32>
        %parallel_loop3A_566 = arith.constant 0 : i32
        %parallel_loop3A_567 = arith.index_cast %parallel_loop3A_566 : i32 to index
        %parallel_loop3A_568 = arith.index_cast %parallel_loop3A_402 : i32 to index
        %parallel_loop3A_569 = tpu.vector_load %arg10[%parallel_loop3A_567, %parallel_loop3A_568] {strides = array<i32>} : memref<2x16384xf32, #tpu.memory_space<vmem>>, vector<16xf32>,
        tpu.vector_store %arg10[%parallel_loop3A_567, %parallel_loop3A_568], %parallel_loop3A_562 {strides = array<i32>} : memref<2x16384xf32, #tpu.memory_space<vmem>>, vector<16xf32>,
        %parallel_loop3A_570 = arith.constant 0 : i32
        %parallel_loop3A_571 = arith.index_cast %parallel_loop3A_570 : i32 to index
        %parallel_loop3A_572 = arith.index_cast %parallel_loop3A_402 : i32 to index
        %parallel_loop3A_573 = tpu.vector_load %arg11[%parallel_loop3A_571, %parallel_loop3A_572] {strides = array<i32>} : memref<2x16384xf32, #tpu.memory_space<vmem>>, vector<16xf32>,
        tpu.vector_store %arg11[%parallel_loop3A_571, %parallel_loop3A_572], %parallel_loop3A_565 {strides = array<i32>} : memref<2x16384xf32, #tpu.memory_space<vmem>>, vector<16xf32>,
      } {sc.loop_unroll_factor = 4 : i64, sc.parallel_access}
      %mul3A_276 = arith.constant 16384 : i32
      %mul3A_277 = arith.muli %mul3A_253, %mul3A_276 : i32
      %add3A_278 = arith.addi %mul3A_2, %mul3A_277 : i32
      %multiple_of3A_279 = tpu.assume_multiple %add3A_278, 16384 : i32
      %dma_start3A_280 = arith.constant 0 : i32
      %dma_start3A_281 = arith.constant 0 : i32
      %dma_start3A_282 = arith.constant 0 : i32
      %dma_start3A_283 = tpu.memref_slice %arg10[%dma_start3A_280, %dma_start3A_282] : memref<2x16384xf32, #tpu.memory_space<vmem>> -> memref<1x16384xf32, #tpu.memory_space<vmem>>
      %dma_start3A_284 = tpu.memref_squeeze %dma_start3A_283 : memref<1x16384xf32, #tpu.memory_space<vmem>> -> memref<16384xf32, #tpu.memory_space<vmem>>
      %dma_start3A_285 = tpu.memref_slice %arg5[%multiple_of3A_279] : memref<16777216xf32, #tpu.memory_space<hbm>> -> memref<16384xf32, #tpu.memory_space<hbm>>
      %dma_start3A_286 = tpu.memref_slice %arg13[%dma_start3A_281] : memref<2x!tpu.dma_semaphore, #tpu.memory_space<semaphore_mem>> -> memref<1x!tpu.dma_semaphore, #tpu.memory_space<semaphore_mem>>
      %dma_start3A_287 = tpu.memref_squeeze %dma_start3A_286 : memref<1x!tpu.dma_semaphore, #tpu.memory_space<semaphore_mem>> -> memref<!tpu.dma_semaphore, #tpu.memory_space<semaphore_mem>>
      %dma_start3A_288 = tpu.memref_slice %arg5[%multiple_of3A_279] : memref<16777216xf32, #tpu.memory_space<hbm>> -> memref<16384xf32, #tpu.memory_space<hbm>>
      %dma_start3A_289 = arith.constant 0 : i32
      %dma_start3A_290 = tpu.memref_slice %arg10[%dma_start3A_280, %dma_start3A_289] : memref<2x16384xf32, #tpu.memory_space<vmem>> -> memref<1x16384xf32, #tpu.memory_space<vmem>>
      %dma_start3A_291 = tpu.memref_squeeze %dma_start3A_290 : memref<1x16384xf32, #tpu.memory_space<vmem>> -> memref<16384xf32, #tpu.memory_space<vmem>>
      tpu.enqueue_dma source(%dma_start3A_291 : memref<16384xf32, #tpu.memory_space<vmem>>) target(%dma_start3A_288 : memref<16384xf32, #tpu.memory_space<hbm>>) target_semaphore(%dma_start3A_287 : memref<!tpu.dma_semaphore, #tpu.memory_space<semaphore_mem>>)
      %mul3A_292 = arith.constant 16384 : i32
      %mul3A_293 = arith.muli %mul3A_253, %mul3A_292 : i32
      %add3A_294 = arith.addi %mul3A_2, %mul3A_293 : i32
      %multiple_of3A_295 = tpu.assume_multiple %add3A_294, 16384 : i32
      %dma_start3A_296 = arith.constant 0 : i32
      %dma_start3A_297 = arith.constant 0 : i32
      %dma_start3A_298 = arith.constant 0 : i32
      %dma_start3A_299 = tpu.memref_slice %arg11[%dma_start3A_296, %dma_start3A_298] : memref<2x16384xf32, #tpu.memory_space<vmem>> -> memref<1x16384xf32, #tpu.memory_space<vmem>>
      %dma_start3A_300 = tpu.memref_squeeze %dma_start3A_299 : memref<1x16384xf32, #tpu.memory_space<vmem>> -> memref<16384xf32, #tpu.memory_space<vmem>>
      %dma_start3A_301 = tpu.memref_slice %arg6[%multiple_of3A_295] : memref<16777216xf32, #tpu.memory_space<hbm>> -> memref<16384xf32, #tpu.memory_space<hbm>>
      %dma_start3A_302 = tpu.memref_slice %arg14[%dma_start3A_297] : memref<2x!tpu.dma_semaphore, #tpu.memory_space<semaphore_mem>> -> memref<1x!tpu.dma_semaphore, #tpu.memory_space<semaphore_mem>>
      %dma_start3A_303 = tpu.memref_squeeze %dma_start3A_302 : memref<1x!tpu.dma_semaphore, #tpu.memory_space<semaphore_mem>> -> memref<!tpu.dma_semaphore, #tpu.memory_space<semaphore_mem>>
      %dma_start3A_304 = tpu.memref_slice %arg6[%multiple_of3A_295] : memref<16777216xf32, #tpu.memory_space<hbm>> -> memref<16384xf32, #tpu.memory_space<hbm>>
      %dma_start3A_305 = arith.constant 0 : i32
      %dma_start3A_306 = tpu.memref_slice %arg11[%dma_start3A_296, %dma_start3A_305] : memref<2x16384xf32, #tpu.memory_space<vmem>> -> memref<1x16384xf32, #tpu.memory_space<vmem>>
      %dma_start3A_307 = tpu.memref_squeeze %dma_start3A_306 : memref<1x16384xf32, #tpu.memory_space<vmem>> -> memref<16384xf32, #tpu.memory_space<vmem>>
      tpu.enqueue_dma source(%dma_start3A_307 : memref<16384xf32, #tpu.memory_space<vmem>>) target(%dma_start3A_304 : memref<16384xf32, #tpu.memory_space<hbm>>) target_semaphore(%dma_start3A_303 : memref<!tpu.dma_semaphore, #tpu.memory_space<semaphore_mem>>)
      %add3A_308 = arith.constant 2 : i32
      %add3A_309 = arith.addi %mul3A_253, %add3A_308 : i32
      %mul3A_310 = arith.constant 16384 : i32
      %mul3A_311 = arith.muli %add3A_309, %mul3A_310 : i32
      %add3A_312 = arith.addi %mul3A_2, %mul3A_311 : i32
      %multiple_of3A_313 = tpu.assume_multiple %add3A_312, 16384 : i32
      %dma_start3A_314 = arith.constant 0 : i32
      %dma_start3A_315 = arith.constant 0 : i32
      %dma_start3A_316 = arith.constant 0 : i32
      %dma_start3A_317 = tpu.memref_slice %arg9[%dma_start3A_314, %dma_start3A_316] : memref<2x16384xf32, #tpu.memory_space<vmem>> -> memref<1x16384xf32, #tpu.memory_space<vmem>>
      %dma_start3A_318 = tpu.memref_squeeze %dma_start3A_317 : memref<1x16384xf32, #tpu.memory_space<vmem>> -> memref<16384xf32, #tpu.memory_space<vmem>>
      %dma_start3A_319 = tpu.memref_slice %arg2[%multiple_of3A_313] : memref<16777216xf32, #tpu.memory_space<hbm>> -> memref<16384xf32, #tpu.memory_space<hbm>>
      %dma_start3A_320 = tpu.memref_slice %arg12[%dma_start3A_315] : memref<2x!tpu.dma_semaphore, #tpu.memory_space<semaphore_mem>> -> memref<1x!tpu.dma_semaphore, #tpu.memory_space<semaphore_mem>>
      %dma_start3A_321 = tpu.memref_squeeze %dma_start3A_320 : memref<1x!tpu.dma_semaphore, #tpu.memory_space<semaphore_mem>> -> memref<!tpu.dma_semaphore, #tpu.memory_space<semaphore_mem>>
      %dma_start3A_322 = arith.constant 0 : i32
      %dma_start3A_323 = tpu.memref_slice %arg9[%dma_start3A_314, %dma_start3A_322] : memref<2x16384xf32, #tpu.memory_space<vmem>> -> memref<1x16384xf32, #tpu.memory_space<vmem>>
      %dma_start3A_324 = tpu.memref_squeeze %dma_start3A_323 : memref<1x16384xf32, #tpu.memory_space<vmem>> -> memref<16384xf32, #tpu.memory_space<vmem>>
      %dma_start3A_325 = tpu.memref_slice %arg2[%multiple_of3A_313] : memref<16777216xf32, #tpu.memory_space<hbm>> -> memref<16384xf32, #tpu.memory_space<hbm>>
      tpu.enqueue_dma source(%dma_start3A_325 : memref<16384xf32, #tpu.memory_space<hbm>>) target(%dma_start3A_324 : memref<16384xf32, #tpu.memory_space<vmem>>) target_semaphore(%dma_start3A_321 : memref<!tpu.dma_semaphore, #tpu.memory_space<semaphore_mem>>)
      %add3A_326 = arith.constant 1 : i32
      %add3A_327 = arith.addi %mul3A_253, %add3A_326 : i32
      %ge3A_328 = arith.constant 2 : i32
      %ge3A_329 = arith.cmpi sge, %mul3A_253, %ge3A_328 : i32
      %mul3A_330 = arith.constant 16384 : i32
      %mul3A_331 = arith.muli %add3A_327, %mul3A_330 : i32
      %add3A_332 = arith.addi %mul3A_2, %mul3A_331 : i32
      %multiple_of3A_333 = tpu.assume_multiple %add3A_332, 16384 : i32
      %dma_wait3A_334 = arith.constant 1 : i32
      %dma_wait3A_335 = arith.constant 1 : i32
      %dma_wait3A_336 = arith.constant 0 : i32
      %dma_wait3A_337 = tpu.memref_slice %arg9[%dma_wait3A_334, %dma_wait3A_336] : memref<2x16384xf32, #tpu.memory_space<vmem>> -> memref<1x16384xf32, #tpu.memory_space<vmem>>
      %dma_wait3A_338 = tpu.memref_squeeze %dma_wait3A_337 : memref<1x16384xf32, #tpu.memory_space<vmem>> -> memref<16384xf32, #tpu.memory_space<vmem>>
      %dma_wait3A_339 = tpu.memref_slice %arg2[%multiple_of3A_333] : memref<16777216xf32, #tpu.memory_space<hbm>> -> memref<16384xf32, #tpu.memory_space<hbm>>
      %dma_wait3A_340 = tpu.memref_slice %arg12[%dma_wait3A_335] : memref<2x!tpu.dma_semaphore, #tpu.memory_space<semaphore_mem>> -> memref<1x!tpu.dma_semaphore, #tpu.memory_space<semaphore_mem>>
      %dma_wait3A_341 = tpu.memref_squeeze %dma_wait3A_340 : memref<1x!tpu.dma_semaphore, #tpu.memory_space<semaphore_mem>> -> memref<!tpu.dma_semaphore, #tpu.memory_space<semaphore_mem>>
      %dma_wait3A_342 = arith.constant 0 : i32
      %dma_wait3A_343 = tpu.memref_slice %arg9[%dma_wait3A_334, %dma_wait3A_342] : memref<2x16384xf32, #tpu.memory_space<vmem>> -> memref<1x16384xf32, #tpu.memory_space<vmem>>
      %dma_wait3A_344 = tpu.memref_squeeze %dma_wait3A_343 : memref<1x16384xf32, #tpu.memory_space<vmem>> -> memref<16384xf32, #tpu.memory_space<vmem>>
      %dma_wait3A_345 = tpu.memref_slice %arg2[%multiple_of3A_333] : memref<16777216xf32, #tpu.memory_space<hbm>> -> memref<16384xf32, #tpu.memory_space<hbm>>
      tpu.wait_dma2 semaphore(%dma_wait3A_341 : memref<!tpu.dma_semaphore, #tpu.memory_space<semaphore_mem>>) src(%dma_wait3A_345 : memref<16384xf32, #tpu.memory_space<hbm>>) dst(%dma_wait3A_344 : memref<16384xf32, #tpu.memory_space<vmem>>)
      %convert_element_type3A_346 = arith.extui %ge3A_329 : i1 to i32
      %cond3A_347 = arith.constant 0 : i32
      %cond3A_348 = arith.cmpi ne, %convert_element_type3A_346, %cond3A_347 : i32
      scf.if %cond3A_348 {
        %sub3A = arith.constant 2 : i32
        %sub3A_402 = arith.subi %add3A_327, %sub3A : i32
        %mul3A_403 = arith.constant 16384 : i32
        %mul3A_404 = arith.muli %sub3A_402, %mul3A_403 : i32
        %add3A_405 = arith.addi %mul3A_2, %mul3A_404 : i32
        %multiple_of3A_406 = tpu.assume_multiple %add3A_405, 16384 : i32
        %dma_wait3A_407 = arith.constant 1 : i32
        %dma_wait3A_408 = arith.constant 1 : i32
        %dma_wait3A_409 = arith.constant 0 : i32
        %dma_wait3A_410 = tpu.memref_slice %arg10[%dma_wait3A_407, %dma_wait3A_409] : memref<2x16384xf32, #tpu.memory_space<vmem>> -> memref<1x16384xf32, #tpu.memory_space<vmem>>
        %dma_wait3A_411 = tpu.memref_squeeze %dma_wait3A_410 : memref<1x16384xf32, #tpu.memory_space<vmem>> -> memref<16384xf32, #tpu.memory_space<vmem>>
        %dma_wait3A_412 = tpu.memref_slice %arg5[%multiple_of3A_406] : memref<16777216xf32, #tpu.memory_space<hbm>> -> memref<16384xf32, #tpu.memory_space<hbm>>
        %dma_wait3A_413 = tpu.memref_slice %arg13[%dma_wait3A_408] : memref<2x!tpu.dma_semaphore, #tpu.memory_space<semaphore_mem>> -> memref<1x!tpu.dma_semaphore, #tpu.memory_space<semaphore_mem>>
        %dma_wait3A_414 = tpu.memref_squeeze %dma_wait3A_413 : memref<1x!tpu.dma_semaphore, #tpu.memory_space<semaphore_mem>> -> memref<!tpu.dma_semaphore, #tpu.memory_space<semaphore_mem>>
        %dma_wait3A_415 = tpu.memref_slice %arg5[%multiple_of3A_406] : memref<16777216xf32, #tpu.memory_space<hbm>> -> memref<16384xf32, #tpu.memory_space<hbm>>
        %dma_wait3A_416 = arith.constant 0 : i32
        %dma_wait3A_417 = tpu.memref_slice %arg10[%dma_wait3A_407, %dma_wait3A_416] : memref<2x16384xf32, #tpu.memory_space<vmem>> -> memref<1x16384xf32, #tpu.memory_space<vmem>>
        %dma_wait3A_418 = tpu.memref_squeeze %dma_wait3A_417 : memref<1x16384xf32, #tpu.memory_space<vmem>> -> memref<16384xf32, #tpu.memory_space<vmem>>
        tpu.wait_dma2 semaphore(%dma_wait3A_414 : memref<!tpu.dma_semaphore, #tpu.memory_space<semaphore_mem>>) src(%dma_wait3A_418 : memref<16384xf32, #tpu.memory_space<vmem>>) dst(%dma_wait3A_415 : memref<16384xf32, #tpu.memory_space<hbm>>)
        %sub3A_419 = arith.constant 2 : i32
        %sub3A_420 = arith.subi %add3A_327, %sub3A_419 : i32
        %mul3A_421 = arith.constant 16384 : i32
        %mul3A_422 = arith.muli %sub3A_420, %mul3A_421 : i32
        %add3A_423 = arith.addi %mul3A_2, %mul3A_422 : i32
        %multiple_of3A_424 = tpu.assume_multiple %add3A_423, 16384 : i32
        %dma_wait3A_425 = arith.constant 1 : i32
        %dma_wait3A_426 = arith.constant 1 : i32
        %dma_wait3A_427 = arith.constant 0 : i32
        %dma_wait3A_428 = tpu.memref_slice %arg11[%dma_wait3A_425, %dma_wait3A_427] : memref<2x16384xf32, #tpu.memory_space<vmem>> -> memref<1x16384xf32, #tpu.memory_space<vmem>>
        %dma_wait3A_429 = tpu.memref_squeeze %dma_wait3A_428 : memref<1x16384xf32, #tpu.memory_space<vmem>> -> memref<16384xf32, #tpu.memory_space<vmem>>
        %dma_wait3A_430 = tpu.memref_slice %arg6[%multiple_of3A_424] : memref<16777216xf32, #tpu.memory_space<hbm>> -> memref<16384xf32, #tpu.memory_space<hbm>>
        %dma_wait3A_431 = tpu.memref_slice %arg14[%dma_wait3A_426] : memref<2x!tpu.dma_semaphore, #tpu.memory_space<semaphore_mem>> -> memref<1x!tpu.dma_semaphore, #tpu.memory_space<semaphore_mem>>
        %dma_wait3A_432 = tpu.memref_squeeze %dma_wait3A_431 : memref<1x!tpu.dma_semaphore, #tpu.memory_space<semaphore_mem>> -> memref<!tpu.dma_semaphore, #tpu.memory_space<semaphore_mem>>
        %dma_wait3A_433 = tpu.memref_slice %arg6[%multiple_of3A_424] : memref<16777216xf32, #tpu.memory_space<hbm>> -> memref<16384xf32, #tpu.memory_space<hbm>>
        %dma_wait3A_434 = arith.constant 0 : i32
        %dma_wait3A_435 = tpu.memref_slice %arg11[%dma_wait3A_425, %dma_wait3A_434] : memref<2x16384xf32, #tpu.memory_space<vmem>> -> memref<1x16384xf32, #tpu.memory_space<vmem>>
        %dma_wait3A_436 = tpu.memref_squeeze %dma_wait3A_435 : memref<1x16384xf32, #tpu.memory_space<vmem>> -> memref<16384xf32, #tpu.memory_space<vmem>>
        tpu.wait_dma2 semaphore(%dma_wait3A_432 : memref<!tpu.dma_semaphore, #tpu.memory_space<semaphore_mem>>) src(%dma_wait3A_436 : memref<16384xf32, #tpu.memory_space<vmem>>) dst(%dma_wait3A_433 : memref<16384xf32, #tpu.memory_space<hbm>>)
      } else {
      }
      %parallel_loop3A_349 = arith.constant 0 : i32
      %parallel_loop3A_350 = arith.constant 16384 : i32
      %parallel_loop3A_351 = arith.constant 16 : i32
      scf.for %parallel_loop3A_402 = %parallel_loop3A_349 to %parallel_loop3A_350 step %parallel_loop3A_351  : i32 {
        %parallel_loop3A_403 = arith.constant 1 : i32
        %parallel_loop3A_404 = arith.index_cast %parallel_loop3A_403 : i32 to index
        %parallel_loop3A_405 = arith.index_cast %parallel_loop3A_402 : i32 to index
        %parallel_loop3A_406 = tpu.vector_load %arg9[%parallel_loop3A_404, %parallel_loop3A_405] {strides = array<i32>} : memref<2x16384xf32, #tpu.memory_space<vmem>>, vector<16xf32>,
        %parallel_loop3A_407 = arith.constant -3.000000e+00 : f32
        %parallel_loop3A_408 = vector.broadcast %parallel_loop3A_407 : f32 to vector<16xf32>
        %parallel_loop3A_409 = arith.maximumf %parallel_loop3A_406, %parallel_loop3A_408 : vector<16xf32>
        %parallel_loop3A_410 = arith.constant 3.000000e+00 : f32
        %parallel_loop3A_411 = vector.broadcast %parallel_loop3A_410 : f32 to vector<16xf32>
        %parallel_loop3A_412 = arith.minimumf %parallel_loop3A_409, %parallel_loop3A_411 : vector<16xf32>
        %parallel_loop3A_413 = arith.constant 3.412500e+02 : f32
        %parallel_loop3A_414 = vector.broadcast %parallel_loop3A_413 : f32 to vector<16xf32>
        %parallel_loop3A_415 = arith.mulf %parallel_loop3A_412, %parallel_loop3A_414 : vector<16xf32>
        %parallel_loop3A_416 = arith.constant 1.023750e+03 : f32
        %parallel_loop3A_417 = vector.broadcast %parallel_loop3A_416 : f32 to vector<16xf32>
        %parallel_loop3A_418 = arith.addf %parallel_loop3A_415, %parallel_loop3A_417 : vector<16xf32>
        %parallel_loop3A_419 = arith.fptosi %parallel_loop3A_418 : vector<16xf32> to vector<16xi32>
        %parallel_loop3A_420 = tpu.vector_load_idx %arg8[%parallel_loop3A_419] : memref<2048xi32, #tpu.memory_space<vmem>>[vector<16xi32>], vector<16xi32>,
        %parallel_loop3A_421 = arith.constant 11 : i32
        %parallel_loop3A_422 = arith.constant 0 : i32
        %parallel_loop3A_423 = tpu.memref_slice %arg7[%parallel_loop3A_421, %parallel_loop3A_422] : memref<13x16xf32, #tpu.memory_space<vmem>> -> memref<1x16xf32, #tpu.memory_space<vmem>>
        %parallel_loop3A_424 = tpu.memref_squeeze %parallel_loop3A_423 : memref<1x16xf32, #tpu.memory_space<vmem>> -> memref<16xf32, #tpu.memory_space<vmem>>
        %parallel_loop3A_425 = tpu.vector_load_idx %parallel_loop3A_424[%parallel_loop3A_420] : memref<16xf32, #tpu.memory_space<vmem>>[vector<16xi32>], vector<16xf32>,
        %parallel_loop3A_426 = arith.constant 12 : i32
        %parallel_loop3A_427 = arith.constant 0 : i32
        %parallel_loop3A_428 = tpu.memref_slice %arg7[%parallel_loop3A_426, %parallel_loop3A_427] : memref<13x16xf32, #tpu.memory_space<vmem>> -> memref<1x16xf32, #tpu.memory_space<vmem>>
        %parallel_loop3A_429 = tpu.memref_squeeze %parallel_loop3A_428 : memref<1x16xf32, #tpu.memory_space<vmem>> -> memref<16xf32, #tpu.memory_space<vmem>>
        %parallel_loop3A_430 = tpu.vector_load_idx %parallel_loop3A_429[%parallel_loop3A_420] : memref<16xf32, #tpu.memory_space<vmem>>[vector<16xi32>], vector<16xf32>,
        %parallel_loop3A_431 = arith.cmpf olt, %parallel_loop3A_412, %parallel_loop3A_425 : vector<16xf32>
        %parallel_loop3A_432 = arith.extui %parallel_loop3A_431 : vector<16xi1> to vector<16xi32>
        %parallel_loop3A_433 = arith.subi %parallel_loop3A_420, %parallel_loop3A_432 : vector<16xi32>
        %parallel_loop3A_434 = arith.cmpf oge, %parallel_loop3A_412, %parallel_loop3A_430 : vector<16xf32>
        %parallel_loop3A_435 = arith.extui %parallel_loop3A_434 : vector<16xi1> to vector<16xi32>
        %parallel_loop3A_436 = arith.addi %parallel_loop3A_433, %parallel_loop3A_435 : vector<16xi32>
        %parallel_loop3A_437 = arith.constant 3.000000e+00 : f32
        %parallel_loop3A_438 = vector.broadcast %parallel_loop3A_437 : f32 to vector<16xf32>
        %parallel_loop3A_439 = arith.cmpf oge, %parallel_loop3A_412, %parallel_loop3A_438 : vector<16xf32>
        %parallel_loop3A_440 = arith.extui %parallel_loop3A_439 : vector<16xi1> to vector<16xi32>
        %parallel_loop3A_441 = arith.addi %parallel_loop3A_436, %parallel_loop3A_440 : vector<16xi32>
        %parallel_loop3A_442 = arith.constant 0 : i32
        %parallel_loop3A_443 = arith.constant 0 : i32
        %parallel_loop3A_444 = tpu.memref_slice %arg7[%parallel_loop3A_442, %parallel_loop3A_443] : memref<13x16xf32, #tpu.memory_space<vmem>> -> memref<1x16xf32, #tpu.memory_space<vmem>>
        %parallel_loop3A_445 = tpu.memref_squeeze %parallel_loop3A_444 : memref<1x16xf32, #tpu.memory_space<vmem>> -> memref<16xf32, #tpu.memory_space<vmem>>
        %parallel_loop3A_446 = tpu.vector_load_idx %parallel_loop3A_445[%parallel_loop3A_441] : memref<16xf32, #tpu.memory_space<vmem>>[vector<16xi32>], vector<16xf32>,
        %parallel_loop3A_447 = arith.constant 1 : i32
        %parallel_loop3A_448 = arith.constant 0 : i32
        %parallel_loop3A_449 = tpu.memref_slice %arg7[%parallel_loop3A_447, %parallel_loop3A_448] : memref<13x16xf32, #tpu.memory_space<vmem>> -> memref<1x16xf32, #tpu.memory_space<vmem>>
        %parallel_loop3A_450 = tpu.memref_squeeze %parallel_loop3A_449 : memref<1x16xf32, #tpu.memory_space<vmem>> -> memref<16xf32, #tpu.memory_space<vmem>>
        %parallel_loop3A_451 = tpu.vector_load_idx %parallel_loop3A_450[%parallel_loop3A_441] : memref<16xf32, #tpu.memory_space<vmem>>[vector<16xi32>], vector<16xf32>,
        %parallel_loop3A_452 = arith.constant 2 : i32
        %parallel_loop3A_453 = arith.constant 0 : i32
        %parallel_loop3A_454 = tpu.memref_slice %arg7[%parallel_loop3A_452, %parallel_loop3A_453] : memref<13x16xf32, #tpu.memory_space<vmem>> -> memref<1x16xf32, #tpu.memory_space<vmem>>
        %parallel_loop3A_455 = tpu.memref_squeeze %parallel_loop3A_454 : memref<1x16xf32, #tpu.memory_space<vmem>> -> memref<16xf32, #tpu.memory_space<vmem>>
        %parallel_loop3A_456 = tpu.vector_load_idx %parallel_loop3A_455[%parallel_loop3A_441] : memref<16xf32, #tpu.memory_space<vmem>>[vector<16xi32>], vector<16xf32>,
        %parallel_loop3A_457 = arith.constant 3 : i32
        %parallel_loop3A_458 = arith.constant 0 : i32
        %parallel_loop3A_459 = tpu.memref_slice %arg7[%parallel_loop3A_457, %parallel_loop3A_458] : memref<13x16xf32, #tpu.memory_space<vmem>> -> memref<1x16xf32, #tpu.memory_space<vmem>>
        %parallel_loop3A_460 = tpu.memref_squeeze %parallel_loop3A_459 : memref<1x16xf32, #tpu.memory_space<vmem>> -> memref<16xf32, #tpu.memory_space<vmem>>
        %parallel_loop3A_461 = tpu.vector_load_idx %parallel_loop3A_460[%parallel_loop3A_441] : memref<16xf32, #tpu.memory_space<vmem>>[vector<16xi32>], vector<16xf32>,
        %parallel_loop3A_462 = arith.constant 4 : i32
        %parallel_loop3A_463 = arith.constant 0 : i32
        %parallel_loop3A_464 = tpu.memref_slice %arg7[%parallel_loop3A_462, %parallel_loop3A_463] : memref<13x16xf32, #tpu.memory_space<vmem>> -> memref<1x16xf32, #tpu.memory_space<vmem>>
        %parallel_loop3A_465 = tpu.memref_squeeze %parallel_loop3A_464 : memref<1x16xf32, #tpu.memory_space<vmem>> -> memref<16xf32, #tpu.memory_space<vmem>>
        %parallel_loop3A_466 = tpu.vector_load_idx %parallel_loop3A_465[%parallel_loop3A_441] : memref<16xf32, #tpu.memory_space<vmem>>[vector<16xi32>], vector<16xf32>,
        %parallel_loop3A_467 = arith.constant 5 : i32
        %parallel_loop3A_468 = arith.constant 0 : i32
        %parallel_loop3A_469 = tpu.memref_slice %arg7[%parallel_loop3A_467, %parallel_loop3A_468] : memref<13x16xf32, #tpu.memory_space<vmem>> -> memref<1x16xf32, #tpu.memory_space<vmem>>
        %parallel_loop3A_470 = tpu.memref_squeeze %parallel_loop3A_469 : memref<1x16xf32, #tpu.memory_space<vmem>> -> memref<16xf32, #tpu.memory_space<vmem>>
        %parallel_loop3A_471 = tpu.vector_load_idx %parallel_loop3A_470[%parallel_loop3A_441] : memref<16xf32, #tpu.memory_space<vmem>>[vector<16xi32>], vector<16xf32>,
        %parallel_loop3A_472 = arith.constant 6 : i32
        %parallel_loop3A_473 = arith.constant 0 : i32
        %parallel_loop3A_474 = tpu.memref_slice %arg7[%parallel_loop3A_472, %parallel_loop3A_473] : memref<13x16xf32, #tpu.memory_space<vmem>> -> memref<1x16xf32, #tpu.memory_space<vmem>>
        %parallel_loop3A_475 = tpu.memref_squeeze %parallel_loop3A_474 : memref<1x16xf32, #tpu.memory_space<vmem>> -> memref<16xf32, #tpu.memory_space<vmem>>
        %parallel_loop3A_476 = tpu.vector_load_idx %parallel_loop3A_475[%parallel_loop3A_441] : memref<16xf32, #tpu.memory_space<vmem>>[vector<16xi32>], vector<16xf32>,
        %parallel_loop3A_477 = arith.constant 7 : i32
        %parallel_loop3A_478 = arith.constant 0 : i32
        %parallel_loop3A_479 = tpu.memref_slice %arg7[%parallel_loop3A_477, %parallel_loop3A_478] : memref<13x16xf32, #tpu.memory_space<vmem>> -> memref<1x16xf32, #tpu.memory_space<vmem>>
        %parallel_loop3A_480 = tpu.memref_squeeze %parallel_loop3A_479 : memref<1x16xf32, #tpu.memory_space<vmem>> -> memref<16xf32, #tpu.memory_space<vmem>>
        %parallel_loop3A_481 = tpu.vector_load_idx %parallel_loop3A_480[%parallel_loop3A_441] : memref<16xf32, #tpu.memory_space<vmem>>[vector<16xi32>], vector<16xf32>,
        %parallel_loop3A_482 = arith.constant 8 : i32
        %parallel_loop3A_483 = arith.constant 0 : i32
        %parallel_loop3A_484 = tpu.memref_slice %arg7[%parallel_loop3A_482, %parallel_loop3A_483] : memref<13x16xf32, #tpu.memory_space<vmem>> -> memref<1x16xf32, #tpu.memory_space<vmem>>
        %parallel_loop3A_485 = tpu.memref_squeeze %parallel_loop3A_484 : memref<1x16xf32, #tpu.memory_space<vmem>> -> memref<16xf32, #tpu.memory_space<vmem>>
        %parallel_loop3A_486 = tpu.vector_load_idx %parallel_loop3A_485[%parallel_loop3A_441] : memref<16xf32, #tpu.memory_space<vmem>>[vector<16xi32>], vector<16xf32>,
        %parallel_loop3A_487 = arith.constant 9 : i32
        %parallel_loop3A_488 = arith.constant 0 : i32
        %parallel_loop3A_489 = tpu.memref_slice %arg7[%parallel_loop3A_487, %parallel_loop3A_488] : memref<13x16xf32, #tpu.memory_space<vmem>> -> memref<1x16xf32, #tpu.memory_space<vmem>>
        %parallel_loop3A_490 = tpu.memref_squeeze %parallel_loop3A_489 : memref<1x16xf32, #tpu.memory_space<vmem>> -> memref<16xf32, #tpu.memory_space<vmem>>
        %parallel_loop3A_491 = tpu.vector_load_idx %parallel_loop3A_490[%parallel_loop3A_441] : memref<16xf32, #tpu.memory_space<vmem>>[vector<16xi32>], vector<16xf32>,
        %parallel_loop3A_492 = arith.constant 10 : i32
        %parallel_loop3A_493 = arith.constant 0 : i32
        %parallel_loop3A_494 = tpu.memref_slice %arg7[%parallel_loop3A_492, %parallel_loop3A_493] : memref<13x16xf32, #tpu.memory_space<vmem>> -> memref<1x16xf32, #tpu.memory_space<vmem>>
        %parallel_loop3A_495 = tpu.memref_squeeze %parallel_loop3A_494 : memref<1x16xf32, #tpu.memory_space<vmem>> -> memref<16xf32, #tpu.memory_space<vmem>>
        %parallel_loop3A_496 = tpu.vector_load_idx %parallel_loop3A_495[%parallel_loop3A_441] : memref<16xf32, #tpu.memory_space<vmem>>[vector<16xi32>], vector<16xf32>,
        %parallel_loop3A_497 = arith.mulf %parallel_loop3A_412, %parallel_loop3A_446 : vector<16xf32>
        %parallel_loop3A_498 = arith.addf %parallel_loop3A_497, %parallel_loop3A_451 : vector<16xf32>
        %parallel_loop3A_499 = arith.mulf %parallel_loop3A_461, %parallel_loop3A_498 : vector<16xf32>
        %parallel_loop3A_500 = arith.addf %parallel_loop3A_499, %parallel_loop3A_466 : vector<16xf32>
        %parallel_loop3A_501 = arith.mulf %parallel_loop3A_498, %parallel_loop3A_500 : vector<16xf32>
        %parallel_loop3A_502 = arith.mulf %parallel_loop3A_471, %parallel_loop3A_498 : vector<16xf32>
        %parallel_loop3A_503 = arith.addf %parallel_loop3A_502, %parallel_loop3A_476 : vector<16xf32>
        %parallel_loop3A_504 = arith.mulf %parallel_loop3A_503, %parallel_loop3A_498 : vector<16xf32>
        %parallel_loop3A_505 = arith.addf %parallel_loop3A_504, %parallel_loop3A_481 : vector<16xf32>
        %parallel_loop3A_506 = arith.constant 1.000000e+00 : f32
        %parallel_loop3A_507 = vector.broadcast %parallel_loop3A_506 : f32 to vector<16xf32>
        %parallel_loop3A_508 = arith.divf %parallel_loop3A_507, %parallel_loop3A_505 : vector<16xf32>
        %parallel_loop3A_509 = arith.mulf %parallel_loop3A_501, %parallel_loop3A_508 : vector<16xf32>
        %parallel_loop3A_510 = arith.addf %parallel_loop3A_509, %parallel_loop3A_456 : vector<16xf32>
        %parallel_loop3A_511 = arith.mulf %parallel_loop3A_486, %parallel_loop3A_498 : vector<16xf32>
        %parallel_loop3A_512 = arith.addf %parallel_loop3A_511, %parallel_loop3A_491 : vector<16xf32>
        %parallel_loop3A_513 = arith.mulf %parallel_loop3A_512, %parallel_loop3A_498 : vector<16xf32>
        %parallel_loop3A_514 = arith.addf %parallel_loop3A_513, %parallel_loop3A_496 : vector<16xf32>
        %parallel_loop3A_515 = arith.constant 9.99999993E-9 : f32
        %parallel_loop3A_516 = vector.broadcast %parallel_loop3A_515 : f32 to vector<16xf32>
        %parallel_loop3A_517 = arith.addf %parallel_loop3A_514, %parallel_loop3A_516 : vector<16xf32>
        %parallel_loop3A_518 = arith.mulf %parallel_loop3A_517, %parallel_loop3A_508 : vector<16xf32>
        %parallel_loop3A_519 = arith.mulf %parallel_loop3A_518, %parallel_loop3A_508 : vector<16xf32>
        %parallel_loop3A_520 = tpu.bitcast %parallel_loop3A_519 : vector<16xf32> -> vector<16xi32>
        %parallel_loop3A_521 = arith.sitofp %parallel_loop3A_520 : vector<16xi32> to vector<16xf32>
        %parallel_loop3A_522 = arith.constant 8.26295832E-8 : f32
        %parallel_loop3A_523 = vector.broadcast %parallel_loop3A_522 : f32 to vector<16xf32>
        %parallel_loop3A_524 = arith.mulf %parallel_loop3A_521, %parallel_loop3A_523 : vector<16xf32>
        %parallel_loop3A_525 = arith.constant -88.0296936 : f32
        %parallel_loop3A_526 = vector.broadcast %parallel_loop3A_525 : f32 to vector<16xf32>
        %parallel_loop3A_527 = arith.addf %parallel_loop3A_524, %parallel_loop3A_526 : vector<16xf32>
        %parallel_loop3A_528 = arith.constant 8388607 : i32
        %parallel_loop3A_529 = vector.broadcast %parallel_loop3A_528 : i32 to vector<16xi32>
        %parallel_loop3A_530 = arith.andi %parallel_loop3A_520, %parallel_loop3A_529 : vector<16xi32>
        %parallel_loop3A_531 = arith.constant 1065353216 : i32
        %parallel_loop3A_532 = vector.broadcast %parallel_loop3A_531 : i32 to vector<16xi32>
        %parallel_loop3A_533 = arith.ori %parallel_loop3A_530, %parallel_loop3A_532 : vector<16xi32>
        %parallel_loop3A_534 = tpu.bitcast %parallel_loop3A_533 : vector<16xi32> -> vector<16xf32>
        %parallel_loop3A_535 = arith.constant 1.000000e+00 : f32
        %parallel_loop3A_536 = vector.broadcast %parallel_loop3A_535 : f32 to vector<16xf32>
        %parallel_loop3A_537 = arith.subf %parallel_loop3A_534, %parallel_loop3A_536 : vector<16xf32>
        %parallel_loop3A_538 = arith.constant 0.0304490048 : f32
        %parallel_loop3A_539 = vector.broadcast %parallel_loop3A_538 : f32 to vector<16xf32>
        %parallel_loop3A_540 = arith.mulf %parallel_loop3A_539, %parallel_loop3A_537 : vector<16xf32>
        %parallel_loop3A_541 = arith.constant -0.131581828 : f32
        %parallel_loop3A_542 = vector.broadcast %parallel_loop3A_541 : f32 to vector<16xf32>
        %parallel_loop3A_543 = arith.addf %parallel_loop3A_540, %parallel_loop3A_542 : vector<16xf32>
        %parallel_loop3A_544 = arith.mulf %parallel_loop3A_543, %parallel_loop3A_537 : vector<16xf32>
        %parallel_loop3A_545 = arith.constant 0.285272688 : f32
        %parallel_loop3A_546 = vector.broadcast %parallel_loop3A_545 : f32 to vector<16xf32>
        %parallel_loop3A_547 = arith.addf %parallel_loop3A_544, %parallel_loop3A_546 : vector<16xf32>
        %parallel_loop3A_548 = arith.mulf %parallel_loop3A_547, %parallel_loop3A_537 : vector<16xf32>
        %parallel_loop3A_549 = arith.constant -0.490230709 : f32
        %parallel_loop3A_550 = vector.broadcast %parallel_loop3A_549 : f32 to vector<16xf32>
        %parallel_loop3A_551 = arith.addf %parallel_loop3A_548, %parallel_loop3A_550 : vector<16xf32>
        %parallel_loop3A_552 = arith.mulf %parallel_loop3A_551, %parallel_loop3A_537 : vector<16xf32>
        %parallel_loop3A_553 = arith.constant 0.306088299 : f32
        %parallel_loop3A_554 = vector.broadcast %parallel_loop3A_553 : f32 to vector<16xf32>
        %parallel_loop3A_555 = arith.addf %parallel_loop3A_552, %parallel_loop3A_554 : vector<16xf32>
        %parallel_loop3A_556 = arith.mulf %parallel_loop3A_555, %parallel_loop3A_537 : vector<16xf32>
        %parallel_loop3A_557 = arith.constant 9.9750323E-6 : f32
        %parallel_loop3A_558 = vector.broadcast %parallel_loop3A_557 : f32 to vector<16xf32>
        %parallel_loop3A_559 = arith.addf %parallel_loop3A_556, %parallel_loop3A_558 : vector<16xf32>
        %parallel_loop3A_560 = arith.addf %parallel_loop3A_527, %parallel_loop3A_559 : vector<16xf32>
        %parallel_loop3A_561 = arith.cmpf oeq, %parallel_loop3A_406, %parallel_loop3A_412 : vector<16xf32>
        %parallel_loop3A_562 = arith.select %parallel_loop3A_561, %parallel_loop3A_510, %parallel_loop3A_406 : vector<16xi1>, vector<16xf32>
        %parallel_loop3A_563 = arith.constant 0.000000e+00 : f32
        %parallel_loop3A_564 = vector.broadcast %parallel_loop3A_563 : f32 to vector<16xf32>
        %parallel_loop3A_565 = arith.select %parallel_loop3A_561, %parallel_loop3A_560, %parallel_loop3A_564 : vector<16xi1>, vector<16xf32>
        %parallel_loop3A_566 = arith.constant 1 : i32
        %parallel_loop3A_567 = arith.index_cast %parallel_loop3A_566 : i32 to index
        %parallel_loop3A_568 = arith.index_cast %parallel_loop3A_402 : i32 to index
        %parallel_loop3A_569 = tpu.vector_load %arg10[%parallel_loop3A_567, %parallel_loop3A_568] {strides = array<i32>} : memref<2x16384xf32, #tpu.memory_space<vmem>>, vector<16xf32>,
        tpu.vector_store %arg10[%parallel_loop3A_567, %parallel_loop3A_568], %parallel_loop3A_562 {strides = array<i32>} : memref<2x16384xf32, #tpu.memory_space<vmem>>, vector<16xf32>,
        %parallel_loop3A_570 = arith.constant 1 : i32
        %parallel_loop3A_571 = arith.index_cast %parallel_loop3A_570 : i32 to index
        %parallel_loop3A_572 = arith.index_cast %parallel_loop3A_402 : i32 to index
        %parallel_loop3A_573 = tpu.vector_load %arg11[%parallel_loop3A_571, %parallel_loop3A_572] {strides = array<i32>} : memref<2x16384xf32, #tpu.memory_space<vmem>>, vector<16xf32>,
        tpu.vector_store %arg11[%parallel_loop3A_571, %parallel_loop3A_572], %parallel_loop3A_565 {strides = array<i32>} : memref<2x16384xf32, #tpu.memory_space<vmem>>, vector<16xf32>,
      } {sc.loop_unroll_factor = 4 : i64, sc.parallel_access}
      %mul3A_352 = arith.constant 16384 : i32
      %mul3A_353 = arith.muli %add3A_327, %mul3A_352 : i32
      %add3A_354 = arith.addi %mul3A_2, %mul3A_353 : i32
      %multiple_of3A_355 = tpu.assume_multiple %add3A_354, 16384 : i32
      %dma_start3A_356 = arith.constant 1 : i32
      %dma_start3A_357 = arith.constant 1 : i32
      %dma_start3A_358 = arith.constant 0 : i32
      %dma_start3A_359 = tpu.memref_slice %arg10[%dma_start3A_356, %dma_start3A_358] : memref<2x16384xf32, #tpu.memory_space<vmem>> -> memref<1x16384xf32, #tpu.memory_space<vmem>>
      %dma_start3A_360 = tpu.memref_squeeze %dma_start3A_359 : memref<1x16384xf32, #tpu.memory_space<vmem>> -> memref<16384xf32, #tpu.memory_space<vmem>>
      %dma_start3A_361 = tpu.memref_slice %arg5[%multiple_of3A_355] : memref<16777216xf32, #tpu.memory_space<hbm>> -> memref<16384xf32, #tpu.memory_space<hbm>>
      %dma_start3A_362 = tpu.memref_slice %arg13[%dma_start3A_357] : memref<2x!tpu.dma_semaphore, #tpu.memory_space<semaphore_mem>> -> memref<1x!tpu.dma_semaphore, #tpu.memory_space<semaphore_mem>>
      %dma_start3A_363 = tpu.memref_squeeze %dma_start3A_362 : memref<1x!tpu.dma_semaphore, #tpu.memory_space<semaphore_mem>> -> memref<!tpu.dma_semaphore, #tpu.memory_space<semaphore_mem>>
      %dma_start3A_364 = tpu.memref_slice %arg5[%multiple_of3A_355] : memref<16777216xf32, #tpu.memory_space<hbm>> -> memref<16384xf32, #tpu.memory_space<hbm>>
      %dma_start3A_365 = arith.constant 0 : i32
      %dma_start3A_366 = tpu.memref_slice %arg10[%dma_start3A_356, %dma_start3A_365] : memref<2x16384xf32, #tpu.memory_space<vmem>> -> memref<1x16384xf32, #tpu.memory_space<vmem>>
      %dma_start3A_367 = tpu.memref_squeeze %dma_start3A_366 : memref<1x16384xf32, #tpu.memory_space<vmem>> -> memref<16384xf32, #tpu.memory_space<vmem>>
      tpu.enqueue_dma source(%dma_start3A_367 : memref<16384xf32, #tpu.memory_space<vmem>>) target(%dma_start3A_364 : memref<16384xf32, #tpu.memory_space<hbm>>) target_semaphore(%dma_start3A_363 : memref<!tpu.dma_semaphore, #tpu.memory_space<semaphore_mem>>)
      %mul3A_368 = arith.constant 16384 : i32
      %mul3A_369 = arith.muli %add3A_327, %mul3A_368 : i32
      %add3A_370 = arith.addi %mul3A_2, %mul3A_369 : i32
      %multiple_of3A_371 = tpu.assume_multiple %add3A_370, 16384 : i32
      %dma_start3A_372 = arith.constant 1 : i32
      %dma_start3A_373 = arith.constant 1 : i32
      %dma_start3A_374 = arith.constant 0 : i32
      %dma_start3A_375 = tpu.memref_slice %arg11[%dma_start3A_372, %dma_start3A_374] : memref<2x16384xf32, #tpu.memory_space<vmem>> -> memref<1x16384xf32, #tpu.memory_space<vmem>>
      %dma_start3A_376 = tpu.memref_squeeze %dma_start3A_375 : memref<1x16384xf32, #tpu.memory_space<vmem>> -> memref<16384xf32, #tpu.memory_space<vmem>>
      %dma_start3A_377 = tpu.memref_slice %arg6[%multiple_of3A_371] : memref<16777216xf32, #tpu.memory_space<hbm>> -> memref<16384xf32, #tpu.memory_space<hbm>>
      %dma_start3A_378 = tpu.memref_slice %arg14[%dma_start3A_373] : memref<2x!tpu.dma_semaphore, #tpu.memory_space<semaphore_mem>> -> memref<1x!tpu.dma_semaphore, #tpu.memory_space<semaphore_mem>>
      %dma_start3A_379 = tpu.memref_squeeze %dma_start3A_378 : memref<1x!tpu.dma_semaphore, #tpu.memory_space<semaphore_mem>> -> memref<!tpu.dma_semaphore, #tpu.memory_space<semaphore_mem>>
      %dma_start3A_380 = tpu.memref_slice %arg6[%multiple_of3A_371] : memref<16777216xf32, #tpu.memory_space<hbm>> -> memref<16384xf32, #tpu.memory_space<hbm>>
      %dma_start3A_381 = arith.constant 0 : i32
      %dma_start3A_382 = tpu.memref_slice %arg11[%dma_start3A_372, %dma_start3A_381] : memref<2x16384xf32, #tpu.memory_space<vmem>> -> memref<1x16384xf32, #tpu.memory_space<vmem>>
      %dma_start3A_383 = tpu.memref_squeeze %dma_start3A_382 : memref<1x16384xf32, #tpu.memory_space<vmem>> -> memref<16384xf32, #tpu.memory_space<vmem>>
      tpu.enqueue_dma source(%dma_start3A_383 : memref<16384xf32, #tpu.memory_space<vmem>>) target(%dma_start3A_380 : memref<16384xf32, #tpu.memory_space<hbm>>) target_semaphore(%dma_start3A_379 : memref<!tpu.dma_semaphore, #tpu.memory_space<semaphore_mem>>)
      %add3A_384 = arith.constant 2 : i32
      %add3A_385 = arith.addi %add3A_327, %add3A_384 : i32
      %mul3A_386 = arith.constant 16384 : i32
      %mul3A_387 = arith.muli %add3A_385, %mul3A_386 : i32
      %add3A_388 = arith.addi %mul3A_2, %mul3A_387 : i32
      %multiple_of3A_389 = tpu.assume_multiple %add3A_388, 16384 : i32
      %dma_start3A_390 = arith.constant 1 : i32
      %dma_start3A_391 = arith.constant 1 : i32
      %dma_start3A_392 = arith.constant 0 : i32
      %dma_start3A_393 = tpu.memref_slice %arg9[%dma_start3A_390, %dma_start3A_392] : memref<2x16384xf32, #tpu.memory_space<vmem>> -> memref<1x16384xf32, #tpu.memory_space<vmem>>
      %dma_start3A_394 = tpu.memref_squeeze %dma_start3A_393 : memref<1x16384xf32, #tpu.memory_space<vmem>> -> memref<16384xf32, #tpu.memory_space<vmem>>
      %dma_start3A_395 = tpu.memref_slice %arg2[%multiple_of3A_389] : memref<16777216xf32, #tpu.memory_space<hbm>> -> memref<16384xf32, #tpu.memory_space<hbm>>
      %dma_start3A_396 = tpu.memref_slice %arg12[%dma_start3A_391] : memref<2x!tpu.dma_semaphore, #tpu.memory_space<semaphore_mem>> -> memref<1x!tpu.dma_semaphore, #tpu.memory_space<semaphore_mem>>
      %dma_start3A_397 = tpu.memref_squeeze %dma_start3A_396 : memref<1x!tpu.dma_semaphore, #tpu.memory_space<semaphore_mem>> -> memref<!tpu.dma_semaphore, #tpu.memory_space<semaphore_mem>>
      %dma_start3A_398 = arith.constant 0 : i32
      %dma_start3A_399 = tpu.memref_slice %arg9[%dma_start3A_390, %dma_start3A_398] : memref<2x16384xf32, #tpu.memory_space<vmem>> -> memref<1x16384xf32, #tpu.memory_space<vmem>>
      %dma_start3A_400 = tpu.memref_squeeze %dma_start3A_399 : memref<1x16384xf32, #tpu.memory_space<vmem>> -> memref<16384xf32, #tpu.memory_space<vmem>>
      %dma_start3A_401 = tpu.memref_slice %arg2[%multiple_of3A_389] : memref<16777216xf32, #tpu.memory_space<hbm>> -> memref<16384xf32, #tpu.memory_space<hbm>>
      tpu.enqueue_dma source(%dma_start3A_401 : memref<16384xf32, #tpu.memory_space<hbm>>) target(%dma_start3A_400 : memref<16384xf32, #tpu.memory_space<vmem>>) target_semaphore(%dma_start3A_397 : memref<!tpu.dma_semaphore, #tpu.memory_space<semaphore_mem>>)
    }
    %scan3A_35 = arith.constant 15 : i32
    %add3A_36 = arith.constant 491520 : i32
    %add3A_37 = arith.addi %mul3A_2, %add3A_36 : i32
    %multiple_of3A_38 = tpu.assume_multiple %add3A_37, 16384 : i32
    %dma_wait3A = arith.constant 0 : i32
    %dma_wait3A_39 = arith.constant 0 : i32
    %dma_wait3A_40 = arith.constant 0 : i32
    %dma_wait3A_41 = tpu.memref_slice %arg9[%dma_wait3A, %dma_wait3A_40] : memref<2x16384xf32, #tpu.memory_space<vmem>> -> memref<1x16384xf32, #tpu.memory_space<vmem>>
    %dma_wait3A_42 = tpu.memref_squeeze %dma_wait3A_41 : memref<1x16384xf32, #tpu.memory_space<vmem>> -> memref<16384xf32, #tpu.memory_space<vmem>>
    %dma_wait3A_43 = tpu.memref_slice %arg2[%multiple_of3A_38] : memref<16777216xf32, #tpu.memory_space<hbm>> -> memref<16384xf32, #tpu.memory_space<hbm>>
    %dma_wait3A_44 = tpu.memref_slice %arg12[%dma_wait3A_39] : memref<2x!tpu.dma_semaphore, #tpu.memory_space<semaphore_mem>> -> memref<1x!tpu.dma_semaphore, #tpu.memory_space<semaphore_mem>>
    %dma_wait3A_45 = tpu.memref_squeeze %dma_wait3A_44 : memref<1x!tpu.dma_semaphore, #tpu.memory_space<semaphore_mem>> -> memref<!tpu.dma_semaphore, #tpu.memory_space<semaphore_mem>>
    %dma_wait3A_46 = arith.constant 0 : i32
    %dma_wait3A_47 = tpu.memref_slice %arg9[%dma_wait3A, %dma_wait3A_46] : memref<2x16384xf32, #tpu.memory_space<vmem>> -> memref<1x16384xf32, #tpu.memory_space<vmem>>
    %dma_wait3A_48 = tpu.memref_squeeze %dma_wait3A_47 : memref<1x16384xf32, #tpu.memory_space<vmem>> -> memref<16384xf32, #tpu.memory_space<vmem>>
    %dma_wait3A_49 = tpu.memref_slice %arg2[%multiple_of3A_38] : memref<16777216xf32, #tpu.memory_space<hbm>> -> memref<16384xf32, #tpu.memory_space<hbm>>
    tpu.wait_dma2 semaphore(%dma_wait3A_45 : memref<!tpu.dma_semaphore, #tpu.memory_space<semaphore_mem>>) src(%dma_wait3A_49 : memref<16384xf32, #tpu.memory_space<hbm>>) dst(%dma_wait3A_48 : memref<16384xf32, #tpu.memory_space<vmem>>)
    %cond3A = arith.constant 1 : i32
    %add3A_50 = arith.constant 458752 : i32
    %add3A_51 = arith.addi %mul3A_2, %add3A_50 : i32
    %multiple_of3A_52 = tpu.assume_multiple %add3A_51, 16384 : i32
    %dma_wait3A_53 = arith.constant 0 : i32
    %dma_wait3A_54 = arith.constant 0 : i32
    %dma_wait3A_55 = arith.constant 0 : i32
    %dma_wait3A_56 = tpu.memref_slice %arg10[%dma_wait3A_53, %dma_wait3A_55] : memref<2x16384xf32, #tpu.memory_space<vmem>> -> memref<1x16384xf32, #tpu.memory_space<vmem>>
    %dma_wait3A_57 = tpu.memref_squeeze %dma_wait3A_56 : memref<1x16384xf32, #tpu.memory_space<vmem>> -> memref<16384xf32, #tpu.memory_space<vmem>>
    %dma_wait3A_58 = tpu.memref_slice %arg5[%multiple_of3A_52] : memref<16777216xf32, #tpu.memory_space<hbm>> -> memref<16384xf32, #tpu.memory_space<hbm>>
    %dma_wait3A_59 = tpu.memref_slice %arg13[%dma_wait3A_54] : memref<2x!tpu.dma_semaphore, #tpu.memory_space<semaphore_mem>> -> memref<1x!tpu.dma_semaphore, #tpu.memory_space<semaphore_mem>>
    %dma_wait3A_60 = tpu.memref_squeeze %dma_wait3A_59 : memref<1x!tpu.dma_semaphore, #tpu.memory_space<semaphore_mem>> -> memref<!tpu.dma_semaphore, #tpu.memory_space<semaphore_mem>>
    %dma_wait3A_61 = tpu.memref_slice %arg5[%multiple_of3A_52] : memref<16777216xf32, #tpu.memory_space<hbm>> -> memref<16384xf32, #tpu.memory_space<hbm>>
    %dma_wait3A_62 = arith.constant 0 : i32
    %dma_wait3A_63 = tpu.memref_slice %arg10[%dma_wait3A_53, %dma_wait3A_62] : memref<2x16384xf32, #tpu.memory_space<vmem>> -> memref<1x16384xf32, #tpu.memory_space<vmem>>
    %dma_wait3A_64 = tpu.memref_squeeze %dma_wait3A_63 : memref<1x16384xf32, #tpu.memory_space<vmem>> -> memref<16384xf32, #tpu.memory_space<vmem>>
    tpu.wait_dma2 semaphore(%dma_wait3A_60 : memref<!tpu.dma_semaphore, #tpu.memory_space<semaphore_mem>>) src(%dma_wait3A_64 : memref<16384xf32, #tpu.memory_space<vmem>>) dst(%dma_wait3A_61 : memref<16384xf32, #tpu.memory_space<hbm>>)
    %add3A_65 = arith.constant 458752 : i32
    %add3A_66 = arith.addi %mul3A_2, %add3A_65 : i32
    %multiple_of3A_67 = tpu.assume_multiple %add3A_66, 16384 : i32
    %dma_wait3A_68 = arith.constant 0 : i32
    %dma_wait3A_69 = arith.constant 0 : i32
    %dma_wait3A_70 = arith.constant 0 : i32
    %dma_wait3A_71 = tpu.memref_slice %arg11[%dma_wait3A_68, %dma_wait3A_70] : memref<2x16384xf32, #tpu.memory_space<vmem>> -> memref<1x16384xf32, #tpu.memory_space<vmem>>
    %dma_wait3A_72 = tpu.memref_squeeze %dma_wait3A_71 : memref<1x16384xf32, #tpu.memory_space<vmem>> -> memref<16384xf32, #tpu.memory_space<vmem>>
    %dma_wait3A_73 = tpu.memref_slice %arg6[%multiple_of3A_67] : memref<16777216xf32, #tpu.memory_space<hbm>> -> memref<16384xf32, #tpu.memory_space<hbm>>
    %dma_wait3A_74 = tpu.memref_slice %arg14[%dma_wait3A_69] : memref<2x!tpu.dma_semaphore, #tpu.memory_space<semaphore_mem>> -> memref<1x!tpu.dma_semaphore, #tpu.memory_space<semaphore_mem>>
    %dma_wait3A_75 = tpu.memref_squeeze %dma_wait3A_74 : memref<1x!tpu.dma_semaphore, #tpu.memory_space<semaphore_mem>> -> memref<!tpu.dma_semaphore, #tpu.memory_space<semaphore_mem>>
    %dma_wait3A_76 = tpu.memref_slice %arg6[%multiple_of3A_67] : memref<16777216xf32, #tpu.memory_space<hbm>> -> memref<16384xf32, #tpu.memory_space<hbm>>
    %dma_wait3A_77 = arith.constant 0 : i32
    %dma_wait3A_78 = tpu.memref_slice %arg11[%dma_wait3A_68, %dma_wait3A_77] : memref<2x16384xf32, #tpu.memory_space<vmem>> -> memref<1x16384xf32, #tpu.memory_space<vmem>>
    %dma_wait3A_79 = tpu.memref_squeeze %dma_wait3A_78 : memref<1x16384xf32, #tpu.memory_space<vmem>> -> memref<16384xf32, #tpu.memory_space<vmem>>
    tpu.wait_dma2 semaphore(%dma_wait3A_75 : memref<!tpu.dma_semaphore, #tpu.memory_space<semaphore_mem>>) src(%dma_wait3A_79 : memref<16384xf32, #tpu.memory_space<vmem>>) dst(%dma_wait3A_76 : memref<16384xf32, #tpu.memory_space<hbm>>)
    %parallel_loop3A = arith.constant 0 : i32
    %parallel_loop3A_80 = arith.constant 16384 : i32
    %parallel_loop3A_81 = arith.constant 16 : i32
    scf.for %parallel_loop3A_251 = %parallel_loop3A to %parallel_loop3A_80 step %parallel_loop3A_81  : i32 {
      %parallel_loop3A_252 = arith.constant 0 : i32
      %parallel_loop3A_253 = arith.index_cast %parallel_loop3A_252 : i32 to index
      %parallel_loop3A_254 = arith.index_cast %parallel_loop3A_251 : i32 to index
      %parallel_loop3A_255 = tpu.vector_load %arg9[%parallel_loop3A_253, %parallel_loop3A_254] {strides = array<i32>} : memref<2x16384xf32, #tpu.memory_space<vmem>>, vector<16xf32>,
      %parallel_loop3A_256 = arith.constant -3.000000e+00 : f32
      %parallel_loop3A_257 = vector.broadcast %parallel_loop3A_256 : f32 to vector<16xf32>
      %parallel_loop3A_258 = arith.maximumf %parallel_loop3A_255, %parallel_loop3A_257 : vector<16xf32>
      %parallel_loop3A_259 = arith.constant 3.000000e+00 : f32
      %parallel_loop3A_260 = vector.broadcast %parallel_loop3A_259 : f32 to vector<16xf32>
      %parallel_loop3A_261 = arith.minimumf %parallel_loop3A_258, %parallel_loop3A_260 : vector<16xf32>
      %parallel_loop3A_262 = arith.constant 3.412500e+02 : f32
      %parallel_loop3A_263 = vector.broadcast %parallel_loop3A_262 : f32 to vector<16xf32>
      %parallel_loop3A_264 = arith.mulf %parallel_loop3A_261, %parallel_loop3A_263 : vector<16xf32>
      %parallel_loop3A_265 = arith.constant 1.023750e+03 : f32
      %parallel_loop3A_266 = vector.broadcast %parallel_loop3A_265 : f32 to vector<16xf32>
      %parallel_loop3A_267 = arith.addf %parallel_loop3A_264, %parallel_loop3A_266 : vector<16xf32>
      %parallel_loop3A_268 = arith.fptosi %parallel_loop3A_267 : vector<16xf32> to vector<16xi32>
      %parallel_loop3A_269 = tpu.vector_load_idx %arg8[%parallel_loop3A_268] : memref<2048xi32, #tpu.memory_space<vmem>>[vector<16xi32>], vector<16xi32>,
      %parallel_loop3A_270 = arith.constant 11 : i32
      %parallel_loop3A_271 = arith.constant 0 : i32
      %parallel_loop3A_272 = tpu.memref_slice %arg7[%parallel_loop3A_270, %parallel_loop3A_271] : memref<13x16xf32, #tpu.memory_space<vmem>> -> memref<1x16xf32, #tpu.memory_space<vmem>>
      %parallel_loop3A_273 = tpu.memref_squeeze %parallel_loop3A_272 : memref<1x16xf32, #tpu.memory_space<vmem>> -> memref<16xf32, #tpu.memory_space<vmem>>
      %parallel_loop3A_274 = tpu.vector_load_idx %parallel_loop3A_273[%parallel_loop3A_269] : memref<16xf32, #tpu.memory_space<vmem>>[vector<16xi32>], vector<16xf32>,
      %parallel_loop3A_275 = arith.constant 12 : i32
      %parallel_loop3A_276 = arith.constant 0 : i32
      %parallel_loop3A_277 = tpu.memref_slice %arg7[%parallel_loop3A_275, %parallel_loop3A_276] : memref<13x16xf32, #tpu.memory_space<vmem>> -> memref<1x16xf32, #tpu.memory_space<vmem>>
      %parallel_loop3A_278 = tpu.memref_squeeze %parallel_loop3A_277 : memref<1x16xf32, #tpu.memory_space<vmem>> -> memref<16xf32, #tpu.memory_space<vmem>>
      %parallel_loop3A_279 = tpu.vector_load_idx %parallel_loop3A_278[%parallel_loop3A_269] : memref<16xf32, #tpu.memory_space<vmem>>[vector<16xi32>], vector<16xf32>,
      %parallel_loop3A_280 = arith.cmpf olt, %parallel_loop3A_261, %parallel_loop3A_274 : vector<16xf32>
      %parallel_loop3A_281 = arith.extui %parallel_loop3A_280 : vector<16xi1> to vector<16xi32>
      %parallel_loop3A_282 = arith.subi %parallel_loop3A_269, %parallel_loop3A_281 : vector<16xi32>
      %parallel_loop3A_283 = arith.cmpf oge, %parallel_loop3A_261, %parallel_loop3A_279 : vector<16xf32>
      %parallel_loop3A_284 = arith.extui %parallel_loop3A_283 : vector<16xi1> to vector<16xi32>
      %parallel_loop3A_285 = arith.addi %parallel_loop3A_282, %parallel_loop3A_284 : vector<16xi32>
      %parallel_loop3A_286 = arith.constant 3.000000e+00 : f32
      %parallel_loop3A_287 = vector.broadcast %parallel_loop3A_286 : f32 to vector<16xf32>
      %parallel_loop3A_288 = arith.cmpf oge, %parallel_loop3A_261, %parallel_loop3A_287 : vector<16xf32>
      %parallel_loop3A_289 = arith.extui %parallel_loop3A_288 : vector<16xi1> to vector<16xi32>
      %parallel_loop3A_290 = arith.addi %parallel_loop3A_285, %parallel_loop3A_289 : vector<16xi32>
      %parallel_loop3A_291 = arith.constant 0 : i32
      %parallel_loop3A_292 = arith.constant 0 : i32
      %parallel_loop3A_293 = tpu.memref_slice %arg7[%parallel_loop3A_291, %parallel_loop3A_292] : memref<13x16xf32, #tpu.memory_space<vmem>> -> memref<1x16xf32, #tpu.memory_space<vmem>>
      %parallel_loop3A_294 = tpu.memref_squeeze %parallel_loop3A_293 : memref<1x16xf32, #tpu.memory_space<vmem>> -> memref<16xf32, #tpu.memory_space<vmem>>
      %parallel_loop3A_295 = tpu.vector_load_idx %parallel_loop3A_294[%parallel_loop3A_290] : memref<16xf32, #tpu.memory_space<vmem>>[vector<16xi32>], vector<16xf32>,
      %parallel_loop3A_296 = arith.constant 1 : i32
      %parallel_loop3A_297 = arith.constant 0 : i32
      %parallel_loop3A_298 = tpu.memref_slice %arg7[%parallel_loop3A_296, %parallel_loop3A_297] : memref<13x16xf32, #tpu.memory_space<vmem>> -> memref<1x16xf32, #tpu.memory_space<vmem>>
      %parallel_loop3A_299 = tpu.memref_squeeze %parallel_loop3A_298 : memref<1x16xf32, #tpu.memory_space<vmem>> -> memref<16xf32, #tpu.memory_space<vmem>>
      %parallel_loop3A_300 = tpu.vector_load_idx %parallel_loop3A_299[%parallel_loop3A_290] : memref<16xf32, #tpu.memory_space<vmem>>[vector<16xi32>], vector<16xf32>,
      %parallel_loop3A_301 = arith.constant 2 : i32
      %parallel_loop3A_302 = arith.constant 0 : i32
      %parallel_loop3A_303 = tpu.memref_slice %arg7[%parallel_loop3A_301, %parallel_loop3A_302] : memref<13x16xf32, #tpu.memory_space<vmem>> -> memref<1x16xf32, #tpu.memory_space<vmem>>
      %parallel_loop3A_304 = tpu.memref_squeeze %parallel_loop3A_303 : memref<1x16xf32, #tpu.memory_space<vmem>> -> memref<16xf32, #tpu.memory_space<vmem>>
      %parallel_loop3A_305 = tpu.vector_load_idx %parallel_loop3A_304[%parallel_loop3A_290] : memref<16xf32, #tpu.memory_space<vmem>>[vector<16xi32>], vector<16xf32>,
      %parallel_loop3A_306 = arith.constant 3 : i32
      %parallel_loop3A_307 = arith.constant 0 : i32
      %parallel_loop3A_308 = tpu.memref_slice %arg7[%parallel_loop3A_306, %parallel_loop3A_307] : memref<13x16xf32, #tpu.memory_space<vmem>> -> memref<1x16xf32, #tpu.memory_space<vmem>>
      %parallel_loop3A_309 = tpu.memref_squeeze %parallel_loop3A_308 : memref<1x16xf32, #tpu.memory_space<vmem>> -> memref<16xf32, #tpu.memory_space<vmem>>
      %parallel_loop3A_310 = tpu.vector_load_idx %parallel_loop3A_309[%parallel_loop3A_290] : memref<16xf32, #tpu.memory_space<vmem>>[vector<16xi32>], vector<16xf32>,
      %parallel_loop3A_311 = arith.constant 4 : i32
      %parallel_loop3A_312 = arith.constant 0 : i32
      %parallel_loop3A_313 = tpu.memref_slice %arg7[%parallel_loop3A_311, %parallel_loop3A_312] : memref<13x16xf32, #tpu.memory_space<vmem>> -> memref<1x16xf32, #tpu.memory_space<vmem>>
      %parallel_loop3A_314 = tpu.memref_squeeze %parallel_loop3A_313 : memref<1x16xf32, #tpu.memory_space<vmem>> -> memref<16xf32, #tpu.memory_space<vmem>>
      %parallel_loop3A_315 = tpu.vector_load_idx %parallel_loop3A_314[%parallel_loop3A_290] : memref<16xf32, #tpu.memory_space<vmem>>[vector<16xi32>], vector<16xf32>,
      %parallel_loop3A_316 = arith.constant 5 : i32
      %parallel_loop3A_317 = arith.constant 0 : i32
      %parallel_loop3A_318 = tpu.memref_slice %arg7[%parallel_loop3A_316, %parallel_loop3A_317] : memref<13x16xf32, #tpu.memory_space<vmem>> -> memref<1x16xf32, #tpu.memory_space<vmem>>
      %parallel_loop3A_319 = tpu.memref_squeeze %parallel_loop3A_318 : memref<1x16xf32, #tpu.memory_space<vmem>> -> memref<16xf32, #tpu.memory_space<vmem>>
      %parallel_loop3A_320 = tpu.vector_load_idx %parallel_loop3A_319[%parallel_loop3A_290] : memref<16xf32, #tpu.memory_space<vmem>>[vector<16xi32>], vector<16xf32>,
      %parallel_loop3A_321 = arith.constant 6 : i32
      %parallel_loop3A_322 = arith.constant 0 : i32
      %parallel_loop3A_323 = tpu.memref_slice %arg7[%parallel_loop3A_321, %parallel_loop3A_322] : memref<13x16xf32, #tpu.memory_space<vmem>> -> memref<1x16xf32, #tpu.memory_space<vmem>>
      %parallel_loop3A_324 = tpu.memref_squeeze %parallel_loop3A_323 : memref<1x16xf32, #tpu.memory_space<vmem>> -> memref<16xf32, #tpu.memory_space<vmem>>
      %parallel_loop3A_325 = tpu.vector_load_idx %parallel_loop3A_324[%parallel_loop3A_290] : memref<16xf32, #tpu.memory_space<vmem>>[vector<16xi32>], vector<16xf32>,
      %parallel_loop3A_326 = arith.constant 7 : i32
      %parallel_loop3A_327 = arith.constant 0 : i32
      %parallel_loop3A_328 = tpu.memref_slice %arg7[%parallel_loop3A_326, %parallel_loop3A_327] : memref<13x16xf32, #tpu.memory_space<vmem>> -> memref<1x16xf32, #tpu.memory_space<vmem>>
      %parallel_loop3A_329 = tpu.memref_squeeze %parallel_loop3A_328 : memref<1x16xf32, #tpu.memory_space<vmem>> -> memref<16xf32, #tpu.memory_space<vmem>>
      %parallel_loop3A_330 = tpu.vector_load_idx %parallel_loop3A_329[%parallel_loop3A_290] : memref<16xf32, #tpu.memory_space<vmem>>[vector<16xi32>], vector<16xf32>,
      %parallel_loop3A_331 = arith.constant 8 : i32
      %parallel_loop3A_332 = arith.constant 0 : i32
      %parallel_loop3A_333 = tpu.memref_slice %arg7[%parallel_loop3A_331, %parallel_loop3A_332] : memref<13x16xf32, #tpu.memory_space<vmem>> -> memref<1x16xf32, #tpu.memory_space<vmem>>
      %parallel_loop3A_334 = tpu.memref_squeeze %parallel_loop3A_333 : memref<1x16xf32, #tpu.memory_space<vmem>> -> memref<16xf32, #tpu.memory_space<vmem>>
      %parallel_loop3A_335 = tpu.vector_load_idx %parallel_loop3A_334[%parallel_loop3A_290] : memref<16xf32, #tpu.memory_space<vmem>>[vector<16xi32>], vector<16xf32>,
      %parallel_loop3A_336 = arith.constant 9 : i32
      %parallel_loop3A_337 = arith.constant 0 : i32
      %parallel_loop3A_338 = tpu.memref_slice %arg7[%parallel_loop3A_336, %parallel_loop3A_337] : memref<13x16xf32, #tpu.memory_space<vmem>> -> memref<1x16xf32, #tpu.memory_space<vmem>>
      %parallel_loop3A_339 = tpu.memref_squeeze %parallel_loop3A_338 : memref<1x16xf32, #tpu.memory_space<vmem>> -> memref<16xf32, #tpu.memory_space<vmem>>
      %parallel_loop3A_340 = tpu.vector_load_idx %parallel_loop3A_339[%parallel_loop3A_290] : memref<16xf32, #tpu.memory_space<vmem>>[vector<16xi32>], vector<16xf32>,
      %parallel_loop3A_341 = arith.constant 10 : i32
      %parallel_loop3A_342 = arith.constant 0 : i32
      %parallel_loop3A_343 = tpu.memref_slice %arg7[%parallel_loop3A_341, %parallel_loop3A_342] : memref<13x16xf32, #tpu.memory_space<vmem>> -> memref<1x16xf32, #tpu.memory_space<vmem>>
      %parallel_loop3A_344 = tpu.memref_squeeze %parallel_loop3A_343 : memref<1x16xf32, #tpu.memory_space<vmem>> -> memref<16xf32, #tpu.memory_space<vmem>>
      %parallel_loop3A_345 = tpu.vector_load_idx %parallel_loop3A_344[%parallel_loop3A_290] : memref<16xf32, #tpu.memory_space<vmem>>[vector<16xi32>], vector<16xf32>,
      %parallel_loop3A_346 = arith.mulf %parallel_loop3A_261, %parallel_loop3A_295 : vector<16xf32>
      %parallel_loop3A_347 = arith.addf %parallel_loop3A_346, %parallel_loop3A_300 : vector<16xf32>
      %parallel_loop3A_348 = arith.mulf %parallel_loop3A_310, %parallel_loop3A_347 : vector<16xf32>
      %parallel_loop3A_349 = arith.addf %parallel_loop3A_348, %parallel_loop3A_315 : vector<16xf32>
      %parallel_loop3A_350 = arith.mulf %parallel_loop3A_347, %parallel_loop3A_349 : vector<16xf32>
      %parallel_loop3A_351 = arith.mulf %parallel_loop3A_320, %parallel_loop3A_347 : vector<16xf32>
      %parallel_loop3A_352 = arith.addf %parallel_loop3A_351, %parallel_loop3A_325 : vector<16xf32>
      %parallel_loop3A_353 = arith.mulf %parallel_loop3A_352, %parallel_loop3A_347 : vector<16xf32>
      %parallel_loop3A_354 = arith.addf %parallel_loop3A_353, %parallel_loop3A_330 : vector<16xf32>
      %parallel_loop3A_355 = arith.constant 1.000000e+00 : f32
      %parallel_loop3A_356 = vector.broadcast %parallel_loop3A_355 : f32 to vector<16xf32>
      %parallel_loop3A_357 = arith.divf %parallel_loop3A_356, %parallel_loop3A_354 : vector<16xf32>
      %parallel_loop3A_358 = arith.mulf %parallel_loop3A_350, %parallel_loop3A_357 : vector<16xf32>
      %parallel_loop3A_359 = arith.addf %parallel_loop3A_358, %parallel_loop3A_305 : vector<16xf32>
      %parallel_loop3A_360 = arith.mulf %parallel_loop3A_335, %parallel_loop3A_347 : vector<16xf32>
      %parallel_loop3A_361 = arith.addf %parallel_loop3A_360, %parallel_loop3A_340 : vector<16xf32>
      %parallel_loop3A_362 = arith.mulf %parallel_loop3A_361, %parallel_loop3A_347 : vector<16xf32>
      %parallel_loop3A_363 = arith.addf %parallel_loop3A_362, %parallel_loop3A_345 : vector<16xf32>
      %parallel_loop3A_364 = arith.constant 9.99999993E-9 : f32
      %parallel_loop3A_365 = vector.broadcast %parallel_loop3A_364 : f32 to vector<16xf32>
      %parallel_loop3A_366 = arith.addf %parallel_loop3A_363, %parallel_loop3A_365 : vector<16xf32>
      %parallel_loop3A_367 = arith.mulf %parallel_loop3A_366, %parallel_loop3A_357 : vector<16xf32>
      %parallel_loop3A_368 = arith.mulf %parallel_loop3A_367, %parallel_loop3A_357 : vector<16xf32>
      %parallel_loop3A_369 = tpu.bitcast %parallel_loop3A_368 : vector<16xf32> -> vector<16xi32>
      %parallel_loop3A_370 = arith.sitofp %parallel_loop3A_369 : vector<16xi32> to vector<16xf32>
      %parallel_loop3A_371 = arith.constant 8.26295832E-8 : f32
      %parallel_loop3A_372 = vector.broadcast %parallel_loop3A_371 : f32 to vector<16xf32>
      %parallel_loop3A_373 = arith.mulf %parallel_loop3A_370, %parallel_loop3A_372 : vector<16xf32>
      %parallel_loop3A_374 = arith.constant -88.0296936 : f32
      %parallel_loop3A_375 = vector.broadcast %parallel_loop3A_374 : f32 to vector<16xf32>
      %parallel_loop3A_376 = arith.addf %parallel_loop3A_373, %parallel_loop3A_375 : vector<16xf32>
      %parallel_loop3A_377 = arith.constant 8388607 : i32
      %parallel_loop3A_378 = vector.broadcast %parallel_loop3A_377 : i32 to vector<16xi32>
      %parallel_loop3A_379 = arith.andi %parallel_loop3A_369, %parallel_loop3A_378 : vector<16xi32>
      %parallel_loop3A_380 = arith.constant 1065353216 : i32
      %parallel_loop3A_381 = vector.broadcast %parallel_loop3A_380 : i32 to vector<16xi32>
      %parallel_loop3A_382 = arith.ori %parallel_loop3A_379, %parallel_loop3A_381 : vector<16xi32>
      %parallel_loop3A_383 = tpu.bitcast %parallel_loop3A_382 : vector<16xi32> -> vector<16xf32>
      %parallel_loop3A_384 = arith.constant 1.000000e+00 : f32
      %parallel_loop3A_385 = vector.broadcast %parallel_loop3A_384 : f32 to vector<16xf32>
      %parallel_loop3A_386 = arith.subf %parallel_loop3A_383, %parallel_loop3A_385 : vector<16xf32>
      %parallel_loop3A_387 = arith.constant 0.0304490048 : f32
      %parallel_loop3A_388 = vector.broadcast %parallel_loop3A_387 : f32 to vector<16xf32>
      %parallel_loop3A_389 = arith.mulf %parallel_loop3A_388, %parallel_loop3A_386 : vector<16xf32>
      %parallel_loop3A_390 = arith.constant -0.131581828 : f32
      %parallel_loop3A_391 = vector.broadcast %parallel_loop3A_390 : f32 to vector<16xf32>
      %parallel_loop3A_392 = arith.addf %parallel_loop3A_389, %parallel_loop3A_391 : vector<16xf32>
      %parallel_loop3A_393 = arith.mulf %parallel_loop3A_392, %parallel_loop3A_386 : vector<16xf32>
      %parallel_loop3A_394 = arith.constant 0.285272688 : f32
      %parallel_loop3A_395 = vector.broadcast %parallel_loop3A_394 : f32 to vector<16xf32>
      %parallel_loop3A_396 = arith.addf %parallel_loop3A_393, %parallel_loop3A_395 : vector<16xf32>
      %parallel_loop3A_397 = arith.mulf %parallel_loop3A_396, %parallel_loop3A_386 : vector<16xf32>
      %parallel_loop3A_398 = arith.constant -0.490230709 : f32
      %parallel_loop3A_399 = vector.broadcast %parallel_loop3A_398 : f32 to vector<16xf32>
      %parallel_loop3A_400 = arith.addf %parallel_loop3A_397, %parallel_loop3A_399 : vector<16xf32>
      %parallel_loop3A_401 = arith.mulf %parallel_loop3A_400, %parallel_loop3A_386 : vector<16xf32>
      %parallel_loop3A_402 = arith.constant 0.306088299 : f32
      %parallel_loop3A_403 = vector.broadcast %parallel_loop3A_402 : f32 to vector<16xf32>
      %parallel_loop3A_404 = arith.addf %parallel_loop3A_401, %parallel_loop3A_403 : vector<16xf32>
      %parallel_loop3A_405 = arith.mulf %parallel_loop3A_404, %parallel_loop3A_386 : vector<16xf32>
      %parallel_loop3A_406 = arith.constant 9.9750323E-6 : f32
      %parallel_loop3A_407 = vector.broadcast %parallel_loop3A_406 : f32 to vector<16xf32>
      %parallel_loop3A_408 = arith.addf %parallel_loop3A_405, %parallel_loop3A_407 : vector<16xf32>
      %parallel_loop3A_409 = arith.addf %parallel_loop3A_376, %parallel_loop3A_408 : vector<16xf32>
      %parallel_loop3A_410 = arith.cmpf oeq, %parallel_loop3A_255, %parallel_loop3A_261 : vector<16xf32>
      %parallel_loop3A_411 = arith.select %parallel_loop3A_410, %parallel_loop3A_359, %parallel_loop3A_255 : vector<16xi1>, vector<16xf32>
      %parallel_loop3A_412 = arith.constant 0.000000e+00 : f32
      %parallel_loop3A_413 = vector.broadcast %parallel_loop3A_412 : f32 to vector<16xf32>
      %parallel_loop3A_414 = arith.select %parallel_loop3A_410, %parallel_loop3A_409, %parallel_loop3A_413 : vector<16xi1>, vector<16xf32>
      %parallel_loop3A_415 = arith.constant 0 : i32
      %parallel_loop3A_416 = arith.index_cast %parallel_loop3A_415 : i32 to index
      %parallel_loop3A_417 = arith.index_cast %parallel_loop3A_251 : i32 to index
      %parallel_loop3A_418 = tpu.vector_load %arg10[%parallel_loop3A_416, %parallel_loop3A_417] {strides = array<i32>} : memref<2x16384xf32, #tpu.memory_space<vmem>>, vector<16xf32>,
      tpu.vector_store %arg10[%parallel_loop3A_416, %parallel_loop3A_417], %parallel_loop3A_411 {strides = array<i32>} : memref<2x16384xf32, #tpu.memory_space<vmem>>, vector<16xf32>,
      %parallel_loop3A_419 = arith.constant 0 : i32
      %parallel_loop3A_420 = arith.index_cast %parallel_loop3A_419 : i32 to index
      %parallel_loop3A_421 = arith.index_cast %parallel_loop3A_251 : i32 to index
      %parallel_loop3A_422 = tpu.vector_load %arg11[%parallel_loop3A_420, %parallel_loop3A_421] {strides = array<i32>} : memref<2x16384xf32, #tpu.memory_space<vmem>>, vector<16xf32>,
      tpu.vector_store %arg11[%parallel_loop3A_420, %parallel_loop3A_421], %parallel_loop3A_414 {strides = array<i32>} : memref<2x16384xf32, #tpu.memory_space<vmem>>, vector<16xf32>,
    } {sc.loop_unroll_factor = 4 : i64, sc.parallel_access}
    %add3A_82 = arith.constant 491520 : i32
    %add3A_83 = arith.addi %mul3A_2, %add3A_82 : i32
    %multiple_of3A_84 = tpu.assume_multiple %add3A_83, 16384 : i32
    %dma_start3A_85 = arith.constant 0 : i32
    %dma_start3A_86 = arith.constant 0 : i32
    %dma_start3A_87 = arith.constant 0 : i32
    %dma_start3A_88 = tpu.memref_slice %arg10[%dma_start3A_85, %dma_start3A_87] : memref<2x16384xf32, #tpu.memory_space<vmem>> -> memref<1x16384xf32, #tpu.memory_space<vmem>>
    %dma_start3A_89 = tpu.memref_squeeze %dma_start3A_88 : memref<1x16384xf32, #tpu.memory_space<vmem>> -> memref<16384xf32, #tpu.memory_space<vmem>>
    %dma_start3A_90 = tpu.memref_slice %arg5[%multiple_of3A_84] : memref<16777216xf32, #tpu.memory_space<hbm>> -> memref<16384xf32, #tpu.memory_space<hbm>>
    %dma_start3A_91 = tpu.memref_slice %arg13[%dma_start3A_86] : memref<2x!tpu.dma_semaphore, #tpu.memory_space<semaphore_mem>> -> memref<1x!tpu.dma_semaphore, #tpu.memory_space<semaphore_mem>>
    %dma_start3A_92 = tpu.memref_squeeze %dma_start3A_91 : memref<1x!tpu.dma_semaphore, #tpu.memory_space<semaphore_mem>> -> memref<!tpu.dma_semaphore, #tpu.memory_space<semaphore_mem>>
    %dma_start3A_93 = tpu.memref_slice %arg5[%multiple_of3A_84] : memref<16777216xf32, #tpu.memory_space<hbm>> -> memref<16384xf32, #tpu.memory_space<hbm>>
    %dma_start3A_94 = arith.constant 0 : i32
    %dma_start3A_95 = tpu.memref_slice %arg10[%dma_start3A_85, %dma_start3A_94] : memref<2x16384xf32, #tpu.memory_space<vmem>> -> memref<1x16384xf32, #tpu.memory_space<vmem>>
    %dma_start3A_96 = tpu.memref_squeeze %dma_start3A_95 : memref<1x16384xf32, #tpu.memory_space<vmem>> -> memref<16384xf32, #tpu.memory_space<vmem>>
    tpu.enqueue_dma source(%dma_start3A_96 : memref<16384xf32, #tpu.memory_space<vmem>>) target(%dma_start3A_93 : memref<16384xf32, #tpu.memory_space<hbm>>) target_semaphore(%dma_start3A_92 : memref<!tpu.dma_semaphore, #tpu.memory_space<semaphore_mem>>)
    %add3A_97 = arith.constant 491520 : i32
    %add3A_98 = arith.addi %mul3A_2, %add3A_97 : i32
    %multiple_of3A_99 = tpu.assume_multiple %add3A_98, 16384 : i32
    %dma_start3A_100 = arith.constant 0 : i32
    %dma_start3A_101 = arith.constant 0 : i32
    %dma_start3A_102 = arith.constant 0 : i32
    %dma_start3A_103 = tpu.memref_slice %arg11[%dma_start3A_100, %dma_start3A_102] : memref<2x16384xf32, #tpu.memory_space<vmem>> -> memref<1x16384xf32, #tpu.memory_space<vmem>>
    %dma_start3A_104 = tpu.memref_squeeze %dma_start3A_103 : memref<1x16384xf32, #tpu.memory_space<vmem>> -> memref<16384xf32, #tpu.memory_space<vmem>>
    %dma_start3A_105 = tpu.memref_slice %arg6[%multiple_of3A_99] : memref<16777216xf32, #tpu.memory_space<hbm>> -> memref<16384xf32, #tpu.memory_space<hbm>>
    %dma_start3A_106 = tpu.memref_slice %arg14[%dma_start3A_101] : memref<2x!tpu.dma_semaphore, #tpu.memory_space<semaphore_mem>> -> memref<1x!tpu.dma_semaphore, #tpu.memory_space<semaphore_mem>>
    %dma_start3A_107 = tpu.memref_squeeze %dma_start3A_106 : memref<1x!tpu.dma_semaphore, #tpu.memory_space<semaphore_mem>> -> memref<!tpu.dma_semaphore, #tpu.memory_space<semaphore_mem>>
    %dma_start3A_108 = tpu.memref_slice %arg6[%multiple_of3A_99] : memref<16777216xf32, #tpu.memory_space<hbm>> -> memref<16384xf32, #tpu.memory_space<hbm>>
    %dma_start3A_109 = arith.constant 0 : i32
    %dma_start3A_110 = tpu.memref_slice %arg11[%dma_start3A_100, %dma_start3A_109] : memref<2x16384xf32, #tpu.memory_space<vmem>> -> memref<1x16384xf32, #tpu.memory_space<vmem>>
    %dma_start3A_111 = tpu.memref_squeeze %dma_start3A_110 : memref<1x16384xf32, #tpu.memory_space<vmem>> -> memref<16384xf32, #tpu.memory_space<vmem>>
    tpu.enqueue_dma source(%dma_start3A_111 : memref<16384xf32, #tpu.memory_space<vmem>>) target(%dma_start3A_108 : memref<16384xf32, #tpu.memory_space<hbm>>) target_semaphore(%dma_start3A_107 : memref<!tpu.dma_semaphore, #tpu.memory_space<semaphore_mem>>)
    %add3A_112 = arith.constant 507904 : i32
    %add3A_113 = arith.addi %mul3A_2, %add3A_112 : i32
    %multiple_of3A_114 = tpu.assume_multiple %add3A_113, 16384 : i32
    %dma_wait3A_115 = arith.constant 1 : i32
    %dma_wait3A_116 = arith.constant 1 : i32
    %dma_wait3A_117 = arith.constant 0 : i32
    %dma_wait3A_118 = tpu.memref_slice %arg9[%dma_wait3A_115, %dma_wait3A_117] : memref<2x16384xf32, #tpu.memory_space<vmem>> -> memref<1x16384xf32, #tpu.memory_space<vmem>>
    %dma_wait3A_119 = tpu.memref_squeeze %dma_wait3A_118 : memref<1x16384xf32, #tpu.memory_space<vmem>> -> memref<16384xf32, #tpu.memory_space<vmem>>
    %dma_wait3A_120 = tpu.memref_slice %arg2[%multiple_of3A_114] : memref<16777216xf32, #tpu.memory_space<hbm>> -> memref<16384xf32, #tpu.memory_space<hbm>>
    %dma_wait3A_121 = tpu.memref_slice %arg12[%dma_wait3A_116] : memref<2x!tpu.dma_semaphore, #tpu.memory_space<semaphore_mem>> -> memref<1x!tpu.dma_semaphore, #tpu.memory_space<semaphore_mem>>
    %dma_wait3A_122 = tpu.memref_squeeze %dma_wait3A_121 : memref<1x!tpu.dma_semaphore, #tpu.memory_space<semaphore_mem>> -> memref<!tpu.dma_semaphore, #tpu.memory_space<semaphore_mem>>
    %dma_wait3A_123 = arith.constant 0 : i32
    %dma_wait3A_124 = tpu.memref_slice %arg9[%dma_wait3A_115, %dma_wait3A_123] : memref<2x16384xf32, #tpu.memory_space<vmem>> -> memref<1x16384xf32, #tpu.memory_space<vmem>>
    %dma_wait3A_125 = tpu.memref_squeeze %dma_wait3A_124 : memref<1x16384xf32, #tpu.memory_space<vmem>> -> memref<16384xf32, #tpu.memory_space<vmem>>
    %dma_wait3A_126 = tpu.memref_slice %arg2[%multiple_of3A_114] : memref<16777216xf32, #tpu.memory_space<hbm>> -> memref<16384xf32, #tpu.memory_space<hbm>>
    tpu.wait_dma2 semaphore(%dma_wait3A_122 : memref<!tpu.dma_semaphore, #tpu.memory_space<semaphore_mem>>) src(%dma_wait3A_126 : memref<16384xf32, #tpu.memory_space<hbm>>) dst(%dma_wait3A_125 : memref<16384xf32, #tpu.memory_space<vmem>>)
    %cond3A_127 = arith.constant 1 : i32
    %add3A_128 = arith.constant 475136 : i32
    %add3A_129 = arith.addi %mul3A_2, %add3A_128 : i32
    %multiple_of3A_130 = tpu.assume_multiple %add3A_129, 16384 : i32
    %dma_wait3A_131 = arith.constant 1 : i32
    %dma_wait3A_132 = arith.constant 1 : i32
    %dma_wait3A_133 = arith.constant 0 : i32
    %dma_wait3A_134 = tpu.memref_slice %arg10[%dma_wait3A_131, %dma_wait3A_133] : memref<2x16384xf32, #tpu.memory_space<vmem>> -> memref<1x16384xf32, #tpu.memory_space<vmem>>
    %dma_wait3A_135 = tpu.memref_squeeze %dma_wait3A_134 : memref<1x16384xf32, #tpu.memory_space<vmem>> -> memref<16384xf32, #tpu.memory_space<vmem>>
    %dma_wait3A_136 = tpu.memref_slice %arg5[%multiple_of3A_130] : memref<16777216xf32, #tpu.memory_space<hbm>> -> memref<16384xf32, #tpu.memory_space<hbm>>
    %dma_wait3A_137 = tpu.memref_slice %arg13[%dma_wait3A_132] : memref<2x!tpu.dma_semaphore, #tpu.memory_space<semaphore_mem>> -> memref<1x!tpu.dma_semaphore, #tpu.memory_space<semaphore_mem>>
    %dma_wait3A_138 = tpu.memref_squeeze %dma_wait3A_137 : memref<1x!tpu.dma_semaphore, #tpu.memory_space<semaphore_mem>> -> memref<!tpu.dma_semaphore, #tpu.memory_space<semaphore_mem>>
    %dma_wait3A_139 = tpu.memref_slice %arg5[%multiple_of3A_130] : memref<16777216xf32, #tpu.memory_space<hbm>> -> memref<16384xf32, #tpu.memory_space<hbm>>
    %dma_wait3A_140 = arith.constant 0 : i32
    %dma_wait3A_141 = tpu.memref_slice %arg10[%dma_wait3A_131, %dma_wait3A_140] : memref<2x16384xf32, #tpu.memory_space<vmem>> -> memref<1x16384xf32, #tpu.memory_space<vmem>>
    %dma_wait3A_142 = tpu.memref_squeeze %dma_wait3A_141 : memref<1x16384xf32, #tpu.memory_space<vmem>> -> memref<16384xf32, #tpu.memory_space<vmem>>
    tpu.wait_dma2 semaphore(%dma_wait3A_138 : memref<!tpu.dma_semaphore, #tpu.memory_space<semaphore_mem>>) src(%dma_wait3A_142 : memref<16384xf32, #tpu.memory_space<vmem>>) dst(%dma_wait3A_139 : memref<16384xf32, #tpu.memory_space<hbm>>)
    %add3A_143 = arith.constant 475136 : i32
    %add3A_144 = arith.addi %mul3A_2, %add3A_143 : i32
    %multiple_of3A_145 = tpu.assume_multiple %add3A_144, 16384 : i32
    %dma_wait3A_146 = arith.constant 1 : i32
    %dma_wait3A_147 = arith.constant 1 : i32
    %dma_wait3A_148 = arith.constant 0 : i32
    %dma_wait3A_149 = tpu.memref_slice %arg11[%dma_wait3A_146, %dma_wait3A_148] : memref<2x16384xf32, #tpu.memory_space<vmem>> -> memref<1x16384xf32, #tpu.memory_space<vmem>>
    %dma_wait3A_150 = tpu.memref_squeeze %dma_wait3A_149 : memref<1x16384xf32, #tpu.memory_space<vmem>> -> memref<16384xf32, #tpu.memory_space<vmem>>
    %dma_wait3A_151 = tpu.memref_slice %arg6[%multiple_of3A_145] : memref<16777216xf32, #tpu.memory_space<hbm>> -> memref<16384xf32, #tpu.memory_space<hbm>>
    %dma_wait3A_152 = tpu.memref_slice %arg14[%dma_wait3A_147] : memref<2x!tpu.dma_semaphore, #tpu.memory_space<semaphore_mem>> -> memref<1x!tpu.dma_semaphore, #tpu.memory_space<semaphore_mem>>
    %dma_wait3A_153 = tpu.memref_squeeze %dma_wait3A_152 : memref<1x!tpu.dma_semaphore, #tpu.memory_space<semaphore_mem>> -> memref<!tpu.dma_semaphore, #tpu.memory_space<semaphore_mem>>
    %dma_wait3A_154 = tpu.memref_slice %arg6[%multiple_of3A_145] : memref<16777216xf32, #tpu.memory_space<hbm>> -> memref<16384xf32, #tpu.memory_space<hbm>>
    %dma_wait3A_155 = arith.constant 0 : i32
    %dma_wait3A_156 = tpu.memref_slice %arg11[%dma_wait3A_146, %dma_wait3A_155] : memref<2x16384xf32, #tpu.memory_space<vmem>> -> memref<1x16384xf32, #tpu.memory_space<vmem>>
    %dma_wait3A_157 = tpu.memref_squeeze %dma_wait3A_156 : memref<1x16384xf32, #tpu.memory_space<vmem>> -> memref<16384xf32, #tpu.memory_space<vmem>>
    tpu.wait_dma2 semaphore(%dma_wait3A_153 : memref<!tpu.dma_semaphore, #tpu.memory_space<semaphore_mem>>) src(%dma_wait3A_157 : memref<16384xf32, #tpu.memory_space<vmem>>) dst(%dma_wait3A_154 : memref<16384xf32, #tpu.memory_space<hbm>>)
    %parallel_loop3A_158 = arith.constant 0 : i32
    %parallel_loop3A_159 = arith.constant 16384 : i32
    %parallel_loop3A_160 = arith.constant 16 : i32
    scf.for %parallel_loop3A_251 = %parallel_loop3A_158 to %parallel_loop3A_159 step %parallel_loop3A_160  : i32 {
      %parallel_loop3A_252 = arith.constant 1 : i32
      %parallel_loop3A_253 = arith.index_cast %parallel_loop3A_252 : i32 to index
      %parallel_loop3A_254 = arith.index_cast %parallel_loop3A_251 : i32 to index
      %parallel_loop3A_255 = tpu.vector_load %arg9[%parallel_loop3A_253, %parallel_loop3A_254] {strides = array<i32>} : memref<2x16384xf32, #tpu.memory_space<vmem>>, vector<16xf32>,
      %parallel_loop3A_256 = arith.constant -3.000000e+00 : f32
      %parallel_loop3A_257 = vector.broadcast %parallel_loop3A_256 : f32 to vector<16xf32>
      %parallel_loop3A_258 = arith.maximumf %parallel_loop3A_255, %parallel_loop3A_257 : vector<16xf32>
      %parallel_loop3A_259 = arith.constant 3.000000e+00 : f32
      %parallel_loop3A_260 = vector.broadcast %parallel_loop3A_259 : f32 to vector<16xf32>
      %parallel_loop3A_261 = arith.minimumf %parallel_loop3A_258, %parallel_loop3A_260 : vector<16xf32>
      %parallel_loop3A_262 = arith.constant 3.412500e+02 : f32
      %parallel_loop3A_263 = vector.broadcast %parallel_loop3A_262 : f32 to vector<16xf32>
      %parallel_loop3A_264 = arith.mulf %parallel_loop3A_261, %parallel_loop3A_263 : vector<16xf32>
      %parallel_loop3A_265 = arith.constant 1.023750e+03 : f32
      %parallel_loop3A_266 = vector.broadcast %parallel_loop3A_265 : f32 to vector<16xf32>
      %parallel_loop3A_267 = arith.addf %parallel_loop3A_264, %parallel_loop3A_266 : vector<16xf32>
      %parallel_loop3A_268 = arith.fptosi %parallel_loop3A_267 : vector<16xf32> to vector<16xi32>
      %parallel_loop3A_269 = tpu.vector_load_idx %arg8[%parallel_loop3A_268] : memref<2048xi32, #tpu.memory_space<vmem>>[vector<16xi32>], vector<16xi32>,
      %parallel_loop3A_270 = arith.constant 11 : i32
      %parallel_loop3A_271 = arith.constant 0 : i32
      %parallel_loop3A_272 = tpu.memref_slice %arg7[%parallel_loop3A_270, %parallel_loop3A_271] : memref<13x16xf32, #tpu.memory_space<vmem>> -> memref<1x16xf32, #tpu.memory_space<vmem>>
      %parallel_loop3A_273 = tpu.memref_squeeze %parallel_loop3A_272 : memref<1x16xf32, #tpu.memory_space<vmem>> -> memref<16xf32, #tpu.memory_space<vmem>>
      %parallel_loop3A_274 = tpu.vector_load_idx %parallel_loop3A_273[%parallel_loop3A_269] : memref<16xf32, #tpu.memory_space<vmem>>[vector<16xi32>], vector<16xf32>,
      %parallel_loop3A_275 = arith.constant 12 : i32
      %parallel_loop3A_276 = arith.constant 0 : i32
      %parallel_loop3A_277 = tpu.memref_slice %arg7[%parallel_loop3A_275, %parallel_loop3A_276] : memref<13x16xf32, #tpu.memory_space<vmem>> -> memref<1x16xf32, #tpu.memory_space<vmem>>
      %parallel_loop3A_278 = tpu.memref_squeeze %parallel_loop3A_277 : memref<1x16xf32, #tpu.memory_space<vmem>> -> memref<16xf32, #tpu.memory_space<vmem>>
      %parallel_loop3A_279 = tpu.vector_load_idx %parallel_loop3A_278[%parallel_loop3A_269] : memref<16xf32, #tpu.memory_space<vmem>>[vector<16xi32>], vector<16xf32>,
      %parallel_loop3A_280 = arith.cmpf olt, %parallel_loop3A_261, %parallel_loop3A_274 : vector<16xf32>
      %parallel_loop3A_281 = arith.extui %parallel_loop3A_280 : vector<16xi1> to vector<16xi32>
      %parallel_loop3A_282 = arith.subi %parallel_loop3A_269, %parallel_loop3A_281 : vector<16xi32>
      %parallel_loop3A_283 = arith.cmpf oge, %parallel_loop3A_261, %parallel_loop3A_279 : vector<16xf32>
      %parallel_loop3A_284 = arith.extui %parallel_loop3A_283 : vector<16xi1> to vector<16xi32>
      %parallel_loop3A_285 = arith.addi %parallel_loop3A_282, %parallel_loop3A_284 : vector<16xi32>
      %parallel_loop3A_286 = arith.constant 3.000000e+00 : f32
      %parallel_loop3A_287 = vector.broadcast %parallel_loop3A_286 : f32 to vector<16xf32>
      %parallel_loop3A_288 = arith.cmpf oge, %parallel_loop3A_261, %parallel_loop3A_287 : vector<16xf32>
      %parallel_loop3A_289 = arith.extui %parallel_loop3A_288 : vector<16xi1> to vector<16xi32>
      %parallel_loop3A_290 = arith.addi %parallel_loop3A_285, %parallel_loop3A_289 : vector<16xi32>
      %parallel_loop3A_291 = arith.constant 0 : i32
      %parallel_loop3A_292 = arith.constant 0 : i32
      %parallel_loop3A_293 = tpu.memref_slice %arg7[%parallel_loop3A_291, %parallel_loop3A_292] : memref<13x16xf32, #tpu.memory_space<vmem>> -> memref<1x16xf32, #tpu.memory_space<vmem>>
      %parallel_loop3A_294 = tpu.memref_squeeze %parallel_loop3A_293 : memref<1x16xf32, #tpu.memory_space<vmem>> -> memref<16xf32, #tpu.memory_space<vmem>>
      %parallel_loop3A_295 = tpu.vector_load_idx %parallel_loop3A_294[%parallel_loop3A_290] : memref<16xf32, #tpu.memory_space<vmem>>[vector<16xi32>], vector<16xf32>,
      %parallel_loop3A_296 = arith.constant 1 : i32
      %parallel_loop3A_297 = arith.constant 0 : i32
      %parallel_loop3A_298 = tpu.memref_slice %arg7[%parallel_loop3A_296, %parallel_loop3A_297] : memref<13x16xf32, #tpu.memory_space<vmem>> -> memref<1x16xf32, #tpu.memory_space<vmem>>
      %parallel_loop3A_299 = tpu.memref_squeeze %parallel_loop3A_298 : memref<1x16xf32, #tpu.memory_space<vmem>> -> memref<16xf32, #tpu.memory_space<vmem>>
      %parallel_loop3A_300 = tpu.vector_load_idx %parallel_loop3A_299[%parallel_loop3A_290] : memref<16xf32, #tpu.memory_space<vmem>>[vector<16xi32>], vector<16xf32>,
      %parallel_loop3A_301 = arith.constant 2 : i32
      %parallel_loop3A_302 = arith.constant 0 : i32
      %parallel_loop3A_303 = tpu.memref_slice %arg7[%parallel_loop3A_301, %parallel_loop3A_302] : memref<13x16xf32, #tpu.memory_space<vmem>> -> memref<1x16xf32, #tpu.memory_space<vmem>>
      %parallel_loop3A_304 = tpu.memref_squeeze %parallel_loop3A_303 : memref<1x16xf32, #tpu.memory_space<vmem>> -> memref<16xf32, #tpu.memory_space<vmem>>
      %parallel_loop3A_305 = tpu.vector_load_idx %parallel_loop3A_304[%parallel_loop3A_290] : memref<16xf32, #tpu.memory_space<vmem>>[vector<16xi32>], vector<16xf32>,
      %parallel_loop3A_306 = arith.constant 3 : i32
      %parallel_loop3A_307 = arith.constant 0 : i32
      %parallel_loop3A_308 = tpu.memref_slice %arg7[%parallel_loop3A_306, %parallel_loop3A_307] : memref<13x16xf32, #tpu.memory_space<vmem>> -> memref<1x16xf32, #tpu.memory_space<vmem>>
      %parallel_loop3A_309 = tpu.memref_squeeze %parallel_loop3A_308 : memref<1x16xf32, #tpu.memory_space<vmem>> -> memref<16xf32, #tpu.memory_space<vmem>>
      %parallel_loop3A_310 = tpu.vector_load_idx %parallel_loop3A_309[%parallel_loop3A_290] : memref<16xf32, #tpu.memory_space<vmem>>[vector<16xi32>], vector<16xf32>,
      %parallel_loop3A_311 = arith.constant 4 : i32
      %parallel_loop3A_312 = arith.constant 0 : i32
      %parallel_loop3A_313 = tpu.memref_slice %arg7[%parallel_loop3A_311, %parallel_loop3A_312] : memref<13x16xf32, #tpu.memory_space<vmem>> -> memref<1x16xf32, #tpu.memory_space<vmem>>
      %parallel_loop3A_314 = tpu.memref_squeeze %parallel_loop3A_313 : memref<1x16xf32, #tpu.memory_space<vmem>> -> memref<16xf32, #tpu.memory_space<vmem>>
      %parallel_loop3A_315 = tpu.vector_load_idx %parallel_loop3A_314[%parallel_loop3A_290] : memref<16xf32, #tpu.memory_space<vmem>>[vector<16xi32>], vector<16xf32>,
      %parallel_loop3A_316 = arith.constant 5 : i32
      %parallel_loop3A_317 = arith.constant 0 : i32
      %parallel_loop3A_318 = tpu.memref_slice %arg7[%parallel_loop3A_316, %parallel_loop3A_317] : memref<13x16xf32, #tpu.memory_space<vmem>> -> memref<1x16xf32, #tpu.memory_space<vmem>>
      %parallel_loop3A_319 = tpu.memref_squeeze %parallel_loop3A_318 : memref<1x16xf32, #tpu.memory_space<vmem>> -> memref<16xf32, #tpu.memory_space<vmem>>
      %parallel_loop3A_320 = tpu.vector_load_idx %parallel_loop3A_319[%parallel_loop3A_290] : memref<16xf32, #tpu.memory_space<vmem>>[vector<16xi32>], vector<16xf32>,
      %parallel_loop3A_321 = arith.constant 6 : i32
      %parallel_loop3A_322 = arith.constant 0 : i32
      %parallel_loop3A_323 = tpu.memref_slice %arg7[%parallel_loop3A_321, %parallel_loop3A_322] : memref<13x16xf32, #tpu.memory_space<vmem>> -> memref<1x16xf32, #tpu.memory_space<vmem>>
      %parallel_loop3A_324 = tpu.memref_squeeze %parallel_loop3A_323 : memref<1x16xf32, #tpu.memory_space<vmem>> -> memref<16xf32, #tpu.memory_space<vmem>>
      %parallel_loop3A_325 = tpu.vector_load_idx %parallel_loop3A_324[%parallel_loop3A_290] : memref<16xf32, #tpu.memory_space<vmem>>[vector<16xi32>], vector<16xf32>,
      %parallel_loop3A_326 = arith.constant 7 : i32
      %parallel_loop3A_327 = arith.constant 0 : i32
      %parallel_loop3A_328 = tpu.memref_slice %arg7[%parallel_loop3A_326, %parallel_loop3A_327] : memref<13x16xf32, #tpu.memory_space<vmem>> -> memref<1x16xf32, #tpu.memory_space<vmem>>
      %parallel_loop3A_329 = tpu.memref_squeeze %parallel_loop3A_328 : memref<1x16xf32, #tpu.memory_space<vmem>> -> memref<16xf32, #tpu.memory_space<vmem>>
      %parallel_loop3A_330 = tpu.vector_load_idx %parallel_loop3A_329[%parallel_loop3A_290] : memref<16xf32, #tpu.memory_space<vmem>>[vector<16xi32>], vector<16xf32>,
      %parallel_loop3A_331 = arith.constant 8 : i32
      %parallel_loop3A_332 = arith.constant 0 : i32
      %parallel_loop3A_333 = tpu.memref_slice %arg7[%parallel_loop3A_331, %parallel_loop3A_332] : memref<13x16xf32, #tpu.memory_space<vmem>> -> memref<1x16xf32, #tpu.memory_space<vmem>>
      %parallel_loop3A_334 = tpu.memref_squeeze %parallel_loop3A_333 : memref<1x16xf32, #tpu.memory_space<vmem>> -> memref<16xf32, #tpu.memory_space<vmem>>
      %parallel_loop3A_335 = tpu.vector_load_idx %parallel_loop3A_334[%parallel_loop3A_290] : memref<16xf32, #tpu.memory_space<vmem>>[vector<16xi32>], vector<16xf32>,
      %parallel_loop3A_336 = arith.constant 9 : i32
      %parallel_loop3A_337 = arith.constant 0 : i32
      %parallel_loop3A_338 = tpu.memref_slice %arg7[%parallel_loop3A_336, %parallel_loop3A_337] : memref<13x16xf32, #tpu.memory_space<vmem>> -> memref<1x16xf32, #tpu.memory_space<vmem>>
      %parallel_loop3A_339 = tpu.memref_squeeze %parallel_loop3A_338 : memref<1x16xf32, #tpu.memory_space<vmem>> -> memref<16xf32, #tpu.memory_space<vmem>>
      %parallel_loop3A_340 = tpu.vector_load_idx %parallel_loop3A_339[%parallel_loop3A_290] : memref<16xf32, #tpu.memory_space<vmem>>[vector<16xi32>], vector<16xf32>,
      %parallel_loop3A_341 = arith.constant 10 : i32
      %parallel_loop3A_342 = arith.constant 0 : i32
      %parallel_loop3A_343 = tpu.memref_slice %arg7[%parallel_loop3A_341, %parallel_loop3A_342] : memref<13x16xf32, #tpu.memory_space<vmem>> -> memref<1x16xf32, #tpu.memory_space<vmem>>
      %parallel_loop3A_344 = tpu.memref_squeeze %parallel_loop3A_343 : memref<1x16xf32, #tpu.memory_space<vmem>> -> memref<16xf32, #tpu.memory_space<vmem>>
      %parallel_loop3A_345 = tpu.vector_load_idx %parallel_loop3A_344[%parallel_loop3A_290] : memref<16xf32, #tpu.memory_space<vmem>>[vector<16xi32>], vector<16xf32>,
      %parallel_loop3A_346 = arith.mulf %parallel_loop3A_261, %parallel_loop3A_295 : vector<16xf32>
      %parallel_loop3A_347 = arith.addf %parallel_loop3A_346, %parallel_loop3A_300 : vector<16xf32>
      %parallel_loop3A_348 = arith.mulf %parallel_loop3A_310, %parallel_loop3A_347 : vector<16xf32>
      %parallel_loop3A_349 = arith.addf %parallel_loop3A_348, %parallel_loop3A_315 : vector<16xf32>
      %parallel_loop3A_350 = arith.mulf %parallel_loop3A_347, %parallel_loop3A_349 : vector<16xf32>
      %parallel_loop3A_351 = arith.mulf %parallel_loop3A_320, %parallel_loop3A_347 : vector<16xf32>
      %parallel_loop3A_352 = arith.addf %parallel_loop3A_351, %parallel_loop3A_325 : vector<16xf32>
      %parallel_loop3A_353 = arith.mulf %parallel_loop3A_352, %parallel_loop3A_347 : vector<16xf32>
      %parallel_loop3A_354 = arith.addf %parallel_loop3A_353, %parallel_loop3A_330 : vector<16xf32>
      %parallel_loop3A_355 = arith.constant 1.000000e+00 : f32
      %parallel_loop3A_356 = vector.broadcast %parallel_loop3A_355 : f32 to vector<16xf32>
      %parallel_loop3A_357 = arith.divf %parallel_loop3A_356, %parallel_loop3A_354 : vector<16xf32>
      %parallel_loop3A_358 = arith.mulf %parallel_loop3A_350, %parallel_loop3A_357 : vector<16xf32>
      %parallel_loop3A_359 = arith.addf %parallel_loop3A_358, %parallel_loop3A_305 : vector<16xf32>
      %parallel_loop3A_360 = arith.mulf %parallel_loop3A_335, %parallel_loop3A_347 : vector<16xf32>
      %parallel_loop3A_361 = arith.addf %parallel_loop3A_360, %parallel_loop3A_340 : vector<16xf32>
      %parallel_loop3A_362 = arith.mulf %parallel_loop3A_361, %parallel_loop3A_347 : vector<16xf32>
      %parallel_loop3A_363 = arith.addf %parallel_loop3A_362, %parallel_loop3A_345 : vector<16xf32>
      %parallel_loop3A_364 = arith.constant 9.99999993E-9 : f32
      %parallel_loop3A_365 = vector.broadcast %parallel_loop3A_364 : f32 to vector<16xf32>
      %parallel_loop3A_366 = arith.addf %parallel_loop3A_363, %parallel_loop3A_365 : vector<16xf32>
      %parallel_loop3A_367 = arith.mulf %parallel_loop3A_366, %parallel_loop3A_357 : vector<16xf32>
      %parallel_loop3A_368 = arith.mulf %parallel_loop3A_367, %parallel_loop3A_357 : vector<16xf32>
      %parallel_loop3A_369 = tpu.bitcast %parallel_loop3A_368 : vector<16xf32> -> vector<16xi32>
      %parallel_loop3A_370 = arith.sitofp %parallel_loop3A_369 : vector<16xi32> to vector<16xf32>
      %parallel_loop3A_371 = arith.constant 8.26295832E-8 : f32
      %parallel_loop3A_372 = vector.broadcast %parallel_loop3A_371 : f32 to vector<16xf32>
      %parallel_loop3A_373 = arith.mulf %parallel_loop3A_370, %parallel_loop3A_372 : vector<16xf32>
      %parallel_loop3A_374 = arith.constant -88.0296936 : f32
      %parallel_loop3A_375 = vector.broadcast %parallel_loop3A_374 : f32 to vector<16xf32>
      %parallel_loop3A_376 = arith.addf %parallel_loop3A_373, %parallel_loop3A_375 : vector<16xf32>
      %parallel_loop3A_377 = arith.constant 8388607 : i32
      %parallel_loop3A_378 = vector.broadcast %parallel_loop3A_377 : i32 to vector<16xi32>
      %parallel_loop3A_379 = arith.andi %parallel_loop3A_369, %parallel_loop3A_378 : vector<16xi32>
      %parallel_loop3A_380 = arith.constant 1065353216 : i32
      %parallel_loop3A_381 = vector.broadcast %parallel_loop3A_380 : i32 to vector<16xi32>
      %parallel_loop3A_382 = arith.ori %parallel_loop3A_379, %parallel_loop3A_381 : vector<16xi32>
      %parallel_loop3A_383 = tpu.bitcast %parallel_loop3A_382 : vector<16xi32> -> vector<16xf32>
      %parallel_loop3A_384 = arith.constant 1.000000e+00 : f32
      %parallel_loop3A_385 = vector.broadcast %parallel_loop3A_384 : f32 to vector<16xf32>
      %parallel_loop3A_386 = arith.subf %parallel_loop3A_383, %parallel_loop3A_385 : vector<16xf32>
      %parallel_loop3A_387 = arith.constant 0.0304490048 : f32
      %parallel_loop3A_388 = vector.broadcast %parallel_loop3A_387 : f32 to vector<16xf32>
      %parallel_loop3A_389 = arith.mulf %parallel_loop3A_388, %parallel_loop3A_386 : vector<16xf32>
      %parallel_loop3A_390 = arith.constant -0.131581828 : f32
      %parallel_loop3A_391 = vector.broadcast %parallel_loop3A_390 : f32 to vector<16xf32>
      %parallel_loop3A_392 = arith.addf %parallel_loop3A_389, %parallel_loop3A_391 : vector<16xf32>
      %parallel_loop3A_393 = arith.mulf %parallel_loop3A_392, %parallel_loop3A_386 : vector<16xf32>
      %parallel_loop3A_394 = arith.constant 0.285272688 : f32
      %parallel_loop3A_395 = vector.broadcast %parallel_loop3A_394 : f32 to vector<16xf32>
      %parallel_loop3A_396 = arith.addf %parallel_loop3A_393, %parallel_loop3A_395 : vector<16xf32>
      %parallel_loop3A_397 = arith.mulf %parallel_loop3A_396, %parallel_loop3A_386 : vector<16xf32>
      %parallel_loop3A_398 = arith.constant -0.490230709 : f32
      %parallel_loop3A_399 = vector.broadcast %parallel_loop3A_398 : f32 to vector<16xf32>
      %parallel_loop3A_400 = arith.addf %parallel_loop3A_397, %parallel_loop3A_399 : vector<16xf32>
      %parallel_loop3A_401 = arith.mulf %parallel_loop3A_400, %parallel_loop3A_386 : vector<16xf32>
      %parallel_loop3A_402 = arith.constant 0.306088299 : f32
      %parallel_loop3A_403 = vector.broadcast %parallel_loop3A_402 : f32 to vector<16xf32>
      %parallel_loop3A_404 = arith.addf %parallel_loop3A_401, %parallel_loop3A_403 : vector<16xf32>
      %parallel_loop3A_405 = arith.mulf %parallel_loop3A_404, %parallel_loop3A_386 : vector<16xf32>
      %parallel_loop3A_406 = arith.constant 9.9750323E-6 : f32
      %parallel_loop3A_407 = vector.broadcast %parallel_loop3A_406 : f32 to vector<16xf32>
      %parallel_loop3A_408 = arith.addf %parallel_loop3A_405, %parallel_loop3A_407 : vector<16xf32>
      %parallel_loop3A_409 = arith.addf %parallel_loop3A_376, %parallel_loop3A_408 : vector<16xf32>
      %parallel_loop3A_410 = arith.cmpf oeq, %parallel_loop3A_255, %parallel_loop3A_261 : vector<16xf32>
      %parallel_loop3A_411 = arith.select %parallel_loop3A_410, %parallel_loop3A_359, %parallel_loop3A_255 : vector<16xi1>, vector<16xf32>
      %parallel_loop3A_412 = arith.constant 0.000000e+00 : f32
      %parallel_loop3A_413 = vector.broadcast %parallel_loop3A_412 : f32 to vector<16xf32>
      %parallel_loop3A_414 = arith.select %parallel_loop3A_410, %parallel_loop3A_409, %parallel_loop3A_413 : vector<16xi1>, vector<16xf32>
      %parallel_loop3A_415 = arith.constant 1 : i32
      %parallel_loop3A_416 = arith.index_cast %parallel_loop3A_415 : i32 to index
      %parallel_loop3A_417 = arith.index_cast %parallel_loop3A_251 : i32 to index
      %parallel_loop3A_418 = tpu.vector_load %arg10[%parallel_loop3A_416, %parallel_loop3A_417] {strides = array<i32>} : memref<2x16384xf32, #tpu.memory_space<vmem>>, vector<16xf32>,
      tpu.vector_store %arg10[%parallel_loop3A_416, %parallel_loop3A_417], %parallel_loop3A_411 {strides = array<i32>} : memref<2x16384xf32, #tpu.memory_space<vmem>>, vector<16xf32>,
      %parallel_loop3A_419 = arith.constant 1 : i32
      %parallel_loop3A_420 = arith.index_cast %parallel_loop3A_419 : i32 to index
      %parallel_loop3A_421 = arith.index_cast %parallel_loop3A_251 : i32 to index
      %parallel_loop3A_422 = tpu.vector_load %arg11[%parallel_loop3A_420, %parallel_loop3A_421] {strides = array<i32>} : memref<2x16384xf32, #tpu.memory_space<vmem>>, vector<16xf32>,
      tpu.vector_store %arg11[%parallel_loop3A_420, %parallel_loop3A_421], %parallel_loop3A_414 {strides = array<i32>} : memref<2x16384xf32, #tpu.memory_space<vmem>>, vector<16xf32>,
    } {sc.loop_unroll_factor = 4 : i64, sc.parallel_access}
    %add3A_161 = arith.constant 507904 : i32
    %add3A_162 = arith.addi %mul3A_2, %add3A_161 : i32
    %multiple_of3A_163 = tpu.assume_multiple %add3A_162, 16384 : i32
    %dma_start3A_164 = arith.constant 1 : i32
    %dma_start3A_165 = arith.constant 1 : i32
    %dma_start3A_166 = arith.constant 0 : i32
    %dma_start3A_167 = tpu.memref_slice %arg10[%dma_start3A_164, %dma_start3A_166] : memref<2x16384xf32, #tpu.memory_space<vmem>> -> memref<1x16384xf32, #tpu.memory_space<vmem>>
    %dma_start3A_168 = tpu.memref_squeeze %dma_start3A_167 : memref<1x16384xf32, #tpu.memory_space<vmem>> -> memref<16384xf32, #tpu.memory_space<vmem>>
    %dma_start3A_169 = tpu.memref_slice %arg5[%multiple_of3A_163] : memref<16777216xf32, #tpu.memory_space<hbm>> -> memref<16384xf32, #tpu.memory_space<hbm>>
    %dma_start3A_170 = tpu.memref_slice %arg13[%dma_start3A_165] : memref<2x!tpu.dma_semaphore, #tpu.memory_space<semaphore_mem>> -> memref<1x!tpu.dma_semaphore, #tpu.memory_space<semaphore_mem>>
    %dma_start3A_171 = tpu.memref_squeeze %dma_start3A_170 : memref<1x!tpu.dma_semaphore, #tpu.memory_space<semaphore_mem>> -> memref<!tpu.dma_semaphore, #tpu.memory_space<semaphore_mem>>
    %dma_start3A_172 = tpu.memref_slice %arg5[%multiple_of3A_163] : memref<16777216xf32, #tpu.memory_space<hbm>> -> memref<16384xf32, #tpu.memory_space<hbm>>
    %dma_start3A_173 = arith.constant 0 : i32
    %dma_start3A_174 = tpu.memref_slice %arg10[%dma_start3A_164, %dma_start3A_173] : memref<2x16384xf32, #tpu.memory_space<vmem>> -> memref<1x16384xf32, #tpu.memory_space<vmem>>
    %dma_start3A_175 = tpu.memref_squeeze %dma_start3A_174 : memref<1x16384xf32, #tpu.memory_space<vmem>> -> memref<16384xf32, #tpu.memory_space<vmem>>
    tpu.enqueue_dma source(%dma_start3A_175 : memref<16384xf32, #tpu.memory_space<vmem>>) target(%dma_start3A_172 : memref<16384xf32, #tpu.memory_space<hbm>>) target_semaphore(%dma_start3A_171 : memref<!tpu.dma_semaphore, #tpu.memory_space<semaphore_mem>>)
    %add3A_176 = arith.constant 507904 : i32
    %add3A_177 = arith.addi %mul3A_2, %add3A_176 : i32
    %multiple_of3A_178 = tpu.assume_multiple %add3A_177, 16384 : i32
    %dma_start3A_179 = arith.constant 1 : i32
    %dma_start3A_180 = arith.constant 1 : i32
    %dma_start3A_181 = arith.constant 0 : i32
    %dma_start3A_182 = tpu.memref_slice %arg11[%dma_start3A_179, %dma_start3A_181] : memref<2x16384xf32, #tpu.memory_space<vmem>> -> memref<1x16384xf32, #tpu.memory_space<vmem>>
    %dma_start3A_183 = tpu.memref_squeeze %dma_start3A_182 : memref<1x16384xf32, #tpu.memory_space<vmem>> -> memref<16384xf32, #tpu.memory_space<vmem>>
    %dma_start3A_184 = tpu.memref_slice %arg6[%multiple_of3A_178] : memref<16777216xf32, #tpu.memory_space<hbm>> -> memref<16384xf32, #tpu.memory_space<hbm>>
    %dma_start3A_185 = tpu.memref_slice %arg14[%dma_start3A_180] : memref<2x!tpu.dma_semaphore, #tpu.memory_space<semaphore_mem>> -> memref<1x!tpu.dma_semaphore, #tpu.memory_space<semaphore_mem>>
    %dma_start3A_186 = tpu.memref_squeeze %dma_start3A_185 : memref<1x!tpu.dma_semaphore, #tpu.memory_space<semaphore_mem>> -> memref<!tpu.dma_semaphore, #tpu.memory_space<semaphore_mem>>
    %dma_start3A_187 = tpu.memref_slice %arg6[%multiple_of3A_178] : memref<16777216xf32, #tpu.memory_space<hbm>> -> memref<16384xf32, #tpu.memory_space<hbm>>
    %dma_start3A_188 = arith.constant 0 : i32
    %dma_start3A_189 = tpu.memref_slice %arg11[%dma_start3A_179, %dma_start3A_188] : memref<2x16384xf32, #tpu.memory_space<vmem>> -> memref<1x16384xf32, #tpu.memory_space<vmem>>
    %dma_start3A_190 = tpu.memref_squeeze %dma_start3A_189 : memref<1x16384xf32, #tpu.memory_space<vmem>> -> memref<16384xf32, #tpu.memory_space<vmem>>
    tpu.enqueue_dma source(%dma_start3A_190 : memref<16384xf32, #tpu.memory_space<vmem>>) target(%dma_start3A_187 : memref<16384xf32, #tpu.memory_space<hbm>>) target_semaphore(%dma_start3A_186 : memref<!tpu.dma_semaphore, #tpu.memory_space<semaphore_mem>>)
    %add3A_191 = arith.constant 491520 : i32
    %add3A_192 = arith.addi %mul3A_2, %add3A_191 : i32
    %multiple_of3A_193 = tpu.assume_multiple %add3A_192, 16384 : i32
    %dma_wait3A_194 = arith.constant 0 : i32
    %dma_wait3A_195 = arith.constant 0 : i32
    %dma_wait3A_196 = arith.constant 0 : i32
    %dma_wait3A_197 = tpu.memref_slice %arg10[%dma_wait3A_194, %dma_wait3A_196] : memref<2x16384xf32, #tpu.memory_space<vmem>> -> memref<1x16384xf32, #tpu.memory_space<vmem>>
    %dma_wait3A_198 = tpu.memref_squeeze %dma_wait3A_197 : memref<1x16384xf32, #tpu.memory_space<vmem>> -> memref<16384xf32, #tpu.memory_space<vmem>>
    %dma_wait3A_199 = tpu.memref_slice %arg5[%multiple_of3A_193] : memref<16777216xf32, #tpu.memory_space<hbm>> -> memref<16384xf32, #tpu.memory_space<hbm>>
    %dma_wait3A_200 = tpu.memref_slice %arg13[%dma_wait3A_195] : memref<2x!tpu.dma_semaphore, #tpu.memory_space<semaphore_mem>> -> memref<1x!tpu.dma_semaphore, #tpu.memory_space<semaphore_mem>>
    %dma_wait3A_201 = tpu.memref_squeeze %dma_wait3A_200 : memref<1x!tpu.dma_semaphore, #tpu.memory_space<semaphore_mem>> -> memref<!tpu.dma_semaphore, #tpu.memory_space<semaphore_mem>>
    %dma_wait3A_202 = tpu.memref_slice %arg5[%multiple_of3A_193] : memref<16777216xf32, #tpu.memory_space<hbm>> -> memref<16384xf32, #tpu.memory_space<hbm>>
    %dma_wait3A_203 = arith.constant 0 : i32
    %dma_wait3A_204 = tpu.memref_slice %arg10[%dma_wait3A_194, %dma_wait3A_203] : memref<2x16384xf32, #tpu.memory_space<vmem>> -> memref<1x16384xf32, #tpu.memory_space<vmem>>
    %dma_wait3A_205 = tpu.memref_squeeze %dma_wait3A_204 : memref<1x16384xf32, #tpu.memory_space<vmem>> -> memref<16384xf32, #tpu.memory_space<vmem>>
    tpu.wait_dma2 semaphore(%dma_wait3A_201 : memref<!tpu.dma_semaphore, #tpu.memory_space<semaphore_mem>>) src(%dma_wait3A_205 : memref<16384xf32, #tpu.memory_space<vmem>>) dst(%dma_wait3A_202 : memref<16384xf32, #tpu.memory_space<hbm>>)
    %add3A_206 = arith.constant 491520 : i32
    %add3A_207 = arith.addi %mul3A_2, %add3A_206 : i32
    %multiple_of3A_208 = tpu.assume_multiple %add3A_207, 16384 : i32
    %dma_wait3A_209 = arith.constant 0 : i32
    %dma_wait3A_210 = arith.constant 0 : i32
    %dma_wait3A_211 = arith.constant 0 : i32
    %dma_wait3A_212 = tpu.memref_slice %arg11[%dma_wait3A_209, %dma_wait3A_211] : memref<2x16384xf32, #tpu.memory_space<vmem>> -> memref<1x16384xf32, #tpu.memory_space<vmem>>
    %dma_wait3A_213 = tpu.memref_squeeze %dma_wait3A_212 : memref<1x16384xf32, #tpu.memory_space<vmem>> -> memref<16384xf32, #tpu.memory_space<vmem>>
    %dma_wait3A_214 = tpu.memref_slice %arg6[%multiple_of3A_208] : memref<16777216xf32, #tpu.memory_space<hbm>> -> memref<16384xf32, #tpu.memory_space<hbm>>
    %dma_wait3A_215 = tpu.memref_slice %arg14[%dma_wait3A_210] : memref<2x!tpu.dma_semaphore, #tpu.memory_space<semaphore_mem>> -> memref<1x!tpu.dma_semaphore, #tpu.memory_space<semaphore_mem>>
    %dma_wait3A_216 = tpu.memref_squeeze %dma_wait3A_215 : memref<1x!tpu.dma_semaphore, #tpu.memory_space<semaphore_mem>> -> memref<!tpu.dma_semaphore, #tpu.memory_space<semaphore_mem>>
    %dma_wait3A_217 = tpu.memref_slice %arg6[%multiple_of3A_208] : memref<16777216xf32, #tpu.memory_space<hbm>> -> memref<16384xf32, #tpu.memory_space<hbm>>
    %dma_wait3A_218 = arith.constant 0 : i32
    %dma_wait3A_219 = tpu.memref_slice %arg11[%dma_wait3A_209, %dma_wait3A_218] : memref<2x16384xf32, #tpu.memory_space<vmem>> -> memref<1x16384xf32, #tpu.memory_space<vmem>>
    %dma_wait3A_220 = tpu.memref_squeeze %dma_wait3A_219 : memref<1x16384xf32, #tpu.memory_space<vmem>> -> memref<16384xf32, #tpu.memory_space<vmem>>
    tpu.wait_dma2 semaphore(%dma_wait3A_216 : memref<!tpu.dma_semaphore, #tpu.memory_space<semaphore_mem>>) src(%dma_wait3A_220 : memref<16384xf32, #tpu.memory_space<vmem>>) dst(%dma_wait3A_217 : memref<16384xf32, #tpu.memory_space<hbm>>)
    %add3A_221 = arith.constant 507904 : i32
    %add3A_222 = arith.addi %mul3A_2, %add3A_221 : i32
    %multiple_of3A_223 = tpu.assume_multiple %add3A_222, 16384 : i32
    %dma_wait3A_224 = arith.constant 1 : i32
    %dma_wait3A_225 = arith.constant 1 : i32
    %dma_wait3A_226 = arith.constant 0 : i32
    %dma_wait3A_227 = tpu.memref_slice %arg10[%dma_wait3A_224, %dma_wait3A_226] : memref<2x16384xf32, #tpu.memory_space<vmem>> -> memref<1x16384xf32, #tpu.memory_space<vmem>>
    %dma_wait3A_228 = tpu.memref_squeeze %dma_wait3A_227 : memref<1x16384xf32, #tpu.memory_space<vmem>> -> memref<16384xf32, #tpu.memory_space<vmem>>
    %dma_wait3A_229 = tpu.memref_slice %arg5[%multiple_of3A_223] : memref<16777216xf32, #tpu.memory_space<hbm>> -> memref<16384xf32, #tpu.memory_space<hbm>>
    %dma_wait3A_230 = tpu.memref_slice %arg13[%dma_wait3A_225] : memref<2x!tpu.dma_semaphore, #tpu.memory_space<semaphore_mem>> -> memref<1x!tpu.dma_semaphore, #tpu.memory_space<semaphore_mem>>
    %dma_wait3A_231 = tpu.memref_squeeze %dma_wait3A_230 : memref<1x!tpu.dma_semaphore, #tpu.memory_space<semaphore_mem>> -> memref<!tpu.dma_semaphore, #tpu.memory_space<semaphore_mem>>
    %dma_wait3A_232 = tpu.memref_slice %arg5[%multiple_of3A_223] : memref<16777216xf32, #tpu.memory_space<hbm>> -> memref<16384xf32, #tpu.memory_space<hbm>>
    %dma_wait3A_233 = arith.constant 0 : i32
    %dma_wait3A_234 = tpu.memref_slice %arg10[%dma_wait3A_224, %dma_wait3A_233] : memref<2x16384xf32, #tpu.memory_space<vmem>> -> memref<1x16384xf32, #tpu.memory_space<vmem>>
    %dma_wait3A_235 = tpu.memref_squeeze %dma_wait3A_234 : memref<1x16384xf32, #tpu.memory_space<vmem>> -> memref<16384xf32, #tpu.memory_space<vmem>>
    tpu.wait_dma2 semaphore(%dma_wait3A_231 : memref<!tpu.dma_semaphore, #tpu.memory_space<semaphore_mem>>) src(%dma_wait3A_235 : memref<16384xf32, #tpu.memory_space<vmem>>) dst(%dma_wait3A_232 : memref<16384xf32, #tpu.memory_space<hbm>>)
    %add3A_236 = arith.constant 507904 : i32
    %add3A_237 = arith.addi %mul3A_2, %add3A_236 : i32
    %multiple_of3A_238 = tpu.assume_multiple %add3A_237, 16384 : i32
    %dma_wait3A_239 = arith.constant 1 : i32
    %dma_wait3A_240 = arith.constant 1 : i32
    %dma_wait3A_241 = arith.constant 0 : i32
    %dma_wait3A_242 = tpu.memref_slice %arg11[%dma_wait3A_239, %dma_wait3A_241] : memref<2x16384xf32, #tpu.memory_space<vmem>> -> memref<1x16384xf32, #tpu.memory_space<vmem>>
    %dma_wait3A_243 = tpu.memref_squeeze %dma_wait3A_242 : memref<1x16384xf32, #tpu.memory_space<vmem>> -> memref<16384xf32, #tpu.memory_space<vmem>>
    %dma_wait3A_244 = tpu.memref_slice %arg6[%multiple_of3A_238] : memref<16777216xf32, #tpu.memory_space<hbm>> -> memref<16384xf32, #tpu.memory_space<hbm>>
    %dma_wait3A_245 = tpu.memref_slice %arg14[%dma_wait3A_240] : memref<2x!tpu.dma_semaphore, #tpu.memory_space<semaphore_mem>> -> memref<1x!tpu.dma_semaphore, #tpu.memory_space<semaphore_mem>>
    %dma_wait3A_246 = tpu.memref_squeeze %dma_wait3A_245 : memref<1x!tpu.dma_semaphore, #tpu.memory_space<semaphore_mem>> -> memref<!tpu.dma_semaphore, #tpu.memory_space<semaphore_mem>>
    %dma_wait3A_247 = tpu.memref_slice %arg6[%multiple_of3A_238] : memref<16777216xf32, #tpu.memory_space<hbm>> -> memref<16384xf32, #tpu.memory_space<hbm>>
    %dma_wait3A_248 = arith.constant 0 : i32
    %dma_wait3A_249 = tpu.memref_slice %arg11[%dma_wait3A_239, %dma_wait3A_248] : memref<2x16384xf32, #tpu.memory_space<vmem>> -> memref<1x16384xf32, #tpu.memory_space<vmem>>
    %dma_wait3A_250 = tpu.memref_squeeze %dma_wait3A_249 : memref<1x16384xf32, #tpu.memory_space<vmem>> -> memref<16384xf32, #tpu.memory_space<vmem>>
    tpu.wait_dma2 semaphore(%dma_wait3A_246 : memref<!tpu.dma_semaphore, #tpu.memory_space<semaphore_mem>>) src(%dma_wait3A_250 : memref<16384xf32, #tpu.memory_space<vmem>>) dst(%dma_wait3A_247 : memref<16384xf32, #tpu.memory_space<hbm>>)
    return
  }
}

</mosaic_0001>

<sc_bundles>
// kernel: kernel.3.cloned.1.call-start
scs
__scs_entry_jumppad:
0x0: {  	(pc) =	sbr.rel $0x88, $3  }
0x1: {  	(tag) =	ssettag $0x0;
	lr =	simm.s32 $0x1  }
0x2: {  	[smem:$0x3F9F] =	sst lr;
	_ =	strace $0xD0000000  }
0x3: {  	_ = 	snop  }
0x4: {  	_ = 	snop  }
0x5: {  	_ = 	snop  }
0x6: {  	_ = 	snop  }
0x7: {  	_ = 	snop  }
__scs_overlays_trampoline_lowered:
0x8: {  	[smem:$0x3FAE] =	sst s0  }
0x9: {  	[smem:$0x3FAF] =	sst s1  }
0xa: {  	[smem:$0x3FB0] =	sst s2  }
0xb: {  	[smem:$0x3FB1] =	sst s3  }
0xc: {  	[smem:$0x3FB2] =	sst s4  }
0xd: {  	[smem:$0x3FB3] =	sst s5  }
0xe: {  	[smem:$0x3FB4] =	sst s6  }
0xf: {  	[smem:$0x3FB5] =	sst s7  }
0x10: {  	[smem:$0x3FB6] =	sst s8  }
0x11: {  	[smem:$0x3FB7] =	sst s9;
	s0 =	simm.s32 @!p0 $0x0  }
0x12: {  	s1 =	sld [smem:$0x3F9D];
	s0 =	simm.s32 @p0 $0x1  }
0x13: {  	[smem:$0x3FB8] =	sst s0;
	s0 =	simm.s32 @!p1 $0x0  }
0x14: {  	s2 =	sld [smem:$0x3F9C];
	s0 =	simm.s32 @p1 $0x1  }
0x15: {  	[smem:$0x3FB9] =	sst s0;
	s0 =	simm.s32 @!p2 $0x0  }
0x16: {  	s3 =	sld [smem:$0x3FDB];
	s0 =	simm.s32 @p2 $0x1  }
0x17: {  	s4 =	simm.s32 $0x1BF5;
	[smem:$0x3FBB] =	sst s0  }
0x18: {  	s0 =	sld [smem:$0x3F9E];
	_ =	swait.ge [sflag:s4], $0x0  }
0x19: {  	s7 =	sld [smem:$0x3F9F]  }
0x1a: {  	s8 =	sadd.s32 $0xFFFFE003, lr  }
0x1b: {  	s9 =	sadd.s32 $0xFFFFFEF7, lr;
	s5 =	simm.s32 $0xFFFFFFFF;
	p2 =	slt.u32 s8, $0xFFFFF086  }
0x1c: {  	p1 =	slt.u32 s9, $0xF7A;
	s5 =	simm.s32 @!p2 $0x0  }
0x1d: {  	s5 =	simm.s32 @p1 $0x1;
	p0 =	seq.s32 s7, s2  }
0x1e: {  	s7 =	smul.u32 @!p0 $0xF7A, s2;
	p2 =	seq.s32 @!p0 s5, $0x0  }
0x1f: {  	s9 =	smul.u32 $0xF7A, s1;
	s8 =	simm.s32 @!p0 $0x1BF5;
	p2 =	por !p2, p0  }
0x20: {  	[sflag:s8] =	ssyncset.s32 @!p0 $0xFFFFF086;
	s6 =	sadd.s32 @!p0 s3, s7;
	s7 =	simm.s32 @!p0 $0x108  }
0x21: {  	s3 =	sadd.s32 s3, s9;
	s6 =	sadd.s32 @!p0 $0x88, s6;
	s7 =	simm.s32 @p2 $0x1082  }
0x22: {  	[simem:s7], [sflag:s8] =	dma.local @!p0 [hbm:s6], $0xF7A  }
0x23: {  	s9 =	sor.u32 $0xD0000000, s2;
	s6 =	simm.s32 $0x108;
	_ =	swait.ge @!p0 [sflag:s8], $0x0  }
0x24: {  	s3 =	sadd.s32 $0x88, s3;
	s6 =	simm.s32 @!p1 $0x1082;
	[sflag:s4] =	ssyncset.s32 $0xFFFFF086  }
0x25: {  	[simem:s6], [sflag:s4] =	dma.local [hbm:s3], $0xF7A  }
0x26: {  	[smem:$0x3F9F] =	sst s1;
	(tag) =	ssettag s2;
	_ =	strace s9  }
0x27: {  	s1 =	sld [smem:$0x3FAF]  }
0x28: {  	s2 =	sld [smem:$0x3FB0]  }
0x29: {  	s4 =	sld [smem:$0x3FB2]  }
0x2a: {  	p0 =	seq.s32 s5, $0x0;
	s5 =	sld [smem:$0x3FB3]  }
0x2b: {  	s6 =	sld [smem:$0x3FB4]  }
0x2c: {  	s7 =	sld [smem:$0x3FB5]  }
0x2d: {  	s3 =	simm.s32 $0x108;
	s8 =	sld [smem:$0x3FB6]  }
0x2e: {  	s3 =	simm.s32 @!p0 $0x1082;
	s9 =	sld [smem:$0x3FB7]  }
0x2f: {  	lr =	sadd.s32 s0, s3;
	s0 =	sld [smem:$0x3FAE]  }
0x30: {  	s3 =	sld [smem:$0x3FB1]  }
0x31: {  	[smem:$0x3FBA] =	sst s10  }
0x32: {  	s10 =	sld [smem:$0x3FB8];
	_ =	sdelay $0x3  }
0x33: {  	p0 =	seq.s32 s10, $0x1;
	s10 =	sld [smem:$0x3FBA];
	_ =	sdelay $0x3  }
0x34: {  	[smem:$0x3FBA] =	sst s10  }
0x35: {  	s10 =	sld [smem:$0x3FB9];
	_ =	sdelay $0x3  }
0x36: {  	p1 =	seq.s32 s10, $0x1;
	s10 =	sld [smem:$0x3FBA];
	_ =	sdelay $0x3  }
0x37: {  	[smem:$0x3FBA] =	sst s10  }
0x38: {  	s10 =	sld [smem:$0x3FBB]  }
0x39: {  	_ = 	snop;
	(pc) =	sbr.ind lr, $3  }
0x3a: {  	_ = 	snop  }
0x3b: {  	_ = 	snop  }
0x3c: {  	p2 =	seq.s32 s10, $0x1;
	s10 =	sld [smem:$0x3FBA]  }
0x3d: {  	_ =	shalt  }
0x3e: {  	_ =	shalt  }
0x3f: {  	_ =	shalt  }
0x40: {  	_ =	shalt  }
0x41: {  	_ =	shalt  }
0x42: {  	_ =	shalt  }
0x43: {  	_ =	shalt  }
0x44: {  	_ =	shalt  }
0x45: {  	_ =	shalt  }
0x46: {  	_ =	shalt  }
0x47: {  	_ =	shalt  }
0x48: {  	_ =	shalt  }
0x49: {  	_ =	shalt  }
0x4a: {  	_ =	shalt  }
0x4b: {  	_ =	shalt  }
0x4c: {  	_ =	shalt  }
0x4d: {  	_ =	shalt  }
0x4e: {  	_ =	shalt  }
0x4f: {  	_ =	shalt  }
0x50: {  	_ =	shalt  }
0x51: {  	_ =	shalt  }
0x52: {  	_ =	shalt  }
0x53: {  	_ =	shalt  }
0x54: {  	_ =	shalt  }
0x55: {  	_ =	shalt  }
0x56: {  	_ =	shalt  }
0x57: {  	_ =	shalt  }
0x58: {  	_ =	shalt  }
0x59: {  	_ =	shalt  }
0x5a: {  	_ =	shalt  }
0x5b: {  	_ =	shalt  }
0x5c: {  	_ =	shalt  }
0x5d: {  	_ =	shalt  }
0x5e: {  	_ =	shalt  }
0x5f: {  	_ =	shalt  }
0x60: {  	_ =	shalt  }
0x61: {  	_ =	shalt  }
0x62: {  	_ =	shalt  }
0x63: {  	_ =	shalt  }
0x64: {  	_ =	shalt  }
0x65: {  	_ =	shalt  }
0x66: {  	_ =	shalt  }
0x67: {  	_ =	shalt  }
0x68: {  	_ =	shalt  }
0x69: {  	_ =	shalt  }
0x6a: {  	_ =	shalt  }
0x6b: {  	_ =	shalt  }
0x6c: {  	_ =	shalt  }
0x6d: {  	_ =	shalt  }
0x6e: {  	_ =	shalt  }
0x6f: {  	_ =	shalt  }
0x70: {  	_ =	shalt  }
0x71: {  	_ =	shalt  }
0x72: {  	_ =	shalt  }
0x73: {  	_ =	shalt  }
0x74: {  	_ =	shalt  }
0x75: {  	_ =	shalt  }
0x76: {  	_ =	shalt  }
0x77: {  	_ =	shalt  }
0x78: {  	_ =	shalt  }
0x79: {  	_ =	shalt  }
0x7a: {  	_ =	shalt  }
0x7b: {  	_ =	shalt  }
0x7c: {  	_ =	shalt  }
0x7d: {  	_ =	shalt  }
0x7e: {  	_ =	shalt  }
0x7f: {  	_ =	shalt  }
0x80: {  	_ =	shalt  }
0x81: {  	_ =	shalt  }
0x82: {  	_ =	shalt  }
0x83: {  	_ =	shalt  }
0x84: {  	_ =	shalt  }
0x85: {  	_ =	shalt  }
0x86: {  	_ =	shalt  }
0x87: {  	_ =	shalt  }
.Lfunc_end0:
.L_simem_size_0:
called_computation_lowered:
.L_overlay_start_0:
0x88: {  	s2 =	sld [smem:$0x3FD9]  }
0x89: {  	s3 =	sld [smem:$0x3FFE];
	_ =	sdelay $0x1  }
0x8a: {  	s1 =	srdreg.scid  }
0x8b: {  	s0 =	sand.u32 $0x1, s1  }
0x8c: {  	s14 =	sshll.u32 s0, $0xA;
	s2 =	sadd.s32 s3, s2  }
0x8d: {  	s2 =	sadd.s32 s2, s14  }
0x8e: {  	[smem:$0x3FC6] =	sst s2  }
0x8f: {  	_ = 	snop  }
0x90: {  	s2 =	sld [smem:$0x3FD0];
	_ =	sdelay $0x2  }
0x91: {  	s4 =	simm.s32 $0xA;
	s5 =	simm.s32 $0x10;
	s15 =	sld [smem:$0x3FC9]  }
0x92: {  	[smem:s5], [sflag:s4] =	dma.local [hbm:s2], $0x1  }
0x93: {  	_ =	swait.eq [sflag:s4], $0x1  }
0x94: {  	[sflag:s4] =	ssyncset.done $0x0  }
0x95: {  	s16 =	sld [smem:$0x10];
	[sflag:s4] =	ssyncadd.s32 $0xFFFFFFFF  }
0x96: {  	s17 =	sld [smem:$0x11];
	(tm) =	ssettm $0x1  }
0x97: {  	s18 =	sld [smem:$0x3FFB];
	_ =	sdelay $0x3  }
0x98: {  	_ =	strace s18  }
0x99: {  	s5 =	sld [smem:$0x3FFC];
	_ =	sdelay $0x3  }
0x9a: {  	_ =	strace s5  }
0x9b: {  	s5 =	sld [smem:$0x3FFD];
	_ =	sdelay $0x3  }
0x9c: {  	_ =	strace s5  }
0x9d: {  	_ =	strace $0x8FFFFFFF  }
0x9e: {  	s19 =	sld [smem:$0x3FDB];
	_ =	sdelay $0x1  }
0x9f: {  	s6 =	simm.s32 $_scs_section_size  }
0xa0: {  	s7 =	simm.s32 $_size__tile_overlayer_lowered;
	s8 =	simm.s32 $_tile_overlayer_lowered  }
0xa1: {  	s22 =	simm.s32 $0x1BFF;
	s21 =	sshll.u32 s8, $0x1;
	s5 =	sadd.s32 s6, s19  }
0xa2: {  	s9 =	simm.s32 $0x0;
	s20 =	sshll.u32 s7, $0x1;
	s7 =	sadd.s32 s21, s5  }
0xa3: {  	[timem:s9], [sflag:s22] =	dma.local [hbm:s7], s20  }
0xa4: {  	_ =	swait.ge [sflag:s22], s20  }
0xa5: {  	s6 =	ssub.s32 $0x0, s20;
	[sflag:s22] =	ssyncset.done $0x0  }
0xa6: {  	[sflag:s22] =	ssyncadd.s32 s6;
	_ =	sdelay $0x1  }
0xa7: {  	s23 =	simm.s32 $0x1B8B  }
0xa8: {  	_ =	swait.ge [sflag:s23], $0x1  }
0xa9: {  	[sflag:s23] =	ssyncset.done $0x0  }
0xaa: {  	s25 =	simm.s32 $0x1B8E;
	s24 =	sld [smem:$0x3FFE];
	[sflag:s23] =	ssyncadd.s32 $0xFFFFFFFF  }
0xab: {  	s26 =	simm.s32 $execute0_lowered;
	[smem:$0x3FD2] =	sst s25  }
0xac: {  	s7 =	sshll.u32 s26, $0x1;
	_ =	strace $0x80000046;
	[dreg:$0x1] =	wrdreg $0xFFFFFFFF  }
0xad: {  	s28 =	simm.s32 $_size_execute0_lowered;
	s5 =	sadd.s32 s5, s7;
	[dreg:$0x0] =	wrdreg $0x0  }
0xae: {  	s7 =	sshll.u32 s28, $0x1;
	[dreg:$0x2] =	wrdreg s5  }
0xaf: {  	[dreg:$0x3] =	wrdreg s7  }
0xb0: {  	[dreg:$0x4] =	wrdreg $0xC0  }
0xb1: {  	_ =	task [dreg:s9], $0x5FFFF  }
0xb2: {  	[dreg:$0x1] =	wrdreg $0xFFFFFFFF  }
0xb3: {  	[dreg:$0x0] =	wrdreg $0x60  }
0xb4: {  	[dreg:$0x2] =	wrdreg s15  }
0xb5: {  	[dreg:$0x3] =	wrdreg s24  }
0xb6: {  	[dreg:$0x4] =	wrdreg s16  }
0xb7: {  	[dreg:$0x5] =	wrdreg s17  }
0xb8: {  	[dreg:$0x6] =	wrdreg $0x9  }
0xb9: {  	_ =	task.clear_ibuf [dreg:s9], $0x7FFFF;
	_ =	strace $0x90000046  }
0xba: {  	s29 =	simm.s32 $0x9;
	_ =	strace $0x80000048  }
0xbb: {  	_ =	swait.ge [sflag:s29], $0x1  }
0xbc: {  	[sflag:s29] =	ssyncadd.s32 $0xFFFFFFFF  }
0xbd: {  	_ =	strace $0x90000048  }
0xbe: {  	_ =	sfence  }
0xbf: {  	s30 =	sld [smem:$0x0];
	_ =	sdelay $0x2  }
0xc0: {  	s31 =	sshll.u32 s1, $0xD;
	s1 =	sshrl.u32 s1, $0x2  }
0xc1: {  	s3 =	sand.u32 $0x4000, s31;
	s1 =	sadd.s32 s1, s30  }
0xc2: {  	s0 =	sor.u32 s3, s0;
	s1 =	sshll.u32 s1, $0x11  }
0xc3: {  	s0 =	sor.u32 s1, s0  }
0xc4: {  	s0 =	sadd.s32 $0x8F2B, s0  }
0xc5: {  	[sflag:s0] =	ssyncadd.remote.s32 $0x1  }
0xc6: {  	_ =	sfence.sel $0xFFFF  }
0xc7: {  	[dreg:$0x0] =	wrdreg $0xFFFFFFFF;
	(pc) =	sbr.abs _section_cstart, $3  }
0xc8: {  	[dreg:$0x1] =	wrdreg $0xFFFFFFFF  }
0xc9: {  	_ =	task.clear_ibuf [dreg:s9], $0x2FFFF;
	_ =	strace $0x9FFFFFFF  }
0xca: {  	(tm) =	ssettm $0x7FFFFFFF  }
0xcb: {  	_ =	shalt  }
tec
execute0_lowered:
.L_overlay_start_1:
0x0: {  	(tag) =	ssettag $0x1  }
0x1: {  	s20 =	rddreg [dreg:$0x0]  }
0x2: {  	s3 =	rddreg [dreg:$0x1]  }
0x3: {  	s0 =	srdreg.scid;
	s4 =	rddreg [dreg:$0x2]  }
0x4: {  	s1 =	stileid.u32;
	s5 =	rddreg [dreg:$0x3]  }
0x5: {  	s6 =	simm.s32 $0x0;
	s19 =	simm.s32 $0x800;
	s28 =	simm.s32 $0x280  }
0x6: {  	s29 =	simm.s32 $0x300;
	s30 =	simm.s32 $0x380;
	s31 =	simm.s32 $0x400  }
0x7: {  	s0 =	sand.u32 $0x1, s0;
	s1 =	sshll.u32 s1, $0x14;
	[smem:$0x7FF] =	sst s6  }
0x8: {  	s3 =	sadd.s32 $0x200, s3;
	s2 =	sshll.u32 s0, $0x13;
	s0 =	ssub.s32 $0x2, s0  }
0x9: {  	_ =	strace $0x80000047;
	[dreg:$0x7] =	wrdreg s3;
	s7 =	sor.u32 s2, s1  }
0xa: {  	s3 =	simm.s32 $0x480;
	s21 =	sshrl.u32 s0, $0x1;
	s1 =	sshrl.u32 s7, $0x3  }
0xb: {  	s0 =	ssub.s32 s0, s21;
	s23 =	sor.u32 $0x8000, s7;
	[dreg:$0x5] =	wrdreg s7  }
0xc: {  	s24 =	sor.u32 $0xC000, s7;
	s21 =	simm.s32 $0x580;
	[dreg:$0x9] =	wrdreg s23  }
0xd: {  	s8 =	sadd.s32 s20, s1;
	[dreg:$0xa] =	wrdreg s24;
	s25 =	sor.u32 $0xF000, s1  }
0xe: {  	s1 =	sor.u32 $0xF800, s1;
	s0 =	smax.u32 s0, $0x1;
	s23 =	simm.s32 $0x80  }
0xf: {  	s24 =	simm.s32 $0x100;
	s22 =	sadd.s32 $0x800, s8;
	s26 =	sadd.s32 s4, s25  }
0x10: {  	s14 =	sadd.s32 s5, s25;
	s15 =	sadd.s32 s4, s1;
	[dreg:$0xc] =	wrdreg s0  }
0x11: {  	s16 =	sadd.s32 s5, s1;
	s25 =	simm.s32 $0x180;
	[dreg:$0x6] =	wrdreg s8  }
0x12: {  	s0 =	simm.s32 $0x500;
	s4 =	simm.s32 $0x0;
	[dreg:$0x8] =	wrdreg s22  }
0x13: {  	v0 =	vimm.s32 $0x0;
	[dreg:$0xb] =	wrdreg s26;
	s22 =	simm.s32 $0x600;
	s26 =	simm.s32 $0x200  }
.LBB2_1:
0x14: {  	[dreg:$0xd] =	wrdreg s4  }
0x15: {  	s1 =	rddreg [dreg:$0x7];
	s2 =	simm.s32 $0x7  }
0x16: {  	[tilespmem:s6], [sflag:$0x7] =	stream.linear.gather [hbm4b:s1+s6], $0x680, $0x38;
	[tilespmem:$0x19000] =	vst v63  }
0x17: {  	_ =	swait.ge [sflag:s2], $0x680  }
0x18: {  	[sflag:s2] =	ssyncset.done $0x0  }
0x19: {  	[sflag:s2] =	ssyncadd.s32 $0xFFFFF980  }
0x1a: {  	s18 =	rddreg [dreg:$0x1]  }
0x1b: {  	[tilespmem:s19], [sflag:$0x7] =	stream.linear.gather [hbm4b:s18+s6], $0x800, $0x38;
	[tilespmem:$0x19000] =	vst v63  }
0x1c: {  	_ =	swait.ge [sflag:s2], $0x800  }
0x1d: {  	s5 =	sadd.s32 $0x0, s8;
	s4 =	simm.s32 $0x1100;
	[sflag:s2] =	ssyncset.done $0x0  }
0x1e: {  	s1 =	simm.s32 $0x1000;
	[sflag:s2] =	ssyncadd.s32 $0xFFFFF800;
	s2 =	simm.s32 $0x10  }
.LBB2_2:
0x1f: {  	[tilespmem:s1], [sflag:$0x1] =	stream.linear.gather [hbm4b:s5+s6], $0x80, $0x38;
	[tilespmem:$0x19000] =	vst v63  }
0x20: {  	s5 =	smov.u32 s2;
	s1 =	smov.u32 s4;
	p0 =	sne.s32 s2, $0x7F0  }
.Ltmp0:
0x21: {  	s2 =	sadd.s32 $0x10, s2;
	(pc) =	sbr.rel @p0 .LBB2_2-.Ltmp0, $2  }
0x22: {  	_ =	sdelay $0x2  }
0x23: {  	s4 =	sadd.s32 $0x100, s4;
	s5 =	sadd.s32 s5, s8  }
0x24: {  	[tilespmem:s1], [sflag:$0x1] =	stream.linear.gather [hbm4b:s5+s6], $0x80, $0x38;
	[tilespmem:$0x19000] =	vst v63  }
0x25: {  	s18 =	simm.s32 $0x0;
	s1 =	simm.s32 $0x1080;
	s7 =	rddreg [dreg:$0x8]  }
0x26: {  	s2 =	simm.s32 $0x10;
	s4 =	simm.s32 $0x1180;
	s5 =	sadd.s32 $0x0, s7  }
.LBB2_4:
0x27: {  	[tilespmem:s1], [sflag:$0x2] =	stream.linear.gather [hbm4b:s5+s18], $0x80, $0x38;
	[tilespmem:$0x19000] =	vst v63  }
0x28: {  	s5 =	smov.u32 s2;
	s1 =	smov.u32 s4;
	p0 =	sne.s32 s2, $0x7F0  }
.Ltmp1:
0x29: {  	s2 =	sadd.s32 $0x10, s2;
	(pc) =	sbr.rel @p0 .LBB2_4-.Ltmp1, $2  }
0x2a: {  	_ =	sdelay $0x2  }
0x2b: {  	s4 =	sadd.s32 $0x100, s4;
	s5 =	sadd.s32 s5, s7  }
0x2c: {  	[tilespmem:s1], [sflag:$0x2] =	stream.linear.gather [hbm4b:s5+s18], $0x80, $0x38;
	[tilespmem:$0x19000] =	vst v63  }
.LBB2_6:
0x2d: {  	s1 =	simm.s32 $0x1  }
0x2e: {  	_ =	swait.ge [sflag:s1], $0x4000  }
0x2f: {  	p0 =	seq.s32 s18, $0x0;
	[sflag:s1] =	ssyncset.done $0x0  }
0x30: {  	[sflag:s1] =	ssyncadd.s32 $0xFFFFC000;
	s1 =	simm.s32 @!p0 $0x3  }
0x31: {  	_ =	swait.ge @!p0 [sflag:s1], $0x4000  }
0x32: {  	[sflag:s1] =	ssyncset.done @!p0 $0x0  }
0x33: {  	[sflag:s1] =	ssyncadd.s32 @!p0 $0xFFFFC000;
	s1 =	simm.s32 @!p0 $0x5  }
0x34: {  	s2 =	simm.s32 $0x0;
	s4 =	simm.s32 $0x0;
	_ =	swait.ge @!p0 [sflag:s1], $0x4000  }
0x35: {  	s4 =	sand.u32 $0x40, s4;
	s2 =	sand.u32 $0x7F00, s2;
	[sflag:s1] =	ssyncset.done @!p0 $0x0  }
0x36: {  	[sflag:s1] =	ssyncadd.s32 @!p0 $0xFFFFC000;
	s1 =	sor.u32 s4, s2  }
0x37: {  	v1 =	vld [tilespmem:s1+$0x1030];
	_ =	sdelay $0x2  }
0x38: {  	v17 =	vld [tilespmem:s1+$0x1000]  }
0x39: {  	v3 =	vld [tilespmem:s1+$0x1010]  }
0x3a: {  	v2 =	vld [tilespmem:s1+$0x1020];
	v4 =	vmax.f32 v1, $-3.000000000e+00  }
0x3b: {  	v9 =	vmin.f32 v4, $3.000000000e+00  }
0x3c: {  	v4 =	vmul.f32 $3.412500000e+02, v9;
	_ =	sdelay $0x1  }
0x3d: {  	v5 =	vmax.f32 v17, $-3.000000000e+00;
	v4 =	vadd.f32 $1.023750000e+03, v4  }
0x3e: {  	v6 =	vmax.f32 v3, $-3.000000000e+00;
	v7 =	vmax.f32 v2, $-3.000000000e+00;
	v5 =	vmin.f32 v5, $3.000000000e+00  }
0x3f: {  	v6 =	vmin.f32 v6, $3.000000000e+00;
	v8 =	vmul.f32 $3.412500000e+02, v5;
	v4 =	vtrunc.f32 v4  }
0x40: {  	v7 =	vmin.f32 v7, $3.000000000e+00;
	v10 =	vmul.f32 $3.412500000e+02, v6;
	v4 =	vcvt.f32.s32 v4  }
0x41: {  	v11 =	vmul.f32 $3.412500000e+02, v7;
	v8 =	vadd.f32 $1.023750000e+03, v8  }
0x42: {  	v10 =	vadd.f32 $1.023750000e+03, v10  }
0x43: {  	v11 =	vadd.f32 $1.023750000e+03, v11;
	v8 =	vtrunc.f32 v8  }
0x44: {  	v10 =	vtrunc.f32 v10;
	v8 =	vcvt.f32.s32 v8  }
0x45: {  	v11 =	vtrunc.f32 v11;
	v10 =	vcvt.f32.s32 v10  }
0x46: {  	v11 =	vcvt.f32.s32 v11;
	v4 =	vld.idx.msk [tilespmem:v4+s19+$0x0], $0xffff;
	_ =	sdelay $0x3  }
0x47: {  	v8 =	vld.idx.msk [tilespmem:v8+s19+$0x0], $0xffff  }
0x48: {  	v12 =	vld.idx.msk [tilespmem:v10+s19+$0x0], $0xffff  }
0x49: {  	v11 =	vld.idx.msk [tilespmem:v11+s19+$0x0], $0xffff;
	_ =	sdelay $0x1  }
0x4a: {  	v10 =	vld.idx.msk [tilespmem:v4+s21+$0x0], $0xffff;
	_ =	sdelay $0x1  }
0x4b: {  	v13 =	vld.idx.msk [tilespmem:v4+s22+$0x0], $0xffff;
	_ =	sdelay $0x1  }
0x4c: {  	v14 =	vld.idx.msk [tilespmem:v8+s21+$0x0], $0xffff  }
0x4d: {  	vm0 =	vge.f32 v5, $3.000000000e+00;
	v15 =	vld.idx.msk [tilespmem:v12+s21+$0x0], $0xffff;
	vm1 =	vlt.f32 v9, v10  }
0x4e: {  	vm2 =	vge.f32 v6, $3.000000000e+00;
	v16 =	vld.idx.msk [tilespmem:v11+s21+$0x0], $0xffff;
	v10 =	vsel vm1, $0xFFFFFFFF, v0;
	vm1 =	vge.f32 v9, $3.000000000e+00  }
0x4f: {  	v18 =	vld.idx.msk [tilespmem:v8+s22+$0x0], $0xffff;
	vm3 =	vge.f32 v9, v13;
	v4 =	vadd.s32 v10, v4;
	v10 =	vsel vm1, $0x1, v0  }
0x50: {  	v20 =	vsel vm0, $0x1, v0;
	v13 =	vld.idx.msk [tilespmem:v12+s22+$0x0], $0xffff;
	v19 =	vsel vm3, $0x1, v0;
	v4 =	vadd.s32 v10, v4  }
0x51: {  	vm0 =	vlt.f32 v5, v14;
	vm1 =	vge.f32 v7, $3.000000000e+00;
	v10 =	vadd.s32 v19, v4  }
0x52: {  	v14 =	vld.idx.msk [tilespmem:v11+s22+$0x0], $0xffff;
	v4 =	vsel vm2, $0x1, v0;
	v19 =	vsel vm0, $0xFFFFFFFF, v0;
	vm0 =	vlt.f32 v6, v15  }
0x53: {  	v15 =	vsel vm1, $0x1, v0;
	v8 =	vadd.s32 v19, v8;
	v19 =	vsel vm0, $0xFFFFFFFF, v0  }
0x54: {  	vm1 =	vge.f32 v5, v18;
	vm0 =	vlt.f32 v7, v16;
	v12 =	vadd.s32 v19, v12  }
0x55: {  	v16 =	vsel vm0, $0xFFFFFFFF, v0;
	v8 =	vadd.s32 v20, v8;
	vm0 =	vge.f32 v6, v13  }
0x56: {  	v11 =	vadd.s32 v16, v11;
	v4 =	vadd.s32 v4, v12;
	v12 =	vsel vm1, $0x1, v0  }
0x57: {  	vm1 =	vge.f32 v7, v14;
	v14 =	vsel vm0, $0x1, v0;
	v12 =	vadd.s32 v12, v8;
	v13 =	vld.idx.msk [tilespmem:v10+s6+$0x0], $0xffff  }
0x58: {  	v8 =	vadd.s32 v15, v11;
	v15 =	vsel vm1, $0x1, v0;
	v11 =	vadd.s32 v14, v4;
	v4 =	vld.idx.msk [tilespmem:v10+s23+$0x0], $0xffff  }
0x59: {  	v16 =	vadd.s32 v15, v8;
	v8 =	vld.idx.msk [tilespmem:v10+s28+$0x0], $0xffff  }
0x5a: {  	v14 =	vld.idx.msk [tilespmem:v10+s29+$0x0], $0xffff  }
0x5b: {  	v19 =	vld.idx.msk [tilespmem:v10+s30+$0x0], $0xffff  }
0x5c: {  	v21 =	vld.idx.msk [tilespmem:v10+s31+$0x0], $0xffff  }
0x5d: {  	v22 =	vld.idx.msk [tilespmem:v10+s3+$0x0], $0xffff  }
0x5e: {  	v26 =	vld.idx.msk [tilespmem:v10+s0+$0x0], $0xffff  }
0x5f: {  	v63 =	vld.idx.msk [tilespmem:v10+s25+$0x0], $0xffff  }
0x60: {  	v15 =	vld.idx.msk [tilespmem:v12+s6+$0x0], $0xffff;
	v13 =	vmul.f32 v13, v9  }
0x61: {  	v18 =	vld.idx.msk [tilespmem:v11+s6+$0x0], $0xffff  }
0x62: {  	v20 =	vld.idx.msk [tilespmem:v12+s23+$0x0], $0xffff;
	v13 =	vadd.f32 v4, v13  }
0x63: {  	v24 =	vld.idx.msk [tilespmem:v12+s28+$0x0], $0xffff  }
0x64: {  	v25 =	vld.idx.msk [tilespmem:v11+s28+$0x0], $0xffff;
	v8 =	vmul.f32 v8, v13  }
0x65: {  	v28 =	vld.idx.msk [tilespmem:v12+s30+$0x0], $0xffff  }
0x66: {  	v32 =	vld.idx.msk [tilespmem:v11+s3+$0x0], $0xffff;
	v8 =	vadd.f32 v14, v8  }
0x67: {  	v36 =	vld.idx.msk [tilespmem:v12+s25+$0x0], $0xffff  }
0x68: {  	v39 =	vld.idx.msk [tilespmem:v11+s25+$0x0], $0xffff;
	v8 =	vmul.f32 v8, v13  }
0x69: {  	v55 =	vld.idx.msk [tilespmem:v12+s26+$0x0], $0xffff  }
0x6a: {  	v4 =	vld.idx.msk [tilespmem:v16+s6+$0x0], $0xffff;
	v8 =	vadd.f32 v8, v19  }
0x6b: {  	v14 =	vld.idx.msk [tilespmem:v11+s23+$0x0], $0xffff;
	v19 =	vmul.f32 v21, v13  }
0x6c: {  	v23 =	vld.idx.msk [tilespmem:v16+s23+$0x0], $0xffff;
	(erf) = vrcp.f32 v8  }
0x6d: {  	v15 =	vmul.f32 v15, v5;
	v21 =	vld.idx.msk [tilespmem:v12+s29+$0x0], $0xffff;
	v19 =	vadd.f32 v22, v19  }
0x6e: {  	v18 =	vmul.f32 v18, v6;
	v8 =	vld.idx.msk [tilespmem:v16+s28+$0x0], $0xffff  }
0x6f: {  	v20 =	vadd.f32 v20, v15;
	v4 =	vmul.f32 v4, v7;
	v22 =	vld.idx.msk [tilespmem:v11+s29+$0x0], $0xffff;
	v27 =	vmul.f32 v19, v13  }
0x70: {  	v15 =	vld.idx.msk [tilespmem:v16+s29+$0x0], $0xffff;
	v18 =	vadd.f32 v14, v18  }
0x71: {  	v19 =	vadd.f32 v23, v4;
	v4 =	vmul.f32 v24, v20;
	v23 =	vld.idx.msk [tilespmem:v11+s30+$0x0], $0xffff;
	v14 =	vadd.f32 v27, v26  }
0x72: {  	vm5 =	veq.f32 v1, v9;
	vm2 =	veq.f32 v2, v7;
	v24 =	vmul.f32 v25, v18;
	v25 =	vld.idx.msk [tilespmem:v16+s30+$0x0], $0xffff  }
0x73: {  	s5 =	simm.s32 $0x40;
	s7 =	simm.s32 $0x80;
	vm0 =	veq.f32 v17, v5;
	v26 =	vld.idx.msk [tilespmem:v12+s31+$0x0], $0xffff;
	v4 =	vadd.f32 v21, v4;
	v8 =	vmul.f32 v8, v19  }
0x74: {  	s12 =	sand.u32 $0x40, s5;
	s13 =	sand.u32 $0x7F00, s7;
	vm1 =	veq.f32 v3, v6;
	v27 =	vld.idx.msk [tilespmem:v11+s31+$0x0], $0xffff;
	v5 =	vadd.f32 v22, v24;
	v21 =	vadd.f32 $9.999999930e-09, v14  }
0x75: {  	s4 =	sor.u32 s12, s13;
	v54 =	vmul.f32 v36, v20;
	v22 =	vld.idx.msk [tilespmem:v16+s31+$0x0], $0xffff;
	v6 =	vmul.f32 v4, v20;
	v8 =	vadd.f32 v15, v8;
	v14 =	vpop (erf)  }
0x76: {  	vm6 =	vmmov vm0;
	v4 =	vld [tilespmem:s4+$0x1030];
	v5 =	vmul.f32 v5, v18;
	v15 =	vmul.f32 v21, v14  }
0x77: {  	v53 =	vld.idx.msk [tilespmem:v16+s25+$0x0], $0xffff;
	v56 =	vmul.f32 v39, v18;
	v24 =	vadd.f32 v6, v28;
	v7 =	vmul.f32 v8, v19  }
0x78: {  	v34 =	vld.idx.msk [tilespmem:v16+s3+$0x0], $0xffff;
	v8 =	vadd.f32 v5, v23;
	v23 =	vmul.f32 v26, v20;
	v15 =	vmul.f32 v15, v14  }
0x79: {  	vm0 =	vmmov vm2;
	v6 =	vld [tilespmem:s4+$0x1000];
	v27 =	vmul.f32 v27, v18;
	(erf) = vrcp.f32 v24  }
0x7a: {  	v21 =	vld.idx.msk [tilespmem:v12+s3+$0x0], $0xffff;
	v24 =	vmul.f32 v22, v19;
	v25 =	vadd.f32 v7, v25;
	v26 =	vand.u32 $0x7FFFFF, v15  }
0x7b: {  	v5 =	vld [tilespmem:s4+$0x1010];
	(erf) = vrcp.f32 v8;
	v8 =	vmax.f32 v4, $-3.000000000e+00;
	v26 =	vor.u32 $0x3F800000, v26  }
0x7c: {  	v7 =	vld [tilespmem:s4+$0x1020];
	v27 =	vadd.f32 v32, v27;
	v32 =	vmul.f32 v53, v19;
	v26 =	vadd.f32 $-1.000000000e+00, v26  }
0x7d: {  	v24 =	vadd.f32 v34, v24;
	v34 =	vadd.f32 v55, v54;
	v54 =	vmul.f32 v63, v13  }
0x7e: {  	v9 =	vld.idx.msk [tilespmem:v16+s26+$0x0], $0xffff;
	v8 =	vmin.f32 v8, $3.000000000e+00;
	(erf) = vrcp.f32 v25;
	v25 =	vmul.f32 $3.044900480e-02, v26  }
0x7f: {  	v29 =	vmul.f32 $3.412500000e+02, v8;
	v28 =	vadd.f32 v21, v23;
	v21 =	vmax.f32 v6, $-3.000000000e+00  }
0x80: {  	v23 =	vmin.f32 v21, $3.000000000e+00;
	v21 =	vmax.f32 v5, $-3.000000000e+00;
	v25 =	vadd.f32 $-1.315818280e-01, v25  }
0x81: {  	v29 =	vadd.f32 $1.023750000e+03, v29;
	v22 =	vmin.f32 v21, $3.000000000e+00;
	v21 =	vmax.f32 v7, $-3.000000000e+00  }
0x82: {  	v27 =	vmul.f32 v27, v18;
	v21 =	vmin.f32 v21, $3.000000000e+00;
	v25 =	vmul.f32 v25, v26  }
0x83: {  	v32 =	vadd.f32 v9, v32;
	v29 =	vtrunc.f32 v29;
	v33 =	vmul.f32 $3.412500000e+02, v21  }
0x84: {  	v37 =	vld.idx.msk [tilespmem:v11+s0+$0x0], $0xffff;
	v30 =	vmul.f32 $3.412500000e+02, v23;
	v29 =	vcvt.f32.s32 v29;
	v25 =	vadd.f32 $2.852726880e-01, v25  }
0x85: {  	v35 =	vld.idx.msk [tilespmem:v12+s0+$0x0], $0xffff;
	v24 =	vmul.f32 v24, v19;
	v31 =	vmul.f32 $3.412500000e+02, v22;
	v33 =	vadd.f32 $1.023750000e+03, v33  }
0x86: {  	v40 =	vld.idx.msk [tilespmem:v16+s0+$0x0], $0xffff;
	v15 =	vcvt.s32.f32 v15;
	v30 =	vadd.f32 $1.023750000e+03, v30;
	v25 =	vmul.f32 v25, v26  }
0x87: {  	v28 =	vmul.f32 v28, v20;
	v31 =	vadd.f32 $1.023750000e+03, v31;
	v33 =	vtrunc.f32 v33  }
0x88: {  	v30 =	vtrunc.f32 v30;
	v33 =	vcvt.f32.s32 v33;
	v25 =	vadd.f32 $-4.902307090e-01, v25  }
0x89: {  	v27 =	vadd.f32 v27, v37;
	v31 =	vtrunc.f32 v31;
	v30 =	vcvt.f32.s32 v30  }
0x8a: {  	v28 =	vadd.f32 v28, v35;
	v31 =	vcvt.f32.s32 v31;
	v29 =	vld.idx.msk [tilespmem:v29+s19+$0x0], $0xffff;
	v25 =	vmul.f32 v25, v26  }
0x8b: {  	v19 =	vmul.f32 v32, v19;
	v24 =	vadd.f32 v24, v40;
	v15 =	vmul.f32 $8.262958320e-08, v15  }
0x8c: {  	v57 =	vld.idx.msk [tilespmem:v11+s26+$0x0], $0xffff;
	vm2 =	vge.f32 v23, $3.000000000e+00;
	v28 =	vadd.f32 $9.999999930e-09, v28;
	v25 =	vadd.f32 $3.060882990e-01, v25  }
0x8d: {  	v27 =	vadd.f32 $9.999999930e-09, v27;
	v20 =	vmul.f32 v34, v20;
	vm3 =	vge.f32 v22, $3.000000000e+00;
	v37 =	vpop (erf)  }
0x8e: {  	v38 =	vsel vm2, $0x1, v0;
	v28 =	vmul.f32 v28, v37;
	v33 =	vld.idx.msk [tilespmem:v33+s19+$0x0], $0xffff;
	v26 =	vmul.f32 v25, v26  }
0x8f: {  	vm2 =	veq.f32 v6, v23;
	v15 =	vadd.f32 $-8.802969360e+01, v15;
	v40 =	vadd.f32 $9.999999930e-09, v24;
	v30 =	vld.idx.msk [tilespmem:v30+s19+$0x0], $0xffff  }
0x90: {  	vm4 =	vge.f32 v21, $3.000000000e+00;
	v28 =	vmul.f32 v28, v37;
	v31 =	vld.idx.msk [tilespmem:v31+s19+$0x0], $0xffff;
	v26 =	vadd.f32 $9.975032300e-06, v26  }
0x91: {  	v41 =	vsel vm3, $0x1, v0;
	vm3 =	veq.f32 v5, v22;
	v35 =	vadd.f32 v57, v56  }
0x92: {  	v59 =	vcvt.s32.f32 v28;
	v28 =	vand.u32 $0x7FFFFF, v28;
	v43 =	vld.idx.msk [tilespmem:v29+s22+$0x0], $0xffff;
	v25 =	vpop (erf);
	v15 =	vadd.f32 v26, v15  }
0x93: {  	v20 =	vmul.f32 v37, v20;
	v28 =	vor.u32 $0x3F800000, v28;
	v27 =	vmul.f32 v27, v25;
	v24 =	vpop (erf)  }
0x94: {  	v28 =	vadd.f32 $-1.000000000e+00, v28;
	v58 =	vmul.f32 v40, v24;
	v26 =	vnsel vm5, $0x0, v15;
	v15 =	vld.idx.msk [tilespmem:v29+s21+$0x0], $0xffff  }
0x95: {  	v42 =	vsel vm4, $0x1, v0;
	v18 =	vmul.f32 v35, v18;
	v27 =	vmul.f32 v27, v25  }
0x96: {  	vm4 =	veq.f32 v7, v21;
	v47 =	vmul.f32 $3.044900480e-02, v28;
	v61 =	vld.idx.msk [tilespmem:v33+s22+$0x0], $0xffff;
	v36 =	vmul.f32 v58, v24  }
0x97: {  	v45 =	vld.idx.msk [tilespmem:v30+s21+$0x0], $0xffff;
	vm8 =	vge.f32 v8, v43;
	v60 =	vcvt.s32.f32 v27;
	v27 =	vand.u32 $0x7FFFFF, v27  }
0x98: {  	v46 =	vld.idx.msk [tilespmem:v31+s21+$0x0], $0xffff;
	v62 =	vsel vm8, $0x1, v0;
	v27 =	vor.u32 $0x3F800000, v27;
	v44 =	vand.u32 $0x7FFFFF, v36  }
0x99: {  	v48 =	vld.idx.msk [tilespmem:v33+s21+$0x0], $0xffff;
	v27 =	vadd.f32 $-1.000000000e+00, v27;
	v44 =	vor.u32 $0x3F800000, v44;
	vm7 =	vlt.f32 v8, v15  }
0x9a: {  	v44 =	vadd.f32 $-1.000000000e+00, v44;
	v15 =	vld.idx.msk [tilespmem:v30+s22+$0x0], $0xffff;
	v9 =	vsel vm7, $0xFFFFFFFF, v0;
	vm7 =	vge.f32 v8, $3.000000000e+00  }
0x9b: {  	v51 =	vld.idx.msk [tilespmem:v31+s22+$0x0], $0xffff;
	vm9 =	vge.f32 v21, v61;
	v9 =	vadd.s32 v9, v29;
	v29 =	vsel vm7, $0x1, v0  }
0x9c: {  	v50 =	vmul.f32 $3.044900480e-02, v44;
	vm7 =	vlt.f32 v23, v45;
	v9 =	vadd.s32 v29, v9  }
0x9d: {  	v29 =	vsel vm7, $0xFFFFFFFF, v0;
	vm7 =	vlt.f32 v22, v46;
	v9 =	vadd.s32 v62, v9  }
0x9e: {  	v29 =	vadd.s32 v29, v30;
	v30 =	vsel vm7, $0xFFFFFFFF, v0;
	vm7 =	vlt.f32 v21, v48  }
0x9f: {  	vm15 =	vge.f32 v23, v15;
	v15 =	vadd.s32 v30, v31;
	v30 =	vsel vm7, $0xFFFFFFFF, v0;
	v31 =	vld.idx.msk [tilespmem:v12+s24+$0x0], $0xffff  }
0xa0: {  	v12 =	vadd.s32 v38, v29;
	vm7 =	vge.f32 v22, v51;
	v38 =	vld.idx.msk [tilespmem:v11+s24+$0x0], $0xffff;
	v29 =	vadd.s32 v30, v33  }
0xa1: {  	v30 =	vld.idx.msk [tilespmem:v10+s26+$0x0], $0xffff;
	v46 =	vadd.s32 v41, v15;
	v11 =	vsel vm15, $0x1, v0;
	v48 =	vsel vm7, $0x1, v0  }
0xa2: {  	v49 =	vmul.f32 $3.044900480e-02, v27;
	v15 =	vadd.s32 v11, v12;
	v12 =	vadd.s32 v48, v46;
	v46 =	vld.idx.msk [tilespmem:v10+s24+$0x0], $0xffff  }
0xa3: {  	v56 =	vadd.f32 $-1.315818280e-01, v50;
	v51 =	vsel vm9, $0x1, v0;
	v29 =	vadd.s32 v42, v29;
	v52 =	vld.idx.msk [tilespmem:v9+s6+$0x0], $0xffff  }
0xa4: {  	v39 =	vmul.f32 $8.262958320e-08, v59;
	v36 =	vcvt.s32.f32 v36;
	v11 =	vadd.s32 v51, v29;
	v29 =	vld.idx.msk [tilespmem:v16+s24+$0x0], $0xffff  }
0xa5: {  	v53 =	vadd.f32 $-1.315818280e-01, v49;
	v58 =	vmul.f32 v56, v44;
	v16 =	vadd.f32 $-1.315818280e-01, v47;
	v55 =	vld.idx.msk [tilespmem:v9+s23+$0x0], $0xffff  }
0xa6: {  	v34 =	vadd.f32 $-8.802969360e+01, v39;
	v40 =	vmul.f32 $8.262958320e-08, v60;
	v36 =	vmul.f32 $8.262958320e-08, v36;
	v57 =	vld.idx.msk [tilespmem:v9+s28+$0x0], $0xffff  }
0xa7: {  	v62 =	vadd.f32 $2.852726880e-01, v58;
	v59 =	vld.idx.msk [tilespmem:v9+s29+$0x0], $0xffff;
	v10 =	vmul.f32 v16, v28;
	v16 =	vmul.f32 v53, v27  }
0xa8: {  	v40 =	vadd.f32 $-8.802969360e+01, v40;
	v36 =	vadd.f32 $-8.802969360e+01, v36;
	v50 =	vld.idx.msk [tilespmem:v9+s31+$0x0], $0xffff;
	v43 =	vmul.f32 v52, v8  }
0xa9: {  	v32 =	vmul.f32 v62, v44;
	v60 =	vadd.f32 $2.852726880e-01, v10;
	v16 =	vadd.f32 $2.852726880e-01, v16;
	v61 =	vld.idx.msk [tilespmem:v15+s6+$0x0], $0xffff  }
0xaa: {  	v25 =	vmul.f32 v25, v18;
	v30 =	vadd.f32 v30, v54;
	v63 =	vld.idx.msk [tilespmem:v12+s6+$0x0], $0xffff;
	v10 =	vadd.f32 v55, v43  }
0xab: {  	v32 =	vadd.f32 $-4.902307090e-01, v32;
	v49 =	vld.idx.msk [tilespmem:v15+s23+$0x0], $0xffff;
	v45 =	vmul.f32 v60, v28;
	v16 =	vmul.f32 v16, v27  }
0xac: {  	v20 =	vadd.f32 v20, v31;
	v48 =	vld.idx.msk [tilespmem:v11+s6+$0x0], $0xffff;
	v30 =	vmul.f32 v30, v13;
	v33 =	vmul.f32 v57, v10  }
0xad: {  	v13 =	vld.idx.msk [tilespmem:v9+s30+$0x0], $0xffff;
	v31 =	vmul.f32 v32, v44;
	v39 =	vadd.f32 $-4.902307090e-01, v45;
	v16 =	vadd.f32 $-4.902307090e-01, v16  }
0xae: {  	v51 =	vld.idx.msk [tilespmem:v12+s23+$0x0], $0xffff;
	v30 =	vmul.f32 v14, v30;
	v23 =	vmul.f32 v61, v23;
	v33 =	vadd.f32 v59, v33  }
0xaf: {  	v17 =	vsel vm6, v20, v17;
	v54 =	vld.idx.msk [tilespmem:v11+s23+$0x0], $0xffff;
	v39 =	vmul.f32 v39, v28;
	v16 =	vmul.f32 v16, v27  }
0xb0: {  	v56 =	vld.idx.msk [tilespmem:v15+s28+$0x0], $0xffff;
	v31 =	vadd.f32 $3.060882990e-01, v31;
	v22 =	vmul.f32 v63, v22;
	v33 =	vmul.f32 v33, v10  }
0xb1: {  	v52 =	vld.idx.msk [tilespmem:v9+s3+$0x0], $0xffff;
	v21 =	vmul.f32 v48, v21;
	v53 =	vadd.f32 $3.060882990e-01, v39;
	v55 =	vadd.f32 $3.060882990e-01, v16  }
0xb2: {  	v58 =	vld.idx.msk [tilespmem:v11+s28+$0x0], $0xffff;
	v16 =	vadd.f32 v49, v23;
	v23 =	vmul.f32 v31, v44;
	v13 =	vadd.f32 v33, v13  }
0xb3: {  	v20 =	vadd.f32 v25, v38;
	v25 =	vld.idx.msk [tilespmem:v11+s30+$0x0], $0xffff;
	v28 =	vmul.f32 v53, v28;
	v18 =	vmul.f32 v55, v27  }
0xb4: {  	v57 =	vld.idx.msk [tilespmem:v12+s28+$0x0], $0xffff;
	v14 =	vadd.f32 v54, v21;
	v27 =	vmul.f32 v50, v10;
	(erf) = vrcp.f32 v13  }
0xb5: {  	[tilespmem:s1+$0x11030] =	vst v26;
	v31 =	vld.idx.msk [tilespmem:v9+s0+$0x0], $0xffff;
	v26 =	vadd.f32 $9.975032300e-06, v23;
	v28 =	vadd.f32 $9.975032300e-06, v28  }
0xb6: {  	v19 =	vmul.f32 v24, v19;
	v59 =	vld.idx.msk [tilespmem:v15+s29+$0x0], $0xffff;
	v24 =	vadd.f32 v52, v27;
	v13 =	vadd.f32 v51, v22  }
0xb7: {  	v23 =	vld.idx.msk [tilespmem:v15+s30+$0x0], $0xffff;
	v22 =	vadd.f32 $9.975032300e-06, v18;
	v21 =	vadd.f32 v28, v34  }
0xb8: {  	vm1 =	vmmov vm1;
	v60 =	vmul.f32 v56, v16;
	v18 =	vld.idx.msk [tilespmem:v12+s29+$0x0], $0xffff;
	v61 =	vmul.f32 v24, v10  }
0xb9: {  	[tilespmem:s1+$0x9000] =	vst v17;
	v27 =	vld.idx.msk [tilespmem:v11+s29+$0x0], $0xffff;
	v63 =	vadd.f32 v26, v36;
	v62 =	vadd.f32 v22, v40;
	v21 =	vnsel vm6, $0x0, v21  }
0xba: {  	v28 =	vmul.f32 v57, v13;
	v31 =	vadd.f32 v61, v31;
	v22 =	vadd.f32 v19, v29;
	[tilespmem:s1+$0x11000] =	vst v21  }
0xbb: {  	s8 =	sshll.u32 s18, $0xF;
	v26 =	vld.idx.msk [tilespmem:v15+s31+$0x0], $0xffff;
	v29 =	vmul.f32 v58, v14;
	v21 =	vadd.f32 v30, v46;
	v17 =	vnsel vm1, $0x0, v62;
	s17 =	rddreg [dreg:$0x5]  }
0xbc: {  	v24 =	vld.idx.msk [tilespmem:v12+s30+$0x0], $0xffff;
	v19 =	vnsel vm0, $0x0, v63;
	v30 =	vadd.f32 v59, v60;
	v31 =	vadd.f32 $9.999999930e-09, v31;
	s11 =	sor.u32 s17, s8;
	[tilespmem:s1+$0x11010] =	vst v17  }
.LBB2_7:
0xbd: {  	v32 =	vld.idx.msk [tilespmem:v12+s31+$0x0], $0xffff;
	v17 =	vadd.f32 v18, v28;
	v18 =	vpop (erf)  }
0xbe: {  	s5 =	sadd.s32 $0x40, s5;
	s7 =	sadd.s32 $0x80, s7;
	v20 =	vsel vm1, v20, v3;
	v22 =	vsel vm0, v22, v2;
	v3 =	vmovc v5;
	v2 =	vmovc v7;
	vm6 =	vmmov vm2  }
0xbf: {  	v7 =	vadd.f32 v27, v29;
	s2 =	sand.u32 $0x40, s5;
	s9 =	sand.u32 $0x7F00, s7;
	v5 =	vmul.f32 v30, v16;
	v28 =	vld.idx.msk [tilespmem:v11+s31+$0x0], $0xffff;
	v27 =	vmul.f32 v31, v18  }
0xc0: {  	p1 =	slt.u32 s5, $0x3FC0;
	s2 =	sor.u32 s2, s9;
	v29 =	vld.idx.msk [tilespmem:v15+s3+$0x0], $0xffff;
	v30 =	vmul.f32 v17, v13;
	[tilespmem:s1+$0x11020] =	vst v19;
	v19 =	vsel vm5, v21, v1;
	v1 =	vmov v4  }
0xc1: {  	v7 =	vmul.f32 v7, v14;
	v4 =	vld [tilespmem:s2+$0x1030];
	v21 =	vadd.f32 v5, v23;
	v31 =	vmul.f32 v27, v18;
	[tilespmem:s1+$0x9010] =	vst v20  }
0xc2: {  	vm1 =	vmmov vm3;
	vm0 =	vmmov vm4;
	v17 =	vld [tilespmem:s2+$0x1000];
	v20 =	vadd.f32 v30, v24;
	[tilespmem:s1+$0x9020] =	vst v22  }
0xc3: {  	v22 =	vmul.f32 v26, v16;
	v23 =	vadd.f32 v7, v25;
	v5 =	vld [tilespmem:s2+$0x1010];
	v24 =	vand.u32 $0x7FFFFF, v31;
	[tilespmem:s1+$0x9030] =	vst v19;
	s1 =	smov.u32 s4;
	s4 =	smov.u32 s2  }
0xc4: {  	v19 =	vmul.f32 v32, v13;
	v7 =	vld [tilespmem:s4+$0x1020];
	v24 =	vor.u32 $0x3F800000, v24;
	(erf) = vrcp.f32 v21  }
0xc5: {  	v30 =	vmul.f32 v28, v14;
	v26 =	vld.idx.msk [tilespmem:v12+s3+$0x0], $0xffff;
	v32 =	vadd.f32 $-1.000000000e+00, v24;
	(erf) = vrcp.f32 v20  }
0xc6: {  	v29 =	vadd.f32 v29, v22;
	v20 =	vmax.f32 v4, $-3.000000000e+00;
	v33 =	vld.idx.msk [tilespmem:v11+s3+$0x0], $0xffff;
	(erf) = vrcp.f32 v23  }
0xc7: {  	v21 =	vmax.f32 v17, $-3.000000000e+00;
	v34 =	vmin.f32 v20, $3.000000000e+00;
	v35 =	vld.idx.msk [tilespmem:v15+s0+$0x0], $0xffff;
	v20 =	vmul.f32 $3.044900480e-02, v32  }
0xc8: {  	v21 =	vmin.f32 v21, $3.000000000e+00;
	v22 =	vmax.f32 v5, $-3.000000000e+00;
	v24 =	vmul.f32 $3.412500000e+02, v34;
	v36 =	vld.idx.msk [tilespmem:v12+s0+$0x0], $0xffff  }
0xc9: {  	v22 =	vmin.f32 v22, $3.000000000e+00;
	v23 =	vmax.f32 v7, $-3.000000000e+00;
	v37 =	vld.idx.msk [tilespmem:v11+s0+$0x0], $0xffff;
	v20 =	vadd.f32 $-1.315818280e-01, v20  }
0xca: {  	v25 =	vmul.f32 $3.412500000e+02, v21;
	v23 =	vmin.f32 v23, $3.000000000e+00;
	v24 =	vadd.f32 $1.023750000e+03, v24;
	v38 =	vld.idx.msk [tilespmem:v15+s25+$0x0], $0xffff  }
0xcb: {  	vm2 =	vge.f32 v21, $3.000000000e+00;
	v44 =	vmul.f32 $3.412500000e+02, v22;
	v39 =	vld.idx.msk [tilespmem:v12+s25+$0x0], $0xffff;
	v20 =	vmul.f32 v20, v32  }
0xcc: {  	v46 =	vadd.f32 $1.023750000e+03, v25;
	v28 =	vmul.f32 $3.412500000e+02, v23;
	v24 =	vtrunc.f32 v24;
	v40 =	vld.idx.msk [tilespmem:v11+s25+$0x0], $0xffff  }
0xcd: {  	v41 =	vadd.f32 $1.023750000e+03, v44;
	v42 =	vcvt.f32.s32 v24;
	v43 =	vld.idx.msk [tilespmem:v15+s26+$0x0], $0xffff;
	v20 =	vadd.f32 $2.852726880e-01, v20;
	v27 =	vpop (erf)  }
0xce: {  	vm3 =	vge.f32 v22, $3.000000000e+00;
	v44 =	vtrunc.f32 v46;
	v28 =	vadd.f32 $1.023750000e+03, v28;
	v45 =	vld.idx.msk [tilespmem:v12+s26+$0x0], $0xffff;
	v25 =	vpop (erf)  }
0xcf: {  	vm4 =	vge.f32 v23, $3.000000000e+00;
	v41 =	vtrunc.f32 v41;
	v46 =	vld.idx.msk [tilespmem:v11+s26+$0x0], $0xffff;
	v47 =	vmul.f32 v20, v32;
	v24 =	vpop (erf)  }
0xd0: {  	v48 =	vsel vm2, $0x1, v0;
	v44 =	vcvt.f32.s32 v44;
	v20 =	vtrunc.f32 v28;
	v28 =	vld.idx.msk [tilespmem:v15+s24+$0x0], $0xffff  }
0xd1: {  	v15 =	vcvt.f32.s32 v41;
	v41 =	vcvt.f32.s32 v20;
	v20 =	vld.idx.msk [tilespmem:v12+s24+$0x0], $0xffff;
	v12 =	vadd.f32 $-4.902307090e-01, v47  }
0xd2: {  	v26 =	vadd.f32 v26, v19;
	v49 =	vsel vm4, $0x1, v0;
	v47 =	vsel vm3, $0x1, v0;
	v19 =	vld.idx.msk [tilespmem:v11+s24+$0x0], $0xffff  }
0xd3: {  	v29 =	vmul.f32 v29, v16;
	v30 =	vadd.f32 v33, v30;
	v11 =	vld.idx.msk [tilespmem:v42+s19+$0x0], $0xffff;
	v12 =	vmul.f32 v12, v32  }
0xd4: {  	vm2 =	veq.f32 v17, v21;
	v26 =	vmul.f32 v26, v13;
	v33 =	vmul.f32 v38, v16  }
0xd5: {  	v31 =	vcvt.s32.f32 v31;
	v30 =	vmul.f32 v30, v14;
	v12 =	vadd.f32 $3.060882990e-01, v12  }
0xd6: {  	v29 =	vadd.f32 v29, v35;
	v26 =	vadd.f32 v26, v36;
	v35 =	vmul.f32 v39, v13;
	v38 =	vld.idx.msk [tilespmem:v44+s19+$0x0], $0xffff  }
0xd7: {  	v31 =	vmul.f32 $8.262958320e-08, v31;
	v30 =	vadd.f32 v30, v37;
	v15 =	vld.idx.msk [tilespmem:v15+s19+$0x0], $0xffff;
	v12 =	vmul.f32 v12, v32  }
0xd8: {  	v29 =	vadd.f32 $9.999999930e-09, v29;
	v26 =	vadd.f32 $9.999999930e-09, v26;
	v36 =	vmul.f32 v40, v14;
	v32 =	vld.idx.msk [tilespmem:v41+s19+$0x0], $0xffff  }
0xd9: {  	v31 =	vadd.f32 $-8.802969360e+01, v31;
	vm3 =	veq.f32 v5, v22;
	v12 =	vadd.f32 $9.975032300e-06, v12  }
0xda: {  	v29 =	vmul.f32 v29, v27;
	v37 =	vmul.f32 v26, v25;
	v26 =	vadd.f32 $9.999999930e-09, v30  }
0xdb: {  	vm4 =	veq.f32 v7, v23;
	v33 =	vadd.f32 v43, v33;
	v39 =	vld.idx.msk [tilespmem:v11+s21+$0x0], $0xffff;
	v12 =	vadd.f32 v12, v31  }
0xdc: {  	vm5 =	veq.f32 v1, v8;
	v29 =	vmul.f32 v29, v27;
	v30 =	vmul.f32 v26, v24;
	v26 =	vld.idx.msk [tilespmem:v9+s24+$0x0], $0xffff  }
0xdd: {  	v8 =	vmovc v34;
	v31 =	vadd.f32 v45, v35;
	v35 =	vmul.f32 v37, v25;
	v37 =	vld.idx.msk [tilespmem:v9+s26+$0x0], $0xffff;
	v12 =	vnsel vm5, $0x0, v12  }
0xde: {  	v34 =	vcvt.s32.f32 v29;
	v29 =	vand.u32 $0x7FFFFF, v29;
	v40 =	vmul.f32 v30, v24;
	v41 =	vld.idx.msk [tilespmem:v9+s25+$0x0], $0xffff;
	[tilespmem:s1+$0x11030] =	vst v12  }
0xdf: {  	v42 =	vcvt.s32.f32 v35;
	v30 =	vand.u32 $0x7FFFFF, v35;
	v12 =	vor.u32 $0x3F800000, v29;
	v9 =	vld.idx.msk [tilespmem:v11+s22+$0x0], $0xffff  }
0xe0: {  	v43 =	vand.u32 $0x7FFFFF, v40;
	v29 =	vadd.f32 $-1.000000000e+00, v12;
	v12 =	vor.u32 $0x3F800000, v30;
	v35 =	vld.idx.msk [tilespmem:v38+s21+$0x0], $0xffff  }
0xe1: {  	v40 =	vcvt.s32.f32 v40;
	v30 =	vadd.f32 $-1.000000000e+00, v12;
	v12 =	vor.u32 $0x3F800000, v43;
	v44 =	vld.idx.msk [tilespmem:v15+s21+$0x0], $0xffff  }
0xe2: {  	v36 =	vadd.f32 v46, v36;
	v45 =	vmul.f32 $3.044900480e-02, v29;
	v46 =	vadd.f32 $-1.000000000e+00, v12;
	v43 =	vld.idx.msk [tilespmem:v32+s21+$0x0], $0xffff  }
0xe3: {  	v34 =	vmul.f32 $8.262958320e-08, v34;
	vm7 =	vlt.f32 v8, v39;
	v39 =	vmul.f32 $3.044900480e-02, v30;
	v12 =	vld.idx.msk [tilespmem:v38+s22+$0x0], $0xffff  }
0xe4: {  	v51 =	vsel vm7, $0xFFFFFFFF, v0;
	vm7 =	vge.f32 v8, $3.000000000e+00;
	v52 =	vmul.f32 $3.044900480e-02, v46;
	v50 =	vld.idx.msk [tilespmem:v15+s22+$0x0], $0xffff  }
0xe5: {  	v11 =	vadd.s32 v51, v11;
	vm8 =	vge.f32 v8, v9;
	v9 =	vsel vm7, $0x1, v0;
	v53 =	vld.idx.msk [tilespmem:v32+s22+$0x0], $0xffff  }
0xe6: {  	vm7 =	vlt.f32 v21, v35;
	v35 =	vsel vm8, $0x1, v0;
	v9 =	vadd.s32 v9, v11  }
0xe7: {  	v11 =	vsel vm7, $0xFFFFFFFF, v0;
	vm7 =	vlt.f32 v22, v44;
	v9 =	vadd.s32 v35, v9  }
0xe8: {  	v11 =	vadd.s32 v11, v38;
	v35 =	vsel vm7, $0xFFFFFFFF, v0;
	vm7 =	vlt.f32 v23, v43  }
0xe9: {  	vm8 =	vge.f32 v21, v12;
	v12 =	vadd.s32 v35, v15;
	v15 =	vsel vm7, $0xFFFFFFFF, v0  }
0xea: {  	v11 =	vadd.s32 v48, v11;
	vm7 =	vge.f32 v22, v50;
	v15 =	vadd.s32 v15, v32  }
0xeb: {  	v12 =	vadd.s32 v47, v12;
	vm9 =	vge.f32 v23, v53;
	v32 =	vadd.s32 v49, v15  }
0xec: {  	v15 =	vsel vm8, $0x1, v0;
	v35 =	vsel vm7, $0x1, v0;
	v38 =	vsel vm9, $0x1, v0;
	v43 =	vld.idx.msk [tilespmem:v9+s6+$0x0], $0xffff  }
0xed: {  	v15 =	vadd.s32 v15, v11;
	v12 =	vadd.s32 v35, v12;
	v11 =	vadd.s32 v38, v32  }
0xee: {  	v35 =	vadd.f32 $-1.315818280e-01, v45;
	v38 =	vadd.f32 $-1.315818280e-01, v39;
	v39 =	vmul.f32 v41, v10;
	v32 =	vld.idx.msk [tilespmem:v9+s23+$0x0], $0xffff  }
0xef: {  	v40 =	vmul.f32 $8.262958320e-08, v40;
	v41 =	vmul.f32 $8.262958320e-08, v42;
	v42 =	vadd.f32 $-1.315818280e-01, v52  }
0xf0: {  	v35 =	vmul.f32 v35, v29;
	v38 =	vmul.f32 v38, v30;
	v37 =	vadd.f32 v37, v39;
	v44 =	vld.idx.msk [tilespmem:v9+s28+$0x0], $0xffff  }
0xf1: {  	v16 =	vmul.f32 v33, v16;
	v33 =	vadd.f32 $-8.802969360e+01, v34;
	v34 =	vmul.f32 v42, v46  }
0xf2: {  	v35 =	vadd.f32 $2.852726880e-01, v35;
	v38 =	vadd.f32 $2.852726880e-01, v38;
	v42 =	vmul.f32 v43, v8;
	v39 =	vld.idx.msk [tilespmem:v9+s29+$0x0], $0xffff  }
0xf3: {  	v14 =	vmul.f32 v36, v14;
	v13 =	vmul.f32 v31, v13;
	v31 =	vadd.f32 $2.852726880e-01, v34;
	v43 =	vld.idx.msk [tilespmem:v15+s6+$0x0], $0xffff  }
0xf4: {  	v35 =	vmul.f32 v35, v29;
	v36 =	vmul.f32 v38, v30;
	v32 =	vadd.f32 v32, v42;
	v34 =	vld.idx.msk [tilespmem:v12+s6+$0x0], $0xffff  }
0xf5: {  	v41 =	vadd.f32 $-8.802969360e+01, v41;
	v37 =	vmul.f32 v37, v10;
	v31 =	vmul.f32 v31, v46;
	v38 =	vld.idx.msk [tilespmem:v11+s6+$0x0], $0xffff  }
0xf6: {  	v35 =	vadd.f32 $-4.902307090e-01, v35;
	v36 =	vadd.f32 $-4.902307090e-01, v36;
	v44 =	vmul.f32 v44, v32;
	v10 =	vmovc v32;
	v42 =	vld.idx.msk [tilespmem:v9+s30+$0x0], $0xffff  }
0xf7: {  	v16 =	vmul.f32 v27, v16;
	v40 =	vadd.f32 $-8.802969360e+01, v40;
	v27 =	vadd.f32 $-4.902307090e-01, v31;
	v32 =	vld.idx.msk [tilespmem:v15+s23+$0x0], $0xffff  }
0xf8: {  	v35 =	vmul.f32 v35, v29;
	v36 =	vmul.f32 v36, v30;
	v39 =	vadd.f32 v39, v44;
	v31 =	vld.idx.msk [tilespmem:v9+s31+$0x0], $0xffff  }
0xf9: {  	v28 =	vadd.f32 v16, v28;
	v16 =	vmul.f32 v27, v46;
	v21 =	vmul.f32 v43, v21;
	v43 =	vld.idx.msk [tilespmem:v12+s23+$0x0], $0xffff  }
0xfa: {  	v35 =	vadd.f32 $3.060882990e-01, v35;
	v22 =	vmul.f32 v34, v22;
	v34 =	vmul.f32 v39, v10;
	v27 =	vld.idx.msk [tilespmem:v9+s3+$0x0], $0xffff  }
0xfb: {  	v36 =	vadd.f32 $3.060882990e-01, v36;
	v23 =	vmul.f32 v38, v23;
	v38 =	vadd.f32 $3.060882990e-01, v16;
	v39 =	vld.idx.msk [tilespmem:v11+s23+$0x0], $0xffff  }
0xfc: {  	v25 =	vmul.f32 v25, v13;
	v29 =	vmul.f32 v35, v29;
	v34 =	vadd.f32 v34, v42;
	v44 =	vld.idx.msk [tilespmem:v15+s28+$0x0], $0xffff  }
0xfd: {  	v30 =	vmul.f32 v36, v30;
	v16 =	vadd.f32 v32, v21;
	v32 =	vmul.f32 v38, v46;
	v21 =	vld.idx.msk [tilespmem:v12+s28+$0x0], $0xffff  }
0xfe: {  	v29 =	vadd.f32 $9.975032300e-06, v29;
	v31 =	vmul.f32 v31, v10;
	v35 =	vld.idx.msk [tilespmem:v9+s0+$0x0], $0xffff;
	(erf) = vrcp.f32 v34  }
0xff: {  	v13 =	vadd.f32 v43, v22;
	v22 =	vadd.f32 $9.975032300e-06, v30;
	v30 =	vmul.f32 v24, v14;
	v34 =	vld.idx.msk [tilespmem:v11+s28+$0x0], $0xffff  }
0x100: {  	v24 =	vadd.f32 v27, v31;
	v31 =	vadd.f32 $9.975032300e-06, v32;
	v32 =	vmul.f32 v18, v37;
	v36 =	vld.idx.msk [tilespmem:v15+s29+$0x0], $0xffff  }
0x101: {  	v6 =	vsel vm6, v28, v6;
	v29 =	vadd.f32 v29, v33;
	v14 =	vadd.f32 v39, v23;
	v18 =	vld.idx.msk [tilespmem:v12+s29+$0x0], $0xffff  }
.Ltmp2:
0x102: {  	v38 =	vadd.f32 v22, v41;
	v33 =	vmul.f32 v44, v16;
	v37 =	vmul.f32 v24, v10;
	v27 =	vld.idx.msk [tilespmem:v11+s29+$0x0], $0xffff;
	(pc) =	sbr.rel @p1 .LBB2_7-.Ltmp2, $4  }
0x103: {  	v20 =	vadd.f32 v25, v20;
	v39 =	vadd.f32 v31, v40;
	v28 =	vmul.f32 v21, v13;
	v23 =	vld.idx.msk [tilespmem:v15+s30+$0x0], $0xffff  }
0x104: {  	v22 =	vadd.f32 v30, v19;
	v21 =	vnsel vm6, $0x0, v29;
	v31 =	vadd.f32 v37, v35;
	v24 =	vld.idx.msk [tilespmem:v12+s30+$0x0], $0xffff;
	[tilespmem:s1+$0x9000] =	vst v6  }
0x105: {  	v29 =	vmul.f32 v34, v14;
	v34 =	vnsel vm1, $0x0, v38;
	v25 =	vld.idx.msk [tilespmem:v11+s30+$0x0], $0xffff;
	[tilespmem:s1+$0x11000] =	vst v21;
	v21 =	vadd.f32 v32, v26  }
0x106: {  	v19 =	vnsel vm0, $0x0, v39;
	v6 =	vmovc v17;
	v30 =	vadd.f32 v36, v33;
	v31 =	vadd.f32 $9.999999930e-09, v31;
	v26 =	vld.idx.msk [tilespmem:v15+s31+$0x0], $0xffff;
	[tilespmem:s1+$0x11010] =	vst v34  }
0x107: {  	_ =	sdelay $0x1  }
0x108: {  	v17 =	vpop (erf)  }
0x109: {  	v31 =	vmul.f32 v31, v17  }
0x10a: {  	v32 =	vld.idx.msk [tilespmem:v12+s31+$0x0], $0xffff  }
0x10b: {  	v33 =	vld.idx.msk [tilespmem:v11+s31+$0x0], $0xffff;
	v31 =	vmul.f32 v31, v17  }
0x10c: {  	v18 =	vadd.f32 v18, v28;
	v41 =	vld.idx.msk [tilespmem:v15+s3+$0x0], $0xffff;
	v30 =	vmul.f32 v30, v16  }
0x10d: {  	v27 =	vadd.f32 v27, v29;
	v42 =	vld.idx.msk [tilespmem:v12+s3+$0x0], $0xffff;
	v40 =	vand.u32 $0x7FFFFF, v31  }
0x10e: {  	v43 =	vld.idx.msk [tilespmem:v11+s3+$0x0], $0xffff;
	v18 =	vmul.f32 v18, v13;
	v23 =	vadd.f32 v30, v23;
	v28 =	vor.u32 $0x3F800000, v40  }
0x10f: {  	v45 =	vld.idx.msk [tilespmem:v15+s0+$0x0], $0xffff;
	v27 =	vmul.f32 v27, v14;
	v28 =	vadd.f32 $-1.000000000e+00, v28  }
0x110: {  	v48 =	vld.idx.msk [tilespmem:v12+s0+$0x0], $0xffff;
	v18 =	vadd.f32 v18, v24;
	v26 =	vmul.f32 v26, v16;
	(erf) = vrcp.f32 v23  }
0x111: {  	v49 =	vld.idx.msk [tilespmem:v11+s0+$0x0], $0xffff;
	v25 =	vadd.f32 v27, v25;
	v44 =	vmul.f32 v32, v13;
	v34 =	vmul.f32 $3.044900480e-02, v28  }
0x112: {  	v3 =	vsel vm1, v20, v3;
	v52 =	vld.idx.msk [tilespmem:v15+s25+$0x0], $0xffff;
	v47 =	vmul.f32 v33, v14;
	(erf) = vrcp.f32 v18  }
0x113: {  	v54 =	vld.idx.msk [tilespmem:v12+s25+$0x0], $0xffff;
	v26 =	vadd.f32 v41, v26;
	(erf) = vrcp.f32 v25;
	v46 =	vadd.f32 $-1.315818280e-01, v34  }
0x114: {  	v2 =	vsel vm0, v22, v2;
	v1 =	vsel vm5, v21, v1;
	v58 =	vld.idx.msk [tilespmem:v11+s25+$0x0], $0xffff;
	v23 =	vadd.f32 v42, v44  }
0x115: {  	v56 =	vld.idx.msk [tilespmem:v15+s26+$0x0], $0xffff;
	v24 =	vadd.f32 v43, v47;
	v26 =	vmul.f32 v26, v16;
	v27 =	vmul.f32 v46, v28  }
0x116: {  	vm12 =	vmmov vm2;
	vm13 =	vmmov vm3;
	v23 =	vmul.f32 v23, v13  }
0x117: {  	v37 =	vld.idx.msk [tilespmem:v11+s26+$0x0], $0xffff;
	v24 =	vmul.f32 v24, v14;
	v18 =	vadd.f32 v26, v45;
	v27 =	vadd.f32 $2.852726880e-01, v27  }
0x118: {  	v53 =	vcvt.s32.f32 v31;
	v21 =	vmul.f32 v52, v16;
	v23 =	vadd.f32 v23, v48  }
0x119: {  	v33 =	vmul.f32 v58, v14;
	v24 =	vadd.f32 v24, v49;
	v18 =	vadd.f32 $9.999999930e-09, v18  }
0x11a: {  	v62 =	vld.idx.msk [tilespmem:v9+s25+$0x0], $0xffff;
	v40 =	vmul.f32 v54, v13;
	v21 =	vadd.f32 v56, v21;
	v23 =	vadd.f32 $9.999999930e-09, v23;
	v25 =	vpop (erf)  }
0x11b: {  	v24 =	vadd.f32 $9.999999930e-09, v24;
	v18 =	vmul.f32 v18, v25;
	v50 =	vmul.f32 v27, v28;
	v27 =	vpop (erf)  }
0x11c: {  	v33 =	vadd.f32 v37, v33;
	v44 =	vmul.f32 v21, v16;
	v20 =	vpop (erf);
	v23 =	vmul.f32 v23, v27  }
0x11d: {  	vm14 =	vmmov vm4;
	v18 =	vmul.f32 v18, v25;
	v51 =	vmul.f32 v24, v20  }
0x11e: {  	vm15 =	veq.f32 v4, v8;
	v56 =	vmul.f32 v33, v14;
	v23 =	vmul.f32 v23, v27  }
0x11f: {  	v63 =	vld.idx.msk [tilespmem:v9+s26+$0x0], $0xffff;
	v34 =	vmul.f32 v62, v10;
	v55 =	vand.u32 $0x7FFFFF, v18;
	v22 =	vmul.f32 v51, v20  }
0x120: {  	v16 =	vmul.f32 v25, v44;
	v30 =	vor.u32 $0x3F800000, v55;
	v57 =	vand.u32 $0x7FFFFF, v23  }
0x121: {  	v30 =	vadd.f32 $-1.000000000e+00, v30;
	v32 =	vor.u32 $0x3F800000, v57;
	v59 =	vand.u32 $0x7FFFFF, v22  }
0x122: {  	v26 =	vadd.f32 $-4.902307090e-01, v50;
	v60 =	vadd.f32 $-1.000000000e+00, v32;
	v61 =	vor.u32 $0x3F800000, v59  }
0x123: {  	v18 =	vcvt.s32.f32 v18;
	v36 =	vmul.f32 $3.044900480e-02, v30;
	v32 =	vadd.f32 $-1.000000000e+00, v61  }
0x124: {  	[tilespmem:s1+$0x9020] =	vst v2;
	v2 =	vld.idx.msk [tilespmem:v11+s24+$0x0], $0xffff;
	v31 =	vadd.f32 v63, v34;
	v26 =	vmul.f32 v26, v28;
	v38 =	vmul.f32 $3.044900480e-02, v60  }
0x125: {  	v24 =	vmul.f32 $8.262958320e-08, v53;
	v36 =	vadd.f32 $-1.315818280e-01, v36;
	v39 =	vmul.f32 $3.044900480e-02, v32  }
0x126: {  	v18 =	vmul.f32 $8.262958320e-08, v18;
	v11 =	vmul.f32 v20, v56;
	v41 =	vadd.f32 $-1.315818280e-01, v38  }
0x127: {  	v50 =	vld.idx.msk [tilespmem:v15+s24+$0x0], $0xffff;
	v26 =	vadd.f32 $3.060882990e-01, v26;
	v36 =	vmul.f32 v36, v30;
	v42 =	vadd.f32 $-1.315818280e-01, v39  }
0x128: {  	v24 =	vadd.f32 $-8.802969360e+01, v24;
	v18 =	vadd.f32 $-8.802969360e+01, v18;
	v29 =	vmul.f32 v41, v60  }
0x129: {  	v2 =	vadd.f32 v11, v2;
	v36 =	vadd.f32 $2.852726880e-01, v36;
	v43 =	vmul.f32 v42, v32  }
0x12a: {  	v23 =	vcvt.s32.f32 v23;
	v26 =	vmul.f32 v26, v28;
	v45 =	vadd.f32 $2.852726880e-01, v29  }
0x12b: {  	v35 =	vld.idx.msk [tilespmem:v12+s26+$0x0], $0xffff;
	v22 =	vcvt.s32.f32 v22;
	v47 =	vmul.f32 v36, v30;
	v46 =	vadd.f32 $2.852726880e-01, v43  }
0x12c: {  	v57 =	vadd.f32 v16, v50;
	v2 =	vsel vm14, v2, v7;
	v21 =	vmul.f32 v45, v60  }
0x12d: {  	v23 =	vmul.f32 $8.262958320e-08, v23;
	v49 =	vadd.f32 $-4.902307090e-01, v47;
	v48 =	vmul.f32 v46, v32  }
0x12e: {  	v59 =	vmul.f32 v31, v10;
	v26 =	vadd.f32 $9.975032300e-06, v26;
	v21 =	vadd.f32 $-4.902307090e-01, v21  }
0x12f: {  	[tilespmem:s1+$0x9030] =	vst v1;
	v22 =	vmul.f32 $8.262958320e-08, v22;
	v29 =	vmul.f32 v49, v30;
	v8 =	vadd.f32 $-4.902307090e-01, v48  }
0x130: {  	v1 =	vld.idx.msk [tilespmem:v9+s24+$0x0], $0xffff;
	v24 =	vadd.f32 v26, v24;
	v26 =	vadd.f32 v35, v40;
	v21 =	vmul.f32 v21, v60  }
0x131: {  	[tilespmem:s1+$0x9010] =	vst v3;
	v3 =	vld.idx.msk [tilespmem:v12+s24+$0x0], $0xffff;
	v6 =	vsel vm12, v57, v6;
	v29 =	vadd.f32 $3.060882990e-01, v29;
	v8 =	vmul.f32 v8, v32  }
0x132: {  	v53 =	vadd.f32 $-8.802969360e+01, v23;
	v51 =	vmul.f32 v26, v13;
	v21 =	vadd.f32 $3.060882990e-01, v21  }
0x133: {  	v62 =	vmul.f32 v17, v59;
	v52 =	vmul.f32 v29, v30;
	v8 =	vadd.f32 $3.060882990e-01, v8  }
0x134: {  	[tilespmem:s1+$0x11020] =	vst v19;
	v54 =	vadd.f32 $-8.802969360e+01, v22;
	v13 =	vmul.f32 v27, v51;
	v21 =	vmul.f32 v21, v60  }
0x135: {  	[tilespmem:s4+$0x9020] =	vst v2;
	v1 =	vadd.f32 v62, v1;
	v55 =	vadd.f32 $9.975032300e-06, v52;
	v8 =	vmul.f32 v8, v32  }
0x136: {  	[tilespmem:s4+$0x9000] =	vst v6;
	v24 =	vnsel vm15, $0x0, v24;
	v3 =	vadd.f32 v13, v3;
	v58 =	vadd.f32 $9.975032300e-06, v21  }
0x137: {  	[tilespmem:s4+$0x11030] =	vst v24;
	v1 =	vsel vm15, v1, v4;
	v60 =	vadd.f32 v55, v18;
	v8 =	vadd.f32 $9.975032300e-06, v8  }
0x138: {  	[tilespmem:s4+$0x9030] =	vst v1;
	v3 =	vsel vm13, v3, v5;
	v61 =	vadd.f32 v58, v53  }
0x139: {  	[tilespmem:s4+$0x9010] =	vst v3;
	v10 =	vnsel vm12, $0x0, v60;
	v8 =	vadd.f32 v8, v54  }
0x13a: {  	s9 =	sshrl.u32 s11, $0x3;
	s17 =	rddreg [dreg:$0x2];
	[tilespmem:s4+$0x11000] =	vst v10;
	v63 =	vnsel vm13, $0x0, v61  }
0x13b: {  	s2 =	simm.s32 $0x9000;
	s1 =	sadd.s32 s17, s9;
	[tilespmem:s4+$0x11010] =	vst v63;
	v8 =	vnsel vm14, $0x0, v8  }
0x13c: {  	s5 =	simm.s32 $0x9100;
	s7 =	sadd.s32 $0x0, s1;
	[tilespmem:s4+$0x11020] =	vst v8;
	s4 =	simm.s32 $0x10  }
.LBB2_9:
0x13d: {  	[hbm4b:s7+s6] =	stream.linear.scatter [tilespmem:s2], [sflag:$0x3], $0x80, $0x38;
	[tilespmem:$0x19000] =	vst v63  }
0x13e: {  	s7 =	smov.u32 s4;
	s2 =	smov.u32 s5;
	p1 =	sne.s32 s4, $0x7F0  }
.Ltmp3:
0x13f: {  	s4 =	sadd.s32 $0x10, s4;
	(pc) =	sbr.rel @p1 .LBB2_9-.Ltmp3, $2  }
0x140: {  	_ =	sdelay $0x2  }
0x141: {  	s5 =	sadd.s32 $0x100, s5;
	s7 =	sadd.s32 s7, s1  }
0x142: {  	[hbm4b:s7+s6] =	stream.linear.scatter [tilespmem:s2], [sflag:$0x3], $0x80, $0x38;
	[tilespmem:$0x19000] =	vst v63  }
0x143: {  	s1 =	rddreg [dreg:$0x3]  }
0x144: {  	s2 =	simm.s32 $0x11000;
	s1 =	sadd.s32 s1, s9  }
0x145: {  	s4 =	simm.s32 $0x10;
	s5 =	simm.s32 $0x11100;
	s7 =	sadd.s32 $0x0, s1  }
.LBB2_11:
0x146: {  	[hbm4b:s7+s6] =	stream.linear.scatter [tilespmem:s2], [sflag:$0x5], $0x80, $0x38;
	[tilespmem:$0x19000] =	vst v63  }
0x147: {  	s7 =	smov.u32 s4;
	s2 =	smov.u32 s5;
	p1 =	sne.s32 s4, $0x7F0  }
.Ltmp4:
0x148: {  	s4 =	sadd.s32 $0x10, s4;
	(pc) =	sbr.rel @p1 .LBB2_11-.Ltmp4, $2  }
0x149: {  	_ =	sdelay $0x2  }
0x14a: {  	s5 =	sadd.s32 $0x100, s5;
	s7 =	sadd.s32 s7, s1  }
0x14b: {  	[hbm4b:s7+s6] =	stream.linear.scatter [tilespmem:s2], [sflag:$0x5], $0x80, $0x38;
	[tilespmem:$0x19000] =	vst v63  }
0x14c: {  	s1 =	rddreg [dreg:$0x9]  }
0x14d: {  	s1 =	sadd.s32 s8, s1  }
0x14e: {  	[dreg:$0xf] =	wrdreg s9;
	s1 =	sshrl.u32 s1, $0x3  }
0x14f: {  	[dreg:$0xe] =	wrdreg s8;
	s2 =	simm.s32 $0x1000;
	s1 =	sadd.s32 s20, s1  }
0x150: {  	s4 =	simm.s32 $0x10;
	s5 =	simm.s32 $0x1100;
	s7 =	sadd.s32 $0x0, s1  }
.LBB2_13:
0x151: {  	[tilespmem:s2], [sflag:$0x1] =	stream.linear.gather [hbm4b:s7+s6], $0x80, $0x38;
	[tilespmem:$0x19000] =	vst v63  }
0x152: {  	s7 =	smov.u32 s4;
	s2 =	smov.u32 s5;
	p1 =	sne.s32 s4, $0x7F0  }
.Ltmp5:
0x153: {  	s4 =	sadd.s32 $0x10, s4;
	(pc) =	sbr.rel @p1 .LBB2_13-.Ltmp5, $2  }
0x154: {  	_ =	sdelay $0x2  }
0x155: {  	s5 =	sadd.s32 $0x100, s5;
	s7 =	sadd.s32 s7, s1  }
0x156: {  	[tilespmem:s2], [sflag:$0x1] =	stream.linear.gather [hbm4b:s7+s6], $0x80, $0x38;
	[tilespmem:$0x19000] =	vst v63  }
0x157: {  	s1 =	simm.s32 $0x2  }
0x158: {  	_ =	swait.ge [sflag:s1], $0x4000  }
0x159: {  	[sflag:s1] =	ssyncset.done $0x0  }
0x15a: {  	[sflag:s1] =	ssyncadd.s32 $0xFFFFC000;
	s1 =	simm.s32 @!p0 $0x4  }
0x15b: {  	_ =	swait.ge @!p0 [sflag:s1], $0x4000  }
0x15c: {  	p1 =	por $0x0, $0x0;
	s2 =	simm.s32 $0x1;
	[sflag:s1] =	ssyncset.done @!p0 $0x0  }
0x15d: {  	s2 =	simm.s32 @!p1 $0x0;
	[sflag:s1] =	ssyncadd.s32 @!p0 $0xFFFFC000;
	s1 =	simm.s32 @!p0 $0x6  }
0x15e: {  	s2 =	sshll.u32 s2, $0x6;
	_ =	swait.ge @!p0 [sflag:s1], $0x4000  }
0x15f: {  	s5 =	sadd.s32 $0x0, s2;
	[sflag:s1] =	ssyncset.done @!p0 $0x0  }
0x160: {  	[sflag:s1] =	ssyncadd.s32 @!p0 $0xFFFFC000;
	s1 =	sor.u32 $0xB0, s5  }
0x161: {  	v1 =	vld [tilespmem:s1+$0x1000];
	_ =	sdelay $0x1  }
0x162: {  	s2 =	sor.u32 $0x80, s5  }
0x163: {  	s4 =	sor.u32 $0x90, s5;
	v17 =	vld [tilespmem:s2+$0x1000]  }
0x164: {  	s5 =	sor.u32 $0xA0, s5;
	v4 =	vld [tilespmem:s4+$0x1000]  }
0x165: {  	v3 =	vld [tilespmem:s5+$0x1000];
	v2 =	vmax.f32 v1, $-3.000000000e+00  }
0x166: {  	v9 =	vmin.f32 v2, $3.000000000e+00  }
0x167: {  	v2 =	vmul.f32 $3.412500000e+02, v9;
	_ =	sdelay $0x1  }
0x168: {  	v5 =	vmax.f32 v17, $-3.000000000e+00;
	v2 =	vadd.f32 $1.023750000e+03, v2  }
0x169: {  	v6 =	vmax.f32 v4, $-3.000000000e+00;
	v7 =	vmax.f32 v3, $-3.000000000e+00;
	v5 =	vmin.f32 v5, $3.000000000e+00  }
0x16a: {  	v6 =	vmin.f32 v6, $3.000000000e+00;
	v8 =	vmul.f32 $3.412500000e+02, v5;
	v2 =	vtrunc.f32 v2  }
0x16b: {  	v7 =	vmin.f32 v7, $3.000000000e+00;
	v10 =	vmul.f32 $3.412500000e+02, v6;
	v2 =	vcvt.f32.s32 v2  }
0x16c: {  	v11 =	vmul.f32 $3.412500000e+02, v7;
	v8 =	vadd.f32 $1.023750000e+03, v8  }
0x16d: {  	v10 =	vadd.f32 $1.023750000e+03, v10  }
0x16e: {  	v11 =	vadd.f32 $1.023750000e+03, v11;
	v8 =	vtrunc.f32 v8  }
0x16f: {  	v10 =	vtrunc.f32 v10;
	v8 =	vcvt.f32.s32 v8  }
0x170: {  	v11 =	vtrunc.f32 v11;
	v10 =	vcvt.f32.s32 v10  }
0x171: {  	v11 =	vcvt.f32.s32 v11;
	v2 =	vld.idx.msk [tilespmem:v2+s19+$0x0], $0xffff;
	_ =	sdelay $0x3  }
0x172: {  	v8 =	vld.idx.msk [tilespmem:v8+s19+$0x0], $0xffff  }
0x173: {  	v12 =	vld.idx.msk [tilespmem:v10+s19+$0x0], $0xffff  }
0x174: {  	v11 =	vld.idx.msk [tilespmem:v11+s19+$0x0], $0xffff;
	_ =	sdelay $0x1  }
0x175: {  	v10 =	vld.idx.msk [tilespmem:v2+s21+$0x0], $0xffff;
	_ =	sdelay $0x1  }
0x176: {  	v13 =	vld.idx.msk [tilespmem:v2+s22+$0x0], $0xffff;
	_ =	sdelay $0x1  }
0x177: {  	v14 =	vld.idx.msk [tilespmem:v8+s21+$0x0], $0xffff  }
0x178: {  	vm0 =	vge.f32 v5, $3.000000000e+00;
	v15 =	vld.idx.msk [tilespmem:v12+s21+$0x0], $0xffff;
	vm1 =	vlt.f32 v9, v10  }
0x179: {  	vm2 =	vge.f32 v6, $3.000000000e+00;
	v16 =	vld.idx.msk [tilespmem:v11+s21+$0x0], $0xffff;
	v10 =	vsel vm1, $0xFFFFFFFF, v0;
	vm1 =	vge.f32 v9, $3.000000000e+00  }
0x17a: {  	v18 =	vld.idx.msk [tilespmem:v8+s22+$0x0], $0xffff;
	vm3 =	vge.f32 v9, v13;
	v2 =	vadd.s32 v10, v2;
	v10 =	vsel vm1, $0x1, v0  }
0x17b: {  	v20 =	vsel vm0, $0x1, v0;
	v13 =	vld.idx.msk [tilespmem:v12+s22+$0x0], $0xffff;
	v19 =	vsel vm3, $0x1, v0;
	v2 =	vadd.s32 v10, v2  }
0x17c: {  	vm0 =	vlt.f32 v5, v14;
	vm1 =	vge.f32 v7, $3.000000000e+00;
	v10 =	vadd.s32 v19, v2  }
0x17d: {  	v14 =	vld.idx.msk [tilespmem:v11+s22+$0x0], $0xffff;
	v2 =	vsel vm2, $0x1, v0;
	v19 =	vsel vm0, $0xFFFFFFFF, v0;
	vm0 =	vlt.f32 v6, v15  }
0x17e: {  	v15 =	vsel vm1, $0x1, v0;
	v8 =	vadd.s32 v19, v8;
	v19 =	vsel vm0, $0xFFFFFFFF, v0  }
0x17f: {  	vm1 =	vge.f32 v5, v18;
	vm0 =	vlt.f32 v7, v16;
	v12 =	vadd.s32 v19, v12  }
0x180: {  	v16 =	vsel vm0, $0xFFFFFFFF, v0;
	v8 =	vadd.s32 v20, v8;
	vm0 =	vge.f32 v6, v13  }
0x181: {  	v11 =	vadd.s32 v16, v11;
	v2 =	vadd.s32 v2, v12;
	v12 =	vsel vm1, $0x1, v0  }
0x182: {  	vm1 =	vge.f32 v7, v14;
	v14 =	vsel vm0, $0x1, v0;
	v12 =	vadd.s32 v12, v8;
	v13 =	vld.idx.msk [tilespmem:v10+s6+$0x0], $0xffff  }
0x183: {  	v8 =	vadd.s32 v15, v11;
	v15 =	vsel vm1, $0x1, v0;
	v11 =	vadd.s32 v14, v2;
	v2 =	vld.idx.msk [tilespmem:v10+s23+$0x0], $0xffff  }
0x184: {  	v16 =	vadd.s32 v15, v8;
	v8 =	vld.idx.msk [tilespmem:v10+s28+$0x0], $0xffff  }
0x185: {  	v14 =	vld.idx.msk [tilespmem:v10+s29+$0x0], $0xffff  }
0x186: {  	v19 =	vld.idx.msk [tilespmem:v10+s30+$0x0], $0xffff  }
0x187: {  	v21 =	vld.idx.msk [tilespmem:v10+s31+$0x0], $0xffff  }
0x188: {  	v22 =	vld.idx.msk [tilespmem:v10+s3+$0x0], $0xffff  }
0x189: {  	v26 =	vld.idx.msk [tilespmem:v10+s0+$0x0], $0xffff  }
0x18a: {  	v15 =	vld.idx.msk [tilespmem:v12+s6+$0x0], $0xffff;
	v13 =	vmul.f32 v13, v9  }
0x18b: {  	v18 =	vld.idx.msk [tilespmem:v11+s6+$0x0], $0xffff  }
0x18c: {  	v20 =	vld.idx.msk [tilespmem:v12+s23+$0x0], $0xffff;
	v13 =	vadd.f32 v2, v13  }
0x18d: {  	v24 =	vld.idx.msk [tilespmem:v12+s28+$0x0], $0xffff  }
0x18e: {  	v25 =	vld.idx.msk [tilespmem:v11+s28+$0x0], $0xffff;
	v8 =	vmul.f32 v8, v13  }
0x18f: {  	v28 =	vld.idx.msk [tilespmem:v12+s30+$0x0], $0xffff  }
0x190: {  	v32 =	vld.idx.msk [tilespmem:v11+s3+$0x0], $0xffff;
	v8 =	vadd.f32 v14, v8  }
0x191: {  	v36 =	vld.idx.msk [tilespmem:v12+s25+$0x0], $0xffff  }
0x192: {  	v39 =	vld.idx.msk [tilespmem:v11+s25+$0x0], $0xffff;
	v8 =	vmul.f32 v8, v13  }
0x193: {  	v56 =	vld.idx.msk [tilespmem:v12+s26+$0x0], $0xffff  }
0x194: {  	v2 =	vld.idx.msk [tilespmem:v16+s6+$0x0], $0xffff;
	v8 =	vadd.f32 v8, v19  }
0x195: {  	v14 =	vld.idx.msk [tilespmem:v11+s23+$0x0], $0xffff;
	v19 =	vmul.f32 v21, v13  }
0x196: {  	v23 =	vld.idx.msk [tilespmem:v16+s23+$0x0], $0xffff;
	(erf) = vrcp.f32 v8  }
0x197: {  	v15 =	vmul.f32 v15, v5;
	v21 =	vld.idx.msk [tilespmem:v12+s29+$0x0], $0xffff;
	v19 =	vadd.f32 v22, v19  }
0x198: {  	v18 =	vmul.f32 v18, v6;
	v8 =	vld.idx.msk [tilespmem:v16+s28+$0x0], $0xffff  }
0x199: {  	v20 =	vadd.f32 v20, v15;
	v2 =	vmul.f32 v2, v7;
	v22 =	vld.idx.msk [tilespmem:v11+s29+$0x0], $0xffff;
	v27 =	vmul.f32 v19, v13  }
0x19a: {  	vm5 =	veq.f32 v1, v9;
	v15 =	vld.idx.msk [tilespmem:v16+s29+$0x0], $0xffff;
	v18 =	vadd.f32 v14, v18  }
0x19b: {  	s7 =	simm.s32 $0x1;
	p0 =	por !p1, !p1;
	v19 =	vadd.f32 v23, v2;
	v2 =	vmul.f32 v24, v20;
	v23 =	vld.idx.msk [tilespmem:v11+s30+$0x0], $0xffff;
	v14 =	vadd.f32 v27, v26  }
0x19c: {  	s7 =	simm.s32 @!p0 $0x0;
	vm2 =	veq.f32 v3, v7;
	vm0 =	veq.f32 v17, v5;
	v24 =	vmul.f32 v25, v18;
	v25 =	vld.idx.msk [tilespmem:v16+s30+$0x0], $0xffff  }
0x19d: {  	s7 =	sshll.u32 s7, $0x6;
	vm1 =	veq.f32 v4, v6;
	v26 =	vld.idx.msk [tilespmem:v12+s31+$0x0], $0xffff;
	v2 =	vadd.f32 v21, v2;
	v8 =	vmul.f32 v8, v19  }
0x19e: {  	s7 =	sadd.s32 $0x80, s7;
	vm6 =	vmmov vm0;
	v27 =	vld.idx.msk [tilespmem:v11+s31+$0x0], $0xffff;
	v5 =	vadd.f32 v22, v24;
	v21 =	vadd.f32 $9.999999930e-09, v14  }
0x19f: {  	s11 =	sor.u32 $0xB0, s7;
	v55 =	vmul.f32 v36, v20;
	v22 =	vld.idx.msk [tilespmem:v16+s31+$0x0], $0xffff;
	v6 =	vmul.f32 v2, v20;
	v8 =	vadd.f32 v15, v8;
	v14 =	vpop (erf)  }
0x1a0: {  	vm0 =	vmmov vm2;
	v2 =	vld [tilespmem:s11+$0x1000];
	v5 =	vmul.f32 v5, v18;
	v15 =	vmul.f32 v21, v14  }
0x1a1: {  	v34 =	vld.idx.msk [tilespmem:v16+s3+$0x0], $0xffff;
	v57 =	vmul.f32 v39, v18;
	v24 =	vadd.f32 v6, v28;
	v6 =	vmul.f32 v8, v19  }
0x1a2: {  	s20 =	sor.u32 $0x80, s7;
	v54 =	vld.idx.msk [tilespmem:v16+s25+$0x0], $0xffff;
	v8 =	vadd.f32 v5, v23;
	v23 =	vmul.f32 v26, v20;
	v15 =	vmul.f32 v15, v14  }
0x1a3: {  	vm1 =	vmmov vm1;
	v7 =	vld [tilespmem:s20+$0x1000];
	v27 =	vmul.f32 v27, v18;
	(erf) = vrcp.f32 v24  }
0x1a4: {  	s12 =	sor.u32 $0x90, s7;
	v21 =	vld.idx.msk [tilespmem:v12+s3+$0x0], $0xffff;
	v24 =	vmul.f32 v22, v19;
	v25 =	vadd.f32 v6, v25;
	v26 =	vand.u32 $0x7FFFFF, v15  }
0x1a5: {  	s7 =	sor.u32 $0xA0, s7;
	v5 =	vld [tilespmem:s12+$0x1000];
	(erf) = vrcp.f32 v8;
	v8 =	vmax.f32 v2, $-3.000000000e+00;
	v26 =	vor.u32 $0x3F800000, v26  }
0x1a6: {  	v6 =	vld [tilespmem:s7+$0x1000];
	v27 =	vadd.f32 v32, v27;
	v8 =	vmin.f32 v8, $3.000000000e+00;
	v26 =	vadd.f32 $-1.000000000e+00, v26  }
0x1a7: {  	v32 =	vmul.f32 v54, v19;
	v24 =	vadd.f32 v34, v24;
	v29 =	vmul.f32 $3.412500000e+02, v8  }
0x1a8: {  	v9 =	vld.idx.msk [tilespmem:v16+s26+$0x0], $0xffff;
	v34 =	vadd.f32 v56, v55;
	(erf) = vrcp.f32 v25;
	v25 =	vmul.f32 $3.044900480e-02, v26  }
0x1a9: {  	v28 =	vadd.f32 v21, v23;
	v21 =	vmax.f32 v7, $-3.000000000e+00;
	v29 =	vadd.f32 $1.023750000e+03, v29  }
0x1aa: {  	v23 =	vmin.f32 v21, $3.000000000e+00;
	v21 =	vmax.f32 v5, $-3.000000000e+00;
	v25 =	vadd.f32 $-1.315818280e-01, v25  }
0x1ab: {  	v27 =	vmul.f32 v27, v18;
	v22 =	vmin.f32 v21, $3.000000000e+00;
	v21 =	vmax.f32 v6, $-3.000000000e+00  }
0x1ac: {  	v29 =	vtrunc.f32 v29;
	v21 =	vmin.f32 v21, $3.000000000e+00;
	v25 =	vmul.f32 v25, v26  }
0x1ad: {  	v32 =	vadd.f32 v9, v32;
	v29 =	vcvt.f32.s32 v29;
	v33 =	vmul.f32 $3.412500000e+02, v21  }
0x1ae: {  	v37 =	vld.idx.msk [tilespmem:v11+s0+$0x0], $0xffff;
	v24 =	vmul.f32 v24, v19;
	v30 =	vmul.f32 $3.412500000e+02, v23;
	v25 =	vadd.f32 $2.852726880e-01, v25  }
0x1af: {  	v35 =	vld.idx.msk [tilespmem:v12+s0+$0x0], $0xffff;
	v15 =	vcvt.s32.f32 v15;
	v31 =	vmul.f32 $3.412500000e+02, v22;
	v33 =	vadd.f32 $1.023750000e+03, v33  }
0x1b0: {  	v40 =	vld.idx.msk [tilespmem:v16+s0+$0x0], $0xffff;
	v19 =	vmul.f32 v32, v19;
	v30 =	vadd.f32 $1.023750000e+03, v30;
	v25 =	vmul.f32 v25, v26  }
0x1b1: {  	v28 =	vmul.f32 v28, v20;
	v31 =	vadd.f32 $1.023750000e+03, v31;
	v33 =	vtrunc.f32 v33  }
0x1b2: {  	v30 =	vtrunc.f32 v30;
	v33 =	vcvt.f32.s32 v33;
	v25 =	vadd.f32 $-4.902307090e-01, v25  }
0x1b3: {  	v27 =	vadd.f32 v27, v37;
	v31 =	vtrunc.f32 v31;
	v30 =	vcvt.f32.s32 v30;
	v29 =	vld.idx.msk [tilespmem:v29+s19+$0x0], $0xffff  }
0x1b4: {  	v28 =	vadd.f32 v28, v35;
	v31 =	vcvt.f32.s32 v31;
	v25 =	vmul.f32 v25, v26  }
0x1b5: {  	v24 =	vadd.f32 v24, v40;
	v15 =	vmul.f32 $8.262958320e-08, v15;
	v27 =	vadd.f32 $9.999999930e-09, v27  }
0x1b6: {  	v58 =	vld.idx.msk [tilespmem:v11+s26+$0x0], $0xffff;
	vm2 =	vge.f32 v23, $3.000000000e+00;
	v28 =	vadd.f32 $9.999999930e-09, v28;
	v25 =	vadd.f32 $3.060882990e-01, v25  }
0x1b7: {  	v20 =	vmul.f32 v34, v20;
	vm3 =	vge.f32 v22, $3.000000000e+00;
	v38 =	vsel vm2, $0x1, v0;
	v37 =	vpop (erf)  }
0x1b8: {  	vm2 =	veq.f32 v7, v23;
	v28 =	vmul.f32 v28, v37;
	v33 =	vld.idx.msk [tilespmem:v33+s19+$0x0], $0xffff;
	v26 =	vmul.f32 v25, v26  }
0x1b9: {  	v15 =	vadd.f32 $-8.802969360e+01, v15;
	v40 =	vadd.f32 $9.999999930e-09, v24;
	vm4 =	vge.f32 v21, $3.000000000e+00;
	v30 =	vld.idx.msk [tilespmem:v30+s19+$0x0], $0xffff  }
0x1ba: {  	v41 =	vsel vm3, $0x1, v0;
	v28 =	vmul.f32 v28, v37;
	v31 =	vld.idx.msk [tilespmem:v31+s19+$0x0], $0xffff;
	v26 =	vadd.f32 $9.975032300e-06, v26  }
0x1bb: {  	vm3 =	veq.f32 v5, v22;
	v35 =	vadd.f32 v58, v57;
	v42 =	vsel vm4, $0x1, v0;
	v43 =	vld.idx.msk [tilespmem:v29+s22+$0x0], $0xffff  }
0x1bc: {  	v60 =	vcvt.s32.f32 v28;
	v28 =	vand.u32 $0x7FFFFF, v28;
	v25 =	vpop (erf);
	v15 =	vadd.f32 v26, v15  }
0x1bd: {  	v20 =	vmul.f32 v37, v20;
	v28 =	vor.u32 $0x3F800000, v28;
	v27 =	vmul.f32 v27, v25  }
0x1be: {  	v18 =	vmul.f32 v35, v18;
	v28 =	vadd.f32 $-1.000000000e+00, v28;
	v24 =	vpop (erf);
	v26 =	vnsel vm5, $0x0, v15;
	v15 =	vld.idx.msk [tilespmem:v29+s21+$0x0], $0xffff  }
0x1bf: {  	vm4 =	veq.f32 v6, v21;
	v59 =	vmul.f32 v40, v24;
	v27 =	vmul.f32 v27, v25  }
0x1c0: {  	v39 =	vmul.f32 $8.262958320e-08, v60;
	v47 =	vmul.f32 $3.044900480e-02, v28;
	vm8 =	vge.f32 v8, v43;
	v62 =	vld.idx.msk [tilespmem:v33+s22+$0x0], $0xffff  }
0x1c1: {  	v45 =	vld.idx.msk [tilespmem:v30+s21+$0x0], $0xffff;
	v36 =	vmul.f32 v59, v24;
	v61 =	vcvt.s32.f32 v27;
	v27 =	vand.u32 $0x7FFFFF, v27  }
0x1c2: {  	v46 =	vld.idx.msk [tilespmem:v31+s21+$0x0], $0xffff;
	v18 =	vmul.f32 v25, v18;
	v63 =	vsel vm8, $0x1, v0;
	v27 =	vor.u32 $0x3F800000, v27  }
0x1c3: {  	v48 =	vld.idx.msk [tilespmem:v33+s21+$0x0], $0xffff;
	v44 =	vand.u32 $0x7FFFFF, v36;
	v27 =	vadd.f32 $-1.000000000e+00, v27;
	vm7 =	vlt.f32 v8, v15  }
0x1c4: {  	v44 =	vor.u32 $0x3F800000, v44;
	v15 =	vld.idx.msk [tilespmem:v30+s22+$0x0], $0xffff;
	v9 =	vsel vm7, $0xFFFFFFFF, v0;
	vm7 =	vge.f32 v8, $3.000000000e+00  }
0x1c5: {  	vm9 =	vge.f32 v21, v62;
	v9 =	vadd.s32 v9, v29;
	v29 =	vsel vm7, $0x1, v0  }
0x1c6: {  	v44 =	vadd.f32 $-1.000000000e+00, v44;
	vm7 =	vlt.f32 v23, v45;
	v9 =	vadd.s32 v29, v9  }
0x1c7: {  	v51 =	vld.idx.msk [tilespmem:v31+s22+$0x0], $0xffff;
	v29 =	vsel vm7, $0xFFFFFFFF, v0;
	vm7 =	vlt.f32 v22, v46;
	v9 =	vadd.s32 v63, v9  }
0x1c8: {  	v29 =	vadd.s32 v29, v30;
	v30 =	vsel vm7, $0xFFFFFFFF, v0;
	vm7 =	vlt.f32 v21, v48;
	v48 =	vld.idx.msk [tilespmem:v10+s25+$0x0], $0xffff  }
0x1c9: {  	v50 =	vmul.f32 $3.044900480e-02, v44;
	vm15 =	vge.f32 v23, v15;
	v15 =	vadd.s32 v30, v31;
	v31 =	vld.idx.msk [tilespmem:v12+s24+$0x0], $0xffff  }
0x1ca: {  	v53 =	vsel vm9, $0x1, v0;
	v30 =	vsel vm7, $0xFFFFFFFF, v0;
	v12 =	vadd.s32 v38, v29;
	v38 =	vld.idx.msk [tilespmem:v11+s24+$0x0], $0xffff  }
0x1cb: {  	v49 =	vmul.f32 $3.044900480e-02, v27;
	v57 =	vadd.f32 $-1.315818280e-01, v50;
	v29 =	vadd.s32 v30, v33;
	v30 =	vld.idx.msk [tilespmem:v10+s26+$0x0], $0xffff  }
0x1cc: {  	vm7 =	vge.f32 v22, v51;
	v51 =	vadd.s32 v41, v15;
	v11 =	vsel vm15, $0x1, v0;
	v33 =	vld.idx.msk [tilespmem:v16+s24+$0x0], $0xffff  }
0x1cd: {  	v52 =	vsel vm7, $0x1, v0;
	v16 =	vadd.f32 $-1.315818280e-01, v47;
	v29 =	vadd.s32 v42, v29;
	v54 =	vld.idx.msk [tilespmem:v9+s6+$0x0], $0xffff  }
0x1ce: {  	v46 =	vld.idx.msk [tilespmem:v10+s24+$0x0], $0xffff;
	v15 =	vadd.s32 v11, v12;
	v11 =	vadd.s32 v53, v29;
	v29 =	vadd.f32 $-1.315818280e-01, v49  }
0x1cf: {  	v58 =	vmul.f32 v57, v44;
	v12 =	vadd.s32 v52, v51;
	v55 =	vmul.f32 v48, v13;
	v56 =	vld.idx.msk [tilespmem:v9+s23+$0x0], $0xffff  }
0x1d0: {  	v34 =	vadd.f32 $-8.802969360e+01, v39;
	v10 =	vmul.f32 v16, v28;
	v59 =	vld.idx.msk [tilespmem:v9+s29+$0x0], $0xffff;
	v16 =	vmul.f32 v29, v27  }
0x1d1: {  	v36 =	vcvt.s32.f32 v36;
	v62 =	vadd.f32 $2.852726880e-01, v58;
	v29 =	vadd.f32 v30, v55;
	v30 =	vld.idx.msk [tilespmem:v9+s28+$0x0], $0xffff  }
0x1d2: {  	v40 =	vmul.f32 $8.262958320e-08, v61;
	v52 =	vld.idx.msk [tilespmem:v9+s31+$0x0], $0xffff;
	v16 =	vadd.f32 $2.852726880e-01, v16;
	v43 =	vmul.f32 v54, v8  }
0x1d3: {  	v36 =	vmul.f32 $8.262958320e-08, v36;
	v32 =	vmul.f32 v62, v44;
	v60 =	vadd.f32 $2.852726880e-01, v10;
	v61 =	vld.idx.msk [tilespmem:v15+s6+$0x0], $0xffff  }
0x1d4: {  	v40 =	vadd.f32 $-8.802969360e+01, v40;
	v63 =	vld.idx.msk [tilespmem:v12+s6+$0x0], $0xffff;
	v16 =	vmul.f32 v16, v27;
	v10 =	vadd.f32 v56, v43  }
0x1d5: {  	v36 =	vadd.f32 $-8.802969360e+01, v36;
	v32 =	vadd.f32 $-4.902307090e-01, v32;
	v48 =	vmul.f32 v60, v28;
	v51 =	vld.idx.msk [tilespmem:v15+s23+$0x0], $0xffff  }
0x1d6: {  	v49 =	vld.idx.msk [tilespmem:v11+s6+$0x0], $0xffff;
	v50 =	vmul.f32 v29, v13;
	v16 =	vadd.f32 $-4.902307090e-01, v16;
	v29 =	vmul.f32 v30, v10  }
0x1d7: {  	v20 =	vadd.f32 v20, v31;
	v13 =	vld.idx.msk [tilespmem:v9+s30+$0x0], $0xffff;
	v31 =	vmul.f32 v32, v44;
	v30 =	vadd.f32 $-4.902307090e-01, v48  }
0x1d8: {  	v55 =	vld.idx.msk [tilespmem:v11+s23+$0x0], $0xffff;
	v60 =	vmul.f32 v14, v50;
	v16 =	vmul.f32 v16, v27;
	v29 =	vadd.f32 v59, v29  }
0x1d9: {  	v58 =	vld.idx.msk [tilespmem:v9+s0+$0x0], $0xffff;
	v31 =	vadd.f32 $3.060882990e-01, v31;
	v23 =	vmul.f32 v61, v23;
	v30 =	vmul.f32 v30, v28  }
0x1da: {  	v53 =	vld.idx.msk [tilespmem:v12+s23+$0x0], $0xffff;
	v22 =	vmul.f32 v63, v22;
	v56 =	vadd.f32 $3.060882990e-01, v16;
	v29 =	vmul.f32 v29, v10  }
0x1db: {  	v54 =	vld.idx.msk [tilespmem:v9+s3+$0x0], $0xffff;
	v21 =	vmul.f32 v49, v21;
	v16 =	vadd.f32 v51, v23;
	v30 =	vadd.f32 $3.060882990e-01, v30  }
0x1dc: {  	v59 =	vld.idx.msk [tilespmem:v11+s28+$0x0], $0xffff;
	v25 =	vmul.f32 v56, v27;
	v27 =	vmul.f32 v31, v44;
	v13 =	vadd.f32 v29, v13  }
0x1dd: {  	v57 =	vld.idx.msk [tilespmem:v15+s28+$0x0], $0xffff;
	v14 =	vadd.f32 v55, v21;
	v21 =	vadd.f32 v18, v38;
	v28 =	vmul.f32 v30, v28  }
0x1de: {  	[tilespmem:s1+$0x11000] =	vst v26;
	v23 =	vld.idx.msk [tilespmem:v12+s28+$0x0], $0xffff;
	v30 =	vmul.f32 v52, v10;
	v26 =	vadd.f32 $9.975032300e-06, v27;
	(erf) = vrcp.f32 v13  }
0x1df: {  	v19 =	vmul.f32 v24, v19;
	v29 =	vld.idx.msk [tilespmem:v15+s29+$0x0], $0xffff;
	v31 =	vadd.f32 $9.975032300e-06, v28;
	v13 =	vadd.f32 v53, v22  }
0x1e0: {  	v62 =	vsel vm6, v20, v17;
	v27 =	vld.idx.msk [tilespmem:v11+s29+$0x0], $0xffff;
	v22 =	vadd.f32 $9.975032300e-06, v25;
	v24 =	vadd.f32 v54, v30  }
0x1e1: {  	v32 =	vmul.f32 v59, v14;
	v28 =	vld.idx.msk [tilespmem:v12+s29+$0x0], $0xffff;
	v20 =	vadd.f32 v26, v36;
	v61 =	vadd.f32 v31, v34  }
0x1e2: {  	v25 =	vld.idx.msk [tilespmem:v15+s30+$0x0], $0xffff;
	v31 =	vmul.f32 v57, v16;
	v17 =	vmul.f32 v24, v10;
	v63 =	vadd.f32 v22, v40  }
0x1e3: {  	[tilespmem:s2+$0x9000] =	vst v62;
	v30 =	vmul.f32 v23, v13;
	v24 =	vld.idx.msk [tilespmem:v12+s30+$0x0], $0xffff;
	v22 =	vadd.f32 v19, v33;
	v18 =	vnsel vm6, $0x0, v61  }
0x1e4: {  	s9 =	simm.s32 $0x80;
	s17 =	simm.s32 $0x40;
	p0 =	por !p0, !p0;
	v23 =	vld.idx.msk [tilespmem:v11+s30+$0x0], $0xffff;
	v19 =	vadd.f32 v60, v46;
	v17 =	vadd.f32 v17, v58;
	[tilespmem:s2+$0x11000] =	vst v18;
	v18 =	vnsel vm1, $0x0, v63  }
.LBB2_15:
0x1e5: {  	s2 =	simm.s32 $0x1;
	v29 =	vadd.f32 v29, v31  }
0x1e6: {  	v26 =	vld.idx.msk [tilespmem:v15+s31+$0x0], $0xffff;
	v31 =	vadd.f32 $9.999999930e-09, v17;
	[tilespmem:s4+$0x11000] =	vst v18;
	v20 =	vnsel vm0, $0x0, v20;
	v17 =	vmovc v7;
	vm6 =	vmmov vm2;
	s2 =	simm.s32 @!p0 $0x0  }
0x1e7: {  	v7 =	vadd.f32 v28, v30;
	s9 =	sadd.s32 $0x80, s9;
	v4 =	vsel vm1, v21, v4;
	v3 =	vsel vm0, v22, v3;
	s2 =	sshll.u32 s2, $0x6;
	v33 =	vld.idx.msk [tilespmem:v12+s31+$0x0], $0xffff;
	v18 =	vpop (erf)  }
0x1e8: {  	s17 =	sadd.s32 $0x40, s17;
	v27 =	vadd.f32 v27, v32;
	v21 =	vmul.f32 v29, v16;
	s8 =	sadd.s32 s2, s9;
	v22 =	vld.idx.msk [tilespmem:v11+s31+$0x0], $0xffff;
	v28 =	vmul.f32 v31, v18  }
0x1e9: {  	p1 =	slt.u32 s17, $0x3FC0;
	v19 =	vsel vm5, v19, v1;
	v1 =	vmov v2;
	v30 =	vmul.f32 v7, v13;
	s2 =	sor.u32 $0x80, s8;
	s10 =	sor.u32 $0xB0, s8;
	v29 =	vld.idx.msk [tilespmem:v15+s3+$0x0], $0xffff;
	[tilespmem:s5+$0x11000] =	vst v20  }
0x1ea: {  	s13 =	sor.u32 $0xA0, s8;
	v20 =	vadd.f32 v21, v25;
	v21 =	vmul.f32 v27, v14;
	v2 =	vld [tilespmem:s10+$0x1000];
	v31 =	vmul.f32 v28, v18;
	[tilespmem:s4+$0x9000] =	vst v4;
	s4 =	smov.u32 s12;
	s12 =	sor.u32 $0x90, s8  }
0x1eb: {  	vm1 =	vmmov vm3;
	vm0 =	vmmov vm4;
	v24 =	vadd.f32 v30, v24;
	v4 =	vmovc v5;
	v7 =	vld [tilespmem:s2+$0x1000];
	[tilespmem:s5+$0x9000] =	vst v3;
	v3 =	vmovc v6;
	s5 =	smov.u32 s7;
	s7 =	smov.u32 s13  }
0x1ec: {  	v25 =	vmul.f32 v26, v16;
	v21 =	vadd.f32 v21, v23;
	v5 =	vld [tilespmem:s12+$0x1000];
	v23 =	vand.u32 $0x7FFFFF, v31;
	[tilespmem:s1+$0x9000] =	vst v19;
	s1 =	smov.u32 s11;
	s11 =	smov.u32 s10  }
0x1ed: {  	v19 =	vmul.f32 v33, v13;
	v6 =	vld [tilespmem:s7+$0x1000];
	v23 =	vor.u32 $0x3F800000, v23;
	(erf) = vrcp.f32 v20  }
0x1ee: {  	v30 =	vmul.f32 v22, v14;
	v26 =	vld.idx.msk [tilespmem:v12+s3+$0x0], $0xffff;
	v32 =	vadd.f32 $-1.000000000e+00, v23;
	(erf) = vrcp.f32 v24  }
0x1ef: {  	v29 =	vadd.f32 v29, v25;
	v20 =	vmax.f32 v2, $-3.000000000e+00;
	v33 =	vld.idx.msk [tilespmem:v11+s3+$0x0], $0xffff;
	(erf) = vrcp.f32 v21  }
0x1f0: {  	v21 =	vmax.f32 v7, $-3.000000000e+00;
	v34 =	vmin.f32 v20, $3.000000000e+00;
	v35 =	vld.idx.msk [tilespmem:v15+s0+$0x0], $0xffff;
	v20 =	vmul.f32 $3.044900480e-02, v32  }
0x1f1: {  	v21 =	vmin.f32 v21, $3.000000000e+00;
	v22 =	vmax.f32 v5, $-3.000000000e+00;
	v24 =	vmul.f32 $3.412500000e+02, v34;
	v36 =	vld.idx.msk [tilespmem:v12+s0+$0x0], $0xffff  }
0x1f2: {  	v22 =	vmin.f32 v22, $3.000000000e+00;
	v23 =	vmax.f32 v6, $-3.000000000e+00;
	v37 =	vld.idx.msk [tilespmem:v11+s0+$0x0], $0xffff;
	v20 =	vadd.f32 $-1.315818280e-01, v20  }
0x1f3: {  	v25 =	vmul.f32 $3.412500000e+02, v21;
	v23 =	vmin.f32 v23, $3.000000000e+00;
	v24 =	vadd.f32 $1.023750000e+03, v24;
	v38 =	vld.idx.msk [tilespmem:v15+s25+$0x0], $0xffff  }
0x1f4: {  	vm2 =	vge.f32 v21, $3.000000000e+00;
	v44 =	vmul.f32 $3.412500000e+02, v22;
	v39 =	vld.idx.msk [tilespmem:v12+s25+$0x0], $0xffff;
	v20 =	vmul.f32 v20, v32  }
0x1f5: {  	v46 =	vadd.f32 $1.023750000e+03, v25;
	v28 =	vmul.f32 $3.412500000e+02, v23;
	v24 =	vtrunc.f32 v24;
	v40 =	vld.idx.msk [tilespmem:v11+s25+$0x0], $0xffff  }
0x1f6: {  	v41 =	vadd.f32 $1.023750000e+03, v44;
	v42 =	vcvt.f32.s32 v24;
	v43 =	vld.idx.msk [tilespmem:v15+s26+$0x0], $0xffff;
	v20 =	vadd.f32 $2.852726880e-01, v20;
	v27 =	vpop (erf)  }
0x1f7: {  	vm3 =	vge.f32 v22, $3.000000000e+00;
	v44 =	vtrunc.f32 v46;
	v28 =	vadd.f32 $1.023750000e+03, v28;
	v45 =	vld.idx.msk [tilespmem:v12+s26+$0x0], $0xffff;
	v25 =	vpop (erf)  }
0x1f8: {  	vm4 =	vge.f32 v23, $3.000000000e+00;
	v41 =	vtrunc.f32 v41;
	v46 =	vld.idx.msk [tilespmem:v11+s26+$0x0], $0xffff;
	v47 =	vmul.f32 v20, v32;
	v24 =	vpop (erf)  }
0x1f9: {  	v48 =	vsel vm2, $0x1, v0;
	v44 =	vcvt.f32.s32 v44;
	v20 =	vtrunc.f32 v28;
	v28 =	vld.idx.msk [tilespmem:v15+s24+$0x0], $0xffff  }
0x1fa: {  	v15 =	vcvt.f32.s32 v41;
	v41 =	vcvt.f32.s32 v20;
	v20 =	vld.idx.msk [tilespmem:v12+s24+$0x0], $0xffff;
	v12 =	vadd.f32 $-4.902307090e-01, v47  }
0x1fb: {  	v26 =	vadd.f32 v26, v19;
	v49 =	vsel vm4, $0x1, v0;
	v47 =	vsel vm3, $0x1, v0;
	v19 =	vld.idx.msk [tilespmem:v11+s24+$0x0], $0xffff  }
0x1fc: {  	v29 =	vmul.f32 v29, v16;
	v30 =	vadd.f32 v33, v30;
	v11 =	vld.idx.msk [tilespmem:v42+s19+$0x0], $0xffff;
	v12 =	vmul.f32 v12, v32  }
0x1fd: {  	vm2 =	veq.f32 v7, v21;
	v26 =	vmul.f32 v26, v13;
	v33 =	vmul.f32 v38, v16  }
0x1fe: {  	v31 =	vcvt.s32.f32 v31;
	v30 =	vmul.f32 v30, v14;
	v12 =	vadd.f32 $3.060882990e-01, v12  }
0x1ff: {  	v29 =	vadd.f32 v29, v35;
	v26 =	vadd.f32 v26, v36;
	v35 =	vmul.f32 v39, v13;
	v38 =	vld.idx.msk [tilespmem:v44+s19+$0x0], $0xffff  }
0x200: {  	v31 =	vmul.f32 $8.262958320e-08, v31;
	v30 =	vadd.f32 v30, v37;
	v15 =	vld.idx.msk [tilespmem:v15+s19+$0x0], $0xffff;
	v12 =	vmul.f32 v12, v32  }
0x201: {  	v29 =	vadd.f32 $9.999999930e-09, v29;
	v26 =	vadd.f32 $9.999999930e-09, v26;
	v36 =	vmul.f32 v40, v14;
	v32 =	vld.idx.msk [tilespmem:v41+s19+$0x0], $0xffff  }
0x202: {  	v31 =	vadd.f32 $-8.802969360e+01, v31;
	vm3 =	veq.f32 v5, v22;
	v12 =	vadd.f32 $9.975032300e-06, v12  }
0x203: {  	v29 =	vmul.f32 v29, v27;
	v37 =	vmul.f32 v26, v25;
	v26 =	vadd.f32 $9.999999930e-09, v30  }
0x204: {  	vm4 =	veq.f32 v6, v23;
	v33 =	vadd.f32 v43, v33;
	v39 =	vld.idx.msk [tilespmem:v11+s21+$0x0], $0xffff;
	v12 =	vadd.f32 v12, v31  }
0x205: {  	vm5 =	veq.f32 v1, v8;
	v29 =	vmul.f32 v29, v27;
	v30 =	vmul.f32 v26, v24;
	v26 =	vld.idx.msk [tilespmem:v9+s24+$0x0], $0xffff  }
0x206: {  	v8 =	vmovc v34;
	v31 =	vadd.f32 v45, v35;
	v35 =	vmul.f32 v37, v25;
	v37 =	vld.idx.msk [tilespmem:v9+s26+$0x0], $0xffff;
	v12 =	vnsel vm5, $0x0, v12  }
0x207: {  	v34 =	vcvt.s32.f32 v29;
	v29 =	vand.u32 $0x7FFFFF, v29;
	v40 =	vmul.f32 v30, v24;
	v41 =	vld.idx.msk [tilespmem:v9+s25+$0x0], $0xffff;
	[tilespmem:s1+$0x11000] =	vst v12  }
0x208: {  	v42 =	vcvt.s32.f32 v35;
	v30 =	vand.u32 $0x7FFFFF, v35;
	v12 =	vor.u32 $0x3F800000, v29;
	v9 =	vld.idx.msk [tilespmem:v11+s22+$0x0], $0xffff  }
0x209: {  	v43 =	vand.u32 $0x7FFFFF, v40;
	v29 =	vadd.f32 $-1.000000000e+00, v12;
	v12 =	vor.u32 $0x3F800000, v30;
	v35 =	vld.idx.msk [tilespmem:v38+s21+$0x0], $0xffff  }
0x20a: {  	v40 =	vcvt.s32.f32 v40;
	v30 =	vadd.f32 $-1.000000000e+00, v12;
	v12 =	vor.u32 $0x3F800000, v43;
	v44 =	vld.idx.msk [tilespmem:v15+s21+$0x0], $0xffff  }
0x20b: {  	v36 =	vadd.f32 v46, v36;
	v45 =	vmul.f32 $3.044900480e-02, v29;
	v46 =	vadd.f32 $-1.000000000e+00, v12;
	v43 =	vld.idx.msk [tilespmem:v32+s21+$0x0], $0xffff  }
0x20c: {  	v34 =	vmul.f32 $8.262958320e-08, v34;
	vm7 =	vlt.f32 v8, v39;
	v39 =	vmul.f32 $3.044900480e-02, v30;
	v12 =	vld.idx.msk [tilespmem:v38+s22+$0x0], $0xffff  }
0x20d: {  	v51 =	vsel vm7, $0xFFFFFFFF, v0;
	vm7 =	vge.f32 v8, $3.000000000e+00;
	v52 =	vmul.f32 $3.044900480e-02, v46;
	v50 =	vld.idx.msk [tilespmem:v15+s22+$0x0], $0xffff  }
0x20e: {  	v11 =	vadd.s32 v51, v11;
	vm8 =	vge.f32 v8, v9;
	v9 =	vsel vm7, $0x1, v0;
	v53 =	vld.idx.msk [tilespmem:v32+s22+$0x0], $0xffff  }
0x20f: {  	vm7 =	vlt.f32 v21, v35;
	v35 =	vsel vm8, $0x1, v0;
	v9 =	vadd.s32 v9, v11  }
0x210: {  	v11 =	vsel vm7, $0xFFFFFFFF, v0;
	vm7 =	vlt.f32 v22, v44;
	v9 =	vadd.s32 v35, v9  }
0x211: {  	v11 =	vadd.s32 v11, v38;
	v35 =	vsel vm7, $0xFFFFFFFF, v0;
	vm7 =	vlt.f32 v23, v43  }
0x212: {  	vm8 =	vge.f32 v21, v12;
	v12 =	vadd.s32 v35, v15;
	v15 =	vsel vm7, $0xFFFFFFFF, v0  }
0x213: {  	v11 =	vadd.s32 v48, v11;
	vm7 =	vge.f32 v22, v50;
	v15 =	vadd.s32 v15, v32  }
0x214: {  	v12 =	vadd.s32 v47, v12;
	vm9 =	vge.f32 v23, v53;
	v32 =	vadd.s32 v49, v15  }
0x215: {  	v15 =	vsel vm8, $0x1, v0;
	v35 =	vsel vm7, $0x1, v0;
	v38 =	vsel vm9, $0x1, v0;
	v43 =	vld.idx.msk [tilespmem:v9+s6+$0x0], $0xffff  }
0x216: {  	v15 =	vadd.s32 v15, v11;
	v12 =	vadd.s32 v35, v12;
	v11 =	vadd.s32 v38, v32  }
0x217: {  	v35 =	vadd.f32 $-1.315818280e-01, v45;
	v38 =	vadd.f32 $-1.315818280e-01, v39;
	v39 =	vmul.f32 v41, v10;
	v32 =	vld.idx.msk [tilespmem:v9+s23+$0x0], $0xffff  }
0x218: {  	v40 =	vmul.f32 $8.262958320e-08, v40;
	v41 =	vmul.f32 $8.262958320e-08, v42;
	v42 =	vadd.f32 $-1.315818280e-01, v52  }
0x219: {  	v35 =	vmul.f32 v35, v29;
	v38 =	vmul.f32 v38, v30;
	v37 =	vadd.f32 v37, v39;
	v44 =	vld.idx.msk [tilespmem:v9+s28+$0x0], $0xffff  }
0x21a: {  	v16 =	vmul.f32 v33, v16;
	v33 =	vadd.f32 $-8.802969360e+01, v34;
	v34 =	vmul.f32 v42, v46  }
0x21b: {  	v35 =	vadd.f32 $2.852726880e-01, v35;
	v38 =	vadd.f32 $2.852726880e-01, v38;
	v42 =	vmul.f32 v43, v8;
	v39 =	vld.idx.msk [tilespmem:v9+s29+$0x0], $0xffff  }
0x21c: {  	v14 =	vmul.f32 v36, v14;
	v13 =	vmul.f32 v31, v13;
	v31 =	vadd.f32 $2.852726880e-01, v34;
	v43 =	vld.idx.msk [tilespmem:v15+s6+$0x0], $0xffff  }
0x21d: {  	v35 =	vmul.f32 v35, v29;
	v36 =	vmul.f32 v38, v30;
	v32 =	vadd.f32 v32, v42;
	v34 =	vld.idx.msk [tilespmem:v12+s6+$0x0], $0xffff  }
0x21e: {  	v41 =	vadd.f32 $-8.802969360e+01, v41;
	v37 =	vmul.f32 v37, v10;
	v31 =	vmul.f32 v31, v46;
	v38 =	vld.idx.msk [tilespmem:v11+s6+$0x0], $0xffff  }
0x21f: {  	v35 =	vadd.f32 $-4.902307090e-01, v35;
	v36 =	vadd.f32 $-4.902307090e-01, v36;
	v44 =	vmul.f32 v44, v32;
	v10 =	vmovc v32;
	v42 =	vld.idx.msk [tilespmem:v9+s30+$0x0], $0xffff  }
0x220: {  	v16 =	vmul.f32 v27, v16;
	v40 =	vadd.f32 $-8.802969360e+01, v40;
	v27 =	vadd.f32 $-4.902307090e-01, v31;
	v32 =	vld.idx.msk [tilespmem:v15+s23+$0x0], $0xffff  }
0x221: {  	v35 =	vmul.f32 v35, v29;
	v36 =	vmul.f32 v36, v30;
	v39 =	vadd.f32 v39, v44;
	v31 =	vld.idx.msk [tilespmem:v9+s31+$0x0], $0xffff  }
0x222: {  	v44 =	vadd.f32 v16, v28;
	v16 =	vmul.f32 v27, v46;
	v21 =	vmul.f32 v43, v21;
	v43 =	vld.idx.msk [tilespmem:v12+s23+$0x0], $0xffff  }
0x223: {  	v22 =	vmul.f32 v34, v22;
	v28 =	vmul.f32 v39, v10;
	v34 =	vadd.f32 $3.060882990e-01, v35;
	v27 =	vld.idx.msk [tilespmem:v9+s3+$0x0], $0xffff  }
0x224: {  	v36 =	vadd.f32 $3.060882990e-01, v36;
	v23 =	vmul.f32 v38, v23;
	v38 =	vadd.f32 $3.060882990e-01, v16;
	v35 =	vld.idx.msk [tilespmem:v11+s23+$0x0], $0xffff  }
0x225: {  	v28 =	vadd.f32 v28, v42;
	v29 =	vmul.f32 v34, v29;
	v34 =	vmul.f32 v25, v13;
	v39 =	vld.idx.msk [tilespmem:v15+s28+$0x0], $0xffff  }
0x226: {  	v25 =	vmul.f32 v36, v30;
	v16 =	vadd.f32 v32, v21;
	v30 =	vmul.f32 v38, v46;
	v21 =	vld.idx.msk [tilespmem:v12+s28+$0x0], $0xffff  }
0x227: {  	v31 =	vmul.f32 v31, v10;
	v36 =	vadd.f32 $9.975032300e-06, v29;
	v32 =	vld.idx.msk [tilespmem:v9+s0+$0x0], $0xffff;
	(erf) = vrcp.f32 v28  }
0x228: {  	v42 =	vmul.f32 v24, v14;
	v13 =	vadd.f32 v43, v22;
	v22 =	vadd.f32 $9.975032300e-06, v25;
	v38 =	vld.idx.msk [tilespmem:v11+s28+$0x0], $0xffff  }
0x229: {  	v37 =	vmul.f32 v18, v37;
	v43 =	vadd.f32 $9.975032300e-06, v30;
	v24 =	vadd.f32 v27, v31;
	v29 =	vld.idx.msk [tilespmem:v15+s29+$0x0], $0xffff  }
.Ltmp6:
0x22a: {  	v18 =	vadd.f32 v36, v33;
	v14 =	vadd.f32 v35, v23;
	v23 =	vsel vm6, v44, v17;
	v28 =	vld.idx.msk [tilespmem:v12+s29+$0x0], $0xffff;
	(pc) =	sbr.rel @p1 .LBB2_15-.Ltmp6, $4  }
0x22b: {  	v33 =	vadd.f32 v22, v41;
	v31 =	vmul.f32 v39, v16;
	v17 =	vmul.f32 v24, v10;
	v27 =	vld.idx.msk [tilespmem:v11+s29+$0x0], $0xffff  }
0x22c: {  	v30 =	vmul.f32 v21, v13;
	v21 =	vadd.f32 v34, v20;
	v20 =	vadd.f32 v43, v40;
	v25 =	vld.idx.msk [tilespmem:v15+s30+$0x0], $0xffff  }
0x22d: {  	v22 =	vadd.f32 v42, v19;
	v18 =	vnsel vm6, $0x0, v18;
	v17 =	vadd.f32 v17, v32;
	v24 =	vld.idx.msk [tilespmem:v12+s30+$0x0], $0xffff;
	[tilespmem:s20+$0x9000] =	vst v23  }
0x22e: {  	p0 =	por !p0, !p0;
	v19 =	vadd.f32 v37, v26;
	v32 =	vmul.f32 v38, v14;
	v23 =	vld.idx.msk [tilespmem:v11+s30+$0x0], $0xffff;
	[tilespmem:s20+$0x11000] =	vst v18;
	v18 =	vnsel vm1, $0x0, v33;
	s20 =	smov.u32 s2  }
0x22f: {  	_ =	sdelay $0x3  }
0x230: {  	v34 =	vld.idx.msk [tilespmem:v15+s31+$0x0], $0xffff  }
0x231: {  	v26 =	vadd.f32 $9.999999930e-09, v17;
	v29 =	vadd.f32 v29, v31;
	v61 =	vld.idx.msk [tilespmem:v12+s31+$0x0], $0xffff  }
0x232: {  	v28 =	vadd.f32 v28, v30;
	v63 =	vld.idx.msk [tilespmem:v11+s31+$0x0], $0xffff;
	v17 =	vpop (erf);
	v27 =	vadd.f32 v27, v32  }
0x233: {  	v36 =	vld.idx.msk [tilespmem:v15+s3+$0x0], $0xffff;
	v26 =	vmul.f32 v26, v17;
	v29 =	vmul.f32 v29, v16  }
0x234: {  	v37 =	vld.idx.msk [tilespmem:v12+s3+$0x0], $0xffff;
	v28 =	vmul.f32 v28, v13;
	v27 =	vmul.f32 v27, v14  }
0x235: {  	v39 =	vld.idx.msk [tilespmem:v11+s3+$0x0], $0xffff;
	v26 =	vmul.f32 v26, v17;
	v25 =	vadd.f32 v29, v25  }
0x236: {  	v24 =	vadd.f32 v28, v24;
	v38 =	vmul.f32 v34, v16;
	v23 =	vadd.f32 v27, v23  }
0x237: {  	v40 =	vmul.f32 v61, v13;
	v33 =	vand.u32 $0x7FFFFF, v26;
	(erf) = vrcp.f32 v25  }
0x238: {  	v41 =	vld.idx.msk [tilespmem:v15+s0+$0x0], $0xffff;
	v31 =	vmul.f32 v63, v14;
	v60 =	vor.u32 $0x3F800000, v33;
	(erf) = vrcp.f32 v24  }
0x239: {  	v43 =	vld.idx.msk [tilespmem:v12+s0+$0x0], $0xffff;
	v28 =	vadd.f32 v36, v38;
	v27 =	vadd.f32 v37, v40;
	(erf) = vrcp.f32 v23  }
0x23a: {  	v44 =	vld.idx.msk [tilespmem:v11+s0+$0x0], $0xffff;
	v45 =	vadd.f32 v39, v31;
	v62 =	vadd.f32 $-1.000000000e+00, v60  }
0x23b: {  	v28 =	vmul.f32 v28, v16;
	v27 =	vmul.f32 v27, v13  }
0x23c: {  	v29 =	vmul.f32 v45, v14;
	v35 =	vmul.f32 $3.044900480e-02, v62  }
0x23d: {  	v24 =	vadd.f32 v28, v41  }
0x23e: {  	v4 =	vsel vm1, v21, v4;
	v23 =	vadd.f32 v27, v43;
	v35 =	vadd.f32 $-1.315818280e-01, v35  }
0x23f: {  	v3 =	vsel vm0, v22, v3;
	v47 =	vadd.f32 v29, v44;
	v24 =	vadd.f32 $9.999999930e-09, v24  }
0x240: {  	v55 =	vld.idx.msk [tilespmem:v11+s25+$0x0], $0xffff;
	vm12 =	veq.f32 v2, v8;
	v23 =	vadd.f32 $9.999999930e-09, v23;
	v42 =	vmul.f32 v35, v62;
	v29 =	vpop (erf)  }
0x241: {  	v20 =	vnsel vm0, $0x0, v20;
	v28 =	vadd.f32 $9.999999930e-09, v47;
	v31 =	vpop (erf);
	v24 =	vmul.f32 v24, v29  }
0x242: {  	vm13 =	vmmov vm2;
	v25 =	vadd.f32 $2.852726880e-01, v42;
	v21 =	vpop (erf);
	v23 =	vmul.f32 v23, v31  }
0x243: {  	vm14 =	vmmov vm3;
	v48 =	vmul.f32 v24, v29;
	v49 =	vmul.f32 v28, v21  }
0x244: {  	v52 =	vld.idx.msk [tilespmem:v12+s25+$0x0], $0xffff;
	v1 =	vsel vm5, v19, v1;
	v25 =	vmul.f32 v25, v62;
	v23 =	vmul.f32 v23, v31  }
0x245: {  	v57 =	vld.idx.msk [tilespmem:v11+s26+$0x0], $0xffff;
	v61 =	vmul.f32 v55, v14;
	v51 =	vand.u32 $0x7FFFFF, v48;
	v24 =	vmul.f32 v49, v21  }
0x246: {  	v46 =	vld.idx.msk [tilespmem:v15+s25+$0x0], $0xffff;
	v25 =	vadd.f32 $-4.902307090e-01, v25;
	v53 =	vor.u32 $0x3F800000, v51;
	v54 =	vand.u32 $0x7FFFFF, v23  }
0x247: {  	v36 =	vld.idx.msk [tilespmem:v12+s26+$0x0], $0xffff;
	v30 =	vadd.f32 $-1.000000000e+00, v53;
	v32 =	vor.u32 $0x3F800000, v54;
	v56 =	vand.u32 $0x7FFFFF, v24  }
0x248: {  	v26 =	vcvt.s32.f32 v26;
	v32 =	vadd.f32 $-1.000000000e+00, v32;
	v35 =	vor.u32 $0x3F800000, v56  }
0x249: {  	v50 =	vld.idx.msk [tilespmem:v15+s26+$0x0], $0xffff;
	v25 =	vmul.f32 v25, v62;
	v38 =	vmul.f32 $3.044900480e-02, v30;
	v35 =	vadd.f32 $-1.000000000e+00, v35  }
0x24a: {  	v19 =	vadd.f32 v57, v61;
	v60 =	vmul.f32 v52, v13;
	v58 =	vmul.f32 $3.044900480e-02, v32  }
0x24b: {  	v37 =	vld.idx.msk [tilespmem:v9+s25+$0x0], $0xffff;
	v25 =	vadd.f32 $3.060882990e-01, v25;
	v39 =	vmul.f32 $3.044900480e-02, v35;
	v38 =	vadd.f32 $-1.315818280e-01, v38  }
0x24c: {  	v27 =	vmul.f32 v46, v16;
	v8 =	vadd.f32 v36, v60;
	v28 =	vadd.f32 $-1.315818280e-01, v58  }
0x24d: {  	v25 =	vmul.f32 v25, v62;
	v62 =	vadd.f32 $-1.315818280e-01, v39;
	v38 =	vmul.f32 v38, v30  }
0x24e: {  	v26 =	vmul.f32 $8.262958320e-08, v26;
	v27 =	vadd.f32 v50, v27;
	v28 =	vmul.f32 v28, v32  }
0x24f: {  	v8 =	vmul.f32 v8, v13;
	v40 =	vmul.f32 v62, v35;
	v41 =	vadd.f32 $2.852726880e-01, v38  }
0x250: {  	v63 =	vmul.f32 v37, v10;
	v42 =	vmul.f32 v27, v16;
	v43 =	vadd.f32 $2.852726880e-01, v28  }
0x251: {  	v46 =	vld.idx.msk [tilespmem:v15+s24+$0x0], $0xffff;
	v8 =	vmul.f32 v31, v8;
	v44 =	vadd.f32 $2.852726880e-01, v40;
	v45 =	vmul.f32 v41, v30  }
0x252: {  	v26 =	vadd.f32 $-8.802969360e+01, v26;
	v16 =	vmul.f32 v29, v42;
	v27 =	vmul.f32 v43, v32  }
0x253: {  	v22 =	vcvt.s32.f32 v48;
	v28 =	vmul.f32 v44, v35;
	v33 =	vadd.f32 $-4.902307090e-01, v45  }
0x254: {  	v23 =	vcvt.s32.f32 v23;
	v24 =	vcvt.s32.f32 v24;
	v27 =	vadd.f32 $-4.902307090e-01, v27  }
0x255: {  	v51 =	vld.idx.msk [tilespmem:v12+s24+$0x0], $0xffff;
	v22 =	vmul.f32 $8.262958320e-08, v22;
	v28 =	vadd.f32 $-4.902307090e-01, v28;
	v33 =	vmul.f32 v33, v30  }
0x256: {  	v54 =	vadd.f32 v16, v46;
	v23 =	vmul.f32 $8.262958320e-08, v23;
	v27 =	vmul.f32 v27, v32  }
0x257: {  	v59 =	vld.idx.msk [tilespmem:v9+s26+$0x0], $0xffff;
	[tilespmem:s4+$0x11000] =	vst v18;
	v22 =	vadd.f32 $-8.802969360e+01, v22;
	v28 =	vmul.f32 v28, v35;
	v33 =	vadd.f32 $3.060882990e-01, v33  }
0x258: {  	v24 =	vmul.f32 $8.262958320e-08, v24;
	v49 =	vadd.f32 $-8.802969360e+01, v23;
	v27 =	vadd.f32 $3.060882990e-01, v27  }
0x259: {  	[tilespmem:s5+$0x11000] =	vst v20;
	v25 =	vadd.f32 $9.975032300e-06, v25;
	v47 =	vadd.f32 $3.060882990e-01, v28;
	v48 =	vmul.f32 v33, v30  }
0x25a: {  	[tilespmem:s4+$0x9000] =	vst v4;
	v52 =	vadd.f32 $-8.802969360e+01, v24;
	v4 =	vadd.f32 v8, v51;
	v50 =	vmul.f32 v27, v32  }
0x25b: {  	[tilespmem:s5+$0x9000] =	vst v3;
	v25 =	vadd.f32 v25, v26;
	v13 =	vmul.f32 v47, v35;
	v18 =	vadd.f32 $9.975032300e-06, v48  }
0x25c: {  	[tilespmem:s1+$0x9000] =	vst v1;
	v7 =	vsel vm13, v54, v7;
	v26 =	vadd.f32 v59, v63;
	v55 =	vadd.f32 $9.975032300e-06, v50  }
0x25d: {  	v3 =	vld.idx.msk [tilespmem:v11+s24+$0x0], $0xffff;
	[tilespmem:s20+$0x9000] =	vst v7;
	v4 =	vsel vm14, v4, v5;
	v57 =	vadd.f32 $9.975032300e-06, v13;
	v58 =	vadd.f32 v18, v22  }
0x25e: {  	v1 =	vld.idx.msk [tilespmem:v9+s24+$0x0], $0xffff;
	v53 =	vmul.f32 v19, v14;
	[tilespmem:s12+$0x9000] =	vst v4;
	v25 =	vnsel vm12, $0x0, v25;
	v59 =	vadd.f32 v55, v49  }
0x25f: {  	v56 =	vmul.f32 v26, v10;
	[tilespmem:s11+$0x11000] =	vst v25;
	v10 =	vadd.f32 v57, v52;
	v60 =	vnsel vm13, $0x0, v58  }
0x260: {  	vm15 =	vmmov vm4;
	v11 =	vmul.f32 v21, v53;
	[tilespmem:s20+$0x11000] =	vst v60;
	v62 =	vnsel vm14, $0x0, v59  }
0x261: {  	v61 =	vmul.f32 v17, v56;
	[tilespmem:s12+$0x11000] =	vst v62;
	v63 =	vnsel vm15, $0x0, v10  }
0x262: {  	v3 =	vadd.f32 v11, v3;
	[tilespmem:s7+$0x11000] =	vst v63  }
0x263: {  	v1 =	vadd.f32 v61, v1;
	s1 =	rddreg [dreg:$0xf]  }
0x264: {  	s2 =	rddreg [dreg:$0x2];
	v3 =	vsel vm15, v3, v6;
	s1 =	sor.u32 $0x800, s1  }
0x265: {  	s4 =	simm.s32 $0x9080;
	v1 =	vsel vm12, v1, v2;
	[tilespmem:s7+$0x9000] =	vst v3;
	s2 =	sadd.s32 s2, s1  }
0x266: {  	s5 =	simm.s32 $0x10;
	[tilespmem:s11+$0x9000] =	vst v1;
	s7 =	simm.s32 $0x9180;
	s9 =	sadd.s32 $0x0, s2  }
.LBB2_17:
0x267: {  	[hbm4b:s9+s6] =	stream.linear.scatter [tilespmem:s4], [sflag:$0x4], $0x80, $0x38;
	[tilespmem:$0x19000] =	vst v63  }
0x268: {  	s8 =	smov.u32 s5;
	s4 =	smov.u32 s7;
	p0 =	sne.s32 s5, $0x7F0  }
.Ltmp7:
0x269: {  	s5 =	sadd.s32 $0x10, s5;
	(pc) =	sbr.rel @p0 .LBB2_17-.Ltmp7, $2  }
0x26a: {  	_ =	sdelay $0x2  }
0x26b: {  	s7 =	sadd.s32 $0x100, s7;
	s9 =	sadd.s32 s8, s2  }
0x26c: {  	[hbm4b:s9+s6] =	stream.linear.scatter [tilespmem:s4], [sflag:$0x4], $0x80, $0x38;
	[tilespmem:$0x19000] =	vst v63  }
0x26d: {  	s2 =	rddreg [dreg:$0x3]  }
0x26e: {  	s4 =	simm.s32 $0x10;
	s5 =	simm.s32 $0x11180;
	s1 =	sadd.s32 s2, s1  }
0x26f: {  	s20 =	rddreg [dreg:$0x0];
	s2 =	simm.s32 $0x11080;
	s7 =	sadd.s32 $0x0, s1  }
.LBB2_19:
0x270: {  	[hbm4b:s7+s6] =	stream.linear.scatter [tilespmem:s2], [sflag:$0x6], $0x80, $0x38;
	[tilespmem:$0x19000] =	vst v63  }
0x271: {  	s7 =	smov.u32 s4;
	s2 =	smov.u32 s5;
	p0 =	sne.s32 s4, $0x7F0  }
.Ltmp8:
0x272: {  	s4 =	sadd.s32 $0x10, s4;
	(pc) =	sbr.rel @p0 .LBB2_19-.Ltmp8, $2  }
0x273: {  	_ =	sdelay $0x2  }
0x274: {  	s5 =	sadd.s32 $0x100, s5;
	s7 =	sadd.s32 s7, s1  }
0x275: {  	[hbm4b:s7+s6] =	stream.linear.scatter [tilespmem:s2], [sflag:$0x6], $0x80, $0x38;
	[tilespmem:$0x19000] =	vst v63  }
0x276: {  	s1 =	rddreg [dreg:$0xa]  }
0x277: {  	s17 =	rddreg [dreg:$0xe]  }
0x278: {  	s1 =	sadd.s32 s17, s1  }
0x279: {  	s1 =	sshrl.u32 s1, $0x3  }
0x27a: {  	s2 =	simm.s32 $0x1080;
	s1 =	sadd.s32 s20, s1  }
0x27b: {  	s4 =	simm.s32 $0x10;
	s5 =	simm.s32 $0x1180;
	s7 =	sadd.s32 $0x0, s1  }
.LBB2_21:
0x27c: {  	[tilespmem:s2], [sflag:$0x2] =	stream.linear.gather [hbm4b:s7+s6], $0x80, $0x38;
	[tilespmem:$0x19000] =	vst v63  }
0x27d: {  	s7 =	smov.u32 s4;
	s2 =	smov.u32 s5;
	p0 =	sne.s32 s4, $0x7F0  }
.Ltmp9:
0x27e: {  	s4 =	sadd.s32 $0x10, s4;
	(pc) =	sbr.rel @p0 .LBB2_21-.Ltmp9, $2  }
0x27f: {  	_ =	sdelay $0x2  }
0x280: {  	s5 =	sadd.s32 $0x100, s5;
	s7 =	sadd.s32 s7, s1  }
0x281: {  	s18 =	sadd.s32 $0x1, s18  }
0x282: {  	p0 =	sne.s32 s18, $0xF  }
.Ltmp10:
0x283: {  	_ = 	snop;
	(pc) =	sbr.rel @p0 .LBB2_6-.Ltmp10, $2  }
0x284: {  	_ =	sdelay $0x2  }
0x285: {  	[tilespmem:s2], [sflag:$0x2] =	stream.linear.gather [hbm4b:s7+s6], $0x80, $0x38;
	[tilespmem:$0x19000] =	vst v63  }
0x286: {  	s1 =	simm.s32 $0x1  }
0x287: {  	_ =	swait.ge [sflag:s1], $0x4000  }
0x288: {  	[sflag:s1] =	ssyncset.done $0x0  }
0x289: {  	s12 =	simm.s32 $0x3;
	[sflag:s1] =	ssyncadd.s32 $0xFFFFC000  }
0x28a: {  	_ =	swait.ge [sflag:s12], $0x4000  }
0x28b: {  	[sflag:s12] =	ssyncset.done $0x0  }
0x28c: {  	s4 =	simm.s32 $0x5;
	[sflag:s12] =	ssyncadd.s32 $0xFFFFC000  }
0x28d: {  	s13 =	simm.s32 $0x0;
	s2 =	simm.s32 $0x0;
	_ =	swait.ge [sflag:s4], $0x4000  }
0x28e: {  	s2 =	sand.u32 $0x40, s2;
	s1 =	sand.u32 $0x7F00, s13;
	[sflag:s4] =	ssyncset.done $0x0  }
0x28f: {  	s1 =	sor.u32 s2, s1;
	[sflag:s4] =	ssyncadd.s32 $0xFFFFC000  }
0x290: {  	v1 =	vld [tilespmem:s1+$0x1030];
	_ =	sdelay $0x2  }
0x291: {  	v17 =	vld [tilespmem:s1+$0x1000]  }
0x292: {  	v3 =	vld [tilespmem:s1+$0x1010]  }
0x293: {  	v2 =	vld [tilespmem:s1+$0x1020];
	v4 =	vmax.f32 v1, $-3.000000000e+00  }
0x294: {  	v9 =	vmin.f32 v4, $3.000000000e+00  }
0x295: {  	v4 =	vmul.f32 $3.412500000e+02, v9;
	_ =	sdelay $0x1  }
0x296: {  	v5 =	vmax.f32 v17, $-3.000000000e+00;
	v4 =	vadd.f32 $1.023750000e+03, v4  }
0x297: {  	v6 =	vmax.f32 v3, $-3.000000000e+00;
	v7 =	vmax.f32 v2, $-3.000000000e+00;
	v5 =	vmin.f32 v5, $3.000000000e+00  }
0x298: {  	v6 =	vmin.f32 v6, $3.000000000e+00;
	v8 =	vmul.f32 $3.412500000e+02, v5;
	v4 =	vtrunc.f32 v4  }
0x299: {  	v7 =	vmin.f32 v7, $3.000000000e+00;
	v10 =	vmul.f32 $3.412500000e+02, v6;
	v4 =	vcvt.f32.s32 v4  }
0x29a: {  	v11 =	vmul.f32 $3.412500000e+02, v7;
	v8 =	vadd.f32 $1.023750000e+03, v8  }
0x29b: {  	v10 =	vadd.f32 $1.023750000e+03, v10  }
0x29c: {  	v11 =	vadd.f32 $1.023750000e+03, v11;
	v8 =	vtrunc.f32 v8  }
0x29d: {  	v10 =	vtrunc.f32 v10;
	v8 =	vcvt.f32.s32 v8  }
0x29e: {  	v11 =	vtrunc.f32 v11;
	v10 =	vcvt.f32.s32 v10  }
0x29f: {  	v11 =	vcvt.f32.s32 v11;
	v4 =	vld.idx.msk [tilespmem:v4+s19+$0x0], $0xffff;
	_ =	sdelay $0x3  }
0x2a0: {  	v8 =	vld.idx.msk [tilespmem:v8+s19+$0x0], $0xffff  }
0x2a1: {  	v12 =	vld.idx.msk [tilespmem:v10+s19+$0x0], $0xffff  }
0x2a2: {  	v11 =	vld.idx.msk [tilespmem:v11+s19+$0x0], $0xffff;
	_ =	sdelay $0x1  }
0x2a3: {  	v10 =	vld.idx.msk [tilespmem:v4+s21+$0x0], $0xffff;
	_ =	sdelay $0x1  }
0x2a4: {  	v13 =	vld.idx.msk [tilespmem:v4+s22+$0x0], $0xffff;
	_ =	sdelay $0x1  }
0x2a5: {  	v14 =	vld.idx.msk [tilespmem:v8+s21+$0x0], $0xffff  }
0x2a6: {  	vm0 =	vge.f32 v5, $3.000000000e+00;
	v15 =	vld.idx.msk [tilespmem:v12+s21+$0x0], $0xffff;
	vm1 =	vlt.f32 v9, v10  }
0x2a7: {  	vm2 =	vge.f32 v6, $3.000000000e+00;
	v16 =	vld.idx.msk [tilespmem:v11+s21+$0x0], $0xffff;
	v10 =	vsel vm1, $0xFFFFFFFF, v0;
	vm1 =	vge.f32 v9, $3.000000000e+00  }
0x2a8: {  	v18 =	vld.idx.msk [tilespmem:v8+s22+$0x0], $0xffff;
	vm3 =	vge.f32 v9, v13;
	v4 =	vadd.s32 v10, v4;
	v10 =	vsel vm1, $0x1, v0  }
0x2a9: {  	v20 =	vsel vm0, $0x1, v0;
	v13 =	vld.idx.msk [tilespmem:v12+s22+$0x0], $0xffff;
	v19 =	vsel vm3, $0x1, v0;
	v4 =	vadd.s32 v10, v4  }
0x2aa: {  	vm0 =	vlt.f32 v5, v14;
	vm1 =	vge.f32 v7, $3.000000000e+00;
	v10 =	vadd.s32 v19, v4  }
0x2ab: {  	v14 =	vld.idx.msk [tilespmem:v11+s22+$0x0], $0xffff;
	v4 =	vsel vm2, $0x1, v0;
	v19 =	vsel vm0, $0xFFFFFFFF, v0;
	vm0 =	vlt.f32 v6, v15  }
0x2ac: {  	v15 =	vsel vm1, $0x1, v0;
	v8 =	vadd.s32 v19, v8;
	v19 =	vsel vm0, $0xFFFFFFFF, v0  }
0x2ad: {  	vm1 =	vge.f32 v5, v18;
	vm0 =	vlt.f32 v7, v16;
	v12 =	vadd.s32 v19, v12  }
0x2ae: {  	v16 =	vsel vm0, $0xFFFFFFFF, v0;
	v8 =	vadd.s32 v20, v8;
	vm0 =	vge.f32 v6, v13  }
0x2af: {  	v11 =	vadd.s32 v16, v11;
	v4 =	vadd.s32 v4, v12;
	v12 =	vsel vm1, $0x1, v0  }
0x2b0: {  	vm1 =	vge.f32 v7, v14;
	v14 =	vsel vm0, $0x1, v0;
	v12 =	vadd.s32 v12, v8;
	v13 =	vld.idx.msk [tilespmem:v10+s6+$0x0], $0xffff  }
0x2b1: {  	v8 =	vadd.s32 v15, v11;
	v15 =	vsel vm1, $0x1, v0;
	v11 =	vadd.s32 v14, v4;
	v4 =	vld.idx.msk [tilespmem:v10+s23+$0x0], $0xffff  }
0x2b2: {  	v16 =	vadd.s32 v15, v8;
	v8 =	vld.idx.msk [tilespmem:v10+s28+$0x0], $0xffff  }
0x2b3: {  	v14 =	vld.idx.msk [tilespmem:v10+s29+$0x0], $0xffff  }
0x2b4: {  	v19 =	vld.idx.msk [tilespmem:v10+s30+$0x0], $0xffff  }
0x2b5: {  	v21 =	vld.idx.msk [tilespmem:v10+s31+$0x0], $0xffff  }
0x2b6: {  	v22 =	vld.idx.msk [tilespmem:v10+s3+$0x0], $0xffff  }
0x2b7: {  	v26 =	vld.idx.msk [tilespmem:v10+s0+$0x0], $0xffff  }
0x2b8: {  	v63 =	vld.idx.msk [tilespmem:v10+s25+$0x0], $0xffff  }
0x2b9: {  	v15 =	vld.idx.msk [tilespmem:v12+s6+$0x0], $0xffff;
	v13 =	vmul.f32 v13, v9  }
0x2ba: {  	v18 =	vld.idx.msk [tilespmem:v11+s6+$0x0], $0xffff  }
0x2bb: {  	v20 =	vld.idx.msk [tilespmem:v12+s23+$0x0], $0xffff;
	v13 =	vadd.f32 v4, v13  }
0x2bc: {  	v24 =	vld.idx.msk [tilespmem:v12+s28+$0x0], $0xffff  }
0x2bd: {  	v25 =	vld.idx.msk [tilespmem:v11+s28+$0x0], $0xffff;
	v8 =	vmul.f32 v8, v13  }
0x2be: {  	v28 =	vld.idx.msk [tilespmem:v12+s30+$0x0], $0xffff  }
0x2bf: {  	v32 =	vld.idx.msk [tilespmem:v11+s3+$0x0], $0xffff;
	v8 =	vadd.f32 v14, v8  }
0x2c0: {  	v36 =	vld.idx.msk [tilespmem:v12+s25+$0x0], $0xffff  }
0x2c1: {  	v39 =	vld.idx.msk [tilespmem:v11+s25+$0x0], $0xffff;
	v8 =	vmul.f32 v8, v13  }
0x2c2: {  	v4 =	vld.idx.msk [tilespmem:v16+s6+$0x0], $0xffff  }
0x2c3: {  	v14 =	vld.idx.msk [tilespmem:v11+s23+$0x0], $0xffff;
	v8 =	vadd.f32 v8, v19  }
0x2c4: {  	v23 =	vld.idx.msk [tilespmem:v16+s23+$0x0], $0xffff;
	v19 =	vmul.f32 v21, v13  }
0x2c5: {  	v15 =	vmul.f32 v15, v5;
	v21 =	vld.idx.msk [tilespmem:v12+s29+$0x0], $0xffff;
	(erf) = vrcp.f32 v8  }
0x2c6: {  	v18 =	vmul.f32 v18, v6;
	v8 =	vld.idx.msk [tilespmem:v16+s28+$0x0], $0xffff;
	v19 =	vadd.f32 v22, v19  }
0x2c7: {  	v20 =	vadd.f32 v20, v15;
	v4 =	vmul.f32 v4, v7;
	v22 =	vld.idx.msk [tilespmem:v11+s29+$0x0], $0xffff  }
0x2c8: {  	v15 =	vld.idx.msk [tilespmem:v16+s29+$0x0], $0xffff;
	v18 =	vadd.f32 v14, v18;
	v27 =	vmul.f32 v19, v13  }
0x2c9: {  	v19 =	vadd.f32 v23, v4;
	v4 =	vmul.f32 v24, v20;
	v23 =	vld.idx.msk [tilespmem:v11+s30+$0x0], $0xffff  }
0x2ca: {  	v24 =	vmul.f32 v25, v18;
	v25 =	vld.idx.msk [tilespmem:v16+s30+$0x0], $0xffff;
	v14 =	vadd.f32 v27, v26  }
0x2cb: {  	s5 =	simm.s32 $0x40;
	s7 =	simm.s32 $0x80;
	vm5 =	veq.f32 v1, v9;
	vm2 =	veq.f32 v2, v7;
	v26 =	vld.idx.msk [tilespmem:v12+s31+$0x0], $0xffff;
	v4 =	vadd.f32 v21, v4  }
0x2cc: {  	s17 =	sand.u32 $0x40, s5;
	s18 =	sand.u32 $0x7F00, s7;
	vm0 =	veq.f32 v17, v5;
	v27 =	vld.idx.msk [tilespmem:v11+s31+$0x0], $0xffff;
	v8 =	vmul.f32 v8, v19;
	v5 =	vadd.f32 v22, v24  }
0x2cd: {  	s4 =	sor.u32 s17, s18;
	vm1 =	veq.f32 v3, v6;
	v22 =	vld.idx.msk [tilespmem:v16+s31+$0x0], $0xffff;
	v21 =	vadd.f32 $9.999999930e-09, v14;
	v6 =	vmul.f32 v4, v20  }
0x2ce: {  	v54 =	vmul.f32 v36, v20;
	v4 =	vld [tilespmem:s4+$0x1030];
	v8 =	vadd.f32 v15, v8;
	v5 =	vmul.f32 v5, v18;
	v14 =	vpop (erf)  }
0x2cf: {  	v53 =	vld.idx.msk [tilespmem:v16+s25+$0x0], $0xffff;
	v56 =	vmul.f32 v39, v18;
	v24 =	vadd.f32 v6, v28;
	v15 =	vmul.f32 v21, v14  }
0x2d0: {  	v34 =	vld.idx.msk [tilespmem:v16+s3+$0x0], $0xffff;
	v7 =	vmul.f32 v8, v19;
	v8 =	vadd.f32 v5, v23;
	v23 =	vmul.f32 v26, v20  }
0x2d1: {  	vm6 =	vmmov vm0;
	v55 =	vld.idx.msk [tilespmem:v12+s26+$0x0], $0xffff;
	v27 =	vmul.f32 v27, v18;
	v15 =	vmul.f32 v15, v14  }
0x2d2: {  	v6 =	vld [tilespmem:s4+$0x1000];
	(erf) = vrcp.f32 v24;
	v24 =	vmul.f32 v22, v19;
	v25 =	vadd.f32 v7, v25  }
0x2d3: {  	v21 =	vld.idx.msk [tilespmem:v12+s3+$0x0], $0xffff;
	(erf) = vrcp.f32 v8;
	v8 =	vmax.f32 v4, $-3.000000000e+00;
	v26 =	vand.u32 $0x7FFFFF, v15  }
0x2d4: {  	v5 =	vld [tilespmem:s4+$0x1010];
	v27 =	vadd.f32 v32, v27;
	v32 =	vmul.f32 v53, v19;
	v26 =	vor.u32 $0x3F800000, v26  }
0x2d5: {  	v7 =	vld [tilespmem:s4+$0x1020];
	v8 =	vmin.f32 v8, $3.000000000e+00;
	v24 =	vadd.f32 v34, v24;
	v26 =	vadd.f32 $-1.000000000e+00, v26  }
0x2d6: {  	v34 =	vadd.f32 v55, v54;
	v54 =	vmul.f32 v63, v13;
	v29 =	vmul.f32 $3.412500000e+02, v8  }
0x2d7: {  	vm0 =	vmmov vm2;
	v9 =	vld.idx.msk [tilespmem:v16+s26+$0x0], $0xffff;
	(erf) = vrcp.f32 v25;
	v25 =	vmul.f32 $3.044900480e-02, v26  }
0x2d8: {  	v28 =	vadd.f32 v21, v23;
	v21 =	vmax.f32 v6, $-3.000000000e+00;
	v29 =	vadd.f32 $1.023750000e+03, v29  }
0x2d9: {  	v23 =	vmin.f32 v21, $3.000000000e+00;
	v21 =	vmax.f32 v5, $-3.000000000e+00;
	v25 =	vadd.f32 $-1.315818280e-01, v25  }
0x2da: {  	v27 =	vmul.f32 v27, v18;
	v22 =	vmin.f32 v21, $3.000000000e+00;
	v21 =	vmax.f32 v7, $-3.000000000e+00  }
0x2db: {  	v29 =	vtrunc.f32 v29;
	v21 =	vmin.f32 v21, $3.000000000e+00;
	v25 =	vmul.f32 v25, v26  }
0x2dc: {  	v32 =	vadd.f32 v9, v32;
	v29 =	vcvt.f32.s32 v29;
	v33 =	vmul.f32 $3.412500000e+02, v21  }
0x2dd: {  	v37 =	vld.idx.msk [tilespmem:v11+s0+$0x0], $0xffff;
	v24 =	vmul.f32 v24, v19;
	v30 =	vmul.f32 $3.412500000e+02, v23;
	v25 =	vadd.f32 $2.852726880e-01, v25  }
0x2de: {  	v15 =	vcvt.s32.f32 v15;
	v31 =	vmul.f32 $3.412500000e+02, v22;
	v33 =	vadd.f32 $1.023750000e+03, v33  }
0x2df: {  	v40 =	vld.idx.msk [tilespmem:v16+s0+$0x0], $0xffff;
	v19 =	vmul.f32 v32, v19;
	v30 =	vadd.f32 $1.023750000e+03, v30;
	v25 =	vmul.f32 v25, v26  }
0x2e0: {  	v35 =	vld.idx.msk [tilespmem:v12+s0+$0x0], $0xffff;
	v28 =	vmul.f32 v28, v20;
	v31 =	vadd.f32 $1.023750000e+03, v31;
	v33 =	vtrunc.f32 v33  }
0x2e1: {  	v30 =	vtrunc.f32 v30;
	v33 =	vcvt.f32.s32 v33;
	v25 =	vadd.f32 $-4.902307090e-01, v25  }
0x2e2: {  	v27 =	vadd.f32 v27, v37;
	v31 =	vtrunc.f32 v31;
	v30 =	vcvt.f32.s32 v30;
	v29 =	vld.idx.msk [tilespmem:v29+s19+$0x0], $0xffff  }
0x2e3: {  	vm1 =	vmmov vm1;
	v31 =	vcvt.f32.s32 v31;
	v25 =	vmul.f32 v25, v26  }
0x2e4: {  	v24 =	vadd.f32 v24, v40;
	v15 =	vmul.f32 $8.262958320e-08, v15;
	v27 =	vadd.f32 $9.999999930e-09, v27  }
0x2e5: {  	v57 =	vld.idx.msk [tilespmem:v11+s26+$0x0], $0xffff;
	vm2 =	vge.f32 v23, $3.000000000e+00;
	v28 =	vadd.f32 v28, v35;
	v25 =	vadd.f32 $3.060882990e-01, v25  }
0x2e6: {  	v20 =	vmul.f32 v34, v20;
	vm3 =	vge.f32 v22, $3.000000000e+00;
	v38 =	vsel vm2, $0x1, v0  }
0x2e7: {  	vm2 =	veq.f32 v6, v23;
	v28 =	vadd.f32 $9.999999930e-09, v28;
	v33 =	vld.idx.msk [tilespmem:v33+s19+$0x0], $0xffff;
	v26 =	vmul.f32 v25, v26  }
0x2e8: {  	v15 =	vadd.f32 $-8.802969360e+01, v15;
	v40 =	vadd.f32 $9.999999930e-09, v24;
	vm4 =	vge.f32 v21, $3.000000000e+00;
	v37 =	vpop (erf);
	v30 =	vld.idx.msk [tilespmem:v30+s19+$0x0], $0xffff  }
0x2e9: {  	v41 =	vsel vm3, $0x1, v0;
	v28 =	vmul.f32 v28, v37;
	v31 =	vld.idx.msk [tilespmem:v31+s19+$0x0], $0xffff;
	v26 =	vadd.f32 $9.975032300e-06, v26  }
0x2ea: {  	vm3 =	veq.f32 v5, v22;
	v35 =	vadd.f32 v57, v56;
	v42 =	vsel vm4, $0x1, v0;
	v43 =	vld.idx.msk [tilespmem:v29+s22+$0x0], $0xffff  }
0x2eb: {  	v20 =	vmul.f32 v37, v20;
	v28 =	vmul.f32 v28, v37;
	v25 =	vpop (erf);
	v15 =	vadd.f32 v26, v15  }
0x2ec: {  	vm4 =	veq.f32 v7, v21;
	v18 =	vmul.f32 v35, v18;
	v27 =	vmul.f32 v27, v25  }
0x2ed: {  	v59 =	vcvt.s32.f32 v28;
	v28 =	vand.u32 $0x7FFFFF, v28;
	v24 =	vpop (erf);
	v26 =	vnsel vm5, $0x0, v15;
	v15 =	vld.idx.msk [tilespmem:v29+s21+$0x0], $0xffff  }
0x2ee: {  	v28 =	vor.u32 $0x3F800000, v28;
	v58 =	vmul.f32 v40, v24;
	v27 =	vmul.f32 v27, v25  }
0x2ef: {  	v28 =	vadd.f32 $-1.000000000e+00, v28;
	v39 =	vmul.f32 $8.262958320e-08, v59;
	vm8 =	vge.f32 v8, v43;
	v61 =	vld.idx.msk [tilespmem:v33+s22+$0x0], $0xffff  }
0x2f0: {  	v45 =	vld.idx.msk [tilespmem:v30+s21+$0x0], $0xffff;
	v36 =	vmul.f32 v58, v24;
	v60 =	vcvt.s32.f32 v27;
	v27 =	vand.u32 $0x7FFFFF, v27  }
0x2f1: {  	v47 =	vmul.f32 $3.044900480e-02, v28;
	v46 =	vld.idx.msk [tilespmem:v31+s21+$0x0], $0xffff;
	v62 =	vsel vm8, $0x1, v0;
	v27 =	vor.u32 $0x3F800000, v27  }
0x2f2: {  	v48 =	vld.idx.msk [tilespmem:v33+s21+$0x0], $0xffff;
	v44 =	vand.u32 $0x7FFFFF, v36;
	v27 =	vadd.f32 $-1.000000000e+00, v27;
	vm7 =	vlt.f32 v8, v15  }
0x2f3: {  	v44 =	vor.u32 $0x3F800000, v44;
	v15 =	vld.idx.msk [tilespmem:v30+s22+$0x0], $0xffff;
	v9 =	vsel vm7, $0xFFFFFFFF, v0;
	vm7 =	vge.f32 v8, $3.000000000e+00  }
0x2f4: {  	vm9 =	vge.f32 v21, v61;
	v9 =	vadd.s32 v9, v29;
	v29 =	vsel vm7, $0x1, v0  }
0x2f5: {  	v51 =	vld.idx.msk [tilespmem:v31+s22+$0x0], $0xffff;
	v44 =	vadd.f32 $-1.000000000e+00, v44;
	vm7 =	vlt.f32 v23, v45;
	v9 =	vadd.s32 v29, v9  }
0x2f6: {  	v29 =	vsel vm7, $0xFFFFFFFF, v0;
	vm7 =	vlt.f32 v22, v46;
	v9 =	vadd.s32 v62, v9  }
0x2f7: {  	v50 =	vmul.f32 $3.044900480e-02, v44;
	v29 =	vadd.s32 v29, v30;
	v30 =	vsel vm7, $0xFFFFFFFF, v0  }
0x2f8: {  	vm7 =	vlt.f32 v21, v48;
	vm15 =	vge.f32 v23, v15;
	v15 =	vadd.s32 v30, v31;
	v31 =	vld.idx.msk [tilespmem:v12+s24+$0x0], $0xffff  }
0x2f9: {  	v49 =	vmul.f32 $3.044900480e-02, v27;
	v30 =	vsel vm7, $0xFFFFFFFF, v0;
	v12 =	vadd.s32 v38, v29;
	v38 =	vld.idx.msk [tilespmem:v11+s24+$0x0], $0xffff  }
0x2fa: {  	v56 =	vadd.f32 $-1.315818280e-01, v50;
	vm7 =	vge.f32 v22, v51;
	v29 =	vadd.s32 v30, v33;
	v30 =	vld.idx.msk [tilespmem:v10+s26+$0x0], $0xffff  }
0x2fb: {  	v51 =	vsel vm9, $0x1, v0;
	v11 =	vsel vm15, $0x1, v0;
	v29 =	vadd.s32 v42, v29;
	v52 =	vld.idx.msk [tilespmem:v9+s6+$0x0], $0xffff  }
0x2fc: {  	v46 =	vadd.s32 v41, v15;
	v15 =	vadd.s32 v11, v12;
	v11 =	vadd.s32 v51, v29;
	v29 =	vld.idx.msk [tilespmem:v16+s24+$0x0], $0xffff  }
0x2fd: {  	v53 =	vadd.f32 $-1.315818280e-01, v49;
	v48 =	vsel vm7, $0x1, v0;
	v16 =	vadd.f32 $-1.315818280e-01, v47;
	v55 =	vld.idx.msk [tilespmem:v9+s23+$0x0], $0xffff  }
0x2fe: {  	v25 =	vmul.f32 v25, v18;
	v58 =	vmul.f32 v56, v44;
	v12 =	vadd.s32 v48, v46;
	v46 =	vld.idx.msk [tilespmem:v10+s24+$0x0], $0xffff  }
0x2ff: {  	v34 =	vadd.f32 $-8.802969360e+01, v39;
	v57 =	vld.idx.msk [tilespmem:v9+s28+$0x0], $0xffff;
	v10 =	vmul.f32 v16, v28;
	v16 =	vmul.f32 v53, v27  }
0x300: {  	v36 =	vcvt.s32.f32 v36;
	v62 =	vadd.f32 $2.852726880e-01, v58;
	v59 =	vld.idx.msk [tilespmem:v9+s29+$0x0], $0xffff;
	v43 =	vmul.f32 v52, v8  }
0x301: {  	v40 =	vmul.f32 $8.262958320e-08, v60;
	v50 =	vld.idx.msk [tilespmem:v9+s31+$0x0], $0xffff;
	v60 =	vadd.f32 $2.852726880e-01, v10;
	v16 =	vadd.f32 $2.852726880e-01, v16  }
0x302: {  	v32 =	vmul.f32 v62, v44;
	v30 =	vadd.f32 v30, v54;
	v61 =	vld.idx.msk [tilespmem:v15+s6+$0x0], $0xffff;
	v10 =	vadd.f32 v55, v43  }
0x303: {  	v20 =	vadd.f32 v20, v31;
	v49 =	vld.idx.msk [tilespmem:v15+s23+$0x0], $0xffff;
	v45 =	vmul.f32 v60, v28;
	v16 =	vmul.f32 v16, v27  }
0x304: {  	v32 =	vadd.f32 $-4.902307090e-01, v32;
	v48 =	vld.idx.msk [tilespmem:v11+s6+$0x0], $0xffff;
	v30 =	vmul.f32 v30, v13;
	v33 =	vmul.f32 v57, v10  }
0x305: {  	v36 =	vmul.f32 $8.262958320e-08, v36;
	v13 =	vld.idx.msk [tilespmem:v9+s30+$0x0], $0xffff;
	v39 =	vadd.f32 $-4.902307090e-01, v45;
	v16 =	vadd.f32 $-4.902307090e-01, v16  }
0x306: {  	v63 =	vld.idx.msk [tilespmem:v12+s6+$0x0], $0xffff;
	v31 =	vmul.f32 v32, v44;
	v30 =	vmul.f32 v14, v30;
	v33 =	vadd.f32 v59, v33  }
0x307: {  	v40 =	vadd.f32 $-8.802969360e+01, v40;
	v54 =	vld.idx.msk [tilespmem:v11+s23+$0x0], $0xffff;
	v39 =	vmul.f32 v39, v28;
	v16 =	vmul.f32 v16, v27  }
0x308: {  	v51 =	vld.idx.msk [tilespmem:v12+s23+$0x0], $0xffff;
	v31 =	vadd.f32 $3.060882990e-01, v31;
	v23 =	vmul.f32 v61, v23;
	v33 =	vmul.f32 v33, v10  }
0x309: {  	v52 =	vld.idx.msk [tilespmem:v9+s3+$0x0], $0xffff;
	v21 =	vmul.f32 v48, v21;
	v53 =	vadd.f32 $3.060882990e-01, v39;
	v55 =	vadd.f32 $3.060882990e-01, v16  }
0x30a: {  	v56 =	vld.idx.msk [tilespmem:v15+s28+$0x0], $0xffff;
	v16 =	vadd.f32 v49, v23;
	v23 =	vmul.f32 v31, v44;
	v13 =	vadd.f32 v33, v13  }
0x30b: {  	v36 =	vadd.f32 $-8.802969360e+01, v36;
	v58 =	vld.idx.msk [tilespmem:v11+s28+$0x0], $0xffff;
	v28 =	vmul.f32 v53, v28;
	v18 =	vmul.f32 v55, v27  }
0x30c: {  	v57 =	vld.idx.msk [tilespmem:v12+s28+$0x0], $0xffff;
	v14 =	vadd.f32 v54, v21;
	v27 =	vmul.f32 v50, v10;
	(erf) = vrcp.f32 v13  }
0x30d: {  	[tilespmem:s1+$0x11030] =	vst v26;
	v22 =	vmul.f32 v63, v22;
	v31 =	vld.idx.msk [tilespmem:v9+s0+$0x0], $0xffff;
	v21 =	vadd.f32 v25, v38;
	v26 =	vadd.f32 $9.975032300e-06, v23  }
0x30e: {  	v19 =	vmul.f32 v24, v19;
	v59 =	vld.idx.msk [tilespmem:v15+s29+$0x0], $0xffff;
	v28 =	vadd.f32 $9.975032300e-06, v28;
	v24 =	vadd.f32 v52, v27  }
0x30f: {  	v17 =	vsel vm6, v20, v17;
	v25 =	vld.idx.msk [tilespmem:v11+s30+$0x0], $0xffff;
	v13 =	vadd.f32 v51, v22;
	v22 =	vadd.f32 $9.975032300e-06, v18  }
0x310: {  	v61 =	vmul.f32 v56, v16;
	v18 =	vld.idx.msk [tilespmem:v12+s29+$0x0], $0xffff;
	v60 =	vadd.f32 v28, v34;
	v20 =	vmul.f32 v24, v10  }
0x311: {  	v23 =	vld.idx.msk [tilespmem:v15+s30+$0x0], $0xffff;
	v63 =	vadd.f32 v26, v36;
	v62 =	vadd.f32 v22, v40;
	v28 =	vmul.f32 v57, v13  }
0x312: {  	[tilespmem:s1+$0x9000] =	vst v17;
	v27 =	vld.idx.msk [tilespmem:v11+s29+$0x0], $0xffff;
	v31 =	vadd.f32 v20, v31;
	v20 =	vnsel vm6, $0x0, v60;
	v22 =	vadd.f32 v19, v29  }
0x313: {  	v26 =	vld.idx.msk [tilespmem:v15+s31+$0x0], $0xffff;
	v29 =	vmul.f32 v58, v14;
	[tilespmem:s1+$0x11000] =	vst v20;
	v20 =	vadd.f32 v30, v46;
	v17 =	vnsel vm1, $0x0, v62  }
0x314: {  	v24 =	vld.idx.msk [tilespmem:v12+s30+$0x0], $0xffff;
	v19 =	vnsel vm0, $0x0, v63;
	v30 =	vadd.f32 v59, v61;
	v31 =	vadd.f32 $9.999999930e-09, v31;
	[tilespmem:s1+$0x11010] =	vst v17  }
.LBB2_24:
0x315: {  	v32 =	vld.idx.msk [tilespmem:v12+s31+$0x0], $0xffff;
	v17 =	vadd.f32 v18, v28;
	v18 =	vpop (erf)  }
0x316: {  	s5 =	sadd.s32 $0x40, s5;
	s7 =	sadd.s32 $0x80, s7;
	v21 =	vsel vm1, v21, v3;
	v22 =	vsel vm0, v22, v2;
	v3 =	vmovc v5;
	v2 =	vmovc v7;
	vm6 =	vmmov vm2  }
0x317: {  	v7 =	vadd.f32 v27, v29;
	s2 =	sand.u32 $0x40, s5;
	s8 =	sand.u32 $0x7F00, s7;
	v5 =	vmul.f32 v30, v16;
	v28 =	vld.idx.msk [tilespmem:v11+s31+$0x0], $0xffff;
	v27 =	vmul.f32 v31, v18  }
0x318: {  	p0 =	slt.u32 s5, $0x3FC0;
	s2 =	sor.u32 s2, s8;
	v29 =	vld.idx.msk [tilespmem:v15+s3+$0x0], $0xffff;
	v30 =	vmul.f32 v17, v13;
	[tilespmem:s1+$0x11020] =	vst v19;
	v19 =	vsel vm5, v20, v1;
	v1 =	vmov v4  }
0x319: {  	v7 =	vmul.f32 v7, v14;
	v4 =	vld [tilespmem:s2+$0x1030];
	v20 =	vadd.f32 v5, v23;
	v31 =	vmul.f32 v27, v18;
	[tilespmem:s1+$0x9010] =	vst v21  }
0x31a: {  	vm1 =	vmmov vm3;
	vm0 =	vmmov vm4;
	v17 =	vld [tilespmem:s2+$0x1000];
	v21 =	vadd.f32 v30, v24;
	[tilespmem:s1+$0x9020] =	vst v22  }
0x31b: {  	v22 =	vmul.f32 v26, v16;
	v23 =	vadd.f32 v7, v25;
	v5 =	vld [tilespmem:s2+$0x1010];
	v24 =	vand.u32 $0x7FFFFF, v31;
	[tilespmem:s1+$0x9030] =	vst v19;
	s1 =	smov.u32 s4;
	s4 =	smov.u32 s2  }
0x31c: {  	v19 =	vmul.f32 v32, v13;
	v7 =	vld [tilespmem:s4+$0x1020];
	v24 =	vor.u32 $0x3F800000, v24;
	(erf) = vrcp.f32 v20  }
0x31d: {  	v30 =	vmul.f32 v28, v14;
	v26 =	vld.idx.msk [tilespmem:v12+s3+$0x0], $0xffff;
	v32 =	vadd.f32 $-1.000000000e+00, v24;
	(erf) = vrcp.f32 v21  }
0x31e: {  	v29 =	vadd.f32 v29, v22;
	v20 =	vmax.f32 v4, $-3.000000000e+00;
	v33 =	vld.idx.msk [tilespmem:v11+s3+$0x0], $0xffff;
	(erf) = vrcp.f32 v23  }
0x31f: {  	v21 =	vmax.f32 v17, $-3.000000000e+00;
	v34 =	vmin.f32 v20, $3.000000000e+00;
	v35 =	vld.idx.msk [tilespmem:v15+s0+$0x0], $0xffff;
	v20 =	vmul.f32 $3.044900480e-02, v32  }
0x320: {  	v21 =	vmin.f32 v21, $3.000000000e+00;
	v22 =	vmax.f32 v5, $-3.000000000e+00;
	v24 =	vmul.f32 $3.412500000e+02, v34;
	v36 =	vld.idx.msk [tilespmem:v12+s0+$0x0], $0xffff  }
0x321: {  	v22 =	vmin.f32 v22, $3.000000000e+00;
	v23 =	vmax.f32 v7, $-3.000000000e+00;
	v37 =	vld.idx.msk [tilespmem:v11+s0+$0x0], $0xffff;
	v20 =	vadd.f32 $-1.315818280e-01, v20  }
0x322: {  	v25 =	vmul.f32 $3.412500000e+02, v21;
	v23 =	vmin.f32 v23, $3.000000000e+00;
	v24 =	vadd.f32 $1.023750000e+03, v24;
	v38 =	vld.idx.msk [tilespmem:v15+s25+$0x0], $0xffff  }
0x323: {  	vm2 =	vge.f32 v21, $3.000000000e+00;
	v44 =	vmul.f32 $3.412500000e+02, v22;
	v39 =	vld.idx.msk [tilespmem:v12+s25+$0x0], $0xffff;
	v20 =	vmul.f32 v20, v32  }
0x324: {  	v46 =	vadd.f32 $1.023750000e+03, v25;
	v28 =	vmul.f32 $3.412500000e+02, v23;
	v24 =	vtrunc.f32 v24;
	v40 =	vld.idx.msk [tilespmem:v11+s25+$0x0], $0xffff  }
0x325: {  	v41 =	vadd.f32 $1.023750000e+03, v44;
	v42 =	vcvt.f32.s32 v24;
	v43 =	vld.idx.msk [tilespmem:v15+s26+$0x0], $0xffff;
	v20 =	vadd.f32 $2.852726880e-01, v20;
	v27 =	vpop (erf)  }
0x326: {  	vm3 =	vge.f32 v22, $3.000000000e+00;
	v44 =	vtrunc.f32 v46;
	v28 =	vadd.f32 $1.023750000e+03, v28;
	v45 =	vld.idx.msk [tilespmem:v12+s26+$0x0], $0xffff;
	v25 =	vpop (erf)  }
0x327: {  	vm4 =	vge.f32 v23, $3.000000000e+00;
	v41 =	vtrunc.f32 v41;
	v46 =	vld.idx.msk [tilespmem:v11+s26+$0x0], $0xffff;
	v47 =	vmul.f32 v20, v32;
	v24 =	vpop (erf)  }
0x328: {  	v48 =	vsel vm2, $0x1, v0;
	v44 =	vcvt.f32.s32 v44;
	v20 =	vtrunc.f32 v28;
	v28 =	vld.idx.msk [tilespmem:v15+s24+$0x0], $0xffff  }
0x329: {  	v15 =	vcvt.f32.s32 v41;
	v41 =	vcvt.f32.s32 v20;
	v20 =	vld.idx.msk [tilespmem:v12+s24+$0x0], $0xffff;
	v12 =	vadd.f32 $-4.902307090e-01, v47  }
0x32a: {  	v26 =	vadd.f32 v26, v19;
	v49 =	vsel vm4, $0x1, v0;
	v47 =	vsel vm3, $0x1, v0;
	v19 =	vld.idx.msk [tilespmem:v11+s24+$0x0], $0xffff  }
0x32b: {  	v29 =	vmul.f32 v29, v16;
	v30 =	vadd.f32 v33, v30;
	v11 =	vld.idx.msk [tilespmem:v42+s19+$0x0], $0xffff;
	v12 =	vmul.f32 v12, v32  }
0x32c: {  	vm2 =	veq.f32 v17, v21;
	v26 =	vmul.f32 v26, v13;
	v33 =	vmul.f32 v38, v16  }
0x32d: {  	v31 =	vcvt.s32.f32 v31;
	v30 =	vmul.f32 v30, v14;
	v12 =	vadd.f32 $3.060882990e-01, v12  }
0x32e: {  	v29 =	vadd.f32 v29, v35;
	v26 =	vadd.f32 v26, v36;
	v35 =	vmul.f32 v39, v13;
	v38 =	vld.idx.msk [tilespmem:v44+s19+$0x0], $0xffff  }
0x32f: {  	v31 =	vmul.f32 $8.262958320e-08, v31;
	v30 =	vadd.f32 v30, v37;
	v15 =	vld.idx.msk [tilespmem:v15+s19+$0x0], $0xffff;
	v12 =	vmul.f32 v12, v32  }
0x330: {  	v29 =	vadd.f32 $9.999999930e-09, v29;
	v26 =	vadd.f32 $9.999999930e-09, v26;
	v36 =	vmul.f32 v40, v14;
	v32 =	vld.idx.msk [tilespmem:v41+s19+$0x0], $0xffff  }
0x331: {  	v31 =	vadd.f32 $-8.802969360e+01, v31;
	vm3 =	veq.f32 v5, v22;
	v12 =	vadd.f32 $9.975032300e-06, v12  }
0x332: {  	v29 =	vmul.f32 v29, v27;
	v37 =	vmul.f32 v26, v25;
	v26 =	vadd.f32 $9.999999930e-09, v30  }
0x333: {  	vm4 =	veq.f32 v7, v23;
	v33 =	vadd.f32 v43, v33;
	v39 =	vld.idx.msk [tilespmem:v11+s21+$0x0], $0xffff;
	v12 =	vadd.f32 v12, v31  }
0x334: {  	vm5 =	veq.f32 v1, v8;
	v29 =	vmul.f32 v29, v27;
	v30 =	vmul.f32 v26, v24;
	v26 =	vld.idx.msk [tilespmem:v9+s24+$0x0], $0xffff  }
0x335: {  	v8 =	vmovc v34;
	v31 =	vadd.f32 v45, v35;
	v35 =	vmul.f32 v37, v25;
	v37 =	vld.idx.msk [tilespmem:v9+s26+$0x0], $0xffff;
	v12 =	vnsel vm5, $0x0, v12  }
0x336: {  	v34 =	vcvt.s32.f32 v29;
	v29 =	vand.u32 $0x7FFFFF, v29;
	v40 =	vmul.f32 v30, v24;
	v41 =	vld.idx.msk [tilespmem:v9+s25+$0x0], $0xffff;
	[tilespmem:s1+$0x11030] =	vst v12  }
0x337: {  	v42 =	vcvt.s32.f32 v35;
	v30 =	vand.u32 $0x7FFFFF, v35;
	v12 =	vor.u32 $0x3F800000, v29;
	v9 =	vld.idx.msk [tilespmem:v11+s22+$0x0], $0xffff  }
0x338: {  	v43 =	vand.u32 $0x7FFFFF, v40;
	v29 =	vadd.f32 $-1.000000000e+00, v12;
	v12 =	vor.u32 $0x3F800000, v30;
	v35 =	vld.idx.msk [tilespmem:v38+s21+$0x0], $0xffff  }
0x339: {  	v40 =	vcvt.s32.f32 v40;
	v30 =	vadd.f32 $-1.000000000e+00, v12;
	v12 =	vor.u32 $0x3F800000, v43;
	v44 =	vld.idx.msk [tilespmem:v15+s21+$0x0], $0xffff  }
0x33a: {  	v36 =	vadd.f32 v46, v36;
	v45 =	vmul.f32 $3.044900480e-02, v29;
	v46 =	vadd.f32 $-1.000000000e+00, v12;
	v43 =	vld.idx.msk [tilespmem:v32+s21+$0x0], $0xffff  }
0x33b: {  	v34 =	vmul.f32 $8.262958320e-08, v34;
	vm7 =	vlt.f32 v8, v39;
	v39 =	vmul.f32 $3.044900480e-02, v30;
	v12 =	vld.idx.msk [tilespmem:v38+s22+$0x0], $0xffff  }
0x33c: {  	v51 =	vsel vm7, $0xFFFFFFFF, v0;
	vm7 =	vge.f32 v8, $3.000000000e+00;
	v52 =	vmul.f32 $3.044900480e-02, v46;
	v50 =	vld.idx.msk [tilespmem:v15+s22+$0x0], $0xffff  }
0x33d: {  	v11 =	vadd.s32 v51, v11;
	vm8 =	vge.f32 v8, v9;
	v9 =	vsel vm7, $0x1, v0;
	v53 =	vld.idx.msk [tilespmem:v32+s22+$0x0], $0xffff  }
0x33e: {  	vm7 =	vlt.f32 v21, v35;
	v35 =	vsel vm8, $0x1, v0;
	v9 =	vadd.s32 v9, v11  }
0x33f: {  	v11 =	vsel vm7, $0xFFFFFFFF, v0;
	vm7 =	vlt.f32 v22, v44;
	v9 =	vadd.s32 v35, v9  }
0x340: {  	v11 =	vadd.s32 v11, v38;
	v35 =	vsel vm7, $0xFFFFFFFF, v0;
	vm7 =	vlt.f32 v23, v43  }
0x341: {  	vm8 =	vge.f32 v21, v12;
	v12 =	vadd.s32 v35, v15;
	v15 =	vsel vm7, $0xFFFFFFFF, v0  }
0x342: {  	v11 =	vadd.s32 v48, v11;
	vm7 =	vge.f32 v22, v50;
	v15 =	vadd.s32 v15, v32  }
0x343: {  	v12 =	vadd.s32 v47, v12;
	vm9 =	vge.f32 v23, v53;
	v32 =	vadd.s32 v49, v15  }
0x344: {  	v15 =	vsel vm8, $0x1, v0;
	v35 =	vsel vm7, $0x1, v0;
	v38 =	vsel vm9, $0x1, v0;
	v43 =	vld.idx.msk [tilespmem:v9+s6+$0x0], $0xffff  }
0x345: {  	v15 =	vadd.s32 v15, v11;
	v12 =	vadd.s32 v35, v12;
	v11 =	vadd.s32 v38, v32  }
0x346: {  	v35 =	vadd.f32 $-1.315818280e-01, v45;
	v38 =	vadd.f32 $-1.315818280e-01, v39;
	v39 =	vmul.f32 v41, v10;
	v32 =	vld.idx.msk [tilespmem:v9+s23+$0x0], $0xffff  }
0x347: {  	v40 =	vmul.f32 $8.262958320e-08, v40;
	v41 =	vmul.f32 $8.262958320e-08, v42;
	v42 =	vadd.f32 $-1.315818280e-01, v52  }
0x348: {  	v35 =	vmul.f32 v35, v29;
	v38 =	vmul.f32 v38, v30;
	v37 =	vadd.f32 v37, v39;
	v44 =	vld.idx.msk [tilespmem:v9+s28+$0x0], $0xffff  }
0x349: {  	v16 =	vmul.f32 v33, v16;
	v33 =	vadd.f32 $-8.802969360e+01, v34;
	v34 =	vmul.f32 v42, v46  }
0x34a: {  	v35 =	vadd.f32 $2.852726880e-01, v35;
	v38 =	vadd.f32 $2.852726880e-01, v38;
	v42 =	vmul.f32 v43, v8;
	v39 =	vld.idx.msk [tilespmem:v9+s29+$0x0], $0xffff  }
0x34b: {  	v14 =	vmul.f32 v36, v14;
	v13 =	vmul.f32 v31, v13;
	v31 =	vadd.f32 $2.852726880e-01, v34;
	v43 =	vld.idx.msk [tilespmem:v15+s6+$0x0], $0xffff  }
0x34c: {  	v35 =	vmul.f32 v35, v29;
	v36 =	vmul.f32 v38, v30;
	v32 =	vadd.f32 v32, v42;
	v34 =	vld.idx.msk [tilespmem:v12+s6+$0x0], $0xffff  }
0x34d: {  	v41 =	vadd.f32 $-8.802969360e+01, v41;
	v37 =	vmul.f32 v37, v10;
	v31 =	vmul.f32 v31, v46;
	v38 =	vld.idx.msk [tilespmem:v11+s6+$0x0], $0xffff  }
0x34e: {  	v35 =	vadd.f32 $-4.902307090e-01, v35;
	v36 =	vadd.f32 $-4.902307090e-01, v36;
	v44 =	vmul.f32 v44, v32;
	v10 =	vmovc v32;
	v42 =	vld.idx.msk [tilespmem:v9+s30+$0x0], $0xffff  }
0x34f: {  	v16 =	vmul.f32 v27, v16;
	v40 =	vadd.f32 $-8.802969360e+01, v40;
	v27 =	vadd.f32 $-4.902307090e-01, v31;
	v32 =	vld.idx.msk [tilespmem:v15+s23+$0x0], $0xffff  }
0x350: {  	v35 =	vmul.f32 v35, v29;
	v36 =	vmul.f32 v36, v30;
	v39 =	vadd.f32 v39, v44;
	v31 =	vld.idx.msk [tilespmem:v9+s31+$0x0], $0xffff  }
0x351: {  	v28 =	vadd.f32 v16, v28;
	v16 =	vmul.f32 v27, v46;
	v21 =	vmul.f32 v43, v21;
	v43 =	vld.idx.msk [tilespmem:v12+s23+$0x0], $0xffff  }
0x352: {  	v35 =	vadd.f32 $3.060882990e-01, v35;
	v22 =	vmul.f32 v34, v22;
	v34 =	vmul.f32 v39, v10;
	v27 =	vld.idx.msk [tilespmem:v9+s3+$0x0], $0xffff  }
0x353: {  	v36 =	vadd.f32 $3.060882990e-01, v36;
	v23 =	vmul.f32 v38, v23;
	v38 =	vadd.f32 $3.060882990e-01, v16;
	v39 =	vld.idx.msk [tilespmem:v11+s23+$0x0], $0xffff  }
0x354: {  	v25 =	vmul.f32 v25, v13;
	v29 =	vmul.f32 v35, v29;
	v34 =	vadd.f32 v34, v42;
	v44 =	vld.idx.msk [tilespmem:v15+s28+$0x0], $0xffff  }
0x355: {  	v30 =	vmul.f32 v36, v30;
	v16 =	vadd.f32 v32, v21;
	v32 =	vmul.f32 v38, v46;
	v21 =	vld.idx.msk [tilespmem:v12+s28+$0x0], $0xffff  }
0x356: {  	v29 =	vadd.f32 $9.975032300e-06, v29;
	v31 =	vmul.f32 v31, v10;
	v35 =	vld.idx.msk [tilespmem:v9+s0+$0x0], $0xffff;
	(erf) = vrcp.f32 v34  }
0x357: {  	v13 =	vadd.f32 v43, v22;
	v22 =	vadd.f32 $9.975032300e-06, v30;
	v30 =	vmul.f32 v24, v14;
	v34 =	vld.idx.msk [tilespmem:v11+s28+$0x0], $0xffff  }
0x358: {  	v24 =	vadd.f32 v27, v31;
	v31 =	vadd.f32 $9.975032300e-06, v32;
	v32 =	vmul.f32 v18, v37;
	v36 =	vld.idx.msk [tilespmem:v15+s29+$0x0], $0xffff  }
0x359: {  	v6 =	vsel vm6, v28, v6;
	v29 =	vadd.f32 v29, v33;
	v14 =	vadd.f32 v39, v23;
	v18 =	vld.idx.msk [tilespmem:v12+s29+$0x0], $0xffff  }
.Ltmp11:
0x35a: {  	v38 =	vadd.f32 v22, v41;
	v33 =	vmul.f32 v44, v16;
	v37 =	vmul.f32 v24, v10;
	v27 =	vld.idx.msk [tilespmem:v11+s29+$0x0], $0xffff;
	(pc) =	sbr.rel @p0 .LBB2_24-.Ltmp11, $4  }
0x35b: {  	v39 =	vadd.f32 v31, v40;
	v28 =	vmul.f32 v21, v13;
	v21 =	vadd.f32 v25, v20;
	v23 =	vld.idx.msk [tilespmem:v15+s30+$0x0], $0xffff  }
0x35c: {  	v22 =	vadd.f32 v30, v19;
	v20 =	vnsel vm6, $0x0, v29;
	v31 =	vadd.f32 v37, v35;
	v24 =	vld.idx.msk [tilespmem:v12+s30+$0x0], $0xffff;
	[tilespmem:s1+$0x9000] =	vst v6  }
0x35d: {  	v29 =	vmul.f32 v34, v14;
	v34 =	vnsel vm1, $0x0, v38;
	v25 =	vld.idx.msk [tilespmem:v11+s30+$0x0], $0xffff;
	[tilespmem:s1+$0x11000] =	vst v20;
	v20 =	vadd.f32 v32, v26  }
0x35e: {  	v19 =	vnsel vm0, $0x0, v39;
	v6 =	vmovc v17;
	v30 =	vadd.f32 v36, v33;
	v31 =	vadd.f32 $9.999999930e-09, v31;
	v26 =	vld.idx.msk [tilespmem:v15+s31+$0x0], $0xffff;
	[tilespmem:s1+$0x11010] =	vst v34  }
0x35f: {  	_ =	sdelay $0x1  }
0x360: {  	v17 =	vpop (erf)  }
0x361: {  	v31 =	vmul.f32 v31, v17  }
0x362: {  	v32 =	vld.idx.msk [tilespmem:v12+s31+$0x0], $0xffff  }
0x363: {  	v33 =	vld.idx.msk [tilespmem:v11+s31+$0x0], $0xffff;
	v31 =	vmul.f32 v31, v17  }
0x364: {  	v18 =	vadd.f32 v18, v28;
	v41 =	vld.idx.msk [tilespmem:v15+s3+$0x0], $0xffff;
	v30 =	vmul.f32 v30, v16  }
0x365: {  	v27 =	vadd.f32 v27, v29;
	v42 =	vld.idx.msk [tilespmem:v12+s3+$0x0], $0xffff;
	v40 =	vand.u32 $0x7FFFFF, v31  }
0x366: {  	v43 =	vld.idx.msk [tilespmem:v11+s3+$0x0], $0xffff;
	v18 =	vmul.f32 v18, v13;
	v23 =	vadd.f32 v30, v23;
	v28 =	vor.u32 $0x3F800000, v40  }
0x367: {  	v45 =	vld.idx.msk [tilespmem:v15+s0+$0x0], $0xffff;
	v27 =	vmul.f32 v27, v14;
	v28 =	vadd.f32 $-1.000000000e+00, v28  }
0x368: {  	v48 =	vld.idx.msk [tilespmem:v12+s0+$0x0], $0xffff;
	v18 =	vadd.f32 v18, v24;
	v26 =	vmul.f32 v26, v16;
	(erf) = vrcp.f32 v23  }
0x369: {  	v49 =	vld.idx.msk [tilespmem:v11+s0+$0x0], $0xffff;
	v25 =	vadd.f32 v27, v25;
	v44 =	vmul.f32 v32, v13;
	v34 =	vmul.f32 $3.044900480e-02, v28  }
0x36a: {  	v3 =	vsel vm1, v21, v3;
	v52 =	vld.idx.msk [tilespmem:v15+s25+$0x0], $0xffff;
	v47 =	vmul.f32 v33, v14;
	(erf) = vrcp.f32 v18  }
0x36b: {  	v54 =	vld.idx.msk [tilespmem:v12+s25+$0x0], $0xffff;
	v26 =	vadd.f32 v41, v26;
	(erf) = vrcp.f32 v25;
	v46 =	vadd.f32 $-1.315818280e-01, v34  }
0x36c: {  	v2 =	vsel vm0, v22, v2;
	v1 =	vsel vm5, v20, v1;
	v58 =	vld.idx.msk [tilespmem:v11+s25+$0x0], $0xffff;
	v23 =	vadd.f32 v42, v44  }
0x36d: {  	v56 =	vld.idx.msk [tilespmem:v15+s26+$0x0], $0xffff;
	v24 =	vadd.f32 v43, v47;
	v26 =	vmul.f32 v26, v16;
	v27 =	vmul.f32 v46, v28  }
0x36e: {  	vm12 =	vmmov vm2;
	vm13 =	vmmov vm3;
	v23 =	vmul.f32 v23, v13  }
0x36f: {  	v37 =	vld.idx.msk [tilespmem:v11+s26+$0x0], $0xffff;
	v24 =	vmul.f32 v24, v14;
	v18 =	vadd.f32 v26, v45;
	v27 =	vadd.f32 $2.852726880e-01, v27  }
0x370: {  	v53 =	vcvt.s32.f32 v31;
	v20 =	vmul.f32 v52, v16;
	v23 =	vadd.f32 v23, v48  }
0x371: {  	v33 =	vmul.f32 v58, v14;
	v24 =	vadd.f32 v24, v49;
	v18 =	vadd.f32 $9.999999930e-09, v18  }
0x372: {  	v62 =	vld.idx.msk [tilespmem:v9+s25+$0x0], $0xffff;
	v40 =	vmul.f32 v54, v13;
	v20 =	vadd.f32 v56, v20;
	v23 =	vadd.f32 $9.999999930e-09, v23;
	v25 =	vpop (erf)  }
0x373: {  	v24 =	vadd.f32 $9.999999930e-09, v24;
	v18 =	vmul.f32 v18, v25;
	v50 =	vmul.f32 v27, v28;
	v27 =	vpop (erf)  }
0x374: {  	v33 =	vadd.f32 v37, v33;
	v44 =	vmul.f32 v20, v16;
	v21 =	vpop (erf);
	v23 =	vmul.f32 v23, v27  }
0x375: {  	vm14 =	vmmov vm4;
	v18 =	vmul.f32 v18, v25;
	v51 =	vmul.f32 v24, v21  }
0x376: {  	vm15 =	veq.f32 v4, v8;
	v56 =	vmul.f32 v33, v14;
	v23 =	vmul.f32 v23, v27  }
0x377: {  	v63 =	vld.idx.msk [tilespmem:v9+s26+$0x0], $0xffff;
	v34 =	vmul.f32 v62, v10;
	v55 =	vand.u32 $0x7FFFFF, v18;
	v22 =	vmul.f32 v51, v21  }
0x378: {  	v16 =	vmul.f32 v25, v44;
	v30 =	vor.u32 $0x3F800000, v55;
	v57 =	vand.u32 $0x7FFFFF, v23  }
0x379: {  	v30 =	vadd.f32 $-1.000000000e+00, v30;
	v32 =	vor.u32 $0x3F800000, v57;
	v59 =	vand.u32 $0x7FFFFF, v22  }
0x37a: {  	v26 =	vadd.f32 $-4.902307090e-01, v50;
	v60 =	vadd.f32 $-1.000000000e+00, v32;
	v61 =	vor.u32 $0x3F800000, v59  }
0x37b: {  	v18 =	vcvt.s32.f32 v18;
	v36 =	vmul.f32 $3.044900480e-02, v30;
	v32 =	vadd.f32 $-1.000000000e+00, v61  }
0x37c: {  	[tilespmem:s1+$0x9020] =	vst v2;
	v2 =	vld.idx.msk [tilespmem:v11+s24+$0x0], $0xffff;
	v31 =	vadd.f32 v63, v34;
	v26 =	vmul.f32 v26, v28;
	v38 =	vmul.f32 $3.044900480e-02, v60  }
0x37d: {  	v24 =	vmul.f32 $8.262958320e-08, v53;
	v36 =	vadd.f32 $-1.315818280e-01, v36;
	v39 =	vmul.f32 $3.044900480e-02, v32  }
0x37e: {  	v18 =	vmul.f32 $8.262958320e-08, v18;
	v11 =	vmul.f32 v21, v56;
	v41 =	vadd.f32 $-1.315818280e-01, v38  }
0x37f: {  	v50 =	vld.idx.msk [tilespmem:v15+s24+$0x0], $0xffff;
	v26 =	vadd.f32 $3.060882990e-01, v26;
	v36 =	vmul.f32 v36, v30;
	v42 =	vadd.f32 $-1.315818280e-01, v39  }
0x380: {  	v24 =	vadd.f32 $-8.802969360e+01, v24;
	v18 =	vadd.f32 $-8.802969360e+01, v18;
	v29 =	vmul.f32 v41, v60  }
0x381: {  	v2 =	vadd.f32 v11, v2;
	v36 =	vadd.f32 $2.852726880e-01, v36;
	v43 =	vmul.f32 v42, v32  }
0x382: {  	v23 =	vcvt.s32.f32 v23;
	v26 =	vmul.f32 v26, v28;
	v45 =	vadd.f32 $2.852726880e-01, v29  }
0x383: {  	v35 =	vld.idx.msk [tilespmem:v12+s26+$0x0], $0xffff;
	v22 =	vcvt.s32.f32 v22;
	v47 =	vmul.f32 v36, v30;
	v46 =	vadd.f32 $2.852726880e-01, v43  }
0x384: {  	v57 =	vadd.f32 v16, v50;
	v2 =	vsel vm14, v2, v7;
	v20 =	vmul.f32 v45, v60  }
0x385: {  	v23 =	vmul.f32 $8.262958320e-08, v23;
	v49 =	vadd.f32 $-4.902307090e-01, v47;
	v48 =	vmul.f32 v46, v32  }
0x386: {  	v59 =	vmul.f32 v31, v10;
	v26 =	vadd.f32 $9.975032300e-06, v26;
	v20 =	vadd.f32 $-4.902307090e-01, v20  }
0x387: {  	[tilespmem:s1+$0x9030] =	vst v1;
	v22 =	vmul.f32 $8.262958320e-08, v22;
	v29 =	vmul.f32 v49, v30;
	v8 =	vadd.f32 $-4.902307090e-01, v48  }
0x388: {  	v1 =	vld.idx.msk [tilespmem:v9+s24+$0x0], $0xffff;
	v24 =	vadd.f32 v26, v24;
	v26 =	vadd.f32 v35, v40;
	v20 =	vmul.f32 v20, v60  }
0x389: {  	[tilespmem:s1+$0x9010] =	vst v3;
	v3 =	vld.idx.msk [tilespmem:v12+s24+$0x0], $0xffff;
	v6 =	vsel vm12, v57, v6;
	v29 =	vadd.f32 $3.060882990e-01, v29;
	v8 =	vmul.f32 v8, v32  }
0x38a: {  	v53 =	vadd.f32 $-8.802969360e+01, v23;
	v51 =	vmul.f32 v26, v13;
	v20 =	vadd.f32 $3.060882990e-01, v20  }
0x38b: {  	v62 =	vmul.f32 v17, v59;
	v52 =	vmul.f32 v29, v30;
	v8 =	vadd.f32 $3.060882990e-01, v8  }
0x38c: {  	[tilespmem:s1+$0x11020] =	vst v19;
	v54 =	vadd.f32 $-8.802969360e+01, v22;
	v13 =	vmul.f32 v27, v51;
	v20 =	vmul.f32 v20, v60  }
0x38d: {  	[tilespmem:s4+$0x9020] =	vst v2;
	v1 =	vadd.f32 v62, v1;
	v55 =	vadd.f32 $9.975032300e-06, v52;
	v8 =	vmul.f32 v8, v32  }
0x38e: {  	[tilespmem:s4+$0x9000] =	vst v6;
	v24 =	vnsel vm15, $0x0, v24;
	v3 =	vadd.f32 v13, v3;
	v58 =	vadd.f32 $9.975032300e-06, v20  }
0x38f: {  	[tilespmem:s4+$0x11030] =	vst v24;
	v1 =	vsel vm15, v1, v4;
	v60 =	vadd.f32 v55, v18;
	v8 =	vadd.f32 $9.975032300e-06, v8  }
0x390: {  	[tilespmem:s4+$0x9030] =	vst v1;
	v3 =	vsel vm13, v3, v5;
	v61 =	vadd.f32 v58, v53  }
0x391: {  	[tilespmem:s4+$0x9010] =	vst v3;
	v10 =	vnsel vm12, $0x0, v60;
	v8 =	vadd.f32 v8, v54  }
0x392: {  	[tilespmem:s4+$0x11000] =	vst v10;
	v63 =	vnsel vm13, $0x0, v61  }
0x393: {  	[tilespmem:s4+$0x11010] =	vst v63;
	v8 =	vnsel vm14, $0x0, v8  }
0x394: {  	[tilespmem:s4+$0x11020] =	vst v8  }
0x395: {  	s2 =	simm.s32 $0x10;
	s7 =	rddreg [dreg:$0xb]  }
0x396: {  	s1 =	simm.s32 $0x9000;
	s4 =	simm.s32 $0x9100;
	s5 =	sadd.s32 $0x0, s7  }
.LBB2_26:
0x397: {  	[hbm4b:s5+s6] =	stream.linear.scatter [tilespmem:s1], [sflag:$0x3], $0x80, $0x38;
	[tilespmem:$0x19000] =	vst v63  }
0x398: {  	s5 =	smov.u32 s2;
	s1 =	smov.u32 s4;
	p0 =	sne.s32 s2, $0x7F0  }
.Ltmp12:
0x399: {  	s2 =	sadd.s32 $0x10, s2;
	(pc) =	sbr.rel @p0 .LBB2_26-.Ltmp12, $2  }
0x39a: {  	_ =	sdelay $0x2  }
0x39b: {  	s4 =	sadd.s32 $0x100, s4;
	s5 =	sadd.s32 s5, s7  }
0x39c: {  	[hbm4b:s5+s6] =	stream.linear.scatter [tilespmem:s1], [sflag:$0x3], $0x80, $0x38;
	[tilespmem:$0x19000] =	vst v63  }
0x39d: {  	s1 =	simm.s32 $0x11000  }
0x39e: {  	s2 =	simm.s32 $0x10;
	s5 =	sadd.s32 $0x0, s14;
	s4 =	simm.s32 $0x11100  }
.LBB2_28:
0x39f: {  	[hbm4b:s5+s6] =	stream.linear.scatter [tilespmem:s1], [sflag:$0x5], $0x80, $0x38;
	[tilespmem:$0x19000] =	vst v63  }
0x3a0: {  	s5 =	smov.u32 s2;
	s1 =	smov.u32 s4;
	p0 =	sne.s32 s2, $0x7F0  }
.Ltmp13:
0x3a1: {  	s2 =	sadd.s32 $0x10, s2;
	(pc) =	sbr.rel @p0 .LBB2_28-.Ltmp13, $2  }
0x3a2: {  	_ =	sdelay $0x2  }
0x3a3: {  	s4 =	sadd.s32 $0x100, s4;
	s5 =	sadd.s32 s5, s14  }
0x3a4: {  	[hbm4b:s5+s6] =	stream.linear.scatter [tilespmem:s1], [sflag:$0x5], $0x80, $0x38;
	[tilespmem:$0x19000] =	vst v63  }
0x3a5: {  	s12 =	simm.s32 $0x2  }
0x3a6: {  	_ =	swait.ge [sflag:s12], $0x4000  }
0x3a7: {  	[sflag:s12] =	ssyncset.done $0x0  }
0x3a8: {  	s2 =	simm.s32 $0x4;
	[sflag:s12] =	ssyncadd.s32 $0xFFFFC000  }
0x3a9: {  	_ =	swait.ge [sflag:s2], $0x4000  }
0x3aa: {  	p0 =	por $0x0, $0x0;
	s1 =	simm.s32 $0x1;
	[sflag:s2] =	ssyncset.done $0x0  }
0x3ab: {  	s13 =	simm.s32 $0x6;
	s1 =	simm.s32 @!p0 $0x0;
	[sflag:s2] =	ssyncadd.s32 $0xFFFFC000  }
0x3ac: {  	s1 =	sshll.u32 s1, $0x6;
	_ =	swait.ge [sflag:s13], $0x4000  }
0x3ad: {  	s17 =	sadd.s32 $0x0, s1;
	[sflag:s13] =	ssyncset.done $0x0  }
0x3ae: {  	s1 =	sor.u32 $0xB0, s17;
	[sflag:s13] =	ssyncadd.s32 $0xFFFFC000  }
0x3af: {  	v1 =	vld [tilespmem:s1+$0x1000];
	_ =	sdelay $0x1  }
0x3b0: {  	s18 =	sor.u32 $0x80, s17  }
0x3b1: {  	s4 =	sor.u32 $0x90, s17;
	v17 =	vld [tilespmem:s18+$0x1000]  }
0x3b2: {  	s5 =	sor.u32 $0xA0, s17;
	v4 =	vld [tilespmem:s4+$0x1000]  }
0x3b3: {  	v3 =	vld [tilespmem:s5+$0x1000];
	v2 =	vmax.f32 v1, $-3.000000000e+00  }
0x3b4: {  	v9 =	vmin.f32 v2, $3.000000000e+00  }
0x3b5: {  	v2 =	vmul.f32 $3.412500000e+02, v9;
	_ =	sdelay $0x1  }
0x3b6: {  	v5 =	vmax.f32 v17, $-3.000000000e+00;
	v2 =	vadd.f32 $1.023750000e+03, v2  }
0x3b7: {  	v6 =	vmax.f32 v4, $-3.000000000e+00;
	v7 =	vmax.f32 v3, $-3.000000000e+00;
	v5 =	vmin.f32 v5, $3.000000000e+00  }
0x3b8: {  	v6 =	vmin.f32 v6, $3.000000000e+00;
	v8 =	vmul.f32 $3.412500000e+02, v5;
	v2 =	vtrunc.f32 v2  }
0x3b9: {  	v7 =	vmin.f32 v7, $3.000000000e+00;
	v10 =	vmul.f32 $3.412500000e+02, v6;
	v2 =	vcvt.f32.s32 v2  }
0x3ba: {  	v11 =	vmul.f32 $3.412500000e+02, v7;
	v8 =	vadd.f32 $1.023750000e+03, v8  }
0x3bb: {  	v10 =	vadd.f32 $1.023750000e+03, v10  }
0x3bc: {  	v11 =	vadd.f32 $1.023750000e+03, v11;
	v8 =	vtrunc.f32 v8  }
0x3bd: {  	v10 =	vtrunc.f32 v10;
	v8 =	vcvt.f32.s32 v8  }
0x3be: {  	v11 =	vtrunc.f32 v11;
	v10 =	vcvt.f32.s32 v10  }
0x3bf: {  	v11 =	vcvt.f32.s32 v11;
	v2 =	vld.idx.msk [tilespmem:v2+s19+$0x0], $0xffff;
	_ =	sdelay $0x3  }
0x3c0: {  	v8 =	vld.idx.msk [tilespmem:v8+s19+$0x0], $0xffff  }
0x3c1: {  	v12 =	vld.idx.msk [tilespmem:v10+s19+$0x0], $0xffff  }
0x3c2: {  	v11 =	vld.idx.msk [tilespmem:v11+s19+$0x0], $0xffff;
	_ =	sdelay $0x1  }
0x3c3: {  	v10 =	vld.idx.msk [tilespmem:v2+s21+$0x0], $0xffff;
	_ =	sdelay $0x1  }
0x3c4: {  	v13 =	vld.idx.msk [tilespmem:v2+s22+$0x0], $0xffff;
	_ =	sdelay $0x1  }
0x3c5: {  	v14 =	vld.idx.msk [tilespmem:v8+s21+$0x0], $0xffff  }
0x3c6: {  	vm0 =	vge.f32 v5, $3.000000000e+00;
	v15 =	vld.idx.msk [tilespmem:v12+s21+$0x0], $0xffff;
	vm1 =	vlt.f32 v9, v10  }
0x3c7: {  	vm2 =	vge.f32 v6, $3.000000000e+00;
	v16 =	vld.idx.msk [tilespmem:v11+s21+$0x0], $0xffff;
	v10 =	vsel vm1, $0xFFFFFFFF, v0;
	vm1 =	vge.f32 v9, $3.000000000e+00  }
0x3c8: {  	v18 =	vld.idx.msk [tilespmem:v8+s22+$0x0], $0xffff;
	vm3 =	vge.f32 v9, v13;
	v2 =	vadd.s32 v10, v2;
	v10 =	vsel vm1, $0x1, v0  }
0x3c9: {  	v20 =	vsel vm0, $0x1, v0;
	v13 =	vld.idx.msk [tilespmem:v12+s22+$0x0], $0xffff;
	v19 =	vsel vm3, $0x1, v0;
	v2 =	vadd.s32 v10, v2  }
0x3ca: {  	vm0 =	vlt.f32 v5, v14;
	vm1 =	vge.f32 v7, $3.000000000e+00;
	v10 =	vadd.s32 v19, v2  }
0x3cb: {  	v14 =	vld.idx.msk [tilespmem:v11+s22+$0x0], $0xffff;
	v2 =	vsel vm2, $0x1, v0;
	v19 =	vsel vm0, $0xFFFFFFFF, v0;
	vm0 =	vlt.f32 v6, v15  }
0x3cc: {  	v15 =	vsel vm1, $0x1, v0;
	v8 =	vadd.s32 v19, v8;
	v19 =	vsel vm0, $0xFFFFFFFF, v0  }
0x3cd: {  	vm1 =	vge.f32 v5, v18;
	vm0 =	vlt.f32 v7, v16;
	v12 =	vadd.s32 v19, v12  }
0x3ce: {  	v16 =	vsel vm0, $0xFFFFFFFF, v0;
	v8 =	vadd.s32 v20, v8;
	vm0 =	vge.f32 v6, v13  }
0x3cf: {  	v11 =	vadd.s32 v16, v11;
	v2 =	vadd.s32 v2, v12;
	v12 =	vsel vm1, $0x1, v0  }
0x3d0: {  	vm1 =	vge.f32 v7, v14;
	v14 =	vsel vm0, $0x1, v0;
	v12 =	vadd.s32 v12, v8;
	v13 =	vld.idx.msk [tilespmem:v10+s6+$0x0], $0xffff  }
0x3d1: {  	v8 =	vadd.s32 v15, v11;
	v15 =	vsel vm1, $0x1, v0;
	v11 =	vadd.s32 v14, v2;
	v2 =	vld.idx.msk [tilespmem:v10+s23+$0x0], $0xffff  }
0x3d2: {  	v16 =	vadd.s32 v15, v8;
	v8 =	vld.idx.msk [tilespmem:v10+s28+$0x0], $0xffff  }
0x3d3: {  	v14 =	vld.idx.msk [tilespmem:v10+s29+$0x0], $0xffff  }
0x3d4: {  	v19 =	vld.idx.msk [tilespmem:v10+s30+$0x0], $0xffff  }
0x3d5: {  	v21 =	vld.idx.msk [tilespmem:v10+s31+$0x0], $0xffff  }
0x3d6: {  	v22 =	vld.idx.msk [tilespmem:v10+s3+$0x0], $0xffff  }
0x3d7: {  	v26 =	vld.idx.msk [tilespmem:v10+s0+$0x0], $0xffff  }
0x3d8: {  	v15 =	vld.idx.msk [tilespmem:v12+s6+$0x0], $0xffff;
	v13 =	vmul.f32 v13, v9  }
0x3d9: {  	v18 =	vld.idx.msk [tilespmem:v11+s6+$0x0], $0xffff  }
0x3da: {  	v20 =	vld.idx.msk [tilespmem:v12+s23+$0x0], $0xffff;
	v13 =	vadd.f32 v2, v13  }
0x3db: {  	v24 =	vld.idx.msk [tilespmem:v12+s28+$0x0], $0xffff  }
0x3dc: {  	v25 =	vld.idx.msk [tilespmem:v11+s28+$0x0], $0xffff;
	v8 =	vmul.f32 v8, v13  }
0x3dd: {  	v28 =	vld.idx.msk [tilespmem:v12+s30+$0x0], $0xffff  }
0x3de: {  	v32 =	vld.idx.msk [tilespmem:v11+s3+$0x0], $0xffff;
	v8 =	vadd.f32 v14, v8  }
0x3df: {  	v36 =	vld.idx.msk [tilespmem:v12+s25+$0x0], $0xffff  }
0x3e0: {  	v39 =	vld.idx.msk [tilespmem:v11+s25+$0x0], $0xffff;
	v8 =	vmul.f32 v8, v13  }
0x3e1: {  	v55 =	vld.idx.msk [tilespmem:v12+s26+$0x0], $0xffff  }
0x3e2: {  	v2 =	vld.idx.msk [tilespmem:v16+s6+$0x0], $0xffff;
	v8 =	vadd.f32 v8, v19  }
0x3e3: {  	v14 =	vld.idx.msk [tilespmem:v11+s23+$0x0], $0xffff;
	v19 =	vmul.f32 v21, v13  }
0x3e4: {  	v23 =	vld.idx.msk [tilespmem:v16+s23+$0x0], $0xffff;
	(erf) = vrcp.f32 v8  }
0x3e5: {  	v15 =	vmul.f32 v15, v5;
	v21 =	vld.idx.msk [tilespmem:v12+s29+$0x0], $0xffff;
	v19 =	vadd.f32 v22, v19  }
0x3e6: {  	v18 =	vmul.f32 v18, v6;
	v8 =	vld.idx.msk [tilespmem:v16+s28+$0x0], $0xffff  }
0x3e7: {  	v20 =	vadd.f32 v20, v15;
	v2 =	vmul.f32 v2, v7;
	v22 =	vld.idx.msk [tilespmem:v11+s29+$0x0], $0xffff;
	v27 =	vmul.f32 v19, v13  }
0x3e8: {  	vm5 =	veq.f32 v1, v9;
	v15 =	vld.idx.msk [tilespmem:v16+s29+$0x0], $0xffff;
	v18 =	vadd.f32 v14, v18  }
0x3e9: {  	s7 =	simm.s32 $0x1;
	p0 =	por !p0, !p0;
	v19 =	vadd.f32 v23, v2;
	v2 =	vmul.f32 v24, v20;
	v23 =	vld.idx.msk [tilespmem:v11+s30+$0x0], $0xffff;
	v14 =	vadd.f32 v27, v26  }
0x3ea: {  	s7 =	simm.s32 @!p0 $0x0;
	vm2 =	veq.f32 v3, v7;
	vm0 =	veq.f32 v17, v5;
	v24 =	vmul.f32 v25, v18;
	v25 =	vld.idx.msk [tilespmem:v16+s30+$0x0], $0xffff  }
0x3eb: {  	s7 =	sshll.u32 s7, $0x6;
	vm1 =	veq.f32 v4, v6;
	v26 =	vld.idx.msk [tilespmem:v12+s31+$0x0], $0xffff;
	v2 =	vadd.f32 v21, v2;
	v8 =	vmul.f32 v8, v19  }
0x3ec: {  	s7 =	sadd.s32 $0x80, s7;
	vm6 =	vmmov vm0;
	v27 =	vld.idx.msk [tilespmem:v11+s31+$0x0], $0xffff;
	v5 =	vadd.f32 v22, v24;
	v21 =	vadd.f32 $9.999999930e-09, v14  }
0x3ed: {  	s9 =	sor.u32 $0xB0, s7;
	v54 =	vmul.f32 v36, v20;
	v22 =	vld.idx.msk [tilespmem:v16+s31+$0x0], $0xffff;
	v6 =	vmul.f32 v2, v20;
	v8 =	vadd.f32 v15, v8;
	v14 =	vpop (erf)  }
0x3ee: {  	vm0 =	vmmov vm2;
	v2 =	vld [tilespmem:s9+$0x1000];
	v5 =	vmul.f32 v5, v18;
	v15 =	vmul.f32 v21, v14  }
0x3ef: {  	v53 =	vld.idx.msk [tilespmem:v16+s25+$0x0], $0xffff;
	v56 =	vmul.f32 v39, v18;
	v24 =	vadd.f32 v6, v28;
	v6 =	vmul.f32 v8, v19  }
0x3f0: {  	v34 =	vld.idx.msk [tilespmem:v16+s3+$0x0], $0xffff;
	v8 =	vadd.f32 v5, v23;
	v23 =	vmul.f32 v26, v20;
	v15 =	vmul.f32 v15, v14  }
0x3f1: {  	s12 =	sor.u32 $0x80, s7;
	vm1 =	vmmov vm1;
	v9 =	vld.idx.msk [tilespmem:v16+s26+$0x0], $0xffff;
	v27 =	vmul.f32 v27, v18;
	(erf) = vrcp.f32 v24  }
0x3f2: {  	v7 =	vld [tilespmem:s12+$0x1000];
	v24 =	vmul.f32 v22, v19;
	v25 =	vadd.f32 v6, v25;
	v26 =	vand.u32 $0x7FFFFF, v15  }
0x3f3: {  	s11 =	sor.u32 $0x90, s7;
	v21 =	vld.idx.msk [tilespmem:v12+s3+$0x0], $0xffff;
	(erf) = vrcp.f32 v8;
	v8 =	vmax.f32 v2, $-3.000000000e+00;
	v26 =	vor.u32 $0x3F800000, v26  }
0x3f4: {  	v5 =	vld [tilespmem:s11+$0x1000];
	v27 =	vadd.f32 v32, v27;
	v32 =	vmul.f32 v53, v19;
	v26 =	vadd.f32 $-1.000000000e+00, v26  }
0x3f5: {  	s7 =	sor.u32 $0xA0, s7;
	v8 =	vmin.f32 v8, $3.000000000e+00;
	v24 =	vadd.f32 v34, v24;
	(erf) = vrcp.f32 v25  }
0x3f6: {  	v6 =	vld [tilespmem:s7+$0x1000];
	v34 =	vadd.f32 v55, v54;
	v29 =	vmul.f32 $3.412500000e+02, v8;
	v25 =	vmul.f32 $3.044900480e-02, v26  }
0x3f7: {  	v27 =	vmul.f32 v27, v18;
	v32 =	vadd.f32 v9, v32;
	v24 =	vmul.f32 v24, v19  }
0x3f8: {  	v28 =	vadd.f32 v21, v23;
	v21 =	vmax.f32 v7, $-3.000000000e+00;
	v25 =	vadd.f32 $-1.315818280e-01, v25  }
0x3f9: {  	v29 =	vadd.f32 $1.023750000e+03, v29;
	v23 =	vmin.f32 v21, $3.000000000e+00;
	v21 =	vmax.f32 v5, $-3.000000000e+00  }
0x3fa: {  	v15 =	vcvt.s32.f32 v15;
	v22 =	vmin.f32 v21, $3.000000000e+00;
	v25 =	vmul.f32 v25, v26  }
0x3fb: {  	v21 =	vmax.f32 v6, $-3.000000000e+00;
	v30 =	vmul.f32 $3.412500000e+02, v23;
	v29 =	vtrunc.f32 v29  }
0x3fc: {  	v35 =	vld.idx.msk [tilespmem:v12+s0+$0x0], $0xffff;
	v21 =	vmin.f32 v21, $3.000000000e+00;
	v31 =	vmul.f32 $3.412500000e+02, v22;
	v25 =	vadd.f32 $2.852726880e-01, v25  }
0x3fd: {  	v37 =	vld.idx.msk [tilespmem:v11+s0+$0x0], $0xffff;
	v29 =	vcvt.f32.s32 v29;
	v30 =	vadd.f32 $1.023750000e+03, v30;
	v33 =	vmul.f32 $3.412500000e+02, v21  }
0x3fe: {  	v40 =	vld.idx.msk [tilespmem:v16+s0+$0x0], $0xffff;
	v19 =	vmul.f32 v32, v19;
	v31 =	vadd.f32 $1.023750000e+03, v31;
	v25 =	vmul.f32 v25, v26  }
0x3ff: {  	v28 =	vmul.f32 v28, v20;
	v30 =	vtrunc.f32 v30;
	v33 =	vadd.f32 $1.023750000e+03, v33  }
0x400: {  	v31 =	vtrunc.f32 v31;
	v30 =	vcvt.f32.s32 v30;
	v25 =	vadd.f32 $-4.902307090e-01, v25  }
0x401: {  	v28 =	vadd.f32 v28, v35;
	v33 =	vtrunc.f32 v33;
	v31 =	vcvt.f32.s32 v31  }
0x402: {  	v27 =	vadd.f32 v27, v37;
	v33 =	vcvt.f32.s32 v33;
	v25 =	vmul.f32 v25, v26  }
0x403: {  	v24 =	vadd.f32 v24, v40;
	v15 =	vmul.f32 $8.262958320e-08, v15;
	v28 =	vadd.f32 $9.999999930e-09, v28;
	v29 =	vld.idx.msk [tilespmem:v29+s19+$0x0], $0xffff  }
0x404: {  	vm2 =	vge.f32 v23, $3.000000000e+00;
	v27 =	vadd.f32 $9.999999930e-09, v27;
	v37 =	vpop (erf);
	v25 =	vadd.f32 $3.060882990e-01, v25  }
0x405: {  	v57 =	vld.idx.msk [tilespmem:v11+s26+$0x0], $0xffff;
	v20 =	vmul.f32 v34, v20;
	vm3 =	vge.f32 v22, $3.000000000e+00;
	v28 =	vmul.f32 v28, v37  }
0x406: {  	v38 =	vsel vm2, $0x1, v0;
	vm2 =	veq.f32 v7, v23;
	v30 =	vld.idx.msk [tilespmem:v30+s19+$0x0], $0xffff;
	v25 =	vmul.f32 v25, v26  }
0x407: {  	v15 =	vadd.f32 $-8.802969360e+01, v15;
	v24 =	vadd.f32 $9.999999930e-09, v24;
	v28 =	vmul.f32 v28, v37;
	v31 =	vld.idx.msk [tilespmem:v31+s19+$0x0], $0xffff  }
0x408: {  	vm4 =	vge.f32 v21, $3.000000000e+00;
	v41 =	vsel vm3, $0x1, v0;
	v33 =	vld.idx.msk [tilespmem:v33+s19+$0x0], $0xffff;
	v58 =	vadd.f32 $9.975032300e-06, v25  }
0x409: {  	vm3 =	veq.f32 v5, v22;
	v60 =	vcvt.s32.f32 v28;
	v28 =	vand.u32 $0x7FFFFF, v28  }
0x40a: {  	v35 =	vadd.f32 v57, v56;
	v28 =	vor.u32 $0x3F800000, v28;
	v26 =	vpop (erf);
	v15 =	vadd.f32 v58, v15  }
0x40b: {  	v42 =	vsel vm4, $0x1, v0;
	v28 =	vadd.f32 $-1.000000000e+00, v28;
	v43 =	vld.idx.msk [tilespmem:v29+s22+$0x0], $0xffff;
	v27 =	vmul.f32 v27, v26;
	v25 =	vpop (erf)  }
0x40c: {  	v39 =	vmul.f32 $8.262958320e-08, v60;
	v59 =	vmul.f32 v24, v25;
	v24 =	vnsel vm5, $0x0, v15;
	v15 =	vld.idx.msk [tilespmem:v29+s21+$0x0], $0xffff  }
0x40d: {  	vm4 =	veq.f32 v6, v21;
	v18 =	vmul.f32 v35, v18;
	v27 =	vmul.f32 v27, v26  }
0x40e: {  	v20 =	vmul.f32 v37, v20;
	v47 =	vmul.f32 $3.044900480e-02, v28;
	v34 =	vadd.f32 $-8.802969360e+01, v39;
	v45 =	vld.idx.msk [tilespmem:v30+s21+$0x0], $0xffff  }
0x40f: {  	v18 =	vmul.f32 v26, v18;
	v46 =	vld.idx.msk [tilespmem:v31+s21+$0x0], $0xffff;
	v61 =	vcvt.s32.f32 v27;
	v27 =	vand.u32 $0x7FFFFF, v27  }
0x410: {  	vm8 =	vge.f32 v8, v43;
	v48 =	vld.idx.msk [tilespmem:v33+s21+$0x0], $0xffff;
	v27 =	vor.u32 $0x3F800000, v27;
	v36 =	vmul.f32 v59, v25  }
0x411: {  	v62 =	vld.idx.msk [tilespmem:v33+s22+$0x0], $0xffff;
	v63 =	vsel vm8, $0x1, v0;
	v27 =	vadd.f32 $-1.000000000e+00, v27;
	vm7 =	vlt.f32 v8, v15  }
0x412: {  	v44 =	vand.u32 $0x7FFFFF, v36;
	v15 =	vld.idx.msk [tilespmem:v30+s22+$0x0], $0xffff;
	v9 =	vsel vm7, $0xFFFFFFFF, v0;
	vm7 =	vge.f32 v8, $3.000000000e+00  }
0x413: {  	v44 =	vor.u32 $0x3F800000, v44;
	v9 =	vadd.s32 v9, v29;
	v29 =	vsel vm7, $0x1, v0  }
0x414: {  	v44 =	vadd.f32 $-1.000000000e+00, v44;
	vm7 =	vlt.f32 v23, v45;
	v9 =	vadd.s32 v29, v9  }
0x415: {  	v51 =	vld.idx.msk [tilespmem:v31+s22+$0x0], $0xffff;
	v29 =	vsel vm7, $0xFFFFFFFF, v0;
	vm7 =	vlt.f32 v22, v46;
	v9 =	vadd.s32 v63, v9  }
0x416: {  	v29 =	vadd.s32 v29, v30;
	v30 =	vsel vm7, $0xFFFFFFFF, v0;
	vm7 =	vlt.f32 v21, v48;
	v48 =	vld.idx.msk [tilespmem:v10+s25+$0x0], $0xffff  }
0x417: {  	vm9 =	vge.f32 v21, v62;
	vm15 =	vge.f32 v23, v15;
	v15 =	vadd.s32 v30, v31;
	v31 =	vld.idx.msk [tilespmem:v12+s24+$0x0], $0xffff  }
0x418: {  	v50 =	vmul.f32 $3.044900480e-02, v44;
	v30 =	vsel vm7, $0xFFFFFFFF, v0;
	v12 =	vadd.s32 v38, v29;
	v38 =	vld.idx.msk [tilespmem:v11+s24+$0x0], $0xffff  }
0x419: {  	v49 =	vmul.f32 $3.044900480e-02, v27;
	v54 =	vsel vm9, $0x1, v0;
	v29 =	vadd.s32 v30, v33;
	v30 =	vld.idx.msk [tilespmem:v10+s26+$0x0], $0xffff  }
0x41a: {  	v58 =	vadd.f32 $-1.315818280e-01, v50;
	vm7 =	vge.f32 v22, v51;
	v52 =	vadd.s32 v41, v15;
	v33 =	vld.idx.msk [tilespmem:v16+s24+$0x0], $0xffff  }
0x41b: {  	v11 =	vsel vm15, $0x1, v0;
	v16 =	vadd.f32 $-1.315818280e-01, v47;
	v29 =	vadd.s32 v42, v29;
	v55 =	vld.idx.msk [tilespmem:v9+s6+$0x0], $0xffff  }
0x41c: {  	v46 =	vld.idx.msk [tilespmem:v10+s24+$0x0], $0xffff;
	v15 =	vadd.s32 v11, v12;
	v11 =	vadd.s32 v54, v29;
	v29 =	vadd.f32 $-1.315818280e-01, v49  }
0x41d: {  	v53 =	vsel vm7, $0x1, v0;
	v59 =	vmul.f32 v58, v44;
	v56 =	vmul.f32 v48, v13;
	v57 =	vld.idx.msk [tilespmem:v9+s23+$0x0], $0xffff  }
0x41e: {  	v12 =	vadd.s32 v53, v52;
	v10 =	vmul.f32 v16, v28;
	v60 =	vld.idx.msk [tilespmem:v9+s29+$0x0], $0xffff;
	v16 =	vmul.f32 v29, v27  }
0x41f: {  	v19 =	vmul.f32 v25, v19;
	v63 =	vadd.f32 $2.852726880e-01, v59;
	v29 =	vadd.f32 v30, v56;
	v30 =	vld.idx.msk [tilespmem:v9+s28+$0x0], $0xffff  }
0x420: {  	v40 =	vmul.f32 $8.262958320e-08, v61;
	v52 =	vld.idx.msk [tilespmem:v9+s31+$0x0], $0xffff;
	v16 =	vadd.f32 $2.852726880e-01, v16;
	v43 =	vmul.f32 v55, v8  }
0x421: {  	v36 =	vcvt.s32.f32 v36;
	v54 =	vld.idx.msk [tilespmem:v9+s3+$0x0], $0xffff;
	v61 =	vadd.f32 $2.852726880e-01, v10;
	v32 =	vmul.f32 v63, v44  }
0x422: {  	v40 =	vadd.f32 $-8.802969360e+01, v40;
	v62 =	vld.idx.msk [tilespmem:v15+s6+$0x0], $0xffff;
	v16 =	vmul.f32 v16, v27;
	v10 =	vadd.f32 v57, v43  }
0x423: {  	v36 =	vmul.f32 $8.262958320e-08, v36;
	v48 =	vld.idx.msk [tilespmem:v12+s6+$0x0], $0xffff;
	v49 =	vmul.f32 v61, v28;
	v32 =	vadd.f32 $-4.902307090e-01, v32  }
0x424: {  	v20 =	vadd.f32 v20, v31;
	v50 =	vld.idx.msk [tilespmem:v11+s6+$0x0], $0xffff;
	v16 =	vadd.f32 $-4.902307090e-01, v16;
	v30 =	vmul.f32 v30, v10  }
0x425: {  	v29 =	vmul.f32 v29, v13;
	v13 =	vld.idx.msk [tilespmem:v9+s30+$0x0], $0xffff;
	v39 =	vadd.f32 $-4.902307090e-01, v49;
	v31 =	vmul.f32 v32, v44  }
0x426: {  	v36 =	vadd.f32 $-8.802969360e+01, v36;
	v51 =	vld.idx.msk [tilespmem:v15+s23+$0x0], $0xffff;
	v16 =	vmul.f32 v16, v27;
	v30 =	vadd.f32 v60, v30  }
0x427: {  	v17 =	vsel vm6, v20, v17;
	v56 =	vld.idx.msk [tilespmem:v11+s23+$0x0], $0xffff;
	v39 =	vmul.f32 v39, v28;
	v31 =	vadd.f32 $3.060882990e-01, v31  }
0x428: {  	v53 =	vld.idx.msk [tilespmem:v12+s23+$0x0], $0xffff;
	v23 =	vmul.f32 v62, v23;
	v57 =	vadd.f32 $3.060882990e-01, v16;
	v30 =	vmul.f32 v30, v10  }
0x429: {  	v58 =	vld.idx.msk [tilespmem:v15+s28+$0x0], $0xffff;
	v22 =	vmul.f32 v48, v22;
	v62 =	vmul.f32 v14, v29;
	v55 =	vadd.f32 $3.060882990e-01, v39  }
0x42a: {  	v61 =	vld.idx.msk [tilespmem:v11+s28+$0x0], $0xffff;
	v21 =	vmul.f32 v50, v21;
	v26 =	vmul.f32 v57, v27;
	v59 =	vadd.f32 v30, v13  }
0x42b: {  	v16 =	vadd.f32 v51, v23;
	v23 =	vld.idx.msk [tilespmem:v12+s28+$0x0], $0xffff;
	v27 =	vmul.f32 v52, v10;
	v13 =	vmul.f32 v55, v28  }
0x42c: {  	v60 =	vld.idx.msk [tilespmem:v9+s0+$0x0], $0xffff;
	v14 =	vadd.f32 v56, v21;
	v21 =	vadd.f32 v18, v38;
	(erf) = vrcp.f32 v59  }
0x42d: {  	v29 =	vld.idx.msk [tilespmem:v12+s29+$0x0], $0xffff;
	v28 =	vmul.f32 v31, v44;
	v25 =	vadd.f32 v54, v27;
	v31 =	vadd.f32 $9.975032300e-06, v13  }
0x42e: {  	v32 =	vmul.f32 v58, v16;
	v30 =	vld.idx.msk [tilespmem:v15+s29+$0x0], $0xffff;
	v13 =	vadd.f32 v53, v22;
	v22 =	vadd.f32 $9.975032300e-06, v26  }
0x42f: {  	[tilespmem:s1+$0x11000] =	vst v24;
	v26 =	vadd.f32 $9.975032300e-06, v28;
	v28 =	vld.idx.msk [tilespmem:v11+s29+$0x0], $0xffff;
	v20 =	vmul.f32 v25, v10;
	v27 =	vadd.f32 v31, v34  }
0x430: {  	v24 =	vmul.f32 v61, v14;
	v25 =	vld.idx.msk [tilespmem:v15+s30+$0x0], $0xffff;
	v63 =	vadd.f32 v22, v40;
	v31 =	vmul.f32 v23, v13  }
0x431: {  	[tilespmem:s18+$0x9000] =	vst v17;
	v18 =	vadd.f32 v26, v36;
	v17 =	vadd.f32 v20, v60;
	v23 =	vnsel vm6, $0x0, v27;
	v27 =	vld.idx.msk [tilespmem:v12+s30+$0x0], $0xffff  }
0x432: {  	p0 =	por !p0, !p0;
	s17 =	simm.s32 $0x40;
	s2 =	simm.s32 $0x80;
	v22 =	vadd.f32 v19, v33;
	v20 =	vadd.f32 v62, v46;
	v19 =	vnsel vm1, $0x0, v63;
	[tilespmem:s18+$0x11000] =	vst v23;
	v23 =	vld.idx.msk [tilespmem:v11+s30+$0x0], $0xffff  }
.LBB2_30:
0x433: {  	s8 =	simm.s32 $0x1;
	v30 =	vadd.f32 v30, v32  }
0x434: {  	v26 =	vld.idx.msk [tilespmem:v15+s31+$0x0], $0xffff;
	v32 =	vadd.f32 $9.999999930e-09, v17;
	[tilespmem:s4+$0x11000] =	vst v19;
	v19 =	vnsel vm0, $0x0, v18;
	v17 =	vmovc v7;
	vm6 =	vmmov vm2;
	s8 =	simm.s32 @!p0 $0x0  }
0x435: {  	v7 =	vadd.f32 v29, v31;
	s2 =	sadd.s32 $0x80, s2;
	v4 =	vsel vm1, v21, v4;
	v3 =	vsel vm0, v22, v3;
	s8 =	sshll.u32 s8, $0x6;
	v33 =	vld.idx.msk [tilespmem:v12+s31+$0x0], $0xffff;
	v18 =	vpop (erf)  }
0x436: {  	s17 =	sadd.s32 $0x40, s17;
	v24 =	vadd.f32 v28, v24;
	v21 =	vmul.f32 v30, v16;
	s8 =	sadd.s32 s8, s2;
	v22 =	vld.idx.msk [tilespmem:v11+s31+$0x0], $0xffff;
	v28 =	vmul.f32 v32, v18  }
0x437: {  	p1 =	slt.u32 s17, $0x3FC0;
	v30 =	vmul.f32 v7, v13;
	s18 =	sor.u32 $0x80, s8;
	s10 =	sor.u32 $0xB0, s8;
	v29 =	vld.idx.msk [tilespmem:v15+s3+$0x0], $0xffff;
	[tilespmem:s5+$0x11000] =	vst v19;
	v19 =	vsel vm5, v20, v1;
	v1 =	vmov v2  }
0x438: {  	s13 =	sor.u32 $0xA0, s8;
	v20 =	vadd.f32 v21, v25;
	v21 =	vmul.f32 v24, v14;
	v2 =	vld [tilespmem:s10+$0x1000];
	v31 =	vmul.f32 v28, v18;
	[tilespmem:s4+$0x9000] =	vst v4;
	s4 =	smov.u32 s11;
	s11 =	sor.u32 $0x90, s8  }
0x439: {  	vm1 =	vmmov vm3;
	vm0 =	vmmov vm4;
	v24 =	vadd.f32 v30, v27;
	v4 =	vmovc v5;
	v7 =	vld [tilespmem:s18+$0x1000];
	[tilespmem:s5+$0x9000] =	vst v3;
	v3 =	vmovc v6;
	s5 =	smov.u32 s7;
	s7 =	smov.u32 s13  }
0x43a: {  	v25 =	vmul.f32 v26, v16;
	v21 =	vadd.f32 v21, v23;
	v5 =	vld [tilespmem:s11+$0x1000];
	v23 =	vand.u32 $0x7FFFFF, v31;
	[tilespmem:s1+$0x9000] =	vst v19;
	s1 =	smov.u32 s9;
	s9 =	smov.u32 s10  }
0x43b: {  	v19 =	vmul.f32 v33, v13;
	v6 =	vld [tilespmem:s7+$0x1000];
	v23 =	vor.u32 $0x3F800000, v23;
	(erf) = vrcp.f32 v20  }
0x43c: {  	v30 =	vmul.f32 v22, v14;
	v26 =	vld.idx.msk [tilespmem:v12+s3+$0x0], $0xffff;
	v32 =	vadd.f32 $-1.000000000e+00, v23;
	(erf) = vrcp.f32 v24  }
0x43d: {  	v29 =	vadd.f32 v29, v25;
	v20 =	vmax.f32 v2, $-3.000000000e+00;
	v33 =	vld.idx.msk [tilespmem:v11+s3+$0x0], $0xffff;
	(erf) = vrcp.f32 v21  }
0x43e: {  	v21 =	vmax.f32 v7, $-3.000000000e+00;
	v34 =	vmin.f32 v20, $3.000000000e+00;
	v35 =	vld.idx.msk [tilespmem:v15+s0+$0x0], $0xffff;
	v20 =	vmul.f32 $3.044900480e-02, v32  }
0x43f: {  	v21 =	vmin.f32 v21, $3.000000000e+00;
	v22 =	vmax.f32 v5, $-3.000000000e+00;
	v24 =	vmul.f32 $3.412500000e+02, v34;
	v36 =	vld.idx.msk [tilespmem:v12+s0+$0x0], $0xffff  }
0x440: {  	v22 =	vmin.f32 v22, $3.000000000e+00;
	v23 =	vmax.f32 v6, $-3.000000000e+00;
	v37 =	vld.idx.msk [tilespmem:v11+s0+$0x0], $0xffff;
	v20 =	vadd.f32 $-1.315818280e-01, v20  }
0x441: {  	v25 =	vmul.f32 $3.412500000e+02, v21;
	v23 =	vmin.f32 v23, $3.000000000e+00;
	v24 =	vadd.f32 $1.023750000e+03, v24;
	v38 =	vld.idx.msk [tilespmem:v15+s25+$0x0], $0xffff  }
0x442: {  	vm2 =	vge.f32 v21, $3.000000000e+00;
	v44 =	vmul.f32 $3.412500000e+02, v22;
	v39 =	vld.idx.msk [tilespmem:v12+s25+$0x0], $0xffff;
	v20 =	vmul.f32 v20, v32  }
0x443: {  	v46 =	vadd.f32 $1.023750000e+03, v25;
	v28 =	vmul.f32 $3.412500000e+02, v23;
	v24 =	vtrunc.f32 v24;
	v40 =	vld.idx.msk [tilespmem:v11+s25+$0x0], $0xffff  }
0x444: {  	v41 =	vadd.f32 $1.023750000e+03, v44;
	v42 =	vcvt.f32.s32 v24;
	v43 =	vld.idx.msk [tilespmem:v15+s26+$0x0], $0xffff;
	v20 =	vadd.f32 $2.852726880e-01, v20;
	v27 =	vpop (erf)  }
0x445: {  	vm3 =	vge.f32 v22, $3.000000000e+00;
	v44 =	vtrunc.f32 v46;
	v28 =	vadd.f32 $1.023750000e+03, v28;
	v45 =	vld.idx.msk [tilespmem:v12+s26+$0x0], $0xffff;
	v25 =	vpop (erf)  }
0x446: {  	vm4 =	vge.f32 v23, $3.000000000e+00;
	v41 =	vtrunc.f32 v41;
	v46 =	vld.idx.msk [tilespmem:v11+s26+$0x0], $0xffff;
	v47 =	vmul.f32 v20, v32;
	v24 =	vpop (erf)  }
0x447: {  	v48 =	vsel vm2, $0x1, v0;
	v44 =	vcvt.f32.s32 v44;
	v20 =	vtrunc.f32 v28;
	v28 =	vld.idx.msk [tilespmem:v15+s24+$0x0], $0xffff  }
0x448: {  	v15 =	vcvt.f32.s32 v41;
	v41 =	vcvt.f32.s32 v20;
	v20 =	vld.idx.msk [tilespmem:v12+s24+$0x0], $0xffff;
	v12 =	vadd.f32 $-4.902307090e-01, v47  }
0x449: {  	v26 =	vadd.f32 v26, v19;
	v49 =	vsel vm4, $0x1, v0;
	v47 =	vsel vm3, $0x1, v0;
	v19 =	vld.idx.msk [tilespmem:v11+s24+$0x0], $0xffff  }
0x44a: {  	v29 =	vmul.f32 v29, v16;
	v30 =	vadd.f32 v33, v30;
	v11 =	vld.idx.msk [tilespmem:v42+s19+$0x0], $0xffff;
	v12 =	vmul.f32 v12, v32  }
0x44b: {  	vm2 =	veq.f32 v7, v21;
	v26 =	vmul.f32 v26, v13;
	v33 =	vmul.f32 v38, v16  }
0x44c: {  	v31 =	vcvt.s32.f32 v31;
	v30 =	vmul.f32 v30, v14;
	v12 =	vadd.f32 $3.060882990e-01, v12  }
0x44d: {  	v29 =	vadd.f32 v29, v35;
	v26 =	vadd.f32 v26, v36;
	v35 =	vmul.f32 v39, v13;
	v38 =	vld.idx.msk [tilespmem:v44+s19+$0x0], $0xffff  }
0x44e: {  	v31 =	vmul.f32 $8.262958320e-08, v31;
	v30 =	vadd.f32 v30, v37;
	v15 =	vld.idx.msk [tilespmem:v15+s19+$0x0], $0xffff;
	v12 =	vmul.f32 v12, v32  }
0x44f: {  	v29 =	vadd.f32 $9.999999930e-09, v29;
	v26 =	vadd.f32 $9.999999930e-09, v26;
	v36 =	vmul.f32 v40, v14;
	v32 =	vld.idx.msk [tilespmem:v41+s19+$0x0], $0xffff  }
0x450: {  	v31 =	vadd.f32 $-8.802969360e+01, v31;
	vm3 =	veq.f32 v5, v22;
	v12 =	vadd.f32 $9.975032300e-06, v12  }
0x451: {  	v29 =	vmul.f32 v29, v27;
	v37 =	vmul.f32 v26, v25;
	v26 =	vadd.f32 $9.999999930e-09, v30  }
0x452: {  	vm4 =	veq.f32 v6, v23;
	v33 =	vadd.f32 v43, v33;
	v39 =	vld.idx.msk [tilespmem:v11+s21+$0x0], $0xffff;
	v12 =	vadd.f32 v12, v31  }
0x453: {  	vm5 =	veq.f32 v1, v8;
	v29 =	vmul.f32 v29, v27;
	v30 =	vmul.f32 v26, v24;
	v26 =	vld.idx.msk [tilespmem:v9+s24+$0x0], $0xffff  }
0x454: {  	v8 =	vmovc v34;
	v31 =	vadd.f32 v45, v35;
	v35 =	vmul.f32 v37, v25;
	v37 =	vld.idx.msk [tilespmem:v9+s26+$0x0], $0xffff;
	v12 =	vnsel vm5, $0x0, v12  }
0x455: {  	v34 =	vcvt.s32.f32 v29;
	v29 =	vand.u32 $0x7FFFFF, v29;
	v40 =	vmul.f32 v30, v24;
	v41 =	vld.idx.msk [tilespmem:v9+s25+$0x0], $0xffff;
	[tilespmem:s1+$0x11000] =	vst v12  }
0x456: {  	v42 =	vcvt.s32.f32 v35;
	v30 =	vand.u32 $0x7FFFFF, v35;
	v12 =	vor.u32 $0x3F800000, v29;
	v9 =	vld.idx.msk [tilespmem:v11+s22+$0x0], $0xffff  }
0x457: {  	v43 =	vand.u32 $0x7FFFFF, v40;
	v29 =	vadd.f32 $-1.000000000e+00, v12;
	v12 =	vor.u32 $0x3F800000, v30;
	v35 =	vld.idx.msk [tilespmem:v38+s21+$0x0], $0xffff  }
0x458: {  	v40 =	vcvt.s32.f32 v40;
	v30 =	vadd.f32 $-1.000000000e+00, v12;
	v12 =	vor.u32 $0x3F800000, v43;
	v44 =	vld.idx.msk [tilespmem:v15+s21+$0x0], $0xffff  }
0x459: {  	v36 =	vadd.f32 v46, v36;
	v45 =	vmul.f32 $3.044900480e-02, v29;
	v46 =	vadd.f32 $-1.000000000e+00, v12;
	v43 =	vld.idx.msk [tilespmem:v32+s21+$0x0], $0xffff  }
0x45a: {  	v34 =	vmul.f32 $8.262958320e-08, v34;
	vm7 =	vlt.f32 v8, v39;
	v39 =	vmul.f32 $3.044900480e-02, v30;
	v12 =	vld.idx.msk [tilespmem:v38+s22+$0x0], $0xffff  }
0x45b: {  	v51 =	vsel vm7, $0xFFFFFFFF, v0;
	vm7 =	vge.f32 v8, $3.000000000e+00;
	v52 =	vmul.f32 $3.044900480e-02, v46;
	v50 =	vld.idx.msk [tilespmem:v15+s22+$0x0], $0xffff  }
0x45c: {  	v11 =	vadd.s32 v51, v11;
	vm8 =	vge.f32 v8, v9;
	v9 =	vsel vm7, $0x1, v0;
	v53 =	vld.idx.msk [tilespmem:v32+s22+$0x0], $0xffff  }
0x45d: {  	vm7 =	vlt.f32 v21, v35;
	v35 =	vsel vm8, $0x1, v0;
	v9 =	vadd.s32 v9, v11  }
0x45e: {  	v11 =	vsel vm7, $0xFFFFFFFF, v0;
	vm7 =	vlt.f32 v22, v44;
	v9 =	vadd.s32 v35, v9  }
0x45f: {  	v11 =	vadd.s32 v11, v38;
	v35 =	vsel vm7, $0xFFFFFFFF, v0;
	vm7 =	vlt.f32 v23, v43  }
0x460: {  	vm8 =	vge.f32 v21, v12;
	v12 =	vadd.s32 v35, v15;
	v15 =	vsel vm7, $0xFFFFFFFF, v0  }
0x461: {  	v11 =	vadd.s32 v48, v11;
	vm7 =	vge.f32 v22, v50;
	v15 =	vadd.s32 v15, v32  }
0x462: {  	v12 =	vadd.s32 v47, v12;
	vm9 =	vge.f32 v23, v53;
	v32 =	vadd.s32 v49, v15  }
0x463: {  	v15 =	vsel vm8, $0x1, v0;
	v35 =	vsel vm7, $0x1, v0;
	v38 =	vsel vm9, $0x1, v0;
	v43 =	vld.idx.msk [tilespmem:v9+s6+$0x0], $0xffff  }
0x464: {  	v15 =	vadd.s32 v15, v11;
	v12 =	vadd.s32 v35, v12;
	v11 =	vadd.s32 v38, v32  }
0x465: {  	v35 =	vadd.f32 $-1.315818280e-01, v45;
	v38 =	vadd.f32 $-1.315818280e-01, v39;
	v39 =	vmul.f32 v41, v10;
	v32 =	vld.idx.msk [tilespmem:v9+s23+$0x0], $0xffff  }
0x466: {  	v40 =	vmul.f32 $8.262958320e-08, v40;
	v41 =	vmul.f32 $8.262958320e-08, v42;
	v42 =	vadd.f32 $-1.315818280e-01, v52  }
0x467: {  	v35 =	vmul.f32 v35, v29;
	v38 =	vmul.f32 v38, v30;
	v37 =	vadd.f32 v37, v39;
	v44 =	vld.idx.msk [tilespmem:v9+s28+$0x0], $0xffff  }
0x468: {  	v16 =	vmul.f32 v33, v16;
	v33 =	vadd.f32 $-8.802969360e+01, v34;
	v34 =	vmul.f32 v42, v46  }
0x469: {  	v35 =	vadd.f32 $2.852726880e-01, v35;
	v38 =	vadd.f32 $2.852726880e-01, v38;
	v42 =	vmul.f32 v43, v8;
	v39 =	vld.idx.msk [tilespmem:v9+s29+$0x0], $0xffff  }
0x46a: {  	v14 =	vmul.f32 v36, v14;
	v13 =	vmul.f32 v31, v13;
	v31 =	vadd.f32 $2.852726880e-01, v34;
	v43 =	vld.idx.msk [tilespmem:v15+s6+$0x0], $0xffff  }
0x46b: {  	v35 =	vmul.f32 v35, v29;
	v36 =	vmul.f32 v38, v30;
	v32 =	vadd.f32 v32, v42;
	v34 =	vld.idx.msk [tilespmem:v12+s6+$0x0], $0xffff  }
0x46c: {  	v41 =	vadd.f32 $-8.802969360e+01, v41;
	v37 =	vmul.f32 v37, v10;
	v31 =	vmul.f32 v31, v46;
	v38 =	vld.idx.msk [tilespmem:v11+s6+$0x0], $0xffff  }
0x46d: {  	v35 =	vadd.f32 $-4.902307090e-01, v35;
	v36 =	vadd.f32 $-4.902307090e-01, v36;
	v44 =	vmul.f32 v44, v32;
	v10 =	vmovc v32;
	v42 =	vld.idx.msk [tilespmem:v9+s30+$0x0], $0xffff  }
0x46e: {  	v16 =	vmul.f32 v27, v16;
	v27 =	vadd.f32 $-8.802969360e+01, v40;
	v31 =	vadd.f32 $-4.902307090e-01, v31;
	v32 =	vld.idx.msk [tilespmem:v15+s23+$0x0], $0xffff  }
0x46f: {  	v35 =	vmul.f32 v35, v29;
	v36 =	vmul.f32 v36, v30;
	v39 =	vadd.f32 v39, v44;
	v40 =	vld.idx.msk [tilespmem:v9+s31+$0x0], $0xffff  }
0x470: {  	v28 =	vadd.f32 v16, v28;
	v16 =	vmul.f32 v31, v46;
	v21 =	vmul.f32 v43, v21;
	v43 =	vld.idx.msk [tilespmem:v12+s23+$0x0], $0xffff  }
0x471: {  	v35 =	vadd.f32 $3.060882990e-01, v35;
	v22 =	vmul.f32 v34, v22;
	v34 =	vmul.f32 v39, v10;
	v31 =	vld.idx.msk [tilespmem:v9+s3+$0x0], $0xffff  }
0x472: {  	v36 =	vadd.f32 $3.060882990e-01, v36;
	v23 =	vmul.f32 v38, v23;
	v38 =	vadd.f32 $3.060882990e-01, v16;
	v39 =	vld.idx.msk [tilespmem:v11+s23+$0x0], $0xffff  }
0x473: {  	v29 =	vmul.f32 v35, v29;
	v35 =	vmul.f32 v25, v13;
	v34 =	vadd.f32 v34, v42;
	v44 =	vld.idx.msk [tilespmem:v15+s28+$0x0], $0xffff  }
0x474: {  	v25 =	vmul.f32 v36, v30;
	v16 =	vadd.f32 v32, v21;
	v32 =	vmul.f32 v38, v46;
	v21 =	vld.idx.msk [tilespmem:v12+s28+$0x0], $0xffff  }
0x475: {  	v38 =	vmul.f32 v40, v10;
	v36 =	vld.idx.msk [tilespmem:v9+s0+$0x0], $0xffff;
	(erf) = vrcp.f32 v34;
	v34 =	vadd.f32 $9.975032300e-06, v29  }
0x476: {  	v24 =	vmul.f32 v24, v14;
	v13 =	vadd.f32 v43, v22;
	v22 =	vadd.f32 $9.975032300e-06, v25;
	v40 =	vld.idx.msk [tilespmem:v11+s28+$0x0], $0xffff  }
0x477: {  	v37 =	vmul.f32 v18, v37;
	v25 =	vadd.f32 v31, v38;
	v38 =	vadd.f32 $9.975032300e-06, v32;
	v30 =	vld.idx.msk [tilespmem:v15+s29+$0x0], $0xffff  }
.Ltmp14:
0x478: {  	v14 =	vadd.f32 v39, v23;
	v23 =	vadd.f32 v34, v33;
	v33 =	vsel vm6, v28, v17;
	v29 =	vld.idx.msk [tilespmem:v12+s29+$0x0], $0xffff;
	(pc) =	sbr.rel @p1 .LBB2_30-.Ltmp14, $4  }
0x479: {  	v34 =	vadd.f32 v22, v41;
	v32 =	vmul.f32 v44, v16;
	v17 =	vmul.f32 v25, v10;
	v28 =	vld.idx.msk [tilespmem:v11+s29+$0x0], $0xffff  }
0x47a: {  	v18 =	vadd.f32 v38, v27;
	v31 =	vmul.f32 v21, v13;
	v21 =	vadd.f32 v35, v20;
	v25 =	vld.idx.msk [tilespmem:v15+s30+$0x0], $0xffff  }
0x47b: {  	v22 =	vadd.f32 v24, v19;
	v20 =	vnsel vm6, $0x0, v23;
	v17 =	vadd.f32 v17, v36;
	v27 =	vld.idx.msk [tilespmem:v12+s30+$0x0], $0xffff;
	[tilespmem:s12+$0x9000] =	vst v33  }
0x47c: {  	p0 =	por !p0, !p0;
	v19 =	vnsel vm1, $0x0, v34;
	v24 =	vmul.f32 v40, v14;
	v23 =	vld.idx.msk [tilespmem:v11+s30+$0x0], $0xffff;
	[tilespmem:s12+$0x11000] =	vst v20;
	v20 =	vadd.f32 v37, v26;
	s12 =	smov.u32 s18  }
0x47d: {  	_ =	sdelay $0x3  }
0x47e: {  	v26 =	vadd.f32 $9.999999930e-09, v17;
	v34 =	vld.idx.msk [tilespmem:v15+s31+$0x0], $0xffff;
	v30 =	vadd.f32 v30, v32  }
0x47f: {  	v61 =	vld.idx.msk [tilespmem:v12+s31+$0x0], $0xffff;
	v29 =	vadd.f32 v29, v31;
	v4 =	vsel vm1, v21, v4;
	v3 =	vsel vm0, v22, v3  }
0x480: {  	v63 =	vld.idx.msk [tilespmem:v11+s31+$0x0], $0xffff;
	vm12 =	veq.f32 v2, v8;
	v17 =	vpop (erf);
	v24 =	vadd.f32 v28, v24;
	v30 =	vmul.f32 v30, v16  }
0x481: {  	v36 =	vld.idx.msk [tilespmem:v15+s3+$0x0], $0xffff;
	v18 =	vnsel vm0, $0x0, v18;
	v26 =	vmul.f32 v26, v17;
	v29 =	vmul.f32 v29, v13  }
0x482: {  	v37 =	vld.idx.msk [tilespmem:v12+s3+$0x0], $0xffff;
	vm13 =	vmmov vm2;
	v24 =	vmul.f32 v24, v14;
	v25 =	vadd.f32 v30, v25  }
0x483: {  	v39 =	vld.idx.msk [tilespmem:v11+s3+$0x0], $0xffff;
	v26 =	vmul.f32 v26, v17;
	v27 =	vadd.f32 v29, v27;
	v38 =	vmul.f32 v34, v16  }
0x484: {  	v41 =	vld.idx.msk [tilespmem:v15+s0+$0x0], $0xffff;
	v23 =	vadd.f32 v24, v23;
	v40 =	vmul.f32 v61, v13;
	(erf) = vrcp.f32 v25  }
0x485: {  	v43 =	vld.idx.msk [tilespmem:v12+s0+$0x0], $0xffff;
	v32 =	vmul.f32 v63, v14;
	v33 =	vand.u32 $0x7FFFFF, v26;
	(erf) = vrcp.f32 v27  }
0x486: {  	v55 =	vld.idx.msk [tilespmem:v11+s25+$0x0], $0xffff;
	v60 =	vor.u32 $0x3F800000, v33;
	v28 =	vadd.f32 v36, v38;
	(erf) = vrcp.f32 v23  }
0x487: {  	v44 =	vld.idx.msk [tilespmem:v11+s0+$0x0], $0xffff;
	vm14 =	vmmov vm3;
	v24 =	vadd.f32 v37, v40;
	v62 =	vadd.f32 $-1.000000000e+00, v60  }
0x488: {  	v52 =	vld.idx.msk [tilespmem:v12+s25+$0x0], $0xffff;
	vm15 =	vmmov vm4;
	v45 =	vadd.f32 v39, v32;
	v28 =	vmul.f32 v28, v16  }
0x489: {  	v46 =	vld.idx.msk [tilespmem:v15+s25+$0x0], $0xffff;
	v1 =	vsel vm5, v20, v1;
	v24 =	vmul.f32 v24, v13;
	v35 =	vmul.f32 $3.044900480e-02, v62  }
0x48a: {  	v26 =	vcvt.s32.f32 v26;
	v37 =	vld.idx.msk [tilespmem:v9+s25+$0x0], $0xffff;
	v30 =	vmul.f32 v45, v14;
	v25 =	vadd.f32 v28, v41  }
0x48b: {  	v61 =	vmul.f32 v55, v14;
	v36 =	vld.idx.msk [tilespmem:v12+s26+$0x0], $0xffff;
	v23 =	vadd.f32 v24, v43;
	v35 =	vadd.f32 $-1.315818280e-01, v35  }
0x48c: {  	v50 =	vld.idx.msk [tilespmem:v15+s26+$0x0], $0xffff;
	v26 =	vmul.f32 $8.262958320e-08, v26;
	v47 =	vadd.f32 v30, v44;
	v25 =	vadd.f32 $9.999999930e-09, v25  }
0x48d: {  	v60 =	vmul.f32 v52, v13;
	v23 =	vadd.f32 $9.999999930e-09, v23;
	v42 =	vmul.f32 v35, v62;
	v29 =	vpop (erf)  }
0x48e: {  	v24 =	vmul.f32 v46, v16;
	v28 =	vadd.f32 $9.999999930e-09, v47;
	v30 =	vpop (erf);
	v25 =	vmul.f32 v25, v29  }
0x48f: {  	v63 =	vmul.f32 v37, v10;
	v27 =	vadd.f32 $2.852726880e-01, v42;
	v21 =	vpop (erf);
	v23 =	vmul.f32 v23, v30  }
0x490: {  	v8 =	vadd.f32 v36, v60;
	v48 =	vmul.f32 v25, v29;
	v49 =	vmul.f32 v28, v21  }
0x491: {  	v24 =	vadd.f32 v50, v24;
	v27 =	vmul.f32 v27, v62;
	v23 =	vmul.f32 v23, v30  }
0x492: {  	v57 =	vld.idx.msk [tilespmem:v11+s26+$0x0], $0xffff;
	v8 =	vmul.f32 v8, v13;
	v51 =	vand.u32 $0x7FFFFF, v48;
	v25 =	vmul.f32 v49, v21  }
0x493: {  	v27 =	vadd.f32 $-4.902307090e-01, v27;
	v53 =	vor.u32 $0x3F800000, v51;
	v54 =	vand.u32 $0x7FFFFF, v23  }
0x494: {  	v31 =	vadd.f32 $-1.000000000e+00, v53;
	v32 =	vor.u32 $0x3F800000, v54;
	v56 =	vand.u32 $0x7FFFFF, v25  }
0x495: {  	v42 =	vmul.f32 v24, v16;
	v32 =	vadd.f32 $-1.000000000e+00, v32;
	v35 =	vor.u32 $0x3F800000, v56  }
0x496: {  	v27 =	vmul.f32 v27, v62;
	v38 =	vmul.f32 $3.044900480e-02, v31;
	v35 =	vadd.f32 $-1.000000000e+00, v35  }
0x497: {  	v20 =	vadd.f32 v57, v61;
	v8 =	vmul.f32 v30, v8;
	v58 =	vmul.f32 $3.044900480e-02, v32  }
0x498: {  	v27 =	vadd.f32 $3.060882990e-01, v27;
	v39 =	vmul.f32 $3.044900480e-02, v35;
	v38 =	vadd.f32 $-1.315818280e-01, v38  }
0x499: {  	v16 =	vmul.f32 v29, v42;
	v22 =	vcvt.s32.f32 v48;
	v28 =	vadd.f32 $-1.315818280e-01, v58  }
0x49a: {  	v46 =	vld.idx.msk [tilespmem:v15+s24+$0x0], $0xffff;
	v27 =	vmul.f32 v27, v62;
	v62 =	vadd.f32 $-1.315818280e-01, v39;
	v38 =	vmul.f32 v38, v31  }
0x49b: {  	v26 =	vadd.f32 $-8.802969360e+01, v26;
	v23 =	vcvt.s32.f32 v23;
	v28 =	vmul.f32 v28, v32  }
0x49c: {  	v25 =	vcvt.s32.f32 v25;
	v40 =	vmul.f32 v62, v35;
	v41 =	vadd.f32 $2.852726880e-01, v38  }
0x49d: {  	v22 =	vmul.f32 $8.262958320e-08, v22;
	v53 =	vmul.f32 v20, v14;
	v43 =	vadd.f32 $2.852726880e-01, v28  }
0x49e: {  	v59 =	vld.idx.msk [tilespmem:v9+s26+$0x0], $0xffff;
	v23 =	vmul.f32 $8.262958320e-08, v23;
	v44 =	vadd.f32 $2.852726880e-01, v40;
	v45 =	vmul.f32 v41, v31  }
0x49f: {  	v54 =	vadd.f32 v16, v46;
	v25 =	vmul.f32 $8.262958320e-08, v25;
	v24 =	vmul.f32 v43, v32  }
0x4a0: {  	v22 =	vadd.f32 $-8.802969360e+01, v22;
	v28 =	vmul.f32 v44, v35;
	v33 =	vadd.f32 $-4.902307090e-01, v45  }
0x4a1: {  	v51 =	vld.idx.msk [tilespmem:v12+s24+$0x0], $0xffff;
	v7 =	vsel vm13, v54, v7;
	v27 =	vadd.f32 $9.975032300e-06, v27;
	v24 =	vadd.f32 $-4.902307090e-01, v24  }
0x4a2: {  	[tilespmem:s5+$0x9000] =	vst v3;
	v3 =	vld.idx.msk [tilespmem:v11+s24+$0x0], $0xffff;
	v11 =	vmul.f32 v21, v53;
	v28 =	vadd.f32 $-4.902307090e-01, v28;
	v33 =	vmul.f32 v33, v31  }
0x4a3: {  	v26 =	vadd.f32 v27, v26;
	v27 =	vadd.f32 v59, v63;
	v24 =	vmul.f32 v24, v32  }
0x4a4: {  	[tilespmem:s1+$0x9000] =	vst v1;
	v1 =	vld.idx.msk [tilespmem:v9+s24+$0x0], $0xffff;
	v49 =	vadd.f32 $-8.802969360e+01, v23;
	v28 =	vmul.f32 v28, v35;
	v33 =	vadd.f32 $3.060882990e-01, v33  }
0x4a5: {  	[tilespmem:s4+$0x11000] =	vst v19;
	v52 =	vadd.f32 $-8.802969360e+01, v25;
	v56 =	vmul.f32 v27, v10;
	v24 =	vadd.f32 $3.060882990e-01, v24  }
0x4a6: {  	[tilespmem:s4+$0x9000] =	vst v4;
	v4 =	vadd.f32 v8, v51;
	v47 =	vadd.f32 $3.060882990e-01, v28;
	v48 =	vmul.f32 v33, v31  }
0x4a7: {  	[tilespmem:s5+$0x11000] =	vst v18;
	v3 =	vadd.f32 v11, v3;
	v61 =	vmul.f32 v17, v56;
	v50 =	vmul.f32 v24, v32  }
0x4a8: {  	[tilespmem:s12+$0x9000] =	vst v7;
	v4 =	vsel vm14, v4, v5;
	v13 =	vmul.f32 v47, v35;
	v19 =	vadd.f32 $9.975032300e-06, v48  }
0x4a9: {  	v3 =	vsel vm15, v3, v6;
	[tilespmem:s11+$0x9000] =	vst v4;
	v1 =	vadd.f32 v61, v1;
	v55 =	vadd.f32 $9.975032300e-06, v50  }
0x4aa: {  	[tilespmem:s7+$0x9000] =	vst v3;
	v26 =	vnsel vm12, $0x0, v26;
	v57 =	vadd.f32 $9.975032300e-06, v13;
	v58 =	vadd.f32 v19, v22  }
0x4ab: {  	[tilespmem:s9+$0x11000] =	vst v26;
	v1 =	vsel vm12, v1, v2;
	v59 =	vadd.f32 v55, v49  }
0x4ac: {  	[tilespmem:s9+$0x9000] =	vst v1;
	v10 =	vadd.f32 v57, v52;
	v60 =	vnsel vm13, $0x0, v58  }
0x4ad: {  	[tilespmem:s12+$0x11000] =	vst v60;
	v62 =	vnsel vm14, $0x0, v59  }
0x4ae: {  	s2 =	simm.s32 $0x10;
	[tilespmem:s11+$0x11000] =	vst v62;
	v63 =	vnsel vm15, $0x0, v10  }
0x4af: {  	s5 =	sadd.s32 $0x0, s15;
	s4 =	simm.s32 $0x9180;
	s1 =	simm.s32 $0x9080;
	[tilespmem:s7+$0x11000] =	vst v63  }
.LBB2_32:
0x4b0: {  	[hbm4b:s5+s6] =	stream.linear.scatter [tilespmem:s1], [sflag:$0x4], $0x80, $0x38;
	[tilespmem:$0x19000] =	vst v63  }
0x4b1: {  	s5 =	smov.u32 s2;
	s1 =	smov.u32 s4;
	p0 =	sne.s32 s2, $0x7F0  }
.Ltmp15:
0x4b2: {  	s2 =	sadd.s32 $0x10, s2;
	(pc) =	sbr.rel @p0 .LBB2_32-.Ltmp15, $2  }
0x4b3: {  	_ =	sdelay $0x2  }
0x4b4: {  	s4 =	sadd.s32 $0x100, s4;
	s5 =	sadd.s32 s5, s15  }
0x4b5: {  	[hbm4b:s5+s6] =	stream.linear.scatter [tilespmem:s1], [sflag:$0x4], $0x80, $0x38;
	[tilespmem:$0x19000] =	vst v63  }
0x4b6: {  	s1 =	simm.s32 $0x11080;
	s2 =	simm.s32 $0x10  }
0x4b7: {  	s5 =	sadd.s32 $0x0, s16;
	s4 =	simm.s32 $0x11180;
	s8 =	rddreg [dreg:$0x6]  }
.LBB2_34:
0x4b8: {  	[hbm4b:s5+s6] =	stream.linear.scatter [tilespmem:s1], [sflag:$0x6], $0x80, $0x38;
	[tilespmem:$0x19000] =	vst v63  }
0x4b9: {  	s5 =	smov.u32 s2;
	s1 =	smov.u32 s4;
	p0 =	sne.s32 s2, $0x7F0  }
.Ltmp16:
0x4ba: {  	s2 =	sadd.s32 $0x10, s2;
	(pc) =	sbr.rel @p0 .LBB2_34-.Ltmp16, $2  }
0x4bb: {  	_ =	sdelay $0x2  }
0x4bc: {  	s4 =	sadd.s32 $0x100, s4;
	s5 =	sadd.s32 s5, s16  }
0x4bd: {  	[hbm4b:s5+s6] =	stream.linear.scatter [tilespmem:s1], [sflag:$0x6], $0x80, $0x38;
	[tilespmem:$0x19000] =	vst v63  }
0x4be: {  	s12 =	simm.s32 $0x3  }
0x4bf: {  	_ =	swait.ge [sflag:s12], $0x4000  }
0x4c0: {  	[sflag:s12] =	ssyncset.done $0x0  }
0x4c1: {  	s13 =	simm.s32 $0x5;
	[sflag:s12] =	ssyncadd.s32 $0xFFFFC000  }
0x4c2: {  	_ =	swait.ge [sflag:s13], $0x4000  }
0x4c3: {  	[sflag:s13] =	ssyncset.done $0x0  }
0x4c4: {  	s17 =	simm.s32 $0x4;
	[sflag:s13] =	ssyncadd.s32 $0xFFFFC000  }
0x4c5: {  	_ =	swait.ge [sflag:s17], $0x4000  }
0x4c6: {  	[sflag:s17] =	ssyncset.done $0x0  }
0x4c7: {  	s2 =	simm.s32 $0x6;
	[sflag:s17] =	ssyncadd.s32 $0xFFFFC000  }
0x4c8: {  	_ =	swait.ge [sflag:s2], $0x4000  }
0x4c9: {  	s4 =	rddreg [dreg:$0xd]  }
0x4ca: {  	s18 =	rddreg [dreg:$0xc];
	s4 =	sadd.s32 $0x1, s4  }
0x4cb: {  	p0 =	sne.s32 s4, s18  }
.Ltmp17:
0x4cc: {  	_ = 	snop;
	(pc) =	sbr.rel @p0 .LBB2_1-.Ltmp17, $3  }
0x4cd: {  	_ =	sdelay $0x1  }
0x4ce: {  	[sflag:s2] =	ssyncset.done $0x0  }
0x4cf: {  	[sflag:s2] =	ssyncadd.s32 $0xFFFFC000  }
0x4d0: {  	_ =	sfence.sel $0x180000  }
0x4d1: {  	[bflag:$0x0] =	sbarrier.arrive $0xFFFF  }
0x4d2: {  	_ =	strace $0x90000047  }
0x4d3: {  	s0 =	stileid.u32;
	[bflag:$0x2] =	sbarrier.arrive $0xFFFF  }
0x4d4: {  	p0 =	sne.s32 s0, $0x0;
	s0 =	rddreg [dreg:$0x4]  }
0x4d5: {  	s0 =	sadd.s32 @!p0 $0x100000, s0  }
0x4d6: {  	[sflag:s0] =	ssyncadd.tile.s32 @!p0 $0x1;
	_ =	shalt  }
.Lfunc_end2:
_tile_overlayer_lowered:
.L_overlay_start_2:
0x4d7: {  	(tag) =	ssettag $0x2  }
0x4d8: {  	s0 =	rddreg [dreg:$0x0];
	s2 =	stileid.u32  }
0x4d9: {  	s1 =	rddreg [dreg:$0x1];
	p0 =	sne.s32 s2, $0x0  }
0x4da: {  	s3 =	rddreg [dreg:$0x2];
	[bflag:$0x3] =	sbarrier.arrive $0xFFFF;
	s2 =	simm.s32 @!p0 $0x1C07  }
0x4db: {  	[timem:s3], [sflag:s2] =	dma.local @!p0 [hbm:s0], s1  }
0x4dc: {  	s0 =	simm.s32 @!p0 $0x7  }
0x4dd: {  	_ =	swait.ge @!p0 [sflag:s0], s1  }
0x4de: {  	s1 =	ssub.s32 @!p0 $0x0, s1;
	[sflag:s0] =	ssyncset.done @!p0 $0x0  }
0x4df: {  	[sflag:s0] =	ssyncadd.s32 @!p0 s1  }
0x4e0: {  	[bflag:$0x3] =	sbarrier.arrive $0xFFFF  }
0x4e1: {  	_ =	shalt  }

</sc_bundles>
